<compile_context>
chip_gen: v7x
topology: tpu7x:2x2x1
jax: 0.10.2.dev20260603
libtpu: 0.0.44.dev20260713+nightly
codegen_flags: <defaults>
</compile_context>

<pallas_src>
import functools
import jax
import jax.numpy as jnp
from jax import lax
from jax.experimental import pallas as pl
from jax.experimental.pallas import tpu as pltpu
from jax.experimental.pallas import tpu_sc as plsc

N_NODES = 10000
N_EDGES = 320000
IN_CH = 128
HID = 64

NC = 2
NS = 16
NW = NC * NS
K = 128
CHUNKS = 80
EPW = K * CHUNKS
E_PAD = NW * EPW
NPAD = 10240
RPT = NPAD // NS
NPT = N_NODES // NS
JUNK = NPAD - 1

NBUF = 8
GAH = 4
DBUF = 4

NBLK = 1000
EBLK = 2048

_mesh = plsc.VectorSubcoreMesh(core_axis_name="c", subcore_axis_name="s")



@functools.partial(
    pl.kernel,
    out_type=jax.ShapeDtypeStruct((NC, N_NODES, 16), jnp.float32),
    mesh=_mesh,
    compiler_params=pltpu.CompilerParams(use_tc_tiling_on_sc=False),
    scratch_types=[
        pltpu.VMEM((CHUNKS, K), jnp.int32),
        pltpu.VMEM((K, 16), jnp.float32),
        pltpu.VMEM_SHARED((NPAD, 16), jnp.float32),
        pltpu.SemaphoreType.DMA,
    ],
)
def _sc_degree(dst_hbm, zeros_hbm, ones_hbm, out_hbm, idx_v, ones_v, acc_sh, sem):
    cid = lax.axis_index("c")
    sid = lax.axis_index("s")
    wid = sid * NC + cid
    r0 = sid * RPT
    pltpu.sync_copy(zeros_hbm.at[pl.ds(r0, RPT)], acc_sh.at[pl.ds(r0, RPT)])
    pltpu.sync_copy(ones_hbm, ones_v)
    pltpu.sync_copy(dst_hbm.at[wid], idx_v)
    plsc.subcore_barrier()

    def body(c, carry):
        pltpu.sync_copy(ones_v, acc_sh.at[idx_v.at[c]], add=True)
        return carry

    lax.fori_loop(0, CHUNKS, body, 0)
    plsc.subcore_barrier()
    n0 = sid * NPT
    pltpu.sync_copy(acc_sh.at[pl.ds(n0, NPT)], out_hbm.at[cid, pl.ds(n0, NPT)])


@functools.partial(
    pl.kernel,
    out_type=jax.ShapeDtypeStruct((NC, N_NODES, HID), jnp.float32),
    mesh=_mesh,
    compiler_params=pltpu.CompilerParams(use_tc_tiling_on_sc=False),
    scratch_types=[
        pltpu.VMEM((CHUNKS, K), jnp.int32),
        pltpu.VMEM((CHUNKS, K), jnp.int32),
        [pltpu.VMEM((K, HID), jnp.float32)] * NBUF,
        pltpu.VMEM_SHARED((NPAD, HID), jnp.float32),
        [pltpu.SemaphoreType.DMA] * NBUF,
        [pltpu.SemaphoreType.DMA] * NBUF,
    ],
)
def _sc_aggregate(table2_hbm, src_hbm, dst_hbm, zeros_hbm, out_hbm,
                  sidx_v, didx_v, bufs, acc_sh, gsems, ssems):
    cid = lax.axis_index("c")
    sid = lax.axis_index("s")
    table_hbm = table2_hbm.at[cid]
    wid = sid * NC + cid
    r0 = sid * RPT
    n0 = sid * NPT
    pltpu.sync_copy(zeros_hbm.at[pl.ds(r0, RPT)], acc_sh.at[pl.ds(r0, RPT)])
    pltpu.sync_copy(src_hbm.at[wid], sidx_v)
    pltpu.sync_copy(dst_hbm.at[wid], didx_v)
    plsc.subcore_barrier()

    for c in range(GAH):
        pltpu.async_copy(table_hbm.at[sidx_v.at[c]], bufs[c], gsems[c])

    def slot(c, b):
        pltpu.make_async_copy(table_hbm, bufs[b], gsems[b]).wait()
        pltpu.async_copy(bufs[b], acc_sh.at[didx_v.at[c]], ssems[b], add=True)
        b2 = (b + GAH) % NBUF

        @pl.when(c >= GAH)
        def _():
            pltpu.make_async_copy(bufs[b2], acc_sh.at[didx_v.at[0]], ssems[b2]).wait()

        @pl.when(c + GAH < CHUNKS)
        def _():
            pltpu.async_copy(table_hbm.at[sidx_v.at[c + GAH]], bufs[b2], gsems[b2])

    def body(i, carry):
        for b in range(NBUF):
            slot(i * NBUF + b, b)
        return carry

    lax.fori_loop(0, CHUNKS // NBUF, body, 0)
    for c in range(CHUNKS - GAH, CHUNKS):
        b = c % NBUF
        pltpu.make_async_copy(bufs[b], acc_sh.at[didx_v.at[0]], ssems[b]).wait()
    plsc.subcore_barrier()
    pltpu.sync_copy(acc_sh.at[pl.ds(n0, NPT)], out_hbm.at[cid, pl.ds(n0, NPT)])


@functools.partial(
    pl.kernel,
    out_type=jax.ShapeDtypeStruct((E_PAD * HID,), jnp.float32),
    mesh=_mesh,
    compiler_params=pltpu.CompilerParams(
        use_tc_tiling_on_sc=False, needs_layout_passes=False),
    scratch_types=[
        pltpu.VMEM((CHUNKS, K), jnp.int32),
        pltpu.VMEM((CHUNKS, K), jnp.int32),
        pltpu.VMEM((4, 16), jnp.float32),
        [pltpu.VMEM((K, HID), jnp.float32)] * DBUF,
        [pltpu.VMEM((K, HID), jnp.float32)] * DBUF,
        [pltpu.VMEM((K * HID,), jnp.float32)] * DBUF,
        [pltpu.SemaphoreType.DMA] * DBUF,
        [pltpu.SemaphoreType.DMA] * DBUF,
        [pltpu.SemaphoreType.DMA] * DBUF,
    ],
)
def _sc_edge_head(ta2_hbm, tb2_hbm, fsrc_hbm, fdst_hbm, w_hbm, out_hbm,
                  sidx_v, didx_v, w_v, bufa, bufb, outp, gsa, gsb, wsem):
    cid = lax.axis_index("c")
    sid = lax.axis_index("s")
    ta_hbm = ta2_hbm.at[cid]
    tb_hbm = tb2_hbm.at[cid]
    wid = sid * NC + cid
    base = wid * EPW
    pltpu.sync_copy(fsrc_hbm.at[wid], sidx_v)
    pltpu.sync_copy(fdst_hbm.at[wid], didx_v)
    pltpu.sync_copy(w_hbm, w_v)

    LAH = 2
    for c in range(LAH):
        pltpu.async_copy(ta_hbm.at[sidx_v.at[c]], bufa[c], gsa[c])
        pltpu.async_copy(tb_hbm.at[didx_v.at[c]], bufb[c], gsb[c])

    def compute(b):
        ba, bb, po = bufa[b], bufb[b], outp[b]

        def edge4(i, carry):
            for u in range(4):
                e = i * 4 + u
                for q in range(4):
                    po[pl.ds(e * HID + q * 16, 16)] = (
                        ba[e, pl.ds(q * 16, 16)] + bb[e, pl.ds(q * 16, 16)])
            return carry

        lax.fori_loop(0, K // 4, edge4, 0)

    def slot(c, b):
        pltpu.make_async_copy(ta_hbm, bufa[b], gsa[b]).wait()
        pltpu.make_async_copy(tb_hbm, bufb[b], gsb[b]).wait()
        b2 = (b + LAH) % DBUF

        @pl.when(c + LAH < CHUNKS)
        def _():
            pltpu.async_copy(ta_hbm.at[sidx_v.at[c + LAH]], bufa[b2], gsa[b2])
            pltpu.async_copy(tb_hbm.at[didx_v.at[c + LAH]], bufb[b2], gsb[b2])

        @pl.when(c >= DBUF)
        def _():
            pltpu.make_async_copy(outp[b], out_hbm.at[pl.ds(0, K * HID)], wsem[b]).wait()

        compute(b)
        pltpu.async_copy(outp[b], out_hbm.at[pl.ds((base + c * K) * HID, K * HID)],
                         wsem[b])

    def body(i, carry):
        for b in range(DBUF):
            slot(i * DBUF + b, b)
        return carry

    lax.fori_loop(0, CHUNKS // DBUF, body, 0)
    for c in range(CHUNKS - DBUF, CHUNKS):
        b = c % DBUF
        pltpu.make_async_copy(outp[b], out_hbm.at[pl.ds(0, K * HID)], wsem[b]).wait()



def _silu(v):
    return v / (1.0 + jnp.exp(-v))


def _embed_body(x_ref, ts_ref, degp_ref, W_in_ref, b_in_ref, W_t1_ref, b_t1_ref,
                W_t2_ref, b_t2_ref, W_c1_ref, h0_ref, g1s_ref, dinv_ref):
    x = x_ref[...]
    h = jnp.dot(x, W_in_ref[...], preferred_element_type=jnp.float32) + b_in_ref[...]
    t = ts_ref[...].astype(jnp.float32)
    half = HID // 2
    ramp = lax.broadcasted_iota(jnp.int32, (1, half), 1).astype(jnp.float32)
    freqs = jnp.exp(-jnp.log(10000.0) * ramp / (half - 1))
    args = t * freqs
    emb = jnp.concatenate([jnp.sin(args), jnp.cos(args)], axis=-1)
    te = jnp.dot(emb, W_t1_ref[...], preferred_element_type=jnp.float32) + b_t1_ref[...]
    te = _silu(te)
    te = jnp.dot(te, W_t2_ref[...], preferred_element_type=jnp.float32) + b_t2_ref[...]
    h0 = h + te
    deg = degp_ref[0, :, 0:1] + degp_ref[1, :, 0:1] + 1.0
    dinv = lax.rsqrt(deg)
    g1 = jnp.dot(h0, W_c1_ref[...], preferred_element_type=jnp.float32)
    h0_ref[...] = h0
    g1s_ref[...] = g1 * dinv
    dinv_ref[...] = dinv


def _layer_body(aggp_ref, gs_ref, dinv_ref, b_ref, W_next_ref, out_ref):
    dinv = dinv_ref[...]
    z = (aggp_ref[0] + aggp_ref[1] + gs_ref[...]) * dinv + b_ref[...]
    z = jnp.maximum(z, 0.0)
    out_ref[...] = jnp.dot(z, W_next_ref[...], preferred_element_type=jnp.float32) * dinv


def _final_body(aggp_ref, gs_ref, dinv_ref, b_ref, Wfa_ref, bfa_ref, Wfb_ref,
                h1_ref, ta_ref, tb_ref):
    dinv = dinv_ref[...]
    h1 = (aggp_ref[0] + aggp_ref[1] + gs_ref[...]) * dinv + b_ref[...]
    h1_ref[...] = h1
    ta_ref[...] = jnp.dot(h1, Wfa_ref[...], preferred_element_type=jnp.float32) + bfa_ref[...]
    tb_ref[...] = jnp.dot(h1, Wfb_ref[...], preferred_element_type=jnp.float32)


def _decoder_body(s2_ref, w2_ref, bf2_ref, out_ref):
    s = _silu(s2_ref[...])
    out_ref[...] = jnp.dot(s, w2_ref[...], preferred_element_type=jnp.float32) + bf2_ref[...]


def _full(shape):
    return pl.BlockSpec(shape, lambda i: (0,) * len(shape))


def _rows(blk, width):
    return pl.BlockSpec((blk, width), lambda i: (i, 0))



def kernel(x, edge_index, full_edge_index, time_steps,
           W_in, b_in, W_t1, b_t1, W_t2, b_t2,
           W_c1, b_c1, W_c2, b_c2, W_f1, b_f1, W_f2, b_f2):
    f32 = jnp.float32

    def pad_idx(a, fill):
        a = a.astype(jnp.int32)
        a = jnp.concatenate([a, jnp.full((E_PAD - N_EDGES,), fill, jnp.int32)])
        return a.reshape(NW, CHUNKS, K)

    src_p = pad_idx(edge_index[0], 0)
    dst_p = pad_idx(edge_index[1], JUNK)
    fsrc_p = pad_idx(full_edge_index[0], 0)
    fdst_p = pad_idx(full_edge_index[1], 0)

    ts_c = time_steps.astype(jnp.int32).reshape(N_NODES, 1)

    zeros16 = jnp.zeros((NPAD, 16), f32)
    ones16 = jnp.ones((K, 16), f32)
    zeros64 = jnp.zeros((NPAD, HID), f32)

    degp = _sc_degree(dst_p, zeros16, ones16)

    grid_n = N_NODES // NBLK
    h0, g1s, dinv = pl.pallas_call(
        _embed_body,
        grid=(grid_n,),
        in_specs=[
            _rows(NBLK, IN_CH),
            _rows(NBLK, 1),
            pl.BlockSpec((NC, NBLK, 16), lambda i: (0, i, 0)),
            _full((IN_CH, HID)), _full((1, HID)),
            _full((HID, 4 * HID)), _full((1, 4 * HID)),
            _full((4 * HID, HID)), _full((1, HID)),
            _full((HID, HID)),
        ],
        out_specs=[_rows(NBLK, HID), _rows(NBLK, HID), _rows(NBLK, 1)],
        out_shape=[
            jax.ShapeDtypeStruct((N_NODES, HID), f32),
            jax.ShapeDtypeStruct((N_NODES, HID), f32),
            jax.ShapeDtypeStruct((N_NODES, 1), f32),
        ],
    )(x, ts_c, degp, W_in, b_in.reshape(1, HID),
      W_t1, b_t1.reshape(1, 4 * HID), W_t2, b_t2.reshape(1, HID), W_c1)

    g1s2 = jnp.broadcast_to(g1s, (NC, N_NODES, HID))
    agg1 = _sc_aggregate(g1s2, src_p, dst_p, zeros64)

    g2s = pl.pallas_call(
        _layer_body,
        grid=(grid_n,),
        in_specs=[
            pl.BlockSpec((NC, NBLK, HID), lambda i: (0, i, 0)),
            _rows(NBLK, HID), _rows(NBLK, 1), _full((1, HID)), _full((HID, HID)),
        ],
        out_specs=_rows(NBLK, HID),
        out_shape=jax.ShapeDtypeStruct((N_NODES, HID), f32),
    )(agg1, g1s, dinv, b_c1.reshape(1, HID), W_c2)

    g2s2 = jnp.broadcast_to(g2s, (NC, N_NODES, HID))
    agg2 = _sc_aggregate(g2s2, src_p, dst_p, zeros64)

    h1, ta, tb = pl.pallas_call(
        _final_body,
        grid=(grid_n,),
        in_specs=[
            pl.BlockSpec((NC, NBLK, HID), lambda i: (0, i, 0)),
            _rows(NBLK, HID), _rows(NBLK, 1), _full((1, HID)),
            _full((HID, HID)), _full((1, HID)), _full((HID, HID)),
        ],
        out_specs=[_rows(NBLK, HID), _rows(NBLK, HID), _rows(NBLK, HID)],
        out_shape=[
            jax.ShapeDtypeStruct((N_NODES, HID), f32),
            jax.ShapeDtypeStruct((N_NODES, HID), f32),
            jax.ShapeDtypeStruct((N_NODES, HID), f32),
        ],
    )(agg2, g2s, dinv, b_c2.reshape(1, HID),
      W_f1[:HID], b_f1.reshape(1, HID), W_f1[HID:])

    ta2 = jnp.broadcast_to(ta, (NC, N_NODES, HID))
    tb2 = jnp.broadcast_to(tb, (NC, N_NODES, HID))
    s2 = _sc_edge_head(ta2, tb2, fsrc_p, fdst_p, W_f2.reshape(4, 16))
    s2 = s2.reshape(E_PAD // 2, 2 * HID)

    w2st = jnp.zeros((2 * HID, 2), f32)
    w2st = w2st.at[:HID, 0].set(W_f2[:, 0]).at[HID:, 1].set(W_f2[:, 0])
    EB2 = 2000
    grid_e = (N_EDGES // 2) // EB2
    logits2 = pl.pallas_call(
        _decoder_body,
        grid=(grid_e,),
        in_specs=[_rows(EB2, 2 * HID), _full((2 * HID, 2)), _full((1, 2))],
        out_specs=_rows(EB2, 2),
        out_shape=jax.ShapeDtypeStruct((N_EDGES // 2, 2), f32),
    )(s2, w2st, jnp.broadcast_to(b_f2.reshape(1, 1), (1, 2)))

    return (logits2.reshape(N_EDGES, 1), h0, h1)

# --- scband reference (transcript-rebuilt; emitter-appended) ---
"""Pipeline reference for scband-gnn-63333587746840 (READ-ONLY COPY).

The authoritative reference and input builder live on the scoring server;
editing this copy changes nothing except your own understanding.
"""

import jax, jax.numpy as jnp
import numpy as np

N_NODES = 10000
N_EDGES = 320000
IN_CH = 128
HID = 64
OUT_CH = 1
NUM_TIMESTEPS = 128


def sinusoidal_pos_emb(t, dim):
    t = t.astype(jnp.float32)
    half = dim // 2
    freqs = jnp.exp(-jnp.log(10000.0) * jnp.arange(half, dtype=jnp.float32) / (half - 1))
    args = t[:, None] * freqs[None, :]
    return jnp.concatenate([jnp.sin(args), jnp.cos(args)], axis=-1)


def gcn_conv(h, src, dst, W, b, num_nodes):
    # PyG GCNConv: linear transform, add self-loops, symmetric normalization, scatter-add
    h = h @ W
    loop = jnp.arange(num_nodes, dtype=src.dtype)
    src2 = jnp.concatenate([src, loop])
    dst2 = jnp.concatenate([dst, loop])
    deg = jnp.zeros((num_nodes,), dtype=h.dtype).at[dst2].add(1.0)
    dinv = jax.lax.rsqrt(jnp.maximum(deg, 1.0))
    norm = dinv[src2] * dinv[dst2]
    msg = h[src2] * norm[:, None]
    out = jnp.zeros_like(h).at[dst2].add(msg)
    return out + b


def setup_inputs(seed: int = 0) -> dict:
    key = jax.random.key(seed)
    ks = jax.random.split(key, 16)
    inp = {}
    inp["x"] = jax.random.normal(ks[0], (N_NODES, IN_CH), dtype=jnp.float32)
    inp["edge_index"] = jax.random.randint(ks[1], (2, N_EDGES), 0, N_NODES, dtype=jnp.int64 if jax.config.jax_enable_x64 else jnp.int32)
    inp["full_edge_index"] = jax.random.randint(ks[2], (2, N_EDGES), 0, N_NODES, dtype=jnp.int64 if jax.config.jax_enable_x64 else jnp.int32)
    inp["time_steps"] = jax.random.randint(ks[3], (N_NODES,), 0, NUM_TIMESTEPS, dtype=jnp.int64 if jax.config.jax_enable_x64 else jnp.int32)
    s = 0.05
    # input_trans: Linear(in_channels, hidden)
    inp["W_in"] = jax.random.normal(ks[4], (IN_CH, HID), dtype=jnp.float32) * s
    inp["b_in"] = jnp.zeros((HID,), dtype=jnp.float32)
    # time_emb MLP: Linear(hidden, 4*hidden), SiLU, Linear(4*hidden, hidden)
    inp["W_t1"] = jax.random.normal(ks[5], (HID, 4 * HID), dtype=jnp.float32) * s
    inp["b_t1"] = jnp.zeros((4 * HID,), dtype=jnp.float32)
    inp["W_t2"] = jax.random.normal(ks[6], (4 * HID, HID), dtype=jnp.float32) * s
    inp["b_t2"] = jnp.zeros((HID,), dtype=jnp.float32)
    # two GCNConv layers (hidden -> hidden)
    inp["W_c1"] = jax.random.normal(ks[7], (HID, HID), dtype=jnp.float32) * s
    inp["b_c1"] = jnp.zeros((HID,), dtype=jnp.float32)
    inp["W_c2"] = jax.random.normal(ks[8], (HID, HID), dtype=jnp.float32) * s
    inp["b_c2"] = jnp.zeros((HID,), dtype=jnp.float32)
    # EdgeRegressionHead (agg='concat'): Linear(2*hidden, hidden), SiLU, Linear(hidden, out)
    inp["W_f1"] = jax.random.normal(ks[9], (2 * HID, HID), dtype=jnp.float32) * s
    inp["b_f1"] = jnp.zeros((HID,), dtype=jnp.float32)
    inp["W_f2"] = jax.random.normal(ks[10], (HID, OUT_CH), dtype=jnp.float32) * s
    inp["b_f2"] = jnp.zeros((OUT_CH,), dtype=jnp.float32)
    return inp


def reference(x, edge_index, full_edge_index, time_steps,
              W_in, b_in, W_t1, b_t1, W_t2, b_t2,
              W_c1, b_c1, W_c2, b_c2, W_f1, b_f1, W_f2, b_f2):
    # forward_embedder (dropout is identity in eval mode; norm=None -> Identity)
    h = x @ W_in + b_in
    t = sinusoidal_pos_emb(time_steps, HID)
    t = t @ W_t1 + b_t1
    t = jax.nn.silu(t)
    t = t @ W_t2 + b_t2
    h = h + t
    h_list = [h]
    # forward_encoder: 2 GCN layers, relu between
    src, dst = edge_index[0], edge_index[1]
    h = gcn_conv(h, src, dst, W_c1, b_c1, N_NODES)
    h = jax.nn.relu(h)
    h = gcn_conv(h, src, dst, W_c2, b_c2, N_NODES)
    h_list.append(h)
    # forward_decoder: EdgeRegressionHead on full_edge_index, agg='concat'
    fsrc, fdst = full_edge_index[0], full_edge_index[1]
    e = jnp.concatenate([h[fsrc], h[fdst]], axis=-1)
    e = jax.nn.silu(e @ W_f1 + b_f1)
    edge_logits = e @ W_f2 + b_f2
    return (edge_logits, h_list[0], h_list[1])

if __name__ == "__main__":
    import jax
    _d = setup_inputs()
    print(jax.jit(kernel)(*tuple(_d.values())))

</pallas_src>

<mosaic_0001>
#map = affine_map<(d0, d1) -> (0, 0, 0)>
#map1 = affine_map<(d0, d1) -> (0, 0)>
#map2 = affine_map<(d0, d1) -> (0)>
module attributes {stable_mosaic.version = 14 : i64} {
  func.func @_sc_edge_head(%arg0: i32, %arg1: i32, %arg2: memref<2x10000x64xf32, #tpu.memory_space<hbm>>, %arg3: memref<2x10000x64xf32, #tpu.memory_space<hbm>>, %arg4: memref<32x80x128xi32, #tpu.memory_space<hbm>>, %arg5: memref<32x80x128xi32, #tpu.memory_space<hbm>>, %arg6: memref<4x16xf32, #tpu.memory_space<hbm>>, %arg7: memref<20971520xf32, #tpu.memory_space<hbm>>, %arg8: memref<80x128xi32, #tpu.memory_space<vmem>>, %arg9: memref<80x128xi32, #tpu.memory_space<vmem>>, %arg10: memref<4x16xf32, #tpu.memory_space<vmem>>, %arg11: memref<128x64xf32, #tpu.memory_space<vmem>>, %arg12: memref<128x64xf32, #tpu.memory_space<vmem>>, %arg13: memref<128x64xf32, #tpu.memory_space<vmem>>, %arg14: memref<128x64xf32, #tpu.memory_space<vmem>>, %arg15: memref<128x64xf32, #tpu.memory_space<vmem>>, %arg16: memref<128x64xf32, #tpu.memory_space<vmem>>, %arg17: memref<128x64xf32, #tpu.memory_space<vmem>>, %arg18: memref<128x64xf32, #tpu.memory_space<vmem>>, %arg19: memref<8192xf32, #tpu.memory_space<vmem>>, %arg20: memref<8192xf32, #tpu.memory_space<vmem>>, %arg21: memref<8192xf32, #tpu.memory_space<vmem>>, %arg22: memref<8192xf32, #tpu.memory_space<vmem>>, %arg23: memref<!tpu.dma_semaphore, #tpu.memory_space<semaphore_mem>>, %arg24: memref<!tpu.dma_semaphore, #tpu.memory_space<semaphore_mem>>, %arg25: memref<!tpu.dma_semaphore, #tpu.memory_space<semaphore_mem>>, %arg26: memref<!tpu.dma_semaphore, #tpu.memory_space<semaphore_mem>>, %arg27: memref<!tpu.dma_semaphore, #tpu.memory_space<semaphore_mem>>, %arg28: memref<!tpu.dma_semaphore, #tpu.memory_space<semaphore_mem>>, %arg29: memref<!tpu.dma_semaphore, #tpu.memory_space<semaphore_mem>>, %arg30: memref<!tpu.dma_semaphore, #tpu.memory_space<semaphore_mem>>, %arg31: memref<!tpu.dma_semaphore, #tpu.memory_space<semaphore_mem>>, %arg32: memref<!tpu.dma_semaphore, #tpu.memory_space<semaphore_mem>>, %arg33: memref<!tpu.dma_semaphore, #tpu.memory_space<semaphore_mem>>, %arg34: memref<!tpu.dma_semaphore, #tpu.memory_space<semaphore_mem>>) attributes {dimension_semantics = [#tpu.dimension_semantics<core_parallel>, #tpu.dimension_semantics<subcore_parallel>], iteration_bounds = array<i64: 2, 16>, scalar_prefetch = 0 : i64, scratch_operands = 27 : i64, tpu.core_type = #tpu.core_type<sc_vector_subcore>, window_params = [{transform_indices = #map}, {transform_indices = #map}, {transform_indices = #map}, {transform_indices = #map}, {transform_indices = #map1}, {transform_indices = #map2}]} {
    %mul3A = arith.constant 2 : i32
    %mul3A_0 = arith.muli %arg1, %mul3A : i32
    %add3A = arith.addi %mul3A_0, %arg0 : i32
    %mul3A_1 = arith.constant 10240 : i32
    %mul3A_2 = arith.muli %add3A, %mul3A_1 : i32
    "tpu.region"() ({
      %run_scoped3A = tpu.sem_alloc : memref<!tpu.dma_semaphore, #tpu.memory_space<semaphore_mem>>
      %dma_start3A_66 = arith.constant 0 : i32
      %dma_start3A_67 = arith.constant 0 : i32
      %dma_start3A_68 = tpu.memref_slice %arg4[%add3A, %dma_start3A_66, %dma_start3A_67] : memref<32x80x128xi32, #tpu.memory_space<hbm>> -> memref<1x80x128xi32, #tpu.memory_space<hbm>>
      %dma_start3A_69 = tpu.memref_squeeze %dma_start3A_68 : memref<1x80x128xi32, #tpu.memory_space<hbm>> -> memref<80x128xi32, #tpu.memory_space<hbm>>
      %dma_start3A_70 = arith.constant 0 : i32
      %dma_start3A_71 = arith.constant 0 : i32
      %dma_start3A_72 = tpu.memref_slice %arg4[%add3A, %dma_start3A_70, %dma_start3A_71] : memref<32x80x128xi32, #tpu.memory_space<hbm>> -> memref<1x80x128xi32, #tpu.memory_space<hbm>>
      %dma_start3A_73 = tpu.memref_squeeze %dma_start3A_72 : memref<1x80x128xi32, #tpu.memory_space<hbm>> -> memref<80x128xi32, #tpu.memory_space<hbm>>
      tpu.enqueue_dma source(%dma_start3A_73 : memref<80x128xi32, #tpu.memory_space<hbm>>) target(%arg8 : memref<80x128xi32, #tpu.memory_space<vmem>>) target_semaphore(%run_scoped3A : memref<!tpu.dma_semaphore, #tpu.memory_space<semaphore_mem>>)
      %dma_wait3A_74 = arith.constant 0 : i32
      %dma_wait3A_75 = arith.constant 0 : i32
      %dma_wait3A_76 = tpu.memref_slice %arg4[%add3A, %dma_wait3A_74, %dma_wait3A_75] : memref<32x80x128xi32, #tpu.memory_space<hbm>> -> memref<1x80x128xi32, #tpu.memory_space<hbm>>
      %dma_wait3A_77 = tpu.memref_squeeze %dma_wait3A_76 : memref<1x80x128xi32, #tpu.memory_space<hbm>> -> memref<80x128xi32, #tpu.memory_space<hbm>>
      %dma_wait3A_78 = arith.constant 0 : i32
      %dma_wait3A_79 = arith.constant 0 : i32
      %dma_wait3A_80 = tpu.memref_slice %arg4[%add3A, %dma_wait3A_78, %dma_wait3A_79] : memref<32x80x128xi32, #tpu.memory_space<hbm>> -> memref<1x80x128xi32, #tpu.memory_space<hbm>>
      %dma_wait3A_81 = tpu.memref_squeeze %dma_wait3A_80 : memref<1x80x128xi32, #tpu.memory_space<hbm>> -> memref<80x128xi32, #tpu.memory_space<hbm>>
      tpu.wait_dma2 semaphore(%run_scoped3A : memref<!tpu.dma_semaphore, #tpu.memory_space<semaphore_mem>>) src(%dma_wait3A_81 : memref<80x128xi32, #tpu.memory_space<hbm>>) dst(%arg8 : memref<80x128xi32, #tpu.memory_space<vmem>>)
      tpu.yield
    }) : () -> ()
    "tpu.region"() ({
      %run_scoped3A = tpu.sem_alloc : memref<!tpu.dma_semaphore, #tpu.memory_space<semaphore_mem>>
      %dma_start3A_66 = arith.constant 0 : i32
      %dma_start3A_67 = arith.constant 0 : i32
      %dma_start3A_68 = tpu.memref_slice %arg5[%add3A, %dma_start3A_66, %dma_start3A_67] : memref<32x80x128xi32, #tpu.memory_space<hbm>> -> memref<1x80x128xi32, #tpu.memory_space<hbm>>
      %dma_start3A_69 = tpu.memref_squeeze %dma_start3A_68 : memref<1x80x128xi32, #tpu.memory_space<hbm>> -> memref<80x128xi32, #tpu.memory_space<hbm>>
      %dma_start3A_70 = arith.constant 0 : i32
      %dma_start3A_71 = arith.constant 0 : i32
      %dma_start3A_72 = tpu.memref_slice %arg5[%add3A, %dma_start3A_70, %dma_start3A_71] : memref<32x80x128xi32, #tpu.memory_space<hbm>> -> memref<1x80x128xi32, #tpu.memory_space<hbm>>
      %dma_start3A_73 = tpu.memref_squeeze %dma_start3A_72 : memref<1x80x128xi32, #tpu.memory_space<hbm>> -> memref<80x128xi32, #tpu.memory_space<hbm>>
      tpu.enqueue_dma source(%dma_start3A_73 : memref<80x128xi32, #tpu.memory_space<hbm>>) target(%arg9 : memref<80x128xi32, #tpu.memory_space<vmem>>) target_semaphore(%run_scoped3A : memref<!tpu.dma_semaphore, #tpu.memory_space<semaphore_mem>>)
      %dma_wait3A_74 = arith.constant 0 : i32
      %dma_wait3A_75 = arith.constant 0 : i32
      %dma_wait3A_76 = tpu.memref_slice %arg5[%add3A, %dma_wait3A_74, %dma_wait3A_75] : memref<32x80x128xi32, #tpu.memory_space<hbm>> -> memref<1x80x128xi32, #tpu.memory_space<hbm>>
      %dma_wait3A_77 = tpu.memref_squeeze %dma_wait3A_76 : memref<1x80x128xi32, #tpu.memory_space<hbm>> -> memref<80x128xi32, #tpu.memory_space<hbm>>
      %dma_wait3A_78 = arith.constant 0 : i32
      %dma_wait3A_79 = arith.constant 0 : i32
      %dma_wait3A_80 = tpu.memref_slice %arg5[%add3A, %dma_wait3A_78, %dma_wait3A_79] : memref<32x80x128xi32, #tpu.memory_space<hbm>> -> memref<1x80x128xi32, #tpu.memory_space<hbm>>
      %dma_wait3A_81 = tpu.memref_squeeze %dma_wait3A_80 : memref<1x80x128xi32, #tpu.memory_space<hbm>> -> memref<80x128xi32, #tpu.memory_space<hbm>>
      tpu.wait_dma2 semaphore(%run_scoped3A : memref<!tpu.dma_semaphore, #tpu.memory_space<semaphore_mem>>) src(%dma_wait3A_81 : memref<80x128xi32, #tpu.memory_space<hbm>>) dst(%arg9 : memref<80x128xi32, #tpu.memory_space<vmem>>)
      tpu.yield
    }) : () -> ()
    "tpu.region"() ({
      %run_scoped3A = tpu.sem_alloc : memref<!tpu.dma_semaphore, #tpu.memory_space<semaphore_mem>>
      tpu.enqueue_dma source(%arg6 : memref<4x16xf32, #tpu.memory_space<hbm>>) target(%arg10 : memref<4x16xf32, #tpu.memory_space<vmem>>) target_semaphore(%run_scoped3A : memref<!tpu.dma_semaphore, #tpu.memory_space<semaphore_mem>>)
      tpu.wait_dma2 semaphore(%run_scoped3A : memref<!tpu.dma_semaphore, #tpu.memory_space<semaphore_mem>>) src(%arg6 : memref<4x16xf32, #tpu.memory_space<hbm>>) dst(%arg10 : memref<4x16xf32, #tpu.memory_space<vmem>>)
      tpu.yield
    }) : () -> ()
    %dma_start3A = arith.constant 0 : i32
    %dma_start3A_3 = arith.constant 0 : i32
    %dma_start3A_4 = tpu.memref_slice %arg8[%dma_start3A, %dma_start3A_3] : memref<80x128xi32, #tpu.memory_space<vmem>> -> memref<1x128xi32, #tpu.memory_space<vmem>>
    %dma_start3A_5 = tpu.memref_squeeze %dma_start3A_4 : memref<1x128xi32, #tpu.memory_space<vmem>> -> memref<128xi32, #tpu.memory_space<vmem>>
    %dma_start3A_6 = arith.constant 0 : i32
    %dma_start3A_7 = arith.constant 0 : i32
    %dma_start3A_8 = tpu.memref_slice %arg2[%arg0, %dma_start3A_6, %dma_start3A_7] : memref<2x10000x64xf32, #tpu.memory_space<hbm>> -> memref<1x10000x64xf32, #tpu.memory_space<hbm>>
    %dma_start3A_9 = tpu.memref_squeeze %dma_start3A_8 : memref<1x10000x64xf32, #tpu.memory_space<hbm>> -> memref<10000x64xf32, #tpu.memory_space<hbm>>
    %dma_start3A_10 = arith.constant 0 : i32
    %dma_start3A_11 = arith.constant 0 : i32
    %dma_start3A_12 = tpu.memref_slice %dma_start3A_9[%dma_start3A_10, %dma_start3A_11] : memref<10000x64xf32, #tpu.memory_space<hbm>> -> memref<10000x64xf32, #tpu.memory_space<hbm>>
    tpu.enqueue_indirect_dma source(%dma_start3A_12 : memref<10000x64xf32, #tpu.memory_space<hbm>>) target(%arg11 : memref<128x64xf32, #tpu.memory_space<vmem>>) offsets(%dma_start3A_5 : memref<128xi32, #tpu.memory_space<vmem>>) semaphore(%arg23 : memref<!tpu.dma_semaphore, #tpu.memory_space<semaphore_mem>>)
    %dma_start3A_13 = arith.constant 0 : i32
    %dma_start3A_14 = arith.constant 0 : i32
    %dma_start3A_15 = tpu.memref_slice %arg9[%dma_start3A_13, %dma_start3A_14] : memref<80x128xi32, #tpu.memory_space<vmem>> -> memref<1x128xi32, #tpu.memory_space<vmem>>
    %dma_start3A_16 = tpu.memref_squeeze %dma_start3A_15 : memref<1x128xi32, #tpu.memory_space<vmem>> -> memref<128xi32, #tpu.memory_space<vmem>>
    %dma_start3A_17 = arith.constant 0 : i32
    %dma_start3A_18 = arith.constant 0 : i32
    %dma_start3A_19 = tpu.memref_slice %arg3[%arg0, %dma_start3A_17, %dma_start3A_18] : memref<2x10000x64xf32, #tpu.memory_space<hbm>> -> memref<1x10000x64xf32, #tpu.memory_space<hbm>>
    %dma_start3A_20 = tpu.memref_squeeze %dma_start3A_19 : memref<1x10000x64xf32, #tpu.memory_space<hbm>> -> memref<10000x64xf32, #tpu.memory_space<hbm>>
    %dma_start3A_21 = arith.constant 0 : i32
    %dma_start3A_22 = arith.constant 0 : i32
    %dma_start3A_23 = tpu.memref_slice %dma_start3A_20[%dma_start3A_21, %dma_start3A_22] : memref<10000x64xf32, #tpu.memory_space<hbm>> -> memref<10000x64xf32, #tpu.memory_space<hbm>>
    tpu.enqueue_indirect_dma source(%dma_start3A_23 : memref<10000x64xf32, #tpu.memory_space<hbm>>) target(%arg15 : memref<128x64xf32, #tpu.memory_space<vmem>>) offsets(%dma_start3A_16 : memref<128xi32, #tpu.memory_space<vmem>>) semaphore(%arg27 : memref<!tpu.dma_semaphore, #tpu.memory_space<semaphore_mem>>)
    %dma_start3A_24 = arith.constant 1 : i32
    %dma_start3A_25 = arith.constant 0 : i32
    %dma_start3A_26 = tpu.memref_slice %arg8[%dma_start3A_24, %dma_start3A_25] : memref<80x128xi32, #tpu.memory_space<vmem>> -> memref<1x128xi32, #tpu.memory_space<vmem>>
    %dma_start3A_27 = tpu.memref_squeeze %dma_start3A_26 : memref<1x128xi32, #tpu.memory_space<vmem>> -> memref<128xi32, #tpu.memory_space<vmem>>
    %dma_start3A_28 = arith.constant 0 : i32
    %dma_start3A_29 = arith.constant 0 : i32
    %dma_start3A_30 = tpu.memref_slice %arg2[%arg0, %dma_start3A_28, %dma_start3A_29] : memref<2x10000x64xf32, #tpu.memory_space<hbm>> -> memref<1x10000x64xf32, #tpu.memory_space<hbm>>
    %dma_start3A_31 = tpu.memref_squeeze %dma_start3A_30 : memref<1x10000x64xf32, #tpu.memory_space<hbm>> -> memref<10000x64xf32, #tpu.memory_space<hbm>>
    %dma_start3A_32 = arith.constant 0 : i32
    %dma_start3A_33 = arith.constant 0 : i32
    %dma_start3A_34 = tpu.memref_slice %dma_start3A_31[%dma_start3A_32, %dma_start3A_33] : memref<10000x64xf32, #tpu.memory_space<hbm>> -> memref<10000x64xf32, #tpu.memory_space<hbm>>
    tpu.enqueue_indirect_dma source(%dma_start3A_34 : memref<10000x64xf32, #tpu.memory_space<hbm>>) target(%arg12 : memref<128x64xf32, #tpu.memory_space<vmem>>) offsets(%dma_start3A_27 : memref<128xi32, #tpu.memory_space<vmem>>) semaphore(%arg24 : memref<!tpu.dma_semaphore, #tpu.memory_space<semaphore_mem>>)
    %dma_start3A_35 = arith.constant 1 : i32
    %dma_start3A_36 = arith.constant 0 : i32
    %dma_start3A_37 = tpu.memref_slice %arg9[%dma_start3A_35, %dma_start3A_36] : memref<80x128xi32, #tpu.memory_space<vmem>> -> memref<1x128xi32, #tpu.memory_space<vmem>>
    %dma_start3A_38 = tpu.memref_squeeze %dma_start3A_37 : memref<1x128xi32, #tpu.memory_space<vmem>> -> memref<128xi32, #tpu.memory_space<vmem>>
    %dma_start3A_39 = arith.constant 0 : i32
    %dma_start3A_40 = arith.constant 0 : i32
    %dma_start3A_41 = tpu.memref_slice %arg3[%arg0, %dma_start3A_39, %dma_start3A_40] : memref<2x10000x64xf32, #tpu.memory_space<hbm>> -> memref<1x10000x64xf32, #tpu.memory_space<hbm>>
    %dma_start3A_42 = tpu.memref_squeeze %dma_start3A_41 : memref<1x10000x64xf32, #tpu.memory_space<hbm>> -> memref<10000x64xf32, #tpu.memory_space<hbm>>
    %dma_start3A_43 = arith.constant 0 : i32
    %dma_start3A_44 = arith.constant 0 : i32
    %dma_start3A_45 = tpu.memref_slice %dma_start3A_42[%dma_start3A_43, %dma_start3A_44] : memref<10000x64xf32, #tpu.memory_space<hbm>> -> memref<10000x64xf32, #tpu.memory_space<hbm>>
    tpu.enqueue_indirect_dma source(%dma_start3A_45 : memref<10000x64xf32, #tpu.memory_space<hbm>>) target(%arg16 : memref<128x64xf32, #tpu.memory_space<vmem>>) offsets(%dma_start3A_38 : memref<128xi32, #tpu.memory_space<vmem>>) semaphore(%arg28 : memref<!tpu.dma_semaphore, #tpu.memory_space<semaphore_mem>>)
    %scan3A = arith.constant 0 : i32
    %scan3A_46 = arith.constant 0 : i32
    %scan3A_47 = arith.constant 20 : i32
    %scan3A_48 = arith.addi %scan3A_46, %scan3A_47 : i32
    %scan3A_49 = arith.constant 1 : i32
    scf.for %scan3A_66 = %scan3A_46 to %scan3A_48 step %scan3A_49  : i32 {
      %mul3A_67 = arith.constant 4 : i32
      %mul3A_68 = arith.muli %scan3A_66, %mul3A_67 : i32
      %add3A_69 = arith.constant 0 : i32
      %add3A_70 = arith.addi %mul3A_68, %add3A_69 : i32
      %dma_wait3A_71 = arith.constant 0 : i32
      %dma_wait3A_72 = arith.constant 0 : i32
      %dma_wait3A_73 = tpu.memref_slice %arg2[%arg0, %dma_wait3A_71, %dma_wait3A_72] : memref<2x10000x64xf32, #tpu.memory_space<hbm>> -> memref<1x10000x64xf32, #tpu.memory_space<hbm>>
      %dma_wait3A_74 = tpu.memref_squeeze %dma_wait3A_73 : memref<1x10000x64xf32, #tpu.memory_space<hbm>> -> memref<10000x64xf32, #tpu.memory_space<hbm>>
      %dma_wait3A_75 = arith.constant 0 : i32
      %dma_wait3A_76 = arith.constant 0 : i32
      %dma_wait3A_77 = tpu.memref_slice %arg2[%arg0, %dma_wait3A_75, %dma_wait3A_76] : memref<2x10000x64xf32, #tpu.memory_space<hbm>> -> memref<1x10000x64xf32, #tpu.memory_space<hbm>>
      %dma_wait3A_78 = tpu.memref_squeeze %dma_wait3A_77 : memref<1x10000x64xf32, #tpu.memory_space<hbm>> -> memref<10000x64xf32, #tpu.memory_space<hbm>>
      tpu.wait_dma2 semaphore(%arg23 : memref<!tpu.dma_semaphore, #tpu.memory_space<semaphore_mem>>) src(%dma_wait3A_78 : memref<10000x64xf32, #tpu.memory_space<hbm>>) dst(%arg11 : memref<128x64xf32, #tpu.memory_space<vmem>>)
      %dma_wait3A_79 = arith.constant 0 : i32
      %dma_wait3A_80 = arith.constant 0 : i32
      %dma_wait3A_81 = tpu.memref_slice %arg3[%arg0, %dma_wait3A_79, %dma_wait3A_80] : memref<2x10000x64xf32, #tpu.memory_space<hbm>> -> memref<1x10000x64xf32, #tpu.memory_space<hbm>>
      %dma_wait3A_82 = tpu.memref_squeeze %dma_wait3A_81 : memref<1x10000x64xf32, #tpu.memory_space<hbm>> -> memref<10000x64xf32, #tpu.memory_space<hbm>>
      %dma_wait3A_83 = arith.constant 0 : i32
      %dma_wait3A_84 = arith.constant 0 : i32
      %dma_wait3A_85 = tpu.memref_slice %arg3[%arg0, %dma_wait3A_83, %dma_wait3A_84] : memref<2x10000x64xf32, #tpu.memory_space<hbm>> -> memref<1x10000x64xf32, #tpu.memory_space<hbm>>
      %dma_wait3A_86 = tpu.memref_squeeze %dma_wait3A_85 : memref<1x10000x64xf32, #tpu.memory_space<hbm>> -> memref<10000x64xf32, #tpu.memory_space<hbm>>
      tpu.wait_dma2 semaphore(%arg27 : memref<!tpu.dma_semaphore, #tpu.memory_space<semaphore_mem>>) src(%dma_wait3A_86 : memref<10000x64xf32, #tpu.memory_space<hbm>>) dst(%arg15 : memref<128x64xf32, #tpu.memory_space<vmem>>)
      %add3A_87 = arith.constant 2 : i32
      %add3A_88 = arith.addi %add3A_70, %add3A_87 : i32
      %lt3A = arith.constant 80 : i32
      %lt3A_89 = arith.cmpi slt, %add3A_88, %lt3A : i32
      %convert_element_type3A = arith.extui %lt3A_89 : i1 to i32
      %cond3A = arith.constant 0 : i32
      %cond3A_90 = arith.cmpi ne, %convert_element_type3A, %cond3A : i32
      scf.if %cond3A_90 {
        %add3A_243 = arith.constant 2 : i32
        %add3A_244 = arith.addi %add3A_70, %add3A_243 : i32
        %dma_start3A_245 = arith.constant 0 : i32
        %dma_start3A_246 = tpu.memref_slice %arg8[%add3A_244, %dma_start3A_245] : memref<80x128xi32, #tpu.memory_space<vmem>> -> memref<1x128xi32, #tpu.memory_space<vmem>>
        %dma_start3A_247 = tpu.memref_squeeze %dma_start3A_246 : memref<1x128xi32, #tpu.memory_space<vmem>> -> memref<128xi32, #tpu.memory_space<vmem>>
        %dma_start3A_248 = arith.constant 0 : i32
        %dma_start3A_249 = arith.constant 0 : i32
        %dma_start3A_250 = tpu.memref_slice %arg2[%arg0, %dma_start3A_248, %dma_start3A_249] : memref<2x10000x64xf32, #tpu.memory_space<hbm>> -> memref<1x10000x64xf32, #tpu.memory_space<hbm>>
        %dma_start3A_251 = tpu.memref_squeeze %dma_start3A_250 : memref<1x10000x64xf32, #tpu.memory_space<hbm>> -> memref<10000x64xf32, #tpu.memory_space<hbm>>
        %dma_start3A_252 = arith.constant 0 : i32
        %dma_start3A_253 = arith.constant 0 : i32
        %dma_start3A_254 = tpu.memref_slice %dma_start3A_251[%dma_start3A_252, %dma_start3A_253] : memref<10000x64xf32, #tpu.memory_space<hbm>> -> memref<10000x64xf32, #tpu.memory_space<hbm>>
        tpu.enqueue_indirect_dma source(%dma_start3A_254 : memref<10000x64xf32, #tpu.memory_space<hbm>>) target(%arg13 : memref<128x64xf32, #tpu.memory_space<vmem>>) offsets(%dma_start3A_247 : memref<128xi32, #tpu.memory_space<vmem>>) semaphore(%arg25 : memref<!tpu.dma_semaphore, #tpu.memory_space<semaphore_mem>>)
        %add3A_255 = arith.constant 2 : i32
        %add3A_256 = arith.addi %add3A_70, %add3A_255 : i32
        %dma_start3A_257 = arith.constant 0 : i32
        %dma_start3A_258 = tpu.memref_slice %arg9[%add3A_256, %dma_start3A_257] : memref<80x128xi32, #tpu.memory_space<vmem>> -> memref<1x128xi32, #tpu.memory_space<vmem>>
        %dma_start3A_259 = tpu.memref_squeeze %dma_start3A_258 : memref<1x128xi32, #tpu.memory_space<vmem>> -> memref<128xi32, #tpu.memory_space<vmem>>
        %dma_start3A_260 = arith.constant 0 : i32
        %dma_start3A_261 = arith.constant 0 : i32
        %dma_start3A_262 = tpu.memref_slice %arg3[%arg0, %dma_start3A_260, %dma_start3A_261] : memref<2x10000x64xf32, #tpu.memory_space<hbm>> -> memref<1x10000x64xf32, #tpu.memory_space<hbm>>
        %dma_start3A_263 = tpu.memref_squeeze %dma_start3A_262 : memref<1x10000x64xf32, #tpu.memory_space<hbm>> -> memref<10000x64xf32, #tpu.memory_space<hbm>>
        %dma_start3A_264 = arith.constant 0 : i32
        %dma_start3A_265 = arith.constant 0 : i32
        %dma_start3A_266 = tpu.memref_slice %dma_start3A_263[%dma_start3A_264, %dma_start3A_265] : memref<10000x64xf32, #tpu.memory_space<hbm>> -> memref<10000x64xf32, #tpu.memory_space<hbm>>
        tpu.enqueue_indirect_dma source(%dma_start3A_266 : memref<10000x64xf32, #tpu.memory_space<hbm>>) target(%arg17 : memref<128x64xf32, #tpu.memory_space<vmem>>) offsets(%dma_start3A_259 : memref<128xi32, #tpu.memory_space<vmem>>) semaphore(%arg29 : memref<!tpu.dma_semaphore, #tpu.memory_space<semaphore_mem>>)
      } else {
      }
      %ge3A = arith.constant 4 : i32
      %ge3A_91 = arith.cmpi sge, %add3A_70, %ge3A : i32
      %convert_element_type3A_92 = arith.extui %ge3A_91 : i1 to i32
      %cond3A_93 = arith.constant 0 : i32
      %cond3A_94 = arith.cmpi ne, %convert_element_type3A_92, %cond3A_93 : i32
      scf.if %cond3A_94 {
        %dma_wait3A_243 = arith.constant 0 : i32
        %dma_wait3A_244 = tpu.memref_slice %arg7[%dma_wait3A_243] : memref<20971520xf32, #tpu.memory_space<hbm>> -> memref<8192xf32, #tpu.memory_space<hbm>>
        %dma_wait3A_245 = arith.constant 0 : i32
        %dma_wait3A_246 = tpu.memref_slice %arg7[%dma_wait3A_245] : memref<20971520xf32, #tpu.memory_space<hbm>> -> memref<8192xf32, #tpu.memory_space<hbm>>
        tpu.wait_dma2 semaphore(%arg31 : memref<!tpu.dma_semaphore, #tpu.memory_space<semaphore_mem>>) src(%arg19 : memref<8192xf32, #tpu.memory_space<vmem>>) dst(%dma_wait3A_246 : memref<8192xf32, #tpu.memory_space<hbm>>)
      } else {
      }
      %scan3A_95 = arith.constant 0 : i32
      %scan3A_96 = arith.constant 0 : i32
      %scan3A_97 = arith.constant 32 : i32
      %scan3A_98 = arith.addi %scan3A_96, %scan3A_97 : i32
      %scan3A_99 = arith.constant 1 : i32
      scf.for %scan3A_243 = %scan3A_96 to %scan3A_98 step %scan3A_99  : i32 {
        %mul3A_244 = arith.constant 4 : i32
        %mul3A_245 = arith.muli %scan3A_243, %mul3A_244 : i32
        %add3A_246 = arith.constant 0 : i32
        %add3A_247 = arith.addi %mul3A_245, %add3A_246 : i32
        %get3A = arith.index_cast %add3A_247 : i32 to index
        %get3A_248 = arith.constant 0 : index
        %get3A_249 = tpu.vector_load %arg11[%get3A, %get3A_248] {strides = array<i32>} : memref<128x64xf32, #tpu.memory_space<vmem>>, vector<16xf32>,
        %get3A_250 = arith.index_cast %add3A_247 : i32 to index
        %get3A_251 = arith.constant 0 : index
        %get3A_252 = tpu.vector_load %arg15[%get3A_250, %get3A_251] {strides = array<i32>} : memref<128x64xf32, #tpu.memory_space<vmem>>, vector<16xf32>,
        %add3A_253 = arith.addf %get3A_249, %get3A_252 : vector<16xf32>
        %mul3A_254 = arith.constant 64 : i32
        %mul3A_255 = arith.muli %add3A_247, %mul3A_254 : i32
        %add3A_256 = arith.constant 0 : i32
        %add3A_257 = arith.addi %mul3A_255, %add3A_256 : i32
        %swap3A = arith.index_cast %add3A_257 : i32 to index
        %swap3A_258 = tpu.vector_load %arg19[%swap3A] {strides = array<i32>} : memref<8192xf32, #tpu.memory_space<vmem>>, vector<16xf32>,
        tpu.vector_store %arg19[%swap3A], %add3A_253 {strides = array<i32>} : memref<8192xf32, #tpu.memory_space<vmem>>, vector<16xf32>,
        %get3A_259 = arith.index_cast %add3A_247 : i32 to index
        %get3A_260 = arith.constant 16 : index
        %get3A_261 = tpu.vector_load %arg11[%get3A_259, %get3A_260] {strides = array<i32>} : memref<128x64xf32, #tpu.memory_space<vmem>>, vector<16xf32>,
        %get3A_262 = arith.index_cast %add3A_247 : i32 to index
        %get3A_263 = arith.constant 16 : index
        %get3A_264 = tpu.vector_load %arg15[%get3A_262, %get3A_263] {strides = array<i32>} : memref<128x64xf32, #tpu.memory_space<vmem>>, vector<16xf32>,
        %add3A_265 = arith.addf %get3A_261, %get3A_264 : vector<16xf32>
        %mul3A_266 = arith.constant 64 : i32
        %mul3A_267 = arith.muli %add3A_247, %mul3A_266 : i32
        %add3A_268 = arith.constant 16 : i32
        %add3A_269 = arith.addi %mul3A_267, %add3A_268 : i32
        %swap3A_270 = arith.index_cast %add3A_269 : i32 to index
        %swap3A_271 = tpu.vector_load %arg19[%swap3A_270] {strides = array<i32>} : memref<8192xf32, #tpu.memory_space<vmem>>, vector<16xf32>,
        tpu.vector_store %arg19[%swap3A_270], %add3A_265 {strides = array<i32>} : memref<8192xf32, #tpu.memory_space<vmem>>, vector<16xf32>,
        %get3A_272 = arith.index_cast %add3A_247 : i32 to index
        %get3A_273 = arith.constant 32 : index
        %get3A_274 = tpu.vector_load %arg11[%get3A_272, %get3A_273] {strides = array<i32>} : memref<128x64xf32, #tpu.memory_space<vmem>>, vector<16xf32>,
        %get3A_275 = arith.index_cast %add3A_247 : i32 to index
        %get3A_276 = arith.constant 32 : index
        %get3A_277 = tpu.vector_load %arg15[%get3A_275, %get3A_276] {strides = array<i32>} : memref<128x64xf32, #tpu.memory_space<vmem>>, vector<16xf32>,
        %add3A_278 = arith.addf %get3A_274, %get3A_277 : vector<16xf32>
        %mul3A_279 = arith.constant 64 : i32
        %mul3A_280 = arith.muli %add3A_247, %mul3A_279 : i32
        %add3A_281 = arith.constant 32 : i32
        %add3A_282 = arith.addi %mul3A_280, %add3A_281 : i32
        %swap3A_283 = arith.index_cast %add3A_282 : i32 to index
        %swap3A_284 = tpu.vector_load %arg19[%swap3A_283] {strides = array<i32>} : memref<8192xf32, #tpu.memory_space<vmem>>, vector<16xf32>,
        tpu.vector_store %arg19[%swap3A_283], %add3A_278 {strides = array<i32>} : memref<8192xf32, #tpu.memory_space<vmem>>, vector<16xf32>,
        %get3A_285 = arith.index_cast %add3A_247 : i32 to index
        %get3A_286 = arith.constant 48 : index
        %get3A_287 = tpu.vector_load %arg11[%get3A_285, %get3A_286] {strides = array<i32>} : memref<128x64xf32, #tpu.memory_space<vmem>>, vector<16xf32>,
        %get3A_288 = arith.index_cast %add3A_247 : i32 to index
        %get3A_289 = arith.constant 48 : index
        %get3A_290 = tpu.vector_load %arg15[%get3A_288, %get3A_289] {strides = array<i32>} : memref<128x64xf32, #tpu.memory_space<vmem>>, vector<16xf32>,
        %add3A_291 = arith.addf %get3A_287, %get3A_290 : vector<16xf32>
        %mul3A_292 = arith.constant 64 : i32
        %mul3A_293 = arith.muli %add3A_247, %mul3A_292 : i32
        %add3A_294 = arith.constant 48 : i32
        %add3A_295 = arith.addi %mul3A_293, %add3A_294 : i32
        %swap3A_296 = arith.index_cast %add3A_295 : i32 to index
        %swap3A_297 = tpu.vector_load %arg19[%swap3A_296] {strides = array<i32>} : memref<8192xf32, #tpu.memory_space<vmem>>, vector<16xf32>,
        tpu.vector_store %arg19[%swap3A_296], %add3A_291 {strides = array<i32>} : memref<8192xf32, #tpu.memory_space<vmem>>, vector<16xf32>,
        %mul3A_298 = arith.constant 4 : i32
        %mul3A_299 = arith.muli %scan3A_243, %mul3A_298 : i32
        %add3A_300 = arith.constant 1 : i32
        %add3A_301 = arith.addi %mul3A_299, %add3A_300 : i32
        %get3A_302 = arith.index_cast %add3A_301 : i32 to index
        %get3A_303 = arith.constant 0 : index
        %get3A_304 = tpu.vector_load %arg11[%get3A_302, %get3A_303] {strides = array<i32>} : memref<128x64xf32, #tpu.memory_space<vmem>>, vector<16xf32>,
        %get3A_305 = arith.index_cast %add3A_301 : i32 to index
        %get3A_306 = arith.constant 0 : index
        %get3A_307 = tpu.vector_load %arg15[%get3A_305, %get3A_306] {strides = array<i32>} : memref<128x64xf32, #tpu.memory_space<vmem>>, vector<16xf32>,
        %add3A_308 = arith.addf %get3A_304, %get3A_307 : vector<16xf32>
        %mul3A_309 = arith.constant 64 : i32
        %mul3A_310 = arith.muli %add3A_301, %mul3A_309 : i32
        %add3A_311 = arith.constant 0 : i32
        %add3A_312 = arith.addi %mul3A_310, %add3A_311 : i32
        %swap3A_313 = arith.index_cast %add3A_312 : i32 to index
        %swap3A_314 = tpu.vector_load %arg19[%swap3A_313] {strides = array<i32>} : memref<8192xf32, #tpu.memory_space<vmem>>, vector<16xf32>,
        tpu.vector_store %arg19[%swap3A_313], %add3A_308 {strides = array<i32>} : memref<8192xf32, #tpu.memory_space<vmem>>, vector<16xf32>,
        %get3A_315 = arith.index_cast %add3A_301 : i32 to index
        %get3A_316 = arith.constant 16 : index
        %get3A_317 = tpu.vector_load %arg11[%get3A_315, %get3A_316] {strides = array<i32>} : memref<128x64xf32, #tpu.memory_space<vmem>>, vector<16xf32>,
        %get3A_318 = arith.index_cast %add3A_301 : i32 to index
        %get3A_319 = arith.constant 16 : index
        %get3A_320 = tpu.vector_load %arg15[%get3A_318, %get3A_319] {strides = array<i32>} : memref<128x64xf32, #tpu.memory_space<vmem>>, vector<16xf32>,
        %add3A_321 = arith.addf %get3A_317, %get3A_320 : vector<16xf32>
        %mul3A_322 = arith.constant 64 : i32
        %mul3A_323 = arith.muli %add3A_301, %mul3A_322 : i32
        %add3A_324 = arith.constant 16 : i32
        %add3A_325 = arith.addi %mul3A_323, %add3A_324 : i32
        %swap3A_326 = arith.index_cast %add3A_325 : i32 to index
        %swap3A_327 = tpu.vector_load %arg19[%swap3A_326] {strides = array<i32>} : memref<8192xf32, #tpu.memory_space<vmem>>, vector<16xf32>,
        tpu.vector_store %arg19[%swap3A_326], %add3A_321 {strides = array<i32>} : memref<8192xf32, #tpu.memory_space<vmem>>, vector<16xf32>,
        %get3A_328 = arith.index_cast %add3A_301 : i32 to index
        %get3A_329 = arith.constant 32 : index
        %get3A_330 = tpu.vector_load %arg11[%get3A_328, %get3A_329] {strides = array<i32>} : memref<128x64xf32, #tpu.memory_space<vmem>>, vector<16xf32>,
        %get3A_331 = arith.index_cast %add3A_301 : i32 to index
        %get3A_332 = arith.constant 32 : index
        %get3A_333 = tpu.vector_load %arg15[%get3A_331, %get3A_332] {strides = array<i32>} : memref<128x64xf32, #tpu.memory_space<vmem>>, vector<16xf32>,
        %add3A_334 = arith.addf %get3A_330, %get3A_333 : vector<16xf32>
        %mul3A_335 = arith.constant 64 : i32
        %mul3A_336 = arith.muli %add3A_301, %mul3A_335 : i32
        %add3A_337 = arith.constant 32 : i32
        %add3A_338 = arith.addi %mul3A_336, %add3A_337 : i32
        %swap3A_339 = arith.index_cast %add3A_338 : i32 to index
        %swap3A_340 = tpu.vector_load %arg19[%swap3A_339] {strides = array<i32>} : memref<8192xf32, #tpu.memory_space<vmem>>, vector<16xf32>,
        tpu.vector_store %arg19[%swap3A_339], %add3A_334 {strides = array<i32>} : memref<8192xf32, #tpu.memory_space<vmem>>, vector<16xf32>,
        %get3A_341 = arith.index_cast %add3A_301 : i32 to index
        %get3A_342 = arith.constant 48 : index
        %get3A_343 = tpu.vector_load %arg11[%get3A_341, %get3A_342] {strides = array<i32>} : memref<128x64xf32, #tpu.memory_space<vmem>>, vector<16xf32>,
        %get3A_344 = arith.index_cast %add3A_301 : i32 to index
        %get3A_345 = arith.constant 48 : index
        %get3A_346 = tpu.vector_load %arg15[%get3A_344, %get3A_345] {strides = array<i32>} : memref<128x64xf32, #tpu.memory_space<vmem>>, vector<16xf32>,
        %add3A_347 = arith.addf %get3A_343, %get3A_346 : vector<16xf32>
        %mul3A_348 = arith.constant 64 : i32
        %mul3A_349 = arith.muli %add3A_301, %mul3A_348 : i32
        %add3A_350 = arith.constant 48 : i32
        %add3A_351 = arith.addi %mul3A_349, %add3A_350 : i32
        %swap3A_352 = arith.index_cast %add3A_351 : i32 to index
        %swap3A_353 = tpu.vector_load %arg19[%swap3A_352] {strides = array<i32>} : memref<8192xf32, #tpu.memory_space<vmem>>, vector<16xf32>,
        tpu.vector_store %arg19[%swap3A_352], %add3A_347 {strides = array<i32>} : memref<8192xf32, #tpu.memory_space<vmem>>, vector<16xf32>,
        %mul3A_354 = arith.constant 4 : i32
        %mul3A_355 = arith.muli %scan3A_243, %mul3A_354 : i32
        %add3A_356 = arith.constant 2 : i32
        %add3A_357 = arith.addi %mul3A_355, %add3A_356 : i32
        %get3A_358 = arith.index_cast %add3A_357 : i32 to index
        %get3A_359 = arith.constant 0 : index
        %get3A_360 = tpu.vector_load %arg11[%get3A_358, %get3A_359] {strides = array<i32>} : memref<128x64xf32, #tpu.memory_space<vmem>>, vector<16xf32>,
        %get3A_361 = arith.index_cast %add3A_357 : i32 to index
        %get3A_362 = arith.constant 0 : index
        %get3A_363 = tpu.vector_load %arg15[%get3A_361, %get3A_362] {strides = array<i32>} : memref<128x64xf32, #tpu.memory_space<vmem>>, vector<16xf32>,
        %add3A_364 = arith.addf %get3A_360, %get3A_363 : vector<16xf32>
        %mul3A_365 = arith.constant 64 : i32
        %mul3A_366 = arith.muli %add3A_357, %mul3A_365 : i32
        %add3A_367 = arith.constant 0 : i32
        %add3A_368 = arith.addi %mul3A_366, %add3A_367 : i32
        %swap3A_369 = arith.index_cast %add3A_368 : i32 to index
        %swap3A_370 = tpu.vector_load %arg19[%swap3A_369] {strides = array<i32>} : memref<8192xf32, #tpu.memory_space<vmem>>, vector<16xf32>,
        tpu.vector_store %arg19[%swap3A_369], %add3A_364 {strides = array<i32>} : memref<8192xf32, #tpu.memory_space<vmem>>, vector<16xf32>,
        %get3A_371 = arith.index_cast %add3A_357 : i32 to index
        %get3A_372 = arith.constant 16 : index
        %get3A_373 = tpu.vector_load %arg11[%get3A_371, %get3A_372] {strides = array<i32>} : memref<128x64xf32, #tpu.memory_space<vmem>>, vector<16xf32>,
        %get3A_374 = arith.index_cast %add3A_357 : i32 to index
        %get3A_375 = arith.constant 16 : index
        %get3A_376 = tpu.vector_load %arg15[%get3A_374, %get3A_375] {strides = array<i32>} : memref<128x64xf32, #tpu.memory_space<vmem>>, vector<16xf32>,
        %add3A_377 = arith.addf %get3A_373, %get3A_376 : vector<16xf32>
        %mul3A_378 = arith.constant 64 : i32
        %mul3A_379 = arith.muli %add3A_357, %mul3A_378 : i32
        %add3A_380 = arith.constant 16 : i32
        %add3A_381 = arith.addi %mul3A_379, %add3A_380 : i32
        %swap3A_382 = arith.index_cast %add3A_381 : i32 to index
        %swap3A_383 = tpu.vector_load %arg19[%swap3A_382] {strides = array<i32>} : memref<8192xf32, #tpu.memory_space<vmem>>, vector<16xf32>,
        tpu.vector_store %arg19[%swap3A_382], %add3A_377 {strides = array<i32>} : memref<8192xf32, #tpu.memory_space<vmem>>, vector<16xf32>,
        %get3A_384 = arith.index_cast %add3A_357 : i32 to index
        %get3A_385 = arith.constant 32 : index
        %get3A_386 = tpu.vector_load %arg11[%get3A_384, %get3A_385] {strides = array<i32>} : memref<128x64xf32, #tpu.memory_space<vmem>>, vector<16xf32>,
        %get3A_387 = arith.index_cast %add3A_357 : i32 to index
        %get3A_388 = arith.constant 32 : index
        %get3A_389 = tpu.vector_load %arg15[%get3A_387, %get3A_388] {strides = array<i32>} : memref<128x64xf32, #tpu.memory_space<vmem>>, vector<16xf32>,
        %add3A_390 = arith.addf %get3A_386, %get3A_389 : vector<16xf32>
        %mul3A_391 = arith.constant 64 : i32
        %mul3A_392 = arith.muli %add3A_357, %mul3A_391 : i32
        %add3A_393 = arith.constant 32 : i32
        %add3A_394 = arith.addi %mul3A_392, %add3A_393 : i32
        %swap3A_395 = arith.index_cast %add3A_394 : i32 to index
        %swap3A_396 = tpu.vector_load %arg19[%swap3A_395] {strides = array<i32>} : memref<8192xf32, #tpu.memory_space<vmem>>, vector<16xf32>,
        tpu.vector_store %arg19[%swap3A_395], %add3A_390 {strides = array<i32>} : memref<8192xf32, #tpu.memory_space<vmem>>, vector<16xf32>,
        %get3A_397 = arith.index_cast %add3A_357 : i32 to index
        %get3A_398 = arith.constant 48 : index
        %get3A_399 = tpu.vector_load %arg11[%get3A_397, %get3A_398] {strides = array<i32>} : memref<128x64xf32, #tpu.memory_space<vmem>>, vector<16xf32>,
        %get3A_400 = arith.index_cast %add3A_357 : i32 to index
        %get3A_401 = arith.constant 48 : index
        %get3A_402 = tpu.vector_load %arg15[%get3A_400, %get3A_401] {strides = array<i32>} : memref<128x64xf32, #tpu.memory_space<vmem>>, vector<16xf32>,
        %add3A_403 = arith.addf %get3A_399, %get3A_402 : vector<16xf32>
        %mul3A_404 = arith.constant 64 : i32
        %mul3A_405 = arith.muli %add3A_357, %mul3A_404 : i32
        %add3A_406 = arith.constant 48 : i32
        %add3A_407 = arith.addi %mul3A_405, %add3A_406 : i32
        %swap3A_408 = arith.index_cast %add3A_407 : i32 to index
        %swap3A_409 = tpu.vector_load %arg19[%swap3A_408] {strides = array<i32>} : memref<8192xf32, #tpu.memory_space<vmem>>, vector<16xf32>,
        tpu.vector_store %arg19[%swap3A_408], %add3A_403 {strides = array<i32>} : memref<8192xf32, #tpu.memory_space<vmem>>, vector<16xf32>,
        %mul3A_410 = arith.constant 4 : i32
        %mul3A_411 = arith.muli %scan3A_243, %mul3A_410 : i32
        %add3A_412 = arith.constant 3 : i32
        %add3A_413 = arith.addi %mul3A_411, %add3A_412 : i32
        %get3A_414 = arith.index_cast %add3A_413 : i32 to index
        %get3A_415 = arith.constant 0 : index
        %get3A_416 = tpu.vector_load %arg11[%get3A_414, %get3A_415] {strides = array<i32>} : memref<128x64xf32, #tpu.memory_space<vmem>>, vector<16xf32>,
        %get3A_417 = arith.index_cast %add3A_413 : i32 to index
        %get3A_418 = arith.constant 0 : index
        %get3A_419 = tpu.vector_load %arg15[%get3A_417, %get3A_418] {strides = array<i32>} : memref<128x64xf32, #tpu.memory_space<vmem>>, vector<16xf32>,
        %add3A_420 = arith.addf %get3A_416, %get3A_419 : vector<16xf32>
        %mul3A_421 = arith.constant 64 : i32
        %mul3A_422 = arith.muli %add3A_413, %mul3A_421 : i32
        %add3A_423 = arith.constant 0 : i32
        %add3A_424 = arith.addi %mul3A_422, %add3A_423 : i32
        %swap3A_425 = arith.index_cast %add3A_424 : i32 to index
        %swap3A_426 = tpu.vector_load %arg19[%swap3A_425] {strides = array<i32>} : memref<8192xf32, #tpu.memory_space<vmem>>, vector<16xf32>,
        tpu.vector_store %arg19[%swap3A_425], %add3A_420 {strides = array<i32>} : memref<8192xf32, #tpu.memory_space<vmem>>, vector<16xf32>,
        %get3A_427 = arith.index_cast %add3A_413 : i32 to index
        %get3A_428 = arith.constant 16 : index
        %get3A_429 = tpu.vector_load %arg11[%get3A_427, %get3A_428] {strides = array<i32>} : memref<128x64xf32, #tpu.memory_space<vmem>>, vector<16xf32>,
        %get3A_430 = arith.index_cast %add3A_413 : i32 to index
        %get3A_431 = arith.constant 16 : index
        %get3A_432 = tpu.vector_load %arg15[%get3A_430, %get3A_431] {strides = array<i32>} : memref<128x64xf32, #tpu.memory_space<vmem>>, vector<16xf32>,
        %add3A_433 = arith.addf %get3A_429, %get3A_432 : vector<16xf32>
        %mul3A_434 = arith.constant 64 : i32
        %mul3A_435 = arith.muli %add3A_413, %mul3A_434 : i32
        %add3A_436 = arith.constant 16 : i32
        %add3A_437 = arith.addi %mul3A_435, %add3A_436 : i32
        %swap3A_438 = arith.index_cast %add3A_437 : i32 to index
        %swap3A_439 = tpu.vector_load %arg19[%swap3A_438] {strides = array<i32>} : memref<8192xf32, #tpu.memory_space<vmem>>, vector<16xf32>,
        tpu.vector_store %arg19[%swap3A_438], %add3A_433 {strides = array<i32>} : memref<8192xf32, #tpu.memory_space<vmem>>, vector<16xf32>,
        %get3A_440 = arith.index_cast %add3A_413 : i32 to index
        %get3A_441 = arith.constant 32 : index
        %get3A_442 = tpu.vector_load %arg11[%get3A_440, %get3A_441] {strides = array<i32>} : memref<128x64xf32, #tpu.memory_space<vmem>>, vector<16xf32>,
        %get3A_443 = arith.index_cast %add3A_413 : i32 to index
        %get3A_444 = arith.constant 32 : index
        %get3A_445 = tpu.vector_load %arg15[%get3A_443, %get3A_444] {strides = array<i32>} : memref<128x64xf32, #tpu.memory_space<vmem>>, vector<16xf32>,
        %add3A_446 = arith.addf %get3A_442, %get3A_445 : vector<16xf32>
        %mul3A_447 = arith.constant 64 : i32
        %mul3A_448 = arith.muli %add3A_413, %mul3A_447 : i32
        %add3A_449 = arith.constant 32 : i32
        %add3A_450 = arith.addi %mul3A_448, %add3A_449 : i32
        %swap3A_451 = arith.index_cast %add3A_450 : i32 to index
        %swap3A_452 = tpu.vector_load %arg19[%swap3A_451] {strides = array<i32>} : memref<8192xf32, #tpu.memory_space<vmem>>, vector<16xf32>,
        tpu.vector_store %arg19[%swap3A_451], %add3A_446 {strides = array<i32>} : memref<8192xf32, #tpu.memory_space<vmem>>, vector<16xf32>,
        %get3A_453 = arith.index_cast %add3A_413 : i32 to index
        %get3A_454 = arith.constant 48 : index
        %get3A_455 = tpu.vector_load %arg11[%get3A_453, %get3A_454] {strides = array<i32>} : memref<128x64xf32, #tpu.memory_space<vmem>>, vector<16xf32>,
        %get3A_456 = arith.index_cast %add3A_413 : i32 to index
        %get3A_457 = arith.constant 48 : index
        %get3A_458 = tpu.vector_load %arg15[%get3A_456, %get3A_457] {strides = array<i32>} : memref<128x64xf32, #tpu.memory_space<vmem>>, vector<16xf32>,
        %add3A_459 = arith.addf %get3A_455, %get3A_458 : vector<16xf32>
        %mul3A_460 = arith.constant 64 : i32
        %mul3A_461 = arith.muli %add3A_413, %mul3A_460 : i32
        %add3A_462 = arith.constant 48 : i32
        %add3A_463 = arith.addi %mul3A_461, %add3A_462 : i32
        %swap3A_464 = arith.index_cast %add3A_463 : i32 to index
        %swap3A_465 = tpu.vector_load %arg19[%swap3A_464] {strides = array<i32>} : memref<8192xf32, #tpu.memory_space<vmem>>, vector<16xf32>,
        tpu.vector_store %arg19[%swap3A_464], %add3A_459 {strides = array<i32>} : memref<8192xf32, #tpu.memory_space<vmem>>, vector<16xf32>,
      }
      %scan3A_100 = arith.constant 32 : i32
      %mul3A_101 = arith.constant 128 : i32
      %mul3A_102 = arith.muli %add3A_70, %mul3A_101 : i32
      %add3A_103 = arith.addi %mul3A_2, %mul3A_102 : i32
      %mul3A_104 = arith.constant 64 : i32
      %mul3A_105 = arith.muli %add3A_103, %mul3A_104 : i32
      %dma_start3A_106 = tpu.memref_slice %arg7[%mul3A_105] : memref<20971520xf32, #tpu.memory_space<hbm>> -> memref<8192xf32, #tpu.memory_space<hbm>>
      %dma_start3A_107 = tpu.memref_slice %arg7[%mul3A_105] : memref<20971520xf32, #tpu.memory_space<hbm>> -> memref<8192xf32, #tpu.memory_space<hbm>>
      tpu.enqueue_dma source(%arg19 : memref<8192xf32, #tpu.memory_space<vmem>>) target(%dma_start3A_107 : memref<8192xf32, #tpu.memory_space<hbm>>) target_semaphore(%arg31 : memref<!tpu.dma_semaphore, #tpu.memory_space<semaphore_mem>>)
      %mul3A_108 = arith.constant 4 : i32
      %mul3A_109 = arith.muli %scan3A_66, %mul3A_108 : i32
      %add3A_110 = arith.constant 1 : i32
      %add3A_111 = arith.addi %mul3A_109, %add3A_110 : i32
      %dma_wait3A_112 = arith.constant 0 : i32
      %dma_wait3A_113 = arith.constant 0 : i32
      %dma_wait3A_114 = tpu.memref_slice %arg2[%arg0, %dma_wait3A_112, %dma_wait3A_113] : memref<2x10000x64xf32, #tpu.memory_space<hbm>> -> memref<1x10000x64xf32, #tpu.memory_space<hbm>>
      %dma_wait3A_115 = tpu.memref_squeeze %dma_wait3A_114 : memref<1x10000x64xf32, #tpu.memory_space<hbm>> -> memref<10000x64xf32, #tpu.memory_space<hbm>>
      %dma_wait3A_116 = arith.constant 0 : i32
      %dma_wait3A_117 = arith.constant 0 : i32
      %dma_wait3A_118 = tpu.memref_slice %arg2[%arg0, %dma_wait3A_116, %dma_wait3A_117] : memref<2x10000x64xf32, #tpu.memory_space<hbm>> -> memref<1x10000x64xf32, #tpu.memory_space<hbm>>
      %dma_wait3A_119 = tpu.memref_squeeze %dma_wait3A_118 : memref<1x10000x64xf32, #tpu.memory_space<hbm>> -> memref<10000x64xf32, #tpu.memory_space<hbm>>
      tpu.wait_dma2 semaphore(%arg24 : memref<!tpu.dma_semaphore, #tpu.memory_space<semaphore_mem>>) src(%dma_wait3A_119 : memref<10000x64xf32, #tpu.memory_space<hbm>>) dst(%arg12 : memref<128x64xf32, #tpu.memory_space<vmem>>)
      %dma_wait3A_120 = arith.constant 0 : i32
      %dma_wait3A_121 = arith.constant 0 : i32
      %dma_wait3A_122 = tpu.memref_slice %arg3[%arg0, %dma_wait3A_120, %dma_wait3A_121] : memref<2x10000x64xf32, #tpu.memory_space<hbm>> -> memref<1x10000x64xf32, #tpu.memory_space<hbm>>
      %dma_wait3A_123 = tpu.memref_squeeze %dma_wait3A_122 : memref<1x10000x64xf32, #tpu.memory_space<hbm>> -> memref<10000x64xf32, #tpu.memory_space<hbm>>
      %dma_wait3A_124 = arith.constant 0 : i32
      %dma_wait3A_125 = arith.constant 0 : i32
      %dma_wait3A_126 = tpu.memref_slice %arg3[%arg0, %dma_wait3A_124, %dma_wait3A_125] : memref<2x10000x64xf32, #tpu.memory_space<hbm>> -> memref<1x10000x64xf32, #tpu.memory_space<hbm>>
      %dma_wait3A_127 = tpu.memref_squeeze %dma_wait3A_126 : memref<1x10000x64xf32, #tpu.memory_space<hbm>> -> memref<10000x64xf32, #tpu.memory_space<hbm>>
      tpu.wait_dma2 semaphore(%arg28 : memref<!tpu.dma_semaphore, #tpu.memory_space<semaphore_mem>>) src(%dma_wait3A_127 : memref<10000x64xf32, #tpu.memory_space<hbm>>) dst(%arg16 : memref<128x64xf32, #tpu.memory_space<vmem>>)
      %add3A_128 = arith.constant 2 : i32
      %add3A_129 = arith.addi %add3A_111, %add3A_128 : i32
      %lt3A_130 = arith.constant 80 : i32
      %lt3A_131 = arith.cmpi slt, %add3A_129, %lt3A_130 : i32
      %convert_element_type3A_132 = arith.extui %lt3A_131 : i1 to i32
      %cond3A_133 = arith.constant 0 : i32
      %cond3A_134 = arith.cmpi ne, %convert_element_type3A_132, %cond3A_133 : i32
      scf.if %cond3A_134 {
        %add3A_243 = arith.constant 2 : i32
        %add3A_244 = arith.addi %add3A_111, %add3A_243 : i32
        %dma_start3A_245 = arith.constant 0 : i32
        %dma_start3A_246 = tpu.memref_slice %arg8[%add3A_244, %dma_start3A_245] : memref<80x128xi32, #tpu.memory_space<vmem>> -> memref<1x128xi32, #tpu.memory_space<vmem>>
        %dma_start3A_247 = tpu.memref_squeeze %dma_start3A_246 : memref<1x128xi32, #tpu.memory_space<vmem>> -> memref<128xi32, #tpu.memory_space<vmem>>
        %dma_start3A_248 = arith.constant 0 : i32
        %dma_start3A_249 = arith.constant 0 : i32
        %dma_start3A_250 = tpu.memref_slice %arg2[%arg0, %dma_start3A_248, %dma_start3A_249] : memref<2x10000x64xf32, #tpu.memory_space<hbm>> -> memref<1x10000x64xf32, #tpu.memory_space<hbm>>
        %dma_start3A_251 = tpu.memref_squeeze %dma_start3A_250 : memref<1x10000x64xf32, #tpu.memory_space<hbm>> -> memref<10000x64xf32, #tpu.memory_space<hbm>>
        %dma_start3A_252 = arith.constant 0 : i32
        %dma_start3A_253 = arith.constant 0 : i32
        %dma_start3A_254 = tpu.memref_slice %dma_start3A_251[%dma_start3A_252, %dma_start3A_253] : memref<10000x64xf32, #tpu.memory_space<hbm>> -> memref<10000x64xf32, #tpu.memory_space<hbm>>
        tpu.enqueue_indirect_dma source(%dma_start3A_254 : memref<10000x64xf32, #tpu.memory_space<hbm>>) target(%arg14 : memref<128x64xf32, #tpu.memory_space<vmem>>) offsets(%dma_start3A_247 : memref<128xi32, #tpu.memory_space<vmem>>) semaphore(%arg26 : memref<!tpu.dma_semaphore, #tpu.memory_space<semaphore_mem>>)
        %add3A_255 = arith.constant 2 : i32
        %add3A_256 = arith.addi %add3A_111, %add3A_255 : i32
        %dma_start3A_257 = arith.constant 0 : i32
        %dma_start3A_258 = tpu.memref_slice %arg9[%add3A_256, %dma_start3A_257] : memref<80x128xi32, #tpu.memory_space<vmem>> -> memref<1x128xi32, #tpu.memory_space<vmem>>
        %dma_start3A_259 = tpu.memref_squeeze %dma_start3A_258 : memref<1x128xi32, #tpu.memory_space<vmem>> -> memref<128xi32, #tpu.memory_space<vmem>>
        %dma_start3A_260 = arith.constant 0 : i32
        %dma_start3A_261 = arith.constant 0 : i32
        %dma_start3A_262 = tpu.memref_slice %arg3[%arg0, %dma_start3A_260, %dma_start3A_261] : memref<2x10000x64xf32, #tpu.memory_space<hbm>> -> memref<1x10000x64xf32, #tpu.memory_space<hbm>>
        %dma_start3A_263 = tpu.memref_squeeze %dma_start3A_262 : memref<1x10000x64xf32, #tpu.memory_space<hbm>> -> memref<10000x64xf32, #tpu.memory_space<hbm>>
        %dma_start3A_264 = arith.constant 0 : i32
        %dma_start3A_265 = arith.constant 0 : i32
        %dma_start3A_266 = tpu.memref_slice %dma_start3A_263[%dma_start3A_264, %dma_start3A_265] : memref<10000x64xf32, #tpu.memory_space<hbm>> -> memref<10000x64xf32, #tpu.memory_space<hbm>>
        tpu.enqueue_indirect_dma source(%dma_start3A_266 : memref<10000x64xf32, #tpu.memory_space<hbm>>) target(%arg18 : memref<128x64xf32, #tpu.memory_space<vmem>>) offsets(%dma_start3A_259 : memref<128xi32, #tpu.memory_space<vmem>>) semaphore(%arg30 : memref<!tpu.dma_semaphore, #tpu.memory_space<semaphore_mem>>)
      } else {
      }
      %ge3A_135 = arith.constant 4 : i32
      %ge3A_136 = arith.cmpi sge, %add3A_111, %ge3A_135 : i32
      %convert_element_type3A_137 = arith.extui %ge3A_136 : i1 to i32
      %cond3A_138 = arith.constant 0 : i32
      %cond3A_139 = arith.cmpi ne, %convert_element_type3A_137, %cond3A_138 : i32
      scf.if %cond3A_139 {
        %dma_wait3A_243 = arith.constant 0 : i32
        %dma_wait3A_244 = tpu.memref_slice %arg7[%dma_wait3A_243] : memref<20971520xf32, #tpu.memory_space<hbm>> -> memref<8192xf32, #tpu.memory_space<hbm>>
        %dma_wait3A_245 = arith.constant 0 : i32
        %dma_wait3A_246 = tpu.memref_slice %arg7[%dma_wait3A_245] : memref<20971520xf32, #tpu.memory_space<hbm>> -> memref<8192xf32, #tpu.memory_space<hbm>>
        tpu.wait_dma2 semaphore(%arg32 : memref<!tpu.dma_semaphore, #tpu.memory_space<semaphore_mem>>) src(%arg20 : memref<8192xf32, #tpu.memory_space<vmem>>) dst(%dma_wait3A_246 : memref<8192xf32, #tpu.memory_space<hbm>>)
      } else {
      }
      %scan3A_140 = arith.constant 0 : i32
      %scan3A_141 = arith.constant 0 : i32
      %scan3A_142 = arith.constant 32 : i32
      %scan3A_143 = arith.addi %scan3A_141, %scan3A_142 : i32
      %scan3A_144 = arith.constant 1 : i32
      scf.for %scan3A_243 = %scan3A_141 to %scan3A_143 step %scan3A_144  : i32 {
        %mul3A_244 = arith.constant 4 : i32
        %mul3A_245 = arith.muli %scan3A_243, %mul3A_244 : i32
        %add3A_246 = arith.constant 0 : i32
        %add3A_247 = arith.addi %mul3A_245, %add3A_246 : i32
        %get3A = arith.index_cast %add3A_247 : i32 to index
        %get3A_248 = arith.constant 0 : index
        %get3A_249 = tpu.vector_load %arg12[%get3A, %get3A_248] {strides = array<i32>} : memref<128x64xf32, #tpu.memory_space<vmem>>, vector<16xf32>,
        %get3A_250 = arith.index_cast %add3A_247 : i32 to index
        %get3A_251 = arith.constant 0 : index
        %get3A_252 = tpu.vector_load %arg16[%get3A_250, %get3A_251] {strides = array<i32>} : memref<128x64xf32, #tpu.memory_space<vmem>>, vector<16xf32>,
        %add3A_253 = arith.addf %get3A_249, %get3A_252 : vector<16xf32>
        %mul3A_254 = arith.constant 64 : i32
        %mul3A_255 = arith.muli %add3A_247, %mul3A_254 : i32
        %add3A_256 = arith.constant 0 : i32
        %add3A_257 = arith.addi %mul3A_255, %add3A_256 : i32
        %swap3A = arith.index_cast %add3A_257 : i32 to index
        %swap3A_258 = tpu.vector_load %arg20[%swap3A] {strides = array<i32>} : memref<8192xf32, #tpu.memory_space<vmem>>, vector<16xf32>,
        tpu.vector_store %arg20[%swap3A], %add3A_253 {strides = array<i32>} : memref<8192xf32, #tpu.memory_space<vmem>>, vector<16xf32>,
        %get3A_259 = arith.index_cast %add3A_247 : i32 to index
        %get3A_260 = arith.constant 16 : index
        %get3A_261 = tpu.vector_load %arg12[%get3A_259, %get3A_260] {strides = array<i32>} : memref<128x64xf32, #tpu.memory_space<vmem>>, vector<16xf32>,
        %get3A_262 = arith.index_cast %add3A_247 : i32 to index
        %get3A_263 = arith.constant 16 : index
        %get3A_264 = tpu.vector_load %arg16[%get3A_262, %get3A_263] {strides = array<i32>} : memref<128x64xf32, #tpu.memory_space<vmem>>, vector<16xf32>,
        %add3A_265 = arith.addf %get3A_261, %get3A_264 : vector<16xf32>
        %mul3A_266 = arith.constant 64 : i32
        %mul3A_267 = arith.muli %add3A_247, %mul3A_266 : i32
        %add3A_268 = arith.constant 16 : i32
        %add3A_269 = arith.addi %mul3A_267, %add3A_268 : i32
        %swap3A_270 = arith.index_cast %add3A_269 : i32 to index
        %swap3A_271 = tpu.vector_load %arg20[%swap3A_270] {strides = array<i32>} : memref<8192xf32, #tpu.memory_space<vmem>>, vector<16xf32>,
        tpu.vector_store %arg20[%swap3A_270], %add3A_265 {strides = array<i32>} : memref<8192xf32, #tpu.memory_space<vmem>>, vector<16xf32>,
        %get3A_272 = arith.index_cast %add3A_247 : i32 to index
        %get3A_273 = arith.constant 32 : index
        %get3A_274 = tpu.vector_load %arg12[%get3A_272, %get3A_273] {strides = array<i32>} : memref<128x64xf32, #tpu.memory_space<vmem>>, vector<16xf32>,
        %get3A_275 = arith.index_cast %add3A_247 : i32 to index
        %get3A_276 = arith.constant 32 : index
        %get3A_277 = tpu.vector_load %arg16[%get3A_275, %get3A_276] {strides = array<i32>} : memref<128x64xf32, #tpu.memory_space<vmem>>, vector<16xf32>,
        %add3A_278 = arith.addf %get3A_274, %get3A_277 : vector<16xf32>
        %mul3A_279 = arith.constant 64 : i32
        %mul3A_280 = arith.muli %add3A_247, %mul3A_279 : i32
        %add3A_281 = arith.constant 32 : i32
        %add3A_282 = arith.addi %mul3A_280, %add3A_281 : i32
        %swap3A_283 = arith.index_cast %add3A_282 : i32 to index
        %swap3A_284 = tpu.vector_load %arg20[%swap3A_283] {strides = array<i32>} : memref<8192xf32, #tpu.memory_space<vmem>>, vector<16xf32>,
        tpu.vector_store %arg20[%swap3A_283], %add3A_278 {strides = array<i32>} : memref<8192xf32, #tpu.memory_space<vmem>>, vector<16xf32>,
        %get3A_285 = arith.index_cast %add3A_247 : i32 to index
        %get3A_286 = arith.constant 48 : index
        %get3A_287 = tpu.vector_load %arg12[%get3A_285, %get3A_286] {strides = array<i32>} : memref<128x64xf32, #tpu.memory_space<vmem>>, vector<16xf32>,
        %get3A_288 = arith.index_cast %add3A_247 : i32 to index
        %get3A_289 = arith.constant 48 : index
        %get3A_290 = tpu.vector_load %arg16[%get3A_288, %get3A_289] {strides = array<i32>} : memref<128x64xf32, #tpu.memory_space<vmem>>, vector<16xf32>,
        %add3A_291 = arith.addf %get3A_287, %get3A_290 : vector<16xf32>
        %mul3A_292 = arith.constant 64 : i32
        %mul3A_293 = arith.muli %add3A_247, %mul3A_292 : i32
        %add3A_294 = arith.constant 48 : i32
        %add3A_295 = arith.addi %mul3A_293, %add3A_294 : i32
        %swap3A_296 = arith.index_cast %add3A_295 : i32 to index
        %swap3A_297 = tpu.vector_load %arg20[%swap3A_296] {strides = array<i32>} : memref<8192xf32, #tpu.memory_space<vmem>>, vector<16xf32>,
        tpu.vector_store %arg20[%swap3A_296], %add3A_291 {strides = array<i32>} : memref<8192xf32, #tpu.memory_space<vmem>>, vector<16xf32>,
        %mul3A_298 = arith.constant 4 : i32
        %mul3A_299 = arith.muli %scan3A_243, %mul3A_298 : i32
        %add3A_300 = arith.constant 1 : i32
        %add3A_301 = arith.addi %mul3A_299, %add3A_300 : i32
        %get3A_302 = arith.index_cast %add3A_301 : i32 to index
        %get3A_303 = arith.constant 0 : index
        %get3A_304 = tpu.vector_load %arg12[%get3A_302, %get3A_303] {strides = array<i32>} : memref<128x64xf32, #tpu.memory_space<vmem>>, vector<16xf32>,
        %get3A_305 = arith.index_cast %add3A_301 : i32 to index
        %get3A_306 = arith.constant 0 : index
        %get3A_307 = tpu.vector_load %arg16[%get3A_305, %get3A_306] {strides = array<i32>} : memref<128x64xf32, #tpu.memory_space<vmem>>, vector<16xf32>,
        %add3A_308 = arith.addf %get3A_304, %get3A_307 : vector<16xf32>
        %mul3A_309 = arith.constant 64 : i32
        %mul3A_310 = arith.muli %add3A_301, %mul3A_309 : i32
        %add3A_311 = arith.constant 0 : i32
        %add3A_312 = arith.addi %mul3A_310, %add3A_311 : i32
        %swap3A_313 = arith.index_cast %add3A_312 : i32 to index
        %swap3A_314 = tpu.vector_load %arg20[%swap3A_313] {strides = array<i32>} : memref<8192xf32, #tpu.memory_space<vmem>>, vector<16xf32>,
        tpu.vector_store %arg20[%swap3A_313], %add3A_308 {strides = array<i32>} : memref<8192xf32, #tpu.memory_space<vmem>>, vector<16xf32>,
        %get3A_315 = arith.index_cast %add3A_301 : i32 to index
        %get3A_316 = arith.constant 16 : index
        %get3A_317 = tpu.vector_load %arg12[%get3A_315, %get3A_316] {strides = array<i32>} : memref<128x64xf32, #tpu.memory_space<vmem>>, vector<16xf32>,
        %get3A_318 = arith.index_cast %add3A_301 : i32 to index
        %get3A_319 = arith.constant 16 : index
        %get3A_320 = tpu.vector_load %arg16[%get3A_318, %get3A_319] {strides = array<i32>} : memref<128x64xf32, #tpu.memory_space<vmem>>, vector<16xf32>,
        %add3A_321 = arith.addf %get3A_317, %get3A_320 : vector<16xf32>
        %mul3A_322 = arith.constant 64 : i32
        %mul3A_323 = arith.muli %add3A_301, %mul3A_322 : i32
        %add3A_324 = arith.constant 16 : i32
        %add3A_325 = arith.addi %mul3A_323, %add3A_324 : i32
        %swap3A_326 = arith.index_cast %add3A_325 : i32 to index
        %swap3A_327 = tpu.vector_load %arg20[%swap3A_326] {strides = array<i32>} : memref<8192xf32, #tpu.memory_space<vmem>>, vector<16xf32>,
        tpu.vector_store %arg20[%swap3A_326], %add3A_321 {strides = array<i32>} : memref<8192xf32, #tpu.memory_space<vmem>>, vector<16xf32>,
        %get3A_328 = arith.index_cast %add3A_301 : i32 to index
        %get3A_329 = arith.constant 32 : index
        %get3A_330 = tpu.vector_load %arg12[%get3A_328, %get3A_329] {strides = array<i32>} : memref<128x64xf32, #tpu.memory_space<vmem>>, vector<16xf32>,
        %get3A_331 = arith.index_cast %add3A_301 : i32 to index
        %get3A_332 = arith.constant 32 : index
        %get3A_333 = tpu.vector_load %arg16[%get3A_331, %get3A_332] {strides = array<i32>} : memref<128x64xf32, #tpu.memory_space<vmem>>, vector<16xf32>,
        %add3A_334 = arith.addf %get3A_330, %get3A_333 : vector<16xf32>
        %mul3A_335 = arith.constant 64 : i32
        %mul3A_336 = arith.muli %add3A_301, %mul3A_335 : i32
        %add3A_337 = arith.constant 32 : i32
        %add3A_338 = arith.addi %mul3A_336, %add3A_337 : i32
        %swap3A_339 = arith.index_cast %add3A_338 : i32 to index
        %swap3A_340 = tpu.vector_load %arg20[%swap3A_339] {strides = array<i32>} : memref<8192xf32, #tpu.memory_space<vmem>>, vector<16xf32>,
        tpu.vector_store %arg20[%swap3A_339], %add3A_334 {strides = array<i32>} : memref<8192xf32, #tpu.memory_space<vmem>>, vector<16xf32>,
        %get3A_341 = arith.index_cast %add3A_301 : i32 to index
        %get3A_342 = arith.constant 48 : index
        %get3A_343 = tpu.vector_load %arg12[%get3A_341, %get3A_342] {strides = array<i32>} : memref<128x64xf32, #tpu.memory_space<vmem>>, vector<16xf32>,
        %get3A_344 = arith.index_cast %add3A_301 : i32 to index
        %get3A_345 = arith.constant 48 : index
        %get3A_346 = tpu.vector_load %arg16[%get3A_344, %get3A_345] {strides = array<i32>} : memref<128x64xf32, #tpu.memory_space<vmem>>, vector<16xf32>,
        %add3A_347 = arith.addf %get3A_343, %get3A_346 : vector<16xf32>
        %mul3A_348 = arith.constant 64 : i32
        %mul3A_349 = arith.muli %add3A_301, %mul3A_348 : i32
        %add3A_350 = arith.constant 48 : i32
        %add3A_351 = arith.addi %mul3A_349, %add3A_350 : i32
        %swap3A_352 = arith.index_cast %add3A_351 : i32 to index
        %swap3A_353 = tpu.vector_load %arg20[%swap3A_352] {strides = array<i32>} : memref<8192xf32, #tpu.memory_space<vmem>>, vector<16xf32>,
        tpu.vector_store %arg20[%swap3A_352], %add3A_347 {strides = array<i32>} : memref<8192xf32, #tpu.memory_space<vmem>>, vector<16xf32>,
        %mul3A_354 = arith.constant 4 : i32
        %mul3A_355 = arith.muli %scan3A_243, %mul3A_354 : i32
        %add3A_356 = arith.constant 2 : i32
        %add3A_357 = arith.addi %mul3A_355, %add3A_356 : i32
        %get3A_358 = arith.index_cast %add3A_357 : i32 to index
        %get3A_359 = arith.constant 0 : index
        %get3A_360 = tpu.vector_load %arg12[%get3A_358, %get3A_359] {strides = array<i32>} : memref<128x64xf32, #tpu.memory_space<vmem>>, vector<16xf32>,
        %get3A_361 = arith.index_cast %add3A_357 : i32 to index
        %get3A_362 = arith.constant 0 : index
        %get3A_363 = tpu.vector_load %arg16[%get3A_361, %get3A_362] {strides = array<i32>} : memref<128x64xf32, #tpu.memory_space<vmem>>, vector<16xf32>,
        %add3A_364 = arith.addf %get3A_360, %get3A_363 : vector<16xf32>
        %mul3A_365 = arith.constant 64 : i32
        %mul3A_366 = arith.muli %add3A_357, %mul3A_365 : i32
        %add3A_367 = arith.constant 0 : i32
        %add3A_368 = arith.addi %mul3A_366, %add3A_367 : i32
        %swap3A_369 = arith.index_cast %add3A_368 : i32 to index
        %swap3A_370 = tpu.vector_load %arg20[%swap3A_369] {strides = array<i32>} : memref<8192xf32, #tpu.memory_space<vmem>>, vector<16xf32>,
        tpu.vector_store %arg20[%swap3A_369], %add3A_364 {strides = array<i32>} : memref<8192xf32, #tpu.memory_space<vmem>>, vector<16xf32>,
        %get3A_371 = arith.index_cast %add3A_357 : i32 to index
        %get3A_372 = arith.constant 16 : index
        %get3A_373 = tpu.vector_load %arg12[%get3A_371, %get3A_372] {strides = array<i32>} : memref<128x64xf32, #tpu.memory_space<vmem>>, vector<16xf32>,
        %get3A_374 = arith.index_cast %add3A_357 : i32 to index
        %get3A_375 = arith.constant 16 : index
        %get3A_376 = tpu.vector_load %arg16[%get3A_374, %get3A_375] {strides = array<i32>} : memref<128x64xf32, #tpu.memory_space<vmem>>, vector<16xf32>,
        %add3A_377 = arith.addf %get3A_373, %get3A_376 : vector<16xf32>
        %mul3A_378 = arith.constant 64 : i32
        %mul3A_379 = arith.muli %add3A_357, %mul3A_378 : i32
        %add3A_380 = arith.constant 16 : i32
        %add3A_381 = arith.addi %mul3A_379, %add3A_380 : i32
        %swap3A_382 = arith.index_cast %add3A_381 : i32 to index
        %swap3A_383 = tpu.vector_load %arg20[%swap3A_382] {strides = array<i32>} : memref<8192xf32, #tpu.memory_space<vmem>>, vector<16xf32>,
        tpu.vector_store %arg20[%swap3A_382], %add3A_377 {strides = array<i32>} : memref<8192xf32, #tpu.memory_space<vmem>>, vector<16xf32>,
        %get3A_384 = arith.index_cast %add3A_357 : i32 to index
        %get3A_385 = arith.constant 32 : index
        %get3A_386 = tpu.vector_load %arg12[%get3A_384, %get3A_385] {strides = array<i32>} : memref<128x64xf32, #tpu.memory_space<vmem>>, vector<16xf32>,
        %get3A_387 = arith.index_cast %add3A_357 : i32 to index
        %get3A_388 = arith.constant 32 : index
        %get3A_389 = tpu.vector_load %arg16[%get3A_387, %get3A_388] {strides = array<i32>} : memref<128x64xf32, #tpu.memory_space<vmem>>, vector<16xf32>,
        %add3A_390 = arith.addf %get3A_386, %get3A_389 : vector<16xf32>
        %mul3A_391 = arith.constant 64 : i32
        %mul3A_392 = arith.muli %add3A_357, %mul3A_391 : i32
        %add3A_393 = arith.constant 32 : i32
        %add3A_394 = arith.addi %mul3A_392, %add3A_393 : i32
        %swap3A_395 = arith.index_cast %add3A_394 : i32 to index
        %swap3A_396 = tpu.vector_load %arg20[%swap3A_395] {strides = array<i32>} : memref<8192xf32, #tpu.memory_space<vmem>>, vector<16xf32>,
        tpu.vector_store %arg20[%swap3A_395], %add3A_390 {strides = array<i32>} : memref<8192xf32, #tpu.memory_space<vmem>>, vector<16xf32>,
        %get3A_397 = arith.index_cast %add3A_357 : i32 to index
        %get3A_398 = arith.constant 48 : index
        %get3A_399 = tpu.vector_load %arg12[%get3A_397, %get3A_398] {strides = array<i32>} : memref<128x64xf32, #tpu.memory_space<vmem>>, vector<16xf32>,
        %get3A_400 = arith.index_cast %add3A_357 : i32 to index
        %get3A_401 = arith.constant 48 : index
        %get3A_402 = tpu.vector_load %arg16[%get3A_400, %get3A_401] {strides = array<i32>} : memref<128x64xf32, #tpu.memory_space<vmem>>, vector<16xf32>,
        %add3A_403 = arith.addf %get3A_399, %get3A_402 : vector<16xf32>
        %mul3A_404 = arith.constant 64 : i32
        %mul3A_405 = arith.muli %add3A_357, %mul3A_404 : i32
        %add3A_406 = arith.constant 48 : i32
        %add3A_407 = arith.addi %mul3A_405, %add3A_406 : i32
        %swap3A_408 = arith.index_cast %add3A_407 : i32 to index
        %swap3A_409 = tpu.vector_load %arg20[%swap3A_408] {strides = array<i32>} : memref<8192xf32, #tpu.memory_space<vmem>>, vector<16xf32>,
        tpu.vector_store %arg20[%swap3A_408], %add3A_403 {strides = array<i32>} : memref<8192xf32, #tpu.memory_space<vmem>>, vector<16xf32>,
        %mul3A_410 = arith.constant 4 : i32
        %mul3A_411 = arith.muli %scan3A_243, %mul3A_410 : i32
        %add3A_412 = arith.constant 3 : i32
        %add3A_413 = arith.addi %mul3A_411, %add3A_412 : i32
        %get3A_414 = arith.index_cast %add3A_413 : i32 to index
        %get3A_415 = arith.constant 0 : index
        %get3A_416 = tpu.vector_load %arg12[%get3A_414, %get3A_415] {strides = array<i32>} : memref<128x64xf32, #tpu.memory_space<vmem>>, vector<16xf32>,
        %get3A_417 = arith.index_cast %add3A_413 : i32 to index
        %get3A_418 = arith.constant 0 : index
        %get3A_419 = tpu.vector_load %arg16[%get3A_417, %get3A_418] {strides = array<i32>} : memref<128x64xf32, #tpu.memory_space<vmem>>, vector<16xf32>,
        %add3A_420 = arith.addf %get3A_416, %get3A_419 : vector<16xf32>
        %mul3A_421 = arith.constant 64 : i32
        %mul3A_422 = arith.muli %add3A_413, %mul3A_421 : i32
        %add3A_423 = arith.constant 0 : i32
        %add3A_424 = arith.addi %mul3A_422, %add3A_423 : i32
        %swap3A_425 = arith.index_cast %add3A_424 : i32 to index
        %swap3A_426 = tpu.vector_load %arg20[%swap3A_425] {strides = array<i32>} : memref<8192xf32, #tpu.memory_space<vmem>>, vector<16xf32>,
        tpu.vector_store %arg20[%swap3A_425], %add3A_420 {strides = array<i32>} : memref<8192xf32, #tpu.memory_space<vmem>>, vector<16xf32>,
        %get3A_427 = arith.index_cast %add3A_413 : i32 to index
        %get3A_428 = arith.constant 16 : index
        %get3A_429 = tpu.vector_load %arg12[%get3A_427, %get3A_428] {strides = array<i32>} : memref<128x64xf32, #tpu.memory_space<vmem>>, vector<16xf32>,
        %get3A_430 = arith.index_cast %add3A_413 : i32 to index
        %get3A_431 = arith.constant 16 : index
        %get3A_432 = tpu.vector_load %arg16[%get3A_430, %get3A_431] {strides = array<i32>} : memref<128x64xf32, #tpu.memory_space<vmem>>, vector<16xf32>,
        %add3A_433 = arith.addf %get3A_429, %get3A_432 : vector<16xf32>
        %mul3A_434 = arith.constant 64 : i32
        %mul3A_435 = arith.muli %add3A_413, %mul3A_434 : i32
        %add3A_436 = arith.constant 16 : i32
        %add3A_437 = arith.addi %mul3A_435, %add3A_436 : i32
        %swap3A_438 = arith.index_cast %add3A_437 : i32 to index
        %swap3A_439 = tpu.vector_load %arg20[%swap3A_438] {strides = array<i32>} : memref<8192xf32, #tpu.memory_space<vmem>>, vector<16xf32>,
        tpu.vector_store %arg20[%swap3A_438], %add3A_433 {strides = array<i32>} : memref<8192xf32, #tpu.memory_space<vmem>>, vector<16xf32>,
        %get3A_440 = arith.index_cast %add3A_413 : i32 to index
        %get3A_441 = arith.constant 32 : index
        %get3A_442 = tpu.vector_load %arg12[%get3A_440, %get3A_441] {strides = array<i32>} : memref<128x64xf32, #tpu.memory_space<vmem>>, vector<16xf32>,
        %get3A_443 = arith.index_cast %add3A_413 : i32 to index
        %get3A_444 = arith.constant 32 : index
        %get3A_445 = tpu.vector_load %arg16[%get3A_443, %get3A_444] {strides = array<i32>} : memref<128x64xf32, #tpu.memory_space<vmem>>, vector<16xf32>,
        %add3A_446 = arith.addf %get3A_442, %get3A_445 : vector<16xf32>
        %mul3A_447 = arith.constant 64 : i32
        %mul3A_448 = arith.muli %add3A_413, %mul3A_447 : i32
        %add3A_449 = arith.constant 32 : i32
        %add3A_450 = arith.addi %mul3A_448, %add3A_449 : i32
        %swap3A_451 = arith.index_cast %add3A_450 : i32 to index
        %swap3A_452 = tpu.vector_load %arg20[%swap3A_451] {strides = array<i32>} : memref<8192xf32, #tpu.memory_space<vmem>>, vector<16xf32>,
        tpu.vector_store %arg20[%swap3A_451], %add3A_446 {strides = array<i32>} : memref<8192xf32, #tpu.memory_space<vmem>>, vector<16xf32>,
        %get3A_453 = arith.index_cast %add3A_413 : i32 to index
        %get3A_454 = arith.constant 48 : index
        %get3A_455 = tpu.vector_load %arg12[%get3A_453, %get3A_454] {strides = array<i32>} : memref<128x64xf32, #tpu.memory_space<vmem>>, vector<16xf32>,
        %get3A_456 = arith.index_cast %add3A_413 : i32 to index
        %get3A_457 = arith.constant 48 : index
        %get3A_458 = tpu.vector_load %arg16[%get3A_456, %get3A_457] {strides = array<i32>} : memref<128x64xf32, #tpu.memory_space<vmem>>, vector<16xf32>,
        %add3A_459 = arith.addf %get3A_455, %get3A_458 : vector<16xf32>
        %mul3A_460 = arith.constant 64 : i32
        %mul3A_461 = arith.muli %add3A_413, %mul3A_460 : i32
        %add3A_462 = arith.constant 48 : i32
        %add3A_463 = arith.addi %mul3A_461, %add3A_462 : i32
        %swap3A_464 = arith.index_cast %add3A_463 : i32 to index
        %swap3A_465 = tpu.vector_load %arg20[%swap3A_464] {strides = array<i32>} : memref<8192xf32, #tpu.memory_space<vmem>>, vector<16xf32>,
        tpu.vector_store %arg20[%swap3A_464], %add3A_459 {strides = array<i32>} : memref<8192xf32, #tpu.memory_space<vmem>>, vector<16xf32>,
      }
      %scan3A_145 = arith.constant 32 : i32
      %mul3A_146 = arith.constant 128 : i32
      %mul3A_147 = arith.muli %add3A_111, %mul3A_146 : i32
      %add3A_148 = arith.addi %mul3A_2, %mul3A_147 : i32
      %mul3A_149 = arith.constant 64 : i32
      %mul3A_150 = arith.muli %add3A_148, %mul3A_149 : i32
      %dma_start3A_151 = tpu.memref_slice %arg7[%mul3A_150] : memref<20971520xf32, #tpu.memory_space<hbm>> -> memref<8192xf32, #tpu.memory_space<hbm>>
      %dma_start3A_152 = tpu.memref_slice %arg7[%mul3A_150] : memref<20971520xf32, #tpu.memory_space<hbm>> -> memref<8192xf32, #tpu.memory_space<hbm>>
      tpu.enqueue_dma source(%arg20 : memref<8192xf32, #tpu.memory_space<vmem>>) target(%dma_start3A_152 : memref<8192xf32, #tpu.memory_space<hbm>>) target_semaphore(%arg32 : memref<!tpu.dma_semaphore, #tpu.memory_space<semaphore_mem>>)
      %mul3A_153 = arith.constant 4 : i32
      %mul3A_154 = arith.muli %scan3A_66, %mul3A_153 : i32
      %add3A_155 = arith.constant 2 : i32
      %add3A_156 = arith.addi %mul3A_154, %add3A_155 : i32
      %dma_wait3A_157 = arith.constant 0 : i32
      %dma_wait3A_158 = arith.constant 0 : i32
      %dma_wait3A_159 = tpu.memref_slice %arg2[%arg0, %dma_wait3A_157, %dma_wait3A_158] : memref<2x10000x64xf32, #tpu.memory_space<hbm>> -> memref<1x10000x64xf32, #tpu.memory_space<hbm>>
      %dma_wait3A_160 = tpu.memref_squeeze %dma_wait3A_159 : memref<1x10000x64xf32, #tpu.memory_space<hbm>> -> memref<10000x64xf32, #tpu.memory_space<hbm>>
      %dma_wait3A_161 = arith.constant 0 : i32
      %dma_wait3A_162 = arith.constant 0 : i32
      %dma_wait3A_163 = tpu.memref_slice %arg2[%arg0, %dma_wait3A_161, %dma_wait3A_162] : memref<2x10000x64xf32, #tpu.memory_space<hbm>> -> memref<1x10000x64xf32, #tpu.memory_space<hbm>>
      %dma_wait3A_164 = tpu.memref_squeeze %dma_wait3A_163 : memref<1x10000x64xf32, #tpu.memory_space<hbm>> -> memref<10000x64xf32, #tpu.memory_space<hbm>>
      tpu.wait_dma2 semaphore(%arg25 : memref<!tpu.dma_semaphore, #tpu.memory_space<semaphore_mem>>) src(%dma_wait3A_164 : memref<10000x64xf32, #tpu.memory_space<hbm>>) dst(%arg13 : memref<128x64xf32, #tpu.memory_space<vmem>>)
      %dma_wait3A_165 = arith.constant 0 : i32
      %dma_wait3A_166 = arith.constant 0 : i32
      %dma_wait3A_167 = tpu.memref_slice %arg3[%arg0, %dma_wait3A_165, %dma_wait3A_166] : memref<2x10000x64xf32, #tpu.memory_space<hbm>> -> memref<1x10000x64xf32, #tpu.memory_space<hbm>>
      %dma_wait3A_168 = tpu.memref_squeeze %dma_wait3A_167 : memref<1x10000x64xf32, #tpu.memory_space<hbm>> -> memref<10000x64xf32, #tpu.memory_space<hbm>>
      %dma_wait3A_169 = arith.constant 0 : i32
      %dma_wait3A_170 = arith.constant 0 : i32
      %dma_wait3A_171 = tpu.memref_slice %arg3[%arg0, %dma_wait3A_169, %dma_wait3A_170] : memref<2x10000x64xf32, #tpu.memory_space<hbm>> -> memref<1x10000x64xf32, #tpu.memory_space<hbm>>
      %dma_wait3A_172 = tpu.memref_squeeze %dma_wait3A_171 : memref<1x10000x64xf32, #tpu.memory_space<hbm>> -> memref<10000x64xf32, #tpu.memory_space<hbm>>
      tpu.wait_dma2 semaphore(%arg29 : memref<!tpu.dma_semaphore, #tpu.memory_space<semaphore_mem>>) src(%dma_wait3A_172 : memref<10000x64xf32, #tpu.memory_space<hbm>>) dst(%arg17 : memref<128x64xf32, #tpu.memory_space<vmem>>)
      %add3A_173 = arith.constant 2 : i32
      %add3A_174 = arith.addi %add3A_156, %add3A_173 : i32
      %lt3A_175 = arith.constant 80 : i32
      %lt3A_176 = arith.cmpi slt, %add3A_174, %lt3A_175 : i32
      %convert_element_type3A_177 = arith.extui %lt3A_176 : i1 to i32
      %cond3A_178 = arith.constant 0 : i32
      %cond3A_179 = arith.cmpi ne, %convert_element_type3A_177, %cond3A_178 : i32
      scf.if %cond3A_179 {
        %add3A_243 = arith.constant 2 : i32
        %add3A_244 = arith.addi %add3A_156, %add3A_243 : i32
        %dma_start3A_245 = arith.constant 0 : i32
        %dma_start3A_246 = tpu.memref_slice %arg8[%add3A_244, %dma_start3A_245] : memref<80x128xi32, #tpu.memory_space<vmem>> -> memref<1x128xi32, #tpu.memory_space<vmem>>
        %dma_start3A_247 = tpu.memref_squeeze %dma_start3A_246 : memref<1x128xi32, #tpu.memory_space<vmem>> -> memref<128xi32, #tpu.memory_space<vmem>>
        %dma_start3A_248 = arith.constant 0 : i32
        %dma_start3A_249 = arith.constant 0 : i32
        %dma_start3A_250 = tpu.memref_slice %arg2[%arg0, %dma_start3A_248, %dma_start3A_249] : memref<2x10000x64xf32, #tpu.memory_space<hbm>> -> memref<1x10000x64xf32, #tpu.memory_space<hbm>>
        %dma_start3A_251 = tpu.memref_squeeze %dma_start3A_250 : memref<1x10000x64xf32, #tpu.memory_space<hbm>> -> memref<10000x64xf32, #tpu.memory_space<hbm>>
        %dma_start3A_252 = arith.constant 0 : i32
        %dma_start3A_253 = arith.constant 0 : i32
        %dma_start3A_254 = tpu.memref_slice %dma_start3A_251[%dma_start3A_252, %dma_start3A_253] : memref<10000x64xf32, #tpu.memory_space<hbm>> -> memref<10000x64xf32, #tpu.memory_space<hbm>>
        tpu.enqueue_indirect_dma source(%dma_start3A_254 : memref<10000x64xf32, #tpu.memory_space<hbm>>) target(%arg11 : memref<128x64xf32, #tpu.memory_space<vmem>>) offsets(%dma_start3A_247 : memref<128xi32, #tpu.memory_space<vmem>>) semaphore(%arg23 : memref<!tpu.dma_semaphore, #tpu.memory_space<semaphore_mem>>)
        %add3A_255 = arith.constant 2 : i32
        %add3A_256 = arith.addi %add3A_156, %add3A_255 : i32
        %dma_start3A_257 = arith.constant 0 : i32
        %dma_start3A_258 = tpu.memref_slice %arg9[%add3A_256, %dma_start3A_257] : memref<80x128xi32, #tpu.memory_space<vmem>> -> memref<1x128xi32, #tpu.memory_space<vmem>>
        %dma_start3A_259 = tpu.memref_squeeze %dma_start3A_258 : memref<1x128xi32, #tpu.memory_space<vmem>> -> memref<128xi32, #tpu.memory_space<vmem>>
        %dma_start3A_260 = arith.constant 0 : i32
        %dma_start3A_261 = arith.constant 0 : i32
        %dma_start3A_262 = tpu.memref_slice %arg3[%arg0, %dma_start3A_260, %dma_start3A_261] : memref<2x10000x64xf32, #tpu.memory_space<hbm>> -> memref<1x10000x64xf32, #tpu.memory_space<hbm>>
        %dma_start3A_263 = tpu.memref_squeeze %dma_start3A_262 : memref<1x10000x64xf32, #tpu.memory_space<hbm>> -> memref<10000x64xf32, #tpu.memory_space<hbm>>
        %dma_start3A_264 = arith.constant 0 : i32
        %dma_start3A_265 = arith.constant 0 : i32
        %dma_start3A_266 = tpu.memref_slice %dma_start3A_263[%dma_start3A_264, %dma_start3A_265] : memref<10000x64xf32, #tpu.memory_space<hbm>> -> memref<10000x64xf32, #tpu.memory_space<hbm>>
        tpu.enqueue_indirect_dma source(%dma_start3A_266 : memref<10000x64xf32, #tpu.memory_space<hbm>>) target(%arg15 : memref<128x64xf32, #tpu.memory_space<vmem>>) offsets(%dma_start3A_259 : memref<128xi32, #tpu.memory_space<vmem>>) semaphore(%arg27 : memref<!tpu.dma_semaphore, #tpu.memory_space<semaphore_mem>>)
      } else {
      }
      %ge3A_180 = arith.constant 4 : i32
      %ge3A_181 = arith.cmpi sge, %add3A_156, %ge3A_180 : i32
      %convert_element_type3A_182 = arith.extui %ge3A_181 : i1 to i32
      %cond3A_183 = arith.constant 0 : i32
      %cond3A_184 = arith.cmpi ne, %convert_element_type3A_182, %cond3A_183 : i32
      scf.if %cond3A_184 {
        %dma_wait3A_243 = arith.constant 0 : i32
        %dma_wait3A_244 = tpu.memref_slice %arg7[%dma_wait3A_243] : memref<20971520xf32, #tpu.memory_space<hbm>> -> memref<8192xf32, #tpu.memory_space<hbm>>
        %dma_wait3A_245 = arith.constant 0 : i32
        %dma_wait3A_246 = tpu.memref_slice %arg7[%dma_wait3A_245] : memref<20971520xf32, #tpu.memory_space<hbm>> -> memref<8192xf32, #tpu.memory_space<hbm>>
        tpu.wait_dma2 semaphore(%arg33 : memref<!tpu.dma_semaphore, #tpu.memory_space<semaphore_mem>>) src(%arg21 : memref<8192xf32, #tpu.memory_space<vmem>>) dst(%dma_wait3A_246 : memref<8192xf32, #tpu.memory_space<hbm>>)
      } else {
      }
      %scan3A_185 = arith.constant 0 : i32
      %scan3A_186 = arith.constant 0 : i32
      %scan3A_187 = arith.constant 32 : i32
      %scan3A_188 = arith.addi %scan3A_186, %scan3A_187 : i32
      %scan3A_189 = arith.constant 1 : i32
      scf.for %scan3A_243 = %scan3A_186 to %scan3A_188 step %scan3A_189  : i32 {
        %mul3A_244 = arith.constant 4 : i32
        %mul3A_245 = arith.muli %scan3A_243, %mul3A_244 : i32
        %add3A_246 = arith.constant 0 : i32
        %add3A_247 = arith.addi %mul3A_245, %add3A_246 : i32
        %get3A = arith.index_cast %add3A_247 : i32 to index
        %get3A_248 = arith.constant 0 : index
        %get3A_249 = tpu.vector_load %arg13[%get3A, %get3A_248] {strides = array<i32>} : memref<128x64xf32, #tpu.memory_space<vmem>>, vector<16xf32>,
        %get3A_250 = arith.index_cast %add3A_247 : i32 to index
        %get3A_251 = arith.constant 0 : index
        %get3A_252 = tpu.vector_load %arg17[%get3A_250, %get3A_251] {strides = array<i32>} : memref<128x64xf32, #tpu.memory_space<vmem>>, vector<16xf32>,
        %add3A_253 = arith.addf %get3A_249, %get3A_252 : vector<16xf32>
        %mul3A_254 = arith.constant 64 : i32
        %mul3A_255 = arith.muli %add3A_247, %mul3A_254 : i32
        %add3A_256 = arith.constant 0 : i32
        %add3A_257 = arith.addi %mul3A_255, %add3A_256 : i32
        %swap3A = arith.index_cast %add3A_257 : i32 to index
        %swap3A_258 = tpu.vector_load %arg21[%swap3A] {strides = array<i32>} : memref<8192xf32, #tpu.memory_space<vmem>>, vector<16xf32>,
        tpu.vector_store %arg21[%swap3A], %add3A_253 {strides = array<i32>} : memref<8192xf32, #tpu.memory_space<vmem>>, vector<16xf32>,
        %get3A_259 = arith.index_cast %add3A_247 : i32 to index
        %get3A_260 = arith.constant 16 : index
        %get3A_261 = tpu.vector_load %arg13[%get3A_259, %get3A_260] {strides = array<i32>} : memref<128x64xf32, #tpu.memory_space<vmem>>, vector<16xf32>,
        %get3A_262 = arith.index_cast %add3A_247 : i32 to index
        %get3A_263 = arith.constant 16 : index
        %get3A_264 = tpu.vector_load %arg17[%get3A_262, %get3A_263] {strides = array<i32>} : memref<128x64xf32, #tpu.memory_space<vmem>>, vector<16xf32>,
        %add3A_265 = arith.addf %get3A_261, %get3A_264 : vector<16xf32>
        %mul3A_266 = arith.constant 64 : i32
        %mul3A_267 = arith.muli %add3A_247, %mul3A_266 : i32
        %add3A_268 = arith.constant 16 : i32
        %add3A_269 = arith.addi %mul3A_267, %add3A_268 : i32
        %swap3A_270 = arith.index_cast %add3A_269 : i32 to index
        %swap3A_271 = tpu.vector_load %arg21[%swap3A_270] {strides = array<i32>} : memref<8192xf32, #tpu.memory_space<vmem>>, vector<16xf32>,
        tpu.vector_store %arg21[%swap3A_270], %add3A_265 {strides = array<i32>} : memref<8192xf32, #tpu.memory_space<vmem>>, vector<16xf32>,
        %get3A_272 = arith.index_cast %add3A_247 : i32 to index
        %get3A_273 = arith.constant 32 : index
        %get3A_274 = tpu.vector_load %arg13[%get3A_272, %get3A_273] {strides = array<i32>} : memref<128x64xf32, #tpu.memory_space<vmem>>, vector<16xf32>,
        %get3A_275 = arith.index_cast %add3A_247 : i32 to index
        %get3A_276 = arith.constant 32 : index
        %get3A_277 = tpu.vector_load %arg17[%get3A_275, %get3A_276] {strides = array<i32>} : memref<128x64xf32, #tpu.memory_space<vmem>>, vector<16xf32>,
        %add3A_278 = arith.addf %get3A_274, %get3A_277 : vector<16xf32>
        %mul3A_279 = arith.constant 64 : i32
        %mul3A_280 = arith.muli %add3A_247, %mul3A_279 : i32
        %add3A_281 = arith.constant 32 : i32
        %add3A_282 = arith.addi %mul3A_280, %add3A_281 : i32
        %swap3A_283 = arith.index_cast %add3A_282 : i32 to index
        %swap3A_284 = tpu.vector_load %arg21[%swap3A_283] {strides = array<i32>} : memref<8192xf32, #tpu.memory_space<vmem>>, vector<16xf32>,
        tpu.vector_store %arg21[%swap3A_283], %add3A_278 {strides = array<i32>} : memref<8192xf32, #tpu.memory_space<vmem>>, vector<16xf32>,
        %get3A_285 = arith.index_cast %add3A_247 : i32 to index
        %get3A_286 = arith.constant 48 : index
        %get3A_287 = tpu.vector_load %arg13[%get3A_285, %get3A_286] {strides = array<i32>} : memref<128x64xf32, #tpu.memory_space<vmem>>, vector<16xf32>,
        %get3A_288 = arith.index_cast %add3A_247 : i32 to index
        %get3A_289 = arith.constant 48 : index
        %get3A_290 = tpu.vector_load %arg17[%get3A_288, %get3A_289] {strides = array<i32>} : memref<128x64xf32, #tpu.memory_space<vmem>>, vector<16xf32>,
        %add3A_291 = arith.addf %get3A_287, %get3A_290 : vector<16xf32>
        %mul3A_292 = arith.constant 64 : i32
        %mul3A_293 = arith.muli %add3A_247, %mul3A_292 : i32
        %add3A_294 = arith.constant 48 : i32
        %add3A_295 = arith.addi %mul3A_293, %add3A_294 : i32
        %swap3A_296 = arith.index_cast %add3A_295 : i32 to index
        %swap3A_297 = tpu.vector_load %arg21[%swap3A_296] {strides = array<i32>} : memref<8192xf32, #tpu.memory_space<vmem>>, vector<16xf32>,
        tpu.vector_store %arg21[%swap3A_296], %add3A_291 {strides = array<i32>} : memref<8192xf32, #tpu.memory_space<vmem>>, vector<16xf32>,
        %mul3A_298 = arith.constant 4 : i32
        %mul3A_299 = arith.muli %scan3A_243, %mul3A_298 : i32
        %add3A_300 = arith.constant 1 : i32
        %add3A_301 = arith.addi %mul3A_299, %add3A_300 : i32
        %get3A_302 = arith.index_cast %add3A_301 : i32 to index
        %get3A_303 = arith.constant 0 : index
        %get3A_304 = tpu.vector_load %arg13[%get3A_302, %get3A_303] {strides = array<i32>} : memref<128x64xf32, #tpu.memory_space<vmem>>, vector<16xf32>,
        %get3A_305 = arith.index_cast %add3A_301 : i32 to index
        %get3A_306 = arith.constant 0 : index
        %get3A_307 = tpu.vector_load %arg17[%get3A_305, %get3A_306] {strides = array<i32>} : memref<128x64xf32, #tpu.memory_space<vmem>>, vector<16xf32>,
        %add3A_308 = arith.addf %get3A_304, %get3A_307 : vector<16xf32>
        %mul3A_309 = arith.constant 64 : i32
        %mul3A_310 = arith.muli %add3A_301, %mul3A_309 : i32
        %add3A_311 = arith.constant 0 : i32
        %add3A_312 = arith.addi %mul3A_310, %add3A_311 : i32
        %swap3A_313 = arith.index_cast %add3A_312 : i32 to index
        %swap3A_314 = tpu.vector_load %arg21[%swap3A_313] {strides = array<i32>} : memref<8192xf32, #tpu.memory_space<vmem>>, vector<16xf32>,
        tpu.vector_store %arg21[%swap3A_313], %add3A_308 {strides = array<i32>} : memref<8192xf32, #tpu.memory_space<vmem>>, vector<16xf32>,
        %get3A_315 = arith.index_cast %add3A_301 : i32 to index
        %get3A_316 = arith.constant 16 : index
        %get3A_317 = tpu.vector_load %arg13[%get3A_315, %get3A_316] {strides = array<i32>} : memref<128x64xf32, #tpu.memory_space<vmem>>, vector<16xf32>,
        %get3A_318 = arith.index_cast %add3A_301 : i32 to index
        %get3A_319 = arith.constant 16 : index
        %get3A_320 = tpu.vector_load %arg17[%get3A_318, %get3A_319] {strides = array<i32>} : memref<128x64xf32, #tpu.memory_space<vmem>>, vector<16xf32>,
        %add3A_321 = arith.addf %get3A_317, %get3A_320 : vector<16xf32>
        %mul3A_322 = arith.constant 64 : i32
        %mul3A_323 = arith.muli %add3A_301, %mul3A_322 : i32
        %add3A_324 = arith.constant 16 : i32
        %add3A_325 = arith.addi %mul3A_323, %add3A_324 : i32
        %swap3A_326 = arith.index_cast %add3A_325 : i32 to index
        %swap3A_327 = tpu.vector_load %arg21[%swap3A_326] {strides = array<i32>} : memref<8192xf32, #tpu.memory_space<vmem>>, vector<16xf32>,
        tpu.vector_store %arg21[%swap3A_326], %add3A_321 {strides = array<i32>} : memref<8192xf32, #tpu.memory_space<vmem>>, vector<16xf32>,
        %get3A_328 = arith.index_cast %add3A_301 : i32 to index
        %get3A_329 = arith.constant 32 : index
        %get3A_330 = tpu.vector_load %arg13[%get3A_328, %get3A_329] {strides = array<i32>} : memref<128x64xf32, #tpu.memory_space<vmem>>, vector<16xf32>,
        %get3A_331 = arith.index_cast %add3A_301 : i32 to index
        %get3A_332 = arith.constant 32 : index
        %get3A_333 = tpu.vector_load %arg17[%get3A_331, %get3A_332] {strides = array<i32>} : memref<128x64xf32, #tpu.memory_space<vmem>>, vector<16xf32>,
        %add3A_334 = arith.addf %get3A_330, %get3A_333 : vector<16xf32>
        %mul3A_335 = arith.constant 64 : i32
        %mul3A_336 = arith.muli %add3A_301, %mul3A_335 : i32
        %add3A_337 = arith.constant 32 : i32
        %add3A_338 = arith.addi %mul3A_336, %add3A_337 : i32
        %swap3A_339 = arith.index_cast %add3A_338 : i32 to index
        %swap3A_340 = tpu.vector_load %arg21[%swap3A_339] {strides = array<i32>} : memref<8192xf32, #tpu.memory_space<vmem>>, vector<16xf32>,
        tpu.vector_store %arg21[%swap3A_339], %add3A_334 {strides = array<i32>} : memref<8192xf32, #tpu.memory_space<vmem>>, vector<16xf32>,
        %get3A_341 = arith.index_cast %add3A_301 : i32 to index
        %get3A_342 = arith.constant 48 : index
        %get3A_343 = tpu.vector_load %arg13[%get3A_341, %get3A_342] {strides = array<i32>} : memref<128x64xf32, #tpu.memory_space<vmem>>, vector<16xf32>,
        %get3A_344 = arith.index_cast %add3A_301 : i32 to index
        %get3A_345 = arith.constant 48 : index
        %get3A_346 = tpu.vector_load %arg17[%get3A_344, %get3A_345] {strides = array<i32>} : memref<128x64xf32, #tpu.memory_space<vmem>>, vector<16xf32>,
        %add3A_347 = arith.addf %get3A_343, %get3A_346 : vector<16xf32>
        %mul3A_348 = arith.constant 64 : i32
        %mul3A_349 = arith.muli %add3A_301, %mul3A_348 : i32
        %add3A_350 = arith.constant 48 : i32
        %add3A_351 = arith.addi %mul3A_349, %add3A_350 : i32
        %swap3A_352 = arith.index_cast %add3A_351 : i32 to index
        %swap3A_353 = tpu.vector_load %arg21[%swap3A_352] {strides = array<i32>} : memref<8192xf32, #tpu.memory_space<vmem>>, vector<16xf32>,
        tpu.vector_store %arg21[%swap3A_352], %add3A_347 {strides = array<i32>} : memref<8192xf32, #tpu.memory_space<vmem>>, vector<16xf32>,
        %mul3A_354 = arith.constant 4 : i32
        %mul3A_355 = arith.muli %scan3A_243, %mul3A_354 : i32
        %add3A_356 = arith.constant 2 : i32
        %add3A_357 = arith.addi %mul3A_355, %add3A_356 : i32
        %get3A_358 = arith.index_cast %add3A_357 : i32 to index
        %get3A_359 = arith.constant 0 : index
        %get3A_360 = tpu.vector_load %arg13[%get3A_358, %get3A_359] {strides = array<i32>} : memref<128x64xf32, #tpu.memory_space<vmem>>, vector<16xf32>,
        %get3A_361 = arith.index_cast %add3A_357 : i32 to index
        %get3A_362 = arith.constant 0 : index
        %get3A_363 = tpu.vector_load %arg17[%get3A_361, %get3A_362] {strides = array<i32>} : memref<128x64xf32, #tpu.memory_space<vmem>>, vector<16xf32>,
        %add3A_364 = arith.addf %get3A_360, %get3A_363 : vector<16xf32>
        %mul3A_365 = arith.constant 64 : i32
        %mul3A_366 = arith.muli %add3A_357, %mul3A_365 : i32
        %add3A_367 = arith.constant 0 : i32
        %add3A_368 = arith.addi %mul3A_366, %add3A_367 : i32
        %swap3A_369 = arith.index_cast %add3A_368 : i32 to index
        %swap3A_370 = tpu.vector_load %arg21[%swap3A_369] {strides = array<i32>} : memref<8192xf32, #tpu.memory_space<vmem>>, vector<16xf32>,
        tpu.vector_store %arg21[%swap3A_369], %add3A_364 {strides = array<i32>} : memref<8192xf32, #tpu.memory_space<vmem>>, vector<16xf32>,
        %get3A_371 = arith.index_cast %add3A_357 : i32 to index
        %get3A_372 = arith.constant 16 : index
        %get3A_373 = tpu.vector_load %arg13[%get3A_371, %get3A_372] {strides = array<i32>} : memref<128x64xf32, #tpu.memory_space<vmem>>, vector<16xf32>,
        %get3A_374 = arith.index_cast %add3A_357 : i32 to index
        %get3A_375 = arith.constant 16 : index
        %get3A_376 = tpu.vector_load %arg17[%get3A_374, %get3A_375] {strides = array<i32>} : memref<128x64xf32, #tpu.memory_space<vmem>>, vector<16xf32>,
        %add3A_377 = arith.addf %get3A_373, %get3A_376 : vector<16xf32>
        %mul3A_378 = arith.constant 64 : i32
        %mul3A_379 = arith.muli %add3A_357, %mul3A_378 : i32
        %add3A_380 = arith.constant 16 : i32
        %add3A_381 = arith.addi %mul3A_379, %add3A_380 : i32
        %swap3A_382 = arith.index_cast %add3A_381 : i32 to index
        %swap3A_383 = tpu.vector_load %arg21[%swap3A_382] {strides = array<i32>} : memref<8192xf32, #tpu.memory_space<vmem>>, vector<16xf32>,
        tpu.vector_store %arg21[%swap3A_382], %add3A_377 {strides = array<i32>} : memref<8192xf32, #tpu.memory_space<vmem>>, vector<16xf32>,
        %get3A_384 = arith.index_cast %add3A_357 : i32 to index
        %get3A_385 = arith.constant 32 : index
        %get3A_386 = tpu.vector_load %arg13[%get3A_384, %get3A_385] {strides = array<i32>} : memref<128x64xf32, #tpu.memory_space<vmem>>, vector<16xf32>,
        %get3A_387 = arith.index_cast %add3A_357 : i32 to index
        %get3A_388 = arith.constant 32 : index
        %get3A_389 = tpu.vector_load %arg17[%get3A_387, %get3A_388] {strides = array<i32>} : memref<128x64xf32, #tpu.memory_space<vmem>>, vector<16xf32>,
        %add3A_390 = arith.addf %get3A_386, %get3A_389 : vector<16xf32>
        %mul3A_391 = arith.constant 64 : i32
        %mul3A_392 = arith.muli %add3A_357, %mul3A_391 : i32
        %add3A_393 = arith.constant 32 : i32
        %add3A_394 = arith.addi %mul3A_392, %add3A_393 : i32
        %swap3A_395 = arith.index_cast %add3A_394 : i32 to index
        %swap3A_396 = tpu.vector_load %arg21[%swap3A_395] {strides = array<i32>} : memref<8192xf32, #tpu.memory_space<vmem>>, vector<16xf32>,
        tpu.vector_store %arg21[%swap3A_395], %add3A_390 {strides = array<i32>} : memref<8192xf32, #tpu.memory_space<vmem>>, vector<16xf32>,
        %get3A_397 = arith.index_cast %add3A_357 : i32 to index
        %get3A_398 = arith.constant 48 : index
        %get3A_399 = tpu.vector_load %arg13[%get3A_397, %get3A_398] {strides = array<i32>} : memref<128x64xf32, #tpu.memory_space<vmem>>, vector<16xf32>,
        %get3A_400 = arith.index_cast %add3A_357 : i32 to index
        %get3A_401 = arith.constant 48 : index
        %get3A_402 = tpu.vector_load %arg17[%get3A_400, %get3A_401] {strides = array<i32>} : memref<128x64xf32, #tpu.memory_space<vmem>>, vector<16xf32>,
        %add3A_403 = arith.addf %get3A_399, %get3A_402 : vector<16xf32>
        %mul3A_404 = arith.constant 64 : i32
        %mul3A_405 = arith.muli %add3A_357, %mul3A_404 : i32
        %add3A_406 = arith.constant 48 : i32
        %add3A_407 = arith.addi %mul3A_405, %add3A_406 : i32
        %swap3A_408 = arith.index_cast %add3A_407 : i32 to index
        %swap3A_409 = tpu.vector_load %arg21[%swap3A_408] {strides = array<i32>} : memref<8192xf32, #tpu.memory_space<vmem>>, vector<16xf32>,
        tpu.vector_store %arg21[%swap3A_408], %add3A_403 {strides = array<i32>} : memref<8192xf32, #tpu.memory_space<vmem>>, vector<16xf32>,
        %mul3A_410 = arith.constant 4 : i32
        %mul3A_411 = arith.muli %scan3A_243, %mul3A_410 : i32
        %add3A_412 = arith.constant 3 : i32
        %add3A_413 = arith.addi %mul3A_411, %add3A_412 : i32
        %get3A_414 = arith.index_cast %add3A_413 : i32 to index
        %get3A_415 = arith.constant 0 : index
        %get3A_416 = tpu.vector_load %arg13[%get3A_414, %get3A_415] {strides = array<i32>} : memref<128x64xf32, #tpu.memory_space<vmem>>, vector<16xf32>,
        %get3A_417 = arith.index_cast %add3A_413 : i32 to index
        %get3A_418 = arith.constant 0 : index
        %get3A_419 = tpu.vector_load %arg17[%get3A_417, %get3A_418] {strides = array<i32>} : memref<128x64xf32, #tpu.memory_space<vmem>>, vector<16xf32>,
        %add3A_420 = arith.addf %get3A_416, %get3A_419 : vector<16xf32>
        %mul3A_421 = arith.constant 64 : i32
        %mul3A_422 = arith.muli %add3A_413, %mul3A_421 : i32
        %add3A_423 = arith.constant 0 : i32
        %add3A_424 = arith.addi %mul3A_422, %add3A_423 : i32
        %swap3A_425 = arith.index_cast %add3A_424 : i32 to index
        %swap3A_426 = tpu.vector_load %arg21[%swap3A_425] {strides = array<i32>} : memref<8192xf32, #tpu.memory_space<vmem>>, vector<16xf32>,
        tpu.vector_store %arg21[%swap3A_425], %add3A_420 {strides = array<i32>} : memref<8192xf32, #tpu.memory_space<vmem>>, vector<16xf32>,
        %get3A_427 = arith.index_cast %add3A_413 : i32 to index
        %get3A_428 = arith.constant 16 : index
        %get3A_429 = tpu.vector_load %arg13[%get3A_427, %get3A_428] {strides = array<i32>} : memref<128x64xf32, #tpu.memory_space<vmem>>, vector<16xf32>,
        %get3A_430 = arith.index_cast %add3A_413 : i32 to index
        %get3A_431 = arith.constant 16 : index
        %get3A_432 = tpu.vector_load %arg17[%get3A_430, %get3A_431] {strides = array<i32>} : memref<128x64xf32, #tpu.memory_space<vmem>>, vector<16xf32>,
        %add3A_433 = arith.addf %get3A_429, %get3A_432 : vector<16xf32>
        %mul3A_434 = arith.constant 64 : i32
        %mul3A_435 = arith.muli %add3A_413, %mul3A_434 : i32
        %add3A_436 = arith.constant 16 : i32
        %add3A_437 = arith.addi %mul3A_435, %add3A_436 : i32
        %swap3A_438 = arith.index_cast %add3A_437 : i32 to index
        %swap3A_439 = tpu.vector_load %arg21[%swap3A_438] {strides = array<i32>} : memref<8192xf32, #tpu.memory_space<vmem>>, vector<16xf32>,
        tpu.vector_store %arg21[%swap3A_438], %add3A_433 {strides = array<i32>} : memref<8192xf32, #tpu.memory_space<vmem>>, vector<16xf32>,
        %get3A_440 = arith.index_cast %add3A_413 : i32 to index
        %get3A_441 = arith.constant 32 : index
        %get3A_442 = tpu.vector_load %arg13[%get3A_440, %get3A_441] {strides = array<i32>} : memref<128x64xf32, #tpu.memory_space<vmem>>, vector<16xf32>,
        %get3A_443 = arith.index_cast %add3A_413 : i32 to index
        %get3A_444 = arith.constant 32 : index
        %get3A_445 = tpu.vector_load %arg17[%get3A_443, %get3A_444] {strides = array<i32>} : memref<128x64xf32, #tpu.memory_space<vmem>>, vector<16xf32>,
        %add3A_446 = arith.addf %get3A_442, %get3A_445 : vector<16xf32>
        %mul3A_447 = arith.constant 64 : i32
        %mul3A_448 = arith.muli %add3A_413, %mul3A_447 : i32
        %add3A_449 = arith.constant 32 : i32
        %add3A_450 = arith.addi %mul3A_448, %add3A_449 : i32
        %swap3A_451 = arith.index_cast %add3A_450 : i32 to index
        %swap3A_452 = tpu.vector_load %arg21[%swap3A_451] {strides = array<i32>} : memref<8192xf32, #tpu.memory_space<vmem>>, vector<16xf32>,
        tpu.vector_store %arg21[%swap3A_451], %add3A_446 {strides = array<i32>} : memref<8192xf32, #tpu.memory_space<vmem>>, vector<16xf32>,
        %get3A_453 = arith.index_cast %add3A_413 : i32 to index
        %get3A_454 = arith.constant 48 : index
        %get3A_455 = tpu.vector_load %arg13[%get3A_453, %get3A_454] {strides = array<i32>} : memref<128x64xf32, #tpu.memory_space<vmem>>, vector<16xf32>,
        %get3A_456 = arith.index_cast %add3A_413 : i32 to index
        %get3A_457 = arith.constant 48 : index
        %get3A_458 = tpu.vector_load %arg17[%get3A_456, %get3A_457] {strides = array<i32>} : memref<128x64xf32, #tpu.memory_space<vmem>>, vector<16xf32>,
        %add3A_459 = arith.addf %get3A_455, %get3A_458 : vector<16xf32>
        %mul3A_460 = arith.constant 64 : i32
        %mul3A_461 = arith.muli %add3A_413, %mul3A_460 : i32
        %add3A_462 = arith.constant 48 : i32
        %add3A_463 = arith.addi %mul3A_461, %add3A_462 : i32
        %swap3A_464 = arith.index_cast %add3A_463 : i32 to index
        %swap3A_465 = tpu.vector_load %arg21[%swap3A_464] {strides = array<i32>} : memref<8192xf32, #tpu.memory_space<vmem>>, vector<16xf32>,
        tpu.vector_store %arg21[%swap3A_464], %add3A_459 {strides = array<i32>} : memref<8192xf32, #tpu.memory_space<vmem>>, vector<16xf32>,
      }
      %scan3A_190 = arith.constant 32 : i32
      %mul3A_191 = arith.constant 128 : i32
      %mul3A_192 = arith.muli %add3A_156, %mul3A_191 : i32
      %add3A_193 = arith.addi %mul3A_2, %mul3A_192 : i32
      %mul3A_194 = arith.constant 64 : i32
      %mul3A_195 = arith.muli %add3A_193, %mul3A_194 : i32
      %dma_start3A_196 = tpu.memref_slice %arg7[%mul3A_195] : memref<20971520xf32, #tpu.memory_space<hbm>> -> memref<8192xf32, #tpu.memory_space<hbm>>
      %dma_start3A_197 = tpu.memref_slice %arg7[%mul3A_195] : memref<20971520xf32, #tpu.memory_space<hbm>> -> memref<8192xf32, #tpu.memory_space<hbm>>
      tpu.enqueue_dma source(%arg21 : memref<8192xf32, #tpu.memory_space<vmem>>) target(%dma_start3A_197 : memref<8192xf32, #tpu.memory_space<hbm>>) target_semaphore(%arg33 : memref<!tpu.dma_semaphore, #tpu.memory_space<semaphore_mem>>)
      %mul3A_198 = arith.constant 4 : i32
      %mul3A_199 = arith.muli %scan3A_66, %mul3A_198 : i32
      %add3A_200 = arith.constant 3 : i32
      %add3A_201 = arith.addi %mul3A_199, %add3A_200 : i32
      %dma_wait3A_202 = arith.constant 0 : i32
      %dma_wait3A_203 = arith.constant 0 : i32
      %dma_wait3A_204 = tpu.memref_slice %arg2[%arg0, %dma_wait3A_202, %dma_wait3A_203] : memref<2x10000x64xf32, #tpu.memory_space<hbm>> -> memref<1x10000x64xf32, #tpu.memory_space<hbm>>
      %dma_wait3A_205 = tpu.memref_squeeze %dma_wait3A_204 : memref<1x10000x64xf32, #tpu.memory_space<hbm>> -> memref<10000x64xf32, #tpu.memory_space<hbm>>
      %dma_wait3A_206 = arith.constant 0 : i32
      %dma_wait3A_207 = arith.constant 0 : i32
      %dma_wait3A_208 = tpu.memref_slice %arg2[%arg0, %dma_wait3A_206, %dma_wait3A_207] : memref<2x10000x64xf32, #tpu.memory_space<hbm>> -> memref<1x10000x64xf32, #tpu.memory_space<hbm>>
      %dma_wait3A_209 = tpu.memref_squeeze %dma_wait3A_208 : memref<1x10000x64xf32, #tpu.memory_space<hbm>> -> memref<10000x64xf32, #tpu.memory_space<hbm>>
      tpu.wait_dma2 semaphore(%arg26 : memref<!tpu.dma_semaphore, #tpu.memory_space<semaphore_mem>>) src(%dma_wait3A_209 : memref<10000x64xf32, #tpu.memory_space<hbm>>) dst(%arg14 : memref<128x64xf32, #tpu.memory_space<vmem>>)
      %dma_wait3A_210 = arith.constant 0 : i32
      %dma_wait3A_211 = arith.constant 0 : i32
      %dma_wait3A_212 = tpu.memref_slice %arg3[%arg0, %dma_wait3A_210, %dma_wait3A_211] : memref<2x10000x64xf32, #tpu.memory_space<hbm>> -> memref<1x10000x64xf32, #tpu.memory_space<hbm>>
      %dma_wait3A_213 = tpu.memref_squeeze %dma_wait3A_212 : memref<1x10000x64xf32, #tpu.memory_space<hbm>> -> memref<10000x64xf32, #tpu.memory_space<hbm>>
      %dma_wait3A_214 = arith.constant 0 : i32
      %dma_wait3A_215 = arith.constant 0 : i32
      %dma_wait3A_216 = tpu.memref_slice %arg3[%arg0, %dma_wait3A_214, %dma_wait3A_215] : memref<2x10000x64xf32, #tpu.memory_space<hbm>> -> memref<1x10000x64xf32, #tpu.memory_space<hbm>>
      %dma_wait3A_217 = tpu.memref_squeeze %dma_wait3A_216 : memref<1x10000x64xf32, #tpu.memory_space<hbm>> -> memref<10000x64xf32, #tpu.memory_space<hbm>>
      tpu.wait_dma2 semaphore(%arg30 : memref<!tpu.dma_semaphore, #tpu.memory_space<semaphore_mem>>) src(%dma_wait3A_217 : memref<10000x64xf32, #tpu.memory_space<hbm>>) dst(%arg18 : memref<128x64xf32, #tpu.memory_space<vmem>>)
      %add3A_218 = arith.constant 2 : i32
      %add3A_219 = arith.addi %add3A_201, %add3A_218 : i32
      %lt3A_220 = arith.constant 80 : i32
      %lt3A_221 = arith.cmpi slt, %add3A_219, %lt3A_220 : i32
      %convert_element_type3A_222 = arith.extui %lt3A_221 : i1 to i32
      %cond3A_223 = arith.constant 0 : i32
      %cond3A_224 = arith.cmpi ne, %convert_element_type3A_222, %cond3A_223 : i32
      scf.if %cond3A_224 {
        %add3A_243 = arith.constant 2 : i32
        %add3A_244 = arith.addi %add3A_201, %add3A_243 : i32
        %dma_start3A_245 = arith.constant 0 : i32
        %dma_start3A_246 = tpu.memref_slice %arg8[%add3A_244, %dma_start3A_245] : memref<80x128xi32, #tpu.memory_space<vmem>> -> memref<1x128xi32, #tpu.memory_space<vmem>>
        %dma_start3A_247 = tpu.memref_squeeze %dma_start3A_246 : memref<1x128xi32, #tpu.memory_space<vmem>> -> memref<128xi32, #tpu.memory_space<vmem>>
        %dma_start3A_248 = arith.constant 0 : i32
        %dma_start3A_249 = arith.constant 0 : i32
        %dma_start3A_250 = tpu.memref_slice %arg2[%arg0, %dma_start3A_248, %dma_start3A_249] : memref<2x10000x64xf32, #tpu.memory_space<hbm>> -> memref<1x10000x64xf32, #tpu.memory_space<hbm>>
        %dma_start3A_251 = tpu.memref_squeeze %dma_start3A_250 : memref<1x10000x64xf32, #tpu.memory_space<hbm>> -> memref<10000x64xf32, #tpu.memory_space<hbm>>
        %dma_start3A_252 = arith.constant 0 : i32
        %dma_start3A_253 = arith.constant 0 : i32
        %dma_start3A_254 = tpu.memref_slice %dma_start3A_251[%dma_start3A_252, %dma_start3A_253] : memref<10000x64xf32, #tpu.memory_space<hbm>> -> memref<10000x64xf32, #tpu.memory_space<hbm>>
        tpu.enqueue_indirect_dma source(%dma_start3A_254 : memref<10000x64xf32, #tpu.memory_space<hbm>>) target(%arg12 : memref<128x64xf32, #tpu.memory_space<vmem>>) offsets(%dma_start3A_247 : memref<128xi32, #tpu.memory_space<vmem>>) semaphore(%arg24 : memref<!tpu.dma_semaphore, #tpu.memory_space<semaphore_mem>>)
        %add3A_255 = arith.constant 2 : i32
        %add3A_256 = arith.addi %add3A_201, %add3A_255 : i32
        %dma_start3A_257 = arith.constant 0 : i32
        %dma_start3A_258 = tpu.memref_slice %arg9[%add3A_256, %dma_start3A_257] : memref<80x128xi32, #tpu.memory_space<vmem>> -> memref<1x128xi32, #tpu.memory_space<vmem>>
        %dma_start3A_259 = tpu.memref_squeeze %dma_start3A_258 : memref<1x128xi32, #tpu.memory_space<vmem>> -> memref<128xi32, #tpu.memory_space<vmem>>
        %dma_start3A_260 = arith.constant 0 : i32
        %dma_start3A_261 = arith.constant 0 : i32
        %dma_start3A_262 = tpu.memref_slice %arg3[%arg0, %dma_start3A_260, %dma_start3A_261] : memref<2x10000x64xf32, #tpu.memory_space<hbm>> -> memref<1x10000x64xf32, #tpu.memory_space<hbm>>
        %dma_start3A_263 = tpu.memref_squeeze %dma_start3A_262 : memref<1x10000x64xf32, #tpu.memory_space<hbm>> -> memref<10000x64xf32, #tpu.memory_space<hbm>>
        %dma_start3A_264 = arith.constant 0 : i32
        %dma_start3A_265 = arith.constant 0 : i32
        %dma_start3A_266 = tpu.memref_slice %dma_start3A_263[%dma_start3A_264, %dma_start3A_265] : memref<10000x64xf32, #tpu.memory_space<hbm>> -> memref<10000x64xf32, #tpu.memory_space<hbm>>
        tpu.enqueue_indirect_dma source(%dma_start3A_266 : memref<10000x64xf32, #tpu.memory_space<hbm>>) target(%arg16 : memref<128x64xf32, #tpu.memory_space<vmem>>) offsets(%dma_start3A_259 : memref<128xi32, #tpu.memory_space<vmem>>) semaphore(%arg28 : memref<!tpu.dma_semaphore, #tpu.memory_space<semaphore_mem>>)
      } else {
      }
      %ge3A_225 = arith.constant 4 : i32
      %ge3A_226 = arith.cmpi sge, %add3A_201, %ge3A_225 : i32
      %convert_element_type3A_227 = arith.extui %ge3A_226 : i1 to i32
      %cond3A_228 = arith.constant 0 : i32
      %cond3A_229 = arith.cmpi ne, %convert_element_type3A_227, %cond3A_228 : i32
      scf.if %cond3A_229 {
        %dma_wait3A_243 = arith.constant 0 : i32
        %dma_wait3A_244 = tpu.memref_slice %arg7[%dma_wait3A_243] : memref<20971520xf32, #tpu.memory_space<hbm>> -> memref<8192xf32, #tpu.memory_space<hbm>>
        %dma_wait3A_245 = arith.constant 0 : i32
        %dma_wait3A_246 = tpu.memref_slice %arg7[%dma_wait3A_245] : memref<20971520xf32, #tpu.memory_space<hbm>> -> memref<8192xf32, #tpu.memory_space<hbm>>
        tpu.wait_dma2 semaphore(%arg34 : memref<!tpu.dma_semaphore, #tpu.memory_space<semaphore_mem>>) src(%arg22 : memref<8192xf32, #tpu.memory_space<vmem>>) dst(%dma_wait3A_246 : memref<8192xf32, #tpu.memory_space<hbm>>)
      } else {
      }
      %scan3A_230 = arith.constant 0 : i32
      %scan3A_231 = arith.constant 0 : i32
      %scan3A_232 = arith.constant 32 : i32
      %scan3A_233 = arith.addi %scan3A_231, %scan3A_232 : i32
      %scan3A_234 = arith.constant 1 : i32
      scf.for %scan3A_243 = %scan3A_231 to %scan3A_233 step %scan3A_234  : i32 {
        %mul3A_244 = arith.constant 4 : i32
        %mul3A_245 = arith.muli %scan3A_243, %mul3A_244 : i32
        %add3A_246 = arith.constant 0 : i32
        %add3A_247 = arith.addi %mul3A_245, %add3A_246 : i32
        %get3A = arith.index_cast %add3A_247 : i32 to index
        %get3A_248 = arith.constant 0 : index
        %get3A_249 = tpu.vector_load %arg14[%get3A, %get3A_248] {strides = array<i32>} : memref<128x64xf32, #tpu.memory_space<vmem>>, vector<16xf32>,
        %get3A_250 = arith.index_cast %add3A_247 : i32 to index
        %get3A_251 = arith.constant 0 : index
        %get3A_252 = tpu.vector_load %arg18[%get3A_250, %get3A_251] {strides = array<i32>} : memref<128x64xf32, #tpu.memory_space<vmem>>, vector<16xf32>,
        %add3A_253 = arith.addf %get3A_249, %get3A_252 : vector<16xf32>
        %mul3A_254 = arith.constant 64 : i32
        %mul3A_255 = arith.muli %add3A_247, %mul3A_254 : i32
        %add3A_256 = arith.constant 0 : i32
        %add3A_257 = arith.addi %mul3A_255, %add3A_256 : i32
        %swap3A = arith.index_cast %add3A_257 : i32 to index
        %swap3A_258 = tpu.vector_load %arg22[%swap3A] {strides = array<i32>} : memref<8192xf32, #tpu.memory_space<vmem>>, vector<16xf32>,
        tpu.vector_store %arg22[%swap3A], %add3A_253 {strides = array<i32>} : memref<8192xf32, #tpu.memory_space<vmem>>, vector<16xf32>,
        %get3A_259 = arith.index_cast %add3A_247 : i32 to index
        %get3A_260 = arith.constant 16 : index
        %get3A_261 = tpu.vector_load %arg14[%get3A_259, %get3A_260] {strides = array<i32>} : memref<128x64xf32, #tpu.memory_space<vmem>>, vector<16xf32>,
        %get3A_262 = arith.index_cast %add3A_247 : i32 to index
        %get3A_263 = arith.constant 16 : index
        %get3A_264 = tpu.vector_load %arg18[%get3A_262, %get3A_263] {strides = array<i32>} : memref<128x64xf32, #tpu.memory_space<vmem>>, vector<16xf32>,
        %add3A_265 = arith.addf %get3A_261, %get3A_264 : vector<16xf32>
        %mul3A_266 = arith.constant 64 : i32
        %mul3A_267 = arith.muli %add3A_247, %mul3A_266 : i32
        %add3A_268 = arith.constant 16 : i32
        %add3A_269 = arith.addi %mul3A_267, %add3A_268 : i32
        %swap3A_270 = arith.index_cast %add3A_269 : i32 to index
        %swap3A_271 = tpu.vector_load %arg22[%swap3A_270] {strides = array<i32>} : memref<8192xf32, #tpu.memory_space<vmem>>, vector<16xf32>,
        tpu.vector_store %arg22[%swap3A_270], %add3A_265 {strides = array<i32>} : memref<8192xf32, #tpu.memory_space<vmem>>, vector<16xf32>,
        %get3A_272 = arith.index_cast %add3A_247 : i32 to index
        %get3A_273 = arith.constant 32 : index
        %get3A_274 = tpu.vector_load %arg14[%get3A_272, %get3A_273] {strides = array<i32>} : memref<128x64xf32, #tpu.memory_space<vmem>>, vector<16xf32>,
        %get3A_275 = arith.index_cast %add3A_247 : i32 to index
        %get3A_276 = arith.constant 32 : index
        %get3A_277 = tpu.vector_load %arg18[%get3A_275, %get3A_276] {strides = array<i32>} : memref<128x64xf32, #tpu.memory_space<vmem>>, vector<16xf32>,
        %add3A_278 = arith.addf %get3A_274, %get3A_277 : vector<16xf32>
        %mul3A_279 = arith.constant 64 : i32
        %mul3A_280 = arith.muli %add3A_247, %mul3A_279 : i32
        %add3A_281 = arith.constant 32 : i32
        %add3A_282 = arith.addi %mul3A_280, %add3A_281 : i32
        %swap3A_283 = arith.index_cast %add3A_282 : i32 to index
        %swap3A_284 = tpu.vector_load %arg22[%swap3A_283] {strides = array<i32>} : memref<8192xf32, #tpu.memory_space<vmem>>, vector<16xf32>,
        tpu.vector_store %arg22[%swap3A_283], %add3A_278 {strides = array<i32>} : memref<8192xf32, #tpu.memory_space<vmem>>, vector<16xf32>,
        %get3A_285 = arith.index_cast %add3A_247 : i32 to index
        %get3A_286 = arith.constant 48 : index
        %get3A_287 = tpu.vector_load %arg14[%get3A_285, %get3A_286] {strides = array<i32>} : memref<128x64xf32, #tpu.memory_space<vmem>>, vector<16xf32>,
        %get3A_288 = arith.index_cast %add3A_247 : i32 to index
        %get3A_289 = arith.constant 48 : index
        %get3A_290 = tpu.vector_load %arg18[%get3A_288, %get3A_289] {strides = array<i32>} : memref<128x64xf32, #tpu.memory_space<vmem>>, vector<16xf32>,
        %add3A_291 = arith.addf %get3A_287, %get3A_290 : vector<16xf32>
        %mul3A_292 = arith.constant 64 : i32
        %mul3A_293 = arith.muli %add3A_247, %mul3A_292 : i32
        %add3A_294 = arith.constant 48 : i32
        %add3A_295 = arith.addi %mul3A_293, %add3A_294 : i32
        %swap3A_296 = arith.index_cast %add3A_295 : i32 to index
        %swap3A_297 = tpu.vector_load %arg22[%swap3A_296] {strides = array<i32>} : memref<8192xf32, #tpu.memory_space<vmem>>, vector<16xf32>,
        tpu.vector_store %arg22[%swap3A_296], %add3A_291 {strides = array<i32>} : memref<8192xf32, #tpu.memory_space<vmem>>, vector<16xf32>,
        %mul3A_298 = arith.constant 4 : i32
        %mul3A_299 = arith.muli %scan3A_243, %mul3A_298 : i32
        %add3A_300 = arith.constant 1 : i32
        %add3A_301 = arith.addi %mul3A_299, %add3A_300 : i32
        %get3A_302 = arith.index_cast %add3A_301 : i32 to index
        %get3A_303 = arith.constant 0 : index
        %get3A_304 = tpu.vector_load %arg14[%get3A_302, %get3A_303] {strides = array<i32>} : memref<128x64xf32, #tpu.memory_space<vmem>>, vector<16xf32>,
        %get3A_305 = arith.index_cast %add3A_301 : i32 to index
        %get3A_306 = arith.constant 0 : index
        %get3A_307 = tpu.vector_load %arg18[%get3A_305, %get3A_306] {strides = array<i32>} : memref<128x64xf32, #tpu.memory_space<vmem>>, vector<16xf32>,
        %add3A_308 = arith.addf %get3A_304, %get3A_307 : vector<16xf32>
        %mul3A_309 = arith.constant 64 : i32
        %mul3A_310 = arith.muli %add3A_301, %mul3A_309 : i32
        %add3A_311 = arith.constant 0 : i32
        %add3A_312 = arith.addi %mul3A_310, %add3A_311 : i32
        %swap3A_313 = arith.index_cast %add3A_312 : i32 to index
        %swap3A_314 = tpu.vector_load %arg22[%swap3A_313] {strides = array<i32>} : memref<8192xf32, #tpu.memory_space<vmem>>, vector<16xf32>,
        tpu.vector_store %arg22[%swap3A_313], %add3A_308 {strides = array<i32>} : memref<8192xf32, #tpu.memory_space<vmem>>, vector<16xf32>,
        %get3A_315 = arith.index_cast %add3A_301 : i32 to index
        %get3A_316 = arith.constant 16 : index
        %get3A_317 = tpu.vector_load %arg14[%get3A_315, %get3A_316] {strides = array<i32>} : memref<128x64xf32, #tpu.memory_space<vmem>>, vector<16xf32>,
        %get3A_318 = arith.index_cast %add3A_301 : i32 to index
        %get3A_319 = arith.constant 16 : index
        %get3A_320 = tpu.vector_load %arg18[%get3A_318, %get3A_319] {strides = array<i32>} : memref<128x64xf32, #tpu.memory_space<vmem>>, vector<16xf32>,
        %add3A_321 = arith.addf %get3A_317, %get3A_320 : vector<16xf32>
        %mul3A_322 = arith.constant 64 : i32
        %mul3A_323 = arith.muli %add3A_301, %mul3A_322 : i32
        %add3A_324 = arith.constant 16 : i32
        %add3A_325 = arith.addi %mul3A_323, %add3A_324 : i32
        %swap3A_326 = arith.index_cast %add3A_325 : i32 to index
        %swap3A_327 = tpu.vector_load %arg22[%swap3A_326] {strides = array<i32>} : memref<8192xf32, #tpu.memory_space<vmem>>, vector<16xf32>,
        tpu.vector_store %arg22[%swap3A_326], %add3A_321 {strides = array<i32>} : memref<8192xf32, #tpu.memory_space<vmem>>, vector<16xf32>,
        %get3A_328 = arith.index_cast %add3A_301 : i32 to index
        %get3A_329 = arith.constant 32 : index
        %get3A_330 = tpu.vector_load %arg14[%get3A_328, %get3A_329] {strides = array<i32>} : memref<128x64xf32, #tpu.memory_space<vmem>>, vector<16xf32>,
        %get3A_331 = arith.index_cast %add3A_301 : i32 to index
        %get3A_332 = arith.constant 32 : index
        %get3A_333 = tpu.vector_load %arg18[%get3A_331, %get3A_332] {strides = array<i32>} : memref<128x64xf32, #tpu.memory_space<vmem>>, vector<16xf32>,
        %add3A_334 = arith.addf %get3A_330, %get3A_333 : vector<16xf32>
        %mul3A_335 = arith.constant 64 : i32
        %mul3A_336 = arith.muli %add3A_301, %mul3A_335 : i32
        %add3A_337 = arith.constant 32 : i32
        %add3A_338 = arith.addi %mul3A_336, %add3A_337 : i32
        %swap3A_339 = arith.index_cast %add3A_338 : i32 to index
        %swap3A_340 = tpu.vector_load %arg22[%swap3A_339] {strides = array<i32>} : memref<8192xf32, #tpu.memory_space<vmem>>, vector<16xf32>,
        tpu.vector_store %arg22[%swap3A_339], %add3A_334 {strides = array<i32>} : memref<8192xf32, #tpu.memory_space<vmem>>, vector<16xf32>,
        %get3A_341 = arith.index_cast %add3A_301 : i32 to index
        %get3A_342 = arith.constant 48 : index
        %get3A_343 = tpu.vector_load %arg14[%get3A_341, %get3A_342] {strides = array<i32>} : memref<128x64xf32, #tpu.memory_space<vmem>>, vector<16xf32>,
        %get3A_344 = arith.index_cast %add3A_301 : i32 to index
        %get3A_345 = arith.constant 48 : index
        %get3A_346 = tpu.vector_load %arg18[%get3A_344, %get3A_345] {strides = array<i32>} : memref<128x64xf32, #tpu.memory_space<vmem>>, vector<16xf32>,
        %add3A_347 = arith.addf %get3A_343, %get3A_346 : vector<16xf32>
        %mul3A_348 = arith.constant 64 : i32
        %mul3A_349 = arith.muli %add3A_301, %mul3A_348 : i32
        %add3A_350 = arith.constant 48 : i32
        %add3A_351 = arith.addi %mul3A_349, %add3A_350 : i32
        %swap3A_352 = arith.index_cast %add3A_351 : i32 to index
        %swap3A_353 = tpu.vector_load %arg22[%swap3A_352] {strides = array<i32>} : memref<8192xf32, #tpu.memory_space<vmem>>, vector<16xf32>,
        tpu.vector_store %arg22[%swap3A_352], %add3A_347 {strides = array<i32>} : memref<8192xf32, #tpu.memory_space<vmem>>, vector<16xf32>,
        %mul3A_354 = arith.constant 4 : i32
        %mul3A_355 = arith.muli %scan3A_243, %mul3A_354 : i32
        %add3A_356 = arith.constant 2 : i32
        %add3A_357 = arith.addi %mul3A_355, %add3A_356 : i32
        %get3A_358 = arith.index_cast %add3A_357 : i32 to index
        %get3A_359 = arith.constant 0 : index
        %get3A_360 = tpu.vector_load %arg14[%get3A_358, %get3A_359] {strides = array<i32>} : memref<128x64xf32, #tpu.memory_space<vmem>>, vector<16xf32>,
        %get3A_361 = arith.index_cast %add3A_357 : i32 to index
        %get3A_362 = arith.constant 0 : index
        %get3A_363 = tpu.vector_load %arg18[%get3A_361, %get3A_362] {strides = array<i32>} : memref<128x64xf32, #tpu.memory_space<vmem>>, vector<16xf32>,
        %add3A_364 = arith.addf %get3A_360, %get3A_363 : vector<16xf32>
        %mul3A_365 = arith.constant 64 : i32
        %mul3A_366 = arith.muli %add3A_357, %mul3A_365 : i32
        %add3A_367 = arith.constant 0 : i32
        %add3A_368 = arith.addi %mul3A_366, %add3A_367 : i32
        %swap3A_369 = arith.index_cast %add3A_368 : i32 to index
        %swap3A_370 = tpu.vector_load %arg22[%swap3A_369] {strides = array<i32>} : memref<8192xf32, #tpu.memory_space<vmem>>, vector<16xf32>,
        tpu.vector_store %arg22[%swap3A_369], %add3A_364 {strides = array<i32>} : memref<8192xf32, #tpu.memory_space<vmem>>, vector<16xf32>,
        %get3A_371 = arith.index_cast %add3A_357 : i32 to index
        %get3A_372 = arith.constant 16 : index
        %get3A_373 = tpu.vector_load %arg14[%get3A_371, %get3A_372] {strides = array<i32>} : memref<128x64xf32, #tpu.memory_space<vmem>>, vector<16xf32>,
        %get3A_374 = arith.index_cast %add3A_357 : i32 to index
        %get3A_375 = arith.constant 16 : index
        %get3A_376 = tpu.vector_load %arg18[%get3A_374, %get3A_375] {strides = array<i32>} : memref<128x64xf32, #tpu.memory_space<vmem>>, vector<16xf32>,
        %add3A_377 = arith.addf %get3A_373, %get3A_376 : vector<16xf32>
        %mul3A_378 = arith.constant 64 : i32
        %mul3A_379 = arith.muli %add3A_357, %mul3A_378 : i32
        %add3A_380 = arith.constant 16 : i32
        %add3A_381 = arith.addi %mul3A_379, %add3A_380 : i32
        %swap3A_382 = arith.index_cast %add3A_381 : i32 to index
        %swap3A_383 = tpu.vector_load %arg22[%swap3A_382] {strides = array<i32>} : memref<8192xf32, #tpu.memory_space<vmem>>, vector<16xf32>,
        tpu.vector_store %arg22[%swap3A_382], %add3A_377 {strides = array<i32>} : memref<8192xf32, #tpu.memory_space<vmem>>, vector<16xf32>,
        %get3A_384 = arith.index_cast %add3A_357 : i32 to index
        %get3A_385 = arith.constant 32 : index
        %get3A_386 = tpu.vector_load %arg14[%get3A_384, %get3A_385] {strides = array<i32>} : memref<128x64xf32, #tpu.memory_space<vmem>>, vector<16xf32>,
        %get3A_387 = arith.index_cast %add3A_357 : i32 to index
        %get3A_388 = arith.constant 32 : index
        %get3A_389 = tpu.vector_load %arg18[%get3A_387, %get3A_388] {strides = array<i32>} : memref<128x64xf32, #tpu.memory_space<vmem>>, vector<16xf32>,
        %add3A_390 = arith.addf %get3A_386, %get3A_389 : vector<16xf32>
        %mul3A_391 = arith.constant 64 : i32
        %mul3A_392 = arith.muli %add3A_357, %mul3A_391 : i32
        %add3A_393 = arith.constant 32 : i32
        %add3A_394 = arith.addi %mul3A_392, %add3A_393 : i32
        %swap3A_395 = arith.index_cast %add3A_394 : i32 to index
        %swap3A_396 = tpu.vector_load %arg22[%swap3A_395] {strides = array<i32>} : memref<8192xf32, #tpu.memory_space<vmem>>, vector<16xf32>,
        tpu.vector_store %arg22[%swap3A_395], %add3A_390 {strides = array<i32>} : memref<8192xf32, #tpu.memory_space<vmem>>, vector<16xf32>,
        %get3A_397 = arith.index_cast %add3A_357 : i32 to index
        %get3A_398 = arith.constant 48 : index
        %get3A_399 = tpu.vector_load %arg14[%get3A_397, %get3A_398] {strides = array<i32>} : memref<128x64xf32, #tpu.memory_space<vmem>>, vector<16xf32>,
        %get3A_400 = arith.index_cast %add3A_357 : i32 to index
        %get3A_401 = arith.constant 48 : index
        %get3A_402 = tpu.vector_load %arg18[%get3A_400, %get3A_401] {strides = array<i32>} : memref<128x64xf32, #tpu.memory_space<vmem>>, vector<16xf32>,
        %add3A_403 = arith.addf %get3A_399, %get3A_402 : vector<16xf32>
        %mul3A_404 = arith.constant 64 : i32
        %mul3A_405 = arith.muli %add3A_357, %mul3A_404 : i32
        %add3A_406 = arith.constant 48 : i32
        %add3A_407 = arith.addi %mul3A_405, %add3A_406 : i32
        %swap3A_408 = arith.index_cast %add3A_407 : i32 to index
        %swap3A_409 = tpu.vector_load %arg22[%swap3A_408] {strides = array<i32>} : memref<8192xf32, #tpu.memory_space<vmem>>, vector<16xf32>,
        tpu.vector_store %arg22[%swap3A_408], %add3A_403 {strides = array<i32>} : memref<8192xf32, #tpu.memory_space<vmem>>, vector<16xf32>,
        %mul3A_410 = arith.constant 4 : i32
        %mul3A_411 = arith.muli %scan3A_243, %mul3A_410 : i32
        %add3A_412 = arith.constant 3 : i32
        %add3A_413 = arith.addi %mul3A_411, %add3A_412 : i32
        %get3A_414 = arith.index_cast %add3A_413 : i32 to index
        %get3A_415 = arith.constant 0 : index
        %get3A_416 = tpu.vector_load %arg14[%get3A_414, %get3A_415] {strides = array<i32>} : memref<128x64xf32, #tpu.memory_space<vmem>>, vector<16xf32>,
        %get3A_417 = arith.index_cast %add3A_413 : i32 to index
        %get3A_418 = arith.constant 0 : index
        %get3A_419 = tpu.vector_load %arg18[%get3A_417, %get3A_418] {strides = array<i32>} : memref<128x64xf32, #tpu.memory_space<vmem>>, vector<16xf32>,
        %add3A_420 = arith.addf %get3A_416, %get3A_419 : vector<16xf32>
        %mul3A_421 = arith.constant 64 : i32
        %mul3A_422 = arith.muli %add3A_413, %mul3A_421 : i32
        %add3A_423 = arith.constant 0 : i32
        %add3A_424 = arith.addi %mul3A_422, %add3A_423 : i32
        %swap3A_425 = arith.index_cast %add3A_424 : i32 to index
        %swap3A_426 = tpu.vector_load %arg22[%swap3A_425] {strides = array<i32>} : memref<8192xf32, #tpu.memory_space<vmem>>, vector<16xf32>,
        tpu.vector_store %arg22[%swap3A_425], %add3A_420 {strides = array<i32>} : memref<8192xf32, #tpu.memory_space<vmem>>, vector<16xf32>,
        %get3A_427 = arith.index_cast %add3A_413 : i32 to index
        %get3A_428 = arith.constant 16 : index
        %get3A_429 = tpu.vector_load %arg14[%get3A_427, %get3A_428] {strides = array<i32>} : memref<128x64xf32, #tpu.memory_space<vmem>>, vector<16xf32>,
        %get3A_430 = arith.index_cast %add3A_413 : i32 to index
        %get3A_431 = arith.constant 16 : index
        %get3A_432 = tpu.vector_load %arg18[%get3A_430, %get3A_431] {strides = array<i32>} : memref<128x64xf32, #tpu.memory_space<vmem>>, vector<16xf32>,
        %add3A_433 = arith.addf %get3A_429, %get3A_432 : vector<16xf32>
        %mul3A_434 = arith.constant 64 : i32
        %mul3A_435 = arith.muli %add3A_413, %mul3A_434 : i32
        %add3A_436 = arith.constant 16 : i32
        %add3A_437 = arith.addi %mul3A_435, %add3A_436 : i32
        %swap3A_438 = arith.index_cast %add3A_437 : i32 to index
        %swap3A_439 = tpu.vector_load %arg22[%swap3A_438] {strides = array<i32>} : memref<8192xf32, #tpu.memory_space<vmem>>, vector<16xf32>,
        tpu.vector_store %arg22[%swap3A_438], %add3A_433 {strides = array<i32>} : memref<8192xf32, #tpu.memory_space<vmem>>, vector<16xf32>,
        %get3A_440 = arith.index_cast %add3A_413 : i32 to index
        %get3A_441 = arith.constant 32 : index
        %get3A_442 = tpu.vector_load %arg14[%get3A_440, %get3A_441] {strides = array<i32>} : memref<128x64xf32, #tpu.memory_space<vmem>>, vector<16xf32>,
        %get3A_443 = arith.index_cast %add3A_413 : i32 to index
        %get3A_444 = arith.constant 32 : index
        %get3A_445 = tpu.vector_load %arg18[%get3A_443, %get3A_444] {strides = array<i32>} : memref<128x64xf32, #tpu.memory_space<vmem>>, vector<16xf32>,
        %add3A_446 = arith.addf %get3A_442, %get3A_445 : vector<16xf32>
        %mul3A_447 = arith.constant 64 : i32
        %mul3A_448 = arith.muli %add3A_413, %mul3A_447 : i32
        %add3A_449 = arith.constant 32 : i32
        %add3A_450 = arith.addi %mul3A_448, %add3A_449 : i32
        %swap3A_451 = arith.index_cast %add3A_450 : i32 to index
        %swap3A_452 = tpu.vector_load %arg22[%swap3A_451] {strides = array<i32>} : memref<8192xf32, #tpu.memory_space<vmem>>, vector<16xf32>,
        tpu.vector_store %arg22[%swap3A_451], %add3A_446 {strides = array<i32>} : memref<8192xf32, #tpu.memory_space<vmem>>, vector<16xf32>,
        %get3A_453 = arith.index_cast %add3A_413 : i32 to index
        %get3A_454 = arith.constant 48 : index
        %get3A_455 = tpu.vector_load %arg14[%get3A_453, %get3A_454] {strides = array<i32>} : memref<128x64xf32, #tpu.memory_space<vmem>>, vector<16xf32>,
        %get3A_456 = arith.index_cast %add3A_413 : i32 to index
        %get3A_457 = arith.constant 48 : index
        %get3A_458 = tpu.vector_load %arg18[%get3A_456, %get3A_457] {strides = array<i32>} : memref<128x64xf32, #tpu.memory_space<vmem>>, vector<16xf32>,
        %add3A_459 = arith.addf %get3A_455, %get3A_458 : vector<16xf32>
        %mul3A_460 = arith.constant 64 : i32
        %mul3A_461 = arith.muli %add3A_413, %mul3A_460 : i32
        %add3A_462 = arith.constant 48 : i32
        %add3A_463 = arith.addi %mul3A_461, %add3A_462 : i32
        %swap3A_464 = arith.index_cast %add3A_463 : i32 to index
        %swap3A_465 = tpu.vector_load %arg22[%swap3A_464] {strides = array<i32>} : memref<8192xf32, #tpu.memory_space<vmem>>, vector<16xf32>,
        tpu.vector_store %arg22[%swap3A_464], %add3A_459 {strides = array<i32>} : memref<8192xf32, #tpu.memory_space<vmem>>, vector<16xf32>,
      }
      %scan3A_235 = arith.constant 32 : i32
      %mul3A_236 = arith.constant 128 : i32
      %mul3A_237 = arith.muli %add3A_201, %mul3A_236 : i32
      %add3A_238 = arith.addi %mul3A_2, %mul3A_237 : i32
      %mul3A_239 = arith.constant 64 : i32
      %mul3A_240 = arith.muli %add3A_238, %mul3A_239 : i32
      %dma_start3A_241 = tpu.memref_slice %arg7[%mul3A_240] : memref<20971520xf32, #tpu.memory_space<hbm>> -> memref<8192xf32, #tpu.memory_space<hbm>>
      %dma_start3A_242 = tpu.memref_slice %arg7[%mul3A_240] : memref<20971520xf32, #tpu.memory_space<hbm>> -> memref<8192xf32, #tpu.memory_space<hbm>>
      tpu.enqueue_dma source(%arg22 : memref<8192xf32, #tpu.memory_space<vmem>>) target(%dma_start3A_242 : memref<8192xf32, #tpu.memory_space<hbm>>) target_semaphore(%arg34 : memref<!tpu.dma_semaphore, #tpu.memory_space<semaphore_mem>>)
    }
    %scan3A_50 = arith.constant 20 : i32
    %dma_wait3A = arith.constant 0 : i32
    %dma_wait3A_51 = tpu.memref_slice %arg7[%dma_wait3A] : memref<20971520xf32, #tpu.memory_space<hbm>> -> memref<8192xf32, #tpu.memory_space<hbm>>
    %dma_wait3A_52 = arith.constant 0 : i32
    %dma_wait3A_53 = tpu.memref_slice %arg7[%dma_wait3A_52] : memref<20971520xf32, #tpu.memory_space<hbm>> -> memref<8192xf32, #tpu.memory_space<hbm>>
    tpu.wait_dma2 semaphore(%arg31 : memref<!tpu.dma_semaphore, #tpu.memory_space<semaphore_mem>>) src(%arg19 : memref<8192xf32, #tpu.memory_space<vmem>>) dst(%dma_wait3A_53 : memref<8192xf32, #tpu.memory_space<hbm>>)
    %dma_wait3A_54 = arith.constant 0 : i32
    %dma_wait3A_55 = tpu.memref_slice %arg7[%dma_wait3A_54] : memref<20971520xf32, #tpu.memory_space<hbm>> -> memref<8192xf32, #tpu.memory_space<hbm>>
    %dma_wait3A_56 = arith.constant 0 : i32
    %dma_wait3A_57 = tpu.memref_slice %arg7[%dma_wait3A_56] : memref<20971520xf32, #tpu.memory_space<hbm>> -> memref<8192xf32, #tpu.memory_space<hbm>>
    tpu.wait_dma2 semaphore(%arg32 : memref<!tpu.dma_semaphore, #tpu.memory_space<semaphore_mem>>) src(%arg20 : memref<8192xf32, #tpu.memory_space<vmem>>) dst(%dma_wait3A_57 : memref<8192xf32, #tpu.memory_space<hbm>>)
    %dma_wait3A_58 = arith.constant 0 : i32
    %dma_wait3A_59 = tpu.memref_slice %arg7[%dma_wait3A_58] : memref<20971520xf32, #tpu.memory_space<hbm>> -> memref<8192xf32, #tpu.memory_space<hbm>>
    %dma_wait3A_60 = arith.constant 0 : i32
    %dma_wait3A_61 = tpu.memref_slice %arg7[%dma_wait3A_60] : memref<20971520xf32, #tpu.memory_space<hbm>> -> memref<8192xf32, #tpu.memory_space<hbm>>
    tpu.wait_dma2 semaphore(%arg33 : memref<!tpu.dma_semaphore, #tpu.memory_space<semaphore_mem>>) src(%arg21 : memref<8192xf32, #tpu.memory_space<vmem>>) dst(%dma_wait3A_61 : memref<8192xf32, #tpu.memory_space<hbm>>)
    %dma_wait3A_62 = arith.constant 0 : i32
    %dma_wait3A_63 = tpu.memref_slice %arg7[%dma_wait3A_62] : memref<20971520xf32, #tpu.memory_space<hbm>> -> memref<8192xf32, #tpu.memory_space<hbm>>
    %dma_wait3A_64 = arith.constant 0 : i32
    %dma_wait3A_65 = tpu.memref_slice %arg7[%dma_wait3A_64] : memref<20971520xf32, #tpu.memory_space<hbm>> -> memref<8192xf32, #tpu.memory_space<hbm>>
    tpu.wait_dma2 semaphore(%arg34 : memref<!tpu.dma_semaphore, #tpu.memory_space<semaphore_mem>>) src(%arg22 : memref<8192xf32, #tpu.memory_space<vmem>>) dst(%dma_wait3A_65 : memref<8192xf32, #tpu.memory_space<hbm>>)
    return
  }
}

#map = affine_map<(d0, d1) -> (0, 0, 0)>
#map1 = affine_map<(d0, d1) -> (0, 0)>
module attributes {stable_mosaic.version = 14 : i64} {
  func.func @_sc_degree(%arg0: i32, %arg1: i32, %arg2: memref<32x80x128xi32, #tpu.memory_space<hbm>>, %arg3: memref<10240x16xf32, #tpu.memory_space<hbm>>, %arg4: memref<128x16xf32, #tpu.memory_space<hbm>>, %arg5: memref<2x10000x16xf32, #tpu.memory_space<hbm>>, %arg6: memref<80x128xi32, #tpu.memory_space<vmem>>, %arg7: memref<128x16xf32, #tpu.memory_space<vmem>>, %arg8: memref<10240x16xf32, #tpu.memory_space<vmem_shared>>, %arg9: memref<!tpu.dma_semaphore, #tpu.memory_space<semaphore_mem>>) attributes {dimension_semantics = [#tpu.dimension_semantics<core_parallel>, #tpu.dimension_semantics<subcore_parallel>], iteration_bounds = array<i64: 2, 16>, scalar_prefetch = 0 : i64, scratch_operands = 4 : i64, tpu.core_type = #tpu.core_type<sc_vector_subcore>, window_params = [{transform_indices = #map}, {transform_indices = #map1}, {transform_indices = #map1}, {transform_indices = #map}]} {
    %mul3A = arith.constant 2 : i32
    %mul3A_0 = arith.muli %arg1, %mul3A : i32
    %add3A = arith.addi %mul3A_0, %arg0 : i32
    %mul3A_1 = arith.constant 640 : i32
    %mul3A_2 = arith.muli %arg1, %mul3A_1 : i32
    "tpu.region"() ({
      %run_scoped3A = tpu.sem_alloc : memref<!tpu.dma_semaphore, #tpu.memory_space<semaphore_mem>>
      %dma_start3A = arith.constant 0 : i32
      %dma_start3A_11 = tpu.memref_slice %arg8[%mul3A_2, %dma_start3A] : memref<10240x16xf32, #tpu.memory_space<vmem_shared>> -> memref<640x16xf32, #tpu.memory_space<vmem_shared>>
      %dma_start3A_12 = arith.constant 0 : i32
      %dma_start3A_13 = tpu.memref_slice %arg3[%mul3A_2, %dma_start3A_12] : memref<10240x16xf32, #tpu.memory_space<hbm>> -> memref<640x16xf32, #tpu.memory_space<hbm>>
      tpu.enqueue_dma source(%dma_start3A_13 : memref<640x16xf32, #tpu.memory_space<hbm>>) target(%dma_start3A_11 : memref<640x16xf32, #tpu.memory_space<vmem_shared>>) target_semaphore(%run_scoped3A : memref<!tpu.dma_semaphore, #tpu.memory_space<semaphore_mem>>)
      %dma_wait3A = arith.constant 0 : i32
      %dma_wait3A_14 = tpu.memref_slice %arg8[%mul3A_2, %dma_wait3A] : memref<10240x16xf32, #tpu.memory_space<vmem_shared>> -> memref<640x16xf32, #tpu.memory_space<vmem_shared>>
      %dma_wait3A_15 = arith.constant 0 : i32
      %dma_wait3A_16 = tpu.memref_slice %arg3[%mul3A_2, %dma_wait3A_15] : memref<10240x16xf32, #tpu.memory_space<hbm>> -> memref<640x16xf32, #tpu.memory_space<hbm>>
      tpu.wait_dma2 semaphore(%run_scoped3A : memref<!tpu.dma_semaphore, #tpu.memory_space<semaphore_mem>>) src(%dma_wait3A_16 : memref<640x16xf32, #tpu.memory_space<hbm>>) dst(%dma_wait3A_14 : memref<640x16xf32, #tpu.memory_space<vmem_shared>>)
      tpu.yield
    }) : () -> ()
    "tpu.region"() ({
      %run_scoped3A = tpu.sem_alloc : memref<!tpu.dma_semaphore, #tpu.memory_space<semaphore_mem>>
      tpu.enqueue_dma source(%arg4 : memref<128x16xf32, #tpu.memory_space<hbm>>) target(%arg7 : memref<128x16xf32, #tpu.memory_space<vmem>>) target_semaphore(%run_scoped3A : memref<!tpu.dma_semaphore, #tpu.memory_space<semaphore_mem>>)
      tpu.wait_dma2 semaphore(%run_scoped3A : memref<!tpu.dma_semaphore, #tpu.memory_space<semaphore_mem>>) src(%arg4 : memref<128x16xf32, #tpu.memory_space<hbm>>) dst(%arg7 : memref<128x16xf32, #tpu.memory_space<vmem>>)
      tpu.yield
    }) : () -> ()
    "tpu.region"() ({
      %run_scoped3A = tpu.sem_alloc : memref<!tpu.dma_semaphore, #tpu.memory_space<semaphore_mem>>
      %dma_start3A = arith.constant 0 : i32
      %dma_start3A_11 = arith.constant 0 : i32
      %dma_start3A_12 = tpu.memref_slice %arg2[%add3A, %dma_start3A, %dma_start3A_11] : memref<32x80x128xi32, #tpu.memory_space<hbm>> -> memref<1x80x128xi32, #tpu.memory_space<hbm>>
      %dma_start3A_13 = tpu.memref_squeeze %dma_start3A_12 : memref<1x80x128xi32, #tpu.memory_space<hbm>> -> memref<80x128xi32, #tpu.memory_space<hbm>>
      %dma_start3A_14 = arith.constant 0 : i32
      %dma_start3A_15 = arith.constant 0 : i32
      %dma_start3A_16 = tpu.memref_slice %arg2[%add3A, %dma_start3A_14, %dma_start3A_15] : memref<32x80x128xi32, #tpu.memory_space<hbm>> -> memref<1x80x128xi32, #tpu.memory_space<hbm>>
      %dma_start3A_17 = tpu.memref_squeeze %dma_start3A_16 : memref<1x80x128xi32, #tpu.memory_space<hbm>> -> memref<80x128xi32, #tpu.memory_space<hbm>>
      tpu.enqueue_dma source(%dma_start3A_17 : memref<80x128xi32, #tpu.memory_space<hbm>>) target(%arg6 : memref<80x128xi32, #tpu.memory_space<vmem>>) target_semaphore(%run_scoped3A : memref<!tpu.dma_semaphore, #tpu.memory_space<semaphore_mem>>)
      %dma_wait3A = arith.constant 0 : i32
      %dma_wait3A_18 = arith.constant 0 : i32
      %dma_wait3A_19 = tpu.memref_slice %arg2[%add3A, %dma_wait3A, %dma_wait3A_18] : memref<32x80x128xi32, #tpu.memory_space<hbm>> -> memref<1x80x128xi32, #tpu.memory_space<hbm>>
      %dma_wait3A_20 = tpu.memref_squeeze %dma_wait3A_19 : memref<1x80x128xi32, #tpu.memory_space<hbm>> -> memref<80x128xi32, #tpu.memory_space<hbm>>
      %dma_wait3A_21 = arith.constant 0 : i32
      %dma_wait3A_22 = arith.constant 0 : i32
      %dma_wait3A_23 = tpu.memref_slice %arg2[%add3A, %dma_wait3A_21, %dma_wait3A_22] : memref<32x80x128xi32, #tpu.memory_space<hbm>> -> memref<1x80x128xi32, #tpu.memory_space<hbm>>
      %dma_wait3A_24 = tpu.memref_squeeze %dma_wait3A_23 : memref<1x80x128xi32, #tpu.memory_space<hbm>> -> memref<80x128xi32, #tpu.memory_space<hbm>>
      tpu.wait_dma2 semaphore(%run_scoped3A : memref<!tpu.dma_semaphore, #tpu.memory_space<semaphore_mem>>) src(%dma_wait3A_24 : memref<80x128xi32, #tpu.memory_space<hbm>>) dst(%arg6 : memref<80x128xi32, #tpu.memory_space<vmem>>)
      tpu.yield
    }) : () -> ()
    %barrier3A = arith.constant 0 : index
    tpu.barrier barrier_id(%barrier3A)
    %scan3A = arith.constant 0 : i32
    %scan3A_3 = arith.constant 0 : i32
    %scan3A_4 = arith.constant 80 : i32
    %scan3A_5 = arith.addi %scan3A_3, %scan3A_4 : i32
    %scan3A_6 = arith.constant 1 : i32
    scf.for %scan3A_11 = %scan3A_3 to %scan3A_5 step %scan3A_6  : i32 {
      "tpu.region"() ({
        %run_scoped3A = tpu.sem_alloc : memref<!tpu.dma_semaphore, #tpu.memory_space<semaphore_mem>>
        %dma_start3A = arith.constant 0 : i32
        %dma_start3A_12 = tpu.memref_slice %arg6[%scan3A_11, %dma_start3A] : memref<80x128xi32, #tpu.memory_space<vmem>> -> memref<1x128xi32, #tpu.memory_space<vmem>>
        %dma_start3A_13 = tpu.memref_squeeze %dma_start3A_12 : memref<1x128xi32, #tpu.memory_space<vmem>> -> memref<128xi32, #tpu.memory_space<vmem>>
        %dma_start3A_14 = arith.constant 0 : i32
        %dma_start3A_15 = arith.constant 0 : i32
        %dma_start3A_16 = tpu.memref_slice %arg8[%dma_start3A_14, %dma_start3A_15] : memref<10240x16xf32, #tpu.memory_space<vmem_shared>> -> memref<10240x16xf32, #tpu.memory_space<vmem_shared>>
        tpu.enqueue_indirect_dma source(%arg7 : memref<128x16xf32, #tpu.memory_space<vmem>>) target(%dma_start3A_16 : memref<10240x16xf32, #tpu.memory_space<vmem_shared>>) offsets(%dma_start3A_13 : memref<128xi32, #tpu.memory_space<vmem>>) semaphore(%run_scoped3A : memref<!tpu.dma_semaphore, #tpu.memory_space<semaphore_mem>>) {add = true}
        %dma_wait3A = arith.constant 0 : i32
        %dma_wait3A_17 = tpu.memref_slice %arg6[%scan3A_11, %dma_wait3A] : memref<80x128xi32, #tpu.memory_space<vmem>> -> memref<1x128xi32, #tpu.memory_space<vmem>>
        %dma_wait3A_18 = tpu.memref_squeeze %dma_wait3A_17 : memref<1x128xi32, #tpu.memory_space<vmem>> -> memref<128xi32, #tpu.memory_space<vmem>>
        %dma_wait3A_19 = arith.constant 0 : i32
        %dma_wait3A_20 = arith.constant 0 : i32
        %dma_wait3A_21 = tpu.memref_slice %arg8[%dma_wait3A_19, %dma_wait3A_20] : memref<10240x16xf32, #tpu.memory_space<vmem_shared>> -> memref<10240x16xf32, #tpu.memory_space<vmem_shared>>
        tpu.wait_indirect_dma semaphore(%run_scoped3A : memref<!tpu.dma_semaphore, #tpu.memory_space<semaphore_mem>>) src(%arg7 : memref<128x16xf32, #tpu.memory_space<vmem>>) dst(%dma_wait3A_21 : memref<10240x16xf32, #tpu.memory_space<vmem_shared>>)
        tpu.yield
      }) : () -> ()
    }
    %scan3A_7 = arith.constant 80 : i32
    %barrier3A_8 = arith.constant 0 : index
    tpu.barrier barrier_id(%barrier3A_8)
    %mul3A_9 = arith.constant 625 : i32
    %mul3A_10 = arith.muli %arg1, %mul3A_9 : i32
    "tpu.region"() ({
      %run_scoped3A = tpu.sem_alloc : memref<!tpu.dma_semaphore, #tpu.memory_space<semaphore_mem>>
      %dma_start3A = arith.constant 0 : i32
      %dma_start3A_11 = tpu.memref_slice %arg5[%arg0, %mul3A_10, %dma_start3A] : memref<2x10000x16xf32, #tpu.memory_space<hbm>> -> memref<1x625x16xf32, #tpu.memory_space<hbm>>
      %dma_start3A_12 = tpu.memref_squeeze %dma_start3A_11 : memref<1x625x16xf32, #tpu.memory_space<hbm>> -> memref<625x16xf32, #tpu.memory_space<hbm>>
      %dma_start3A_13 = arith.constant 0 : i32
      %dma_start3A_14 = tpu.memref_slice %arg8[%mul3A_10, %dma_start3A_13] : memref<10240x16xf32, #tpu.memory_space<vmem_shared>> -> memref<625x16xf32, #tpu.memory_space<vmem_shared>>
      tpu.enqueue_dma source(%dma_start3A_14 : memref<625x16xf32, #tpu.memory_space<vmem_shared>>) target(%dma_start3A_12 : memref<625x16xf32, #tpu.memory_space<hbm>>) target_semaphore(%run_scoped3A : memref<!tpu.dma_semaphore, #tpu.memory_space<semaphore_mem>>)
      %dma_wait3A = arith.constant 0 : i32
      %dma_wait3A_15 = tpu.memref_slice %arg5[%arg0, %mul3A_10, %dma_wait3A] : memref<2x10000x16xf32, #tpu.memory_space<hbm>> -> memref<1x625x16xf32, #tpu.memory_space<hbm>>
      %dma_wait3A_16 = tpu.memref_squeeze %dma_wait3A_15 : memref<1x625x16xf32, #tpu.memory_space<hbm>> -> memref<625x16xf32, #tpu.memory_space<hbm>>
      %dma_wait3A_17 = arith.constant 0 : i32
      %dma_wait3A_18 = tpu.memref_slice %arg8[%mul3A_10, %dma_wait3A_17] : memref<10240x16xf32, #tpu.memory_space<vmem_shared>> -> memref<625x16xf32, #tpu.memory_space<vmem_shared>>
      tpu.wait_dma2 semaphore(%run_scoped3A : memref<!tpu.dma_semaphore, #tpu.memory_space<semaphore_mem>>) src(%dma_wait3A_18 : memref<625x16xf32, #tpu.memory_space<vmem_shared>>) dst(%dma_wait3A_16 : memref<625x16xf32, #tpu.memory_space<hbm>>)
      tpu.yield
    }) : () -> ()
    return
  }
}

#map = affine_map<(d0, d1) -> (0, 0, 0)>
#map1 = affine_map<(d0, d1) -> (0, 0)>
module attributes {stable_mosaic.version = 14 : i64} {
  func.func @_sc_aggregate(%arg0: i32, %arg1: i32, %arg2: memref<2x10000x64xf32, #tpu.memory_space<hbm>>, %arg3: memref<32x80x128xi32, #tpu.memory_space<hbm>>, %arg4: memref<32x80x128xi32, #tpu.memory_space<hbm>>, %arg5: memref<10240x64xf32, #tpu.memory_space<hbm>>, %arg6: memref<2x10000x64xf32, #tpu.memory_space<hbm>>, %arg7: memref<80x128xi32, #tpu.memory_space<vmem>>, %arg8: memref<80x128xi32, #tpu.memory_space<vmem>>, %arg9: memref<128x64xf32, #tpu.memory_space<vmem>>, %arg10: memref<128x64xf32, #tpu.memory_space<vmem>>, %arg11: memref<128x64xf32, #tpu.memory_space<vmem>>, %arg12: memref<128x64xf32, #tpu.memory_space<vmem>>, %arg13: memref<128x64xf32, #tpu.memory_space<vmem>>, %arg14: memref<128x64xf32, #tpu.memory_space<vmem>>, %arg15: memref<128x64xf32, #tpu.memory_space<vmem>>, %arg16: memref<128x64xf32, #tpu.memory_space<vmem>>, %arg17: memref<10240x64xf32, #tpu.memory_space<vmem_shared>>, %arg18: memref<!tpu.dma_semaphore, #tpu.memory_space<semaphore_mem>>, %arg19: memref<!tpu.dma_semaphore, #tpu.memory_space<semaphore_mem>>, %arg20: memref<!tpu.dma_semaphore, #tpu.memory_space<semaphore_mem>>, %arg21: memref<!tpu.dma_semaphore, #tpu.memory_space<semaphore_mem>>, %arg22: memref<!tpu.dma_semaphore, #tpu.memory_space<semaphore_mem>>, %arg23: memref<!tpu.dma_semaphore, #tpu.memory_space<semaphore_mem>>, %arg24: memref<!tpu.dma_semaphore, #tpu.memory_space<semaphore_mem>>, %arg25: memref<!tpu.dma_semaphore, #tpu.memory_space<semaphore_mem>>, %arg26: memref<!tpu.dma_semaphore, #tpu.memory_space<semaphore_mem>>, %arg27: memref<!tpu.dma_semaphore, #tpu.memory_space<semaphore_mem>>, %arg28: memref<!tpu.dma_semaphore, #tpu.memory_space<semaphore_mem>>, %arg29: memref<!tpu.dma_semaphore, #tpu.memory_space<semaphore_mem>>, %arg30: memref<!tpu.dma_semaphore, #tpu.memory_space<semaphore_mem>>, %arg31: memref<!tpu.dma_semaphore, #tpu.memory_space<semaphore_mem>>, %arg32: memref<!tpu.dma_semaphore, #tpu.memory_space<semaphore_mem>>, %arg33: memref<!tpu.dma_semaphore, #tpu.memory_space<semaphore_mem>>) attributes {dimension_semantics = [#tpu.dimension_semantics<core_parallel>, #tpu.dimension_semantics<subcore_parallel>], iteration_bounds = array<i64: 2, 16>, scalar_prefetch = 0 : i64, scratch_operands = 27 : i64, tpu.core_type = #tpu.core_type<sc_vector_subcore>, window_params = [{transform_indices = #map}, {transform_indices = #map}, {transform_indices = #map}, {transform_indices = #map1}, {transform_indices = #map}]} {
    %mul3A = arith.constant 2 : i32
    %mul3A_0 = arith.muli %arg1, %mul3A : i32
    %add3A = arith.addi %mul3A_0, %arg0 : i32
    %mul3A_1 = arith.constant 640 : i32
    %mul3A_2 = arith.muli %arg1, %mul3A_1 : i32
    %mul3A_3 = arith.constant 625 : i32
    %mul3A_4 = arith.muli %arg1, %mul3A_3 : i32
    "tpu.region"() ({
      %run_scoped3A = tpu.sem_alloc : memref<!tpu.dma_semaphore, #tpu.memory_space<semaphore_mem>>
      %dma_start3A_81 = arith.constant 0 : i32
      %dma_start3A_82 = tpu.memref_slice %arg17[%mul3A_2, %dma_start3A_81] : memref<10240x64xf32, #tpu.memory_space<vmem_shared>> -> memref<640x64xf32, #tpu.memory_space<vmem_shared>>
      %dma_start3A_83 = arith.constant 0 : i32
      %dma_start3A_84 = tpu.memref_slice %arg5[%mul3A_2, %dma_start3A_83] : memref<10240x64xf32, #tpu.memory_space<hbm>> -> memref<640x64xf32, #tpu.memory_space<hbm>>
      tpu.enqueue_dma source(%dma_start3A_84 : memref<640x64xf32, #tpu.memory_space<hbm>>) target(%dma_start3A_82 : memref<640x64xf32, #tpu.memory_space<vmem_shared>>) target_semaphore(%run_scoped3A : memref<!tpu.dma_semaphore, #tpu.memory_space<semaphore_mem>>)
      %dma_wait3A_85 = arith.constant 0 : i32
      %dma_wait3A_86 = tpu.memref_slice %arg17[%mul3A_2, %dma_wait3A_85] : memref<10240x64xf32, #tpu.memory_space<vmem_shared>> -> memref<640x64xf32, #tpu.memory_space<vmem_shared>>
      %dma_wait3A_87 = arith.constant 0 : i32
      %dma_wait3A_88 = tpu.memref_slice %arg5[%mul3A_2, %dma_wait3A_87] : memref<10240x64xf32, #tpu.memory_space<hbm>> -> memref<640x64xf32, #tpu.memory_space<hbm>>
      tpu.wait_dma2 semaphore(%run_scoped3A : memref<!tpu.dma_semaphore, #tpu.memory_space<semaphore_mem>>) src(%dma_wait3A_88 : memref<640x64xf32, #tpu.memory_space<hbm>>) dst(%dma_wait3A_86 : memref<640x64xf32, #tpu.memory_space<vmem_shared>>)
      tpu.yield
    }) : () -> ()
    "tpu.region"() ({
      %run_scoped3A = tpu.sem_alloc : memref<!tpu.dma_semaphore, #tpu.memory_space<semaphore_mem>>
      %dma_start3A_81 = arith.constant 0 : i32
      %dma_start3A_82 = arith.constant 0 : i32
      %dma_start3A_83 = tpu.memref_slice %arg3[%add3A, %dma_start3A_81, %dma_start3A_82] : memref<32x80x128xi32, #tpu.memory_space<hbm>> -> memref<1x80x128xi32, #tpu.memory_space<hbm>>
      %dma_start3A_84 = tpu.memref_squeeze %dma_start3A_83 : memref<1x80x128xi32, #tpu.memory_space<hbm>> -> memref<80x128xi32, #tpu.memory_space<hbm>>
      %dma_start3A_85 = arith.constant 0 : i32
      %dma_start3A_86 = arith.constant 0 : i32
      %dma_start3A_87 = tpu.memref_slice %arg3[%add3A, %dma_start3A_85, %dma_start3A_86] : memref<32x80x128xi32, #tpu.memory_space<hbm>> -> memref<1x80x128xi32, #tpu.memory_space<hbm>>
      %dma_start3A_88 = tpu.memref_squeeze %dma_start3A_87 : memref<1x80x128xi32, #tpu.memory_space<hbm>> -> memref<80x128xi32, #tpu.memory_space<hbm>>
      tpu.enqueue_dma source(%dma_start3A_88 : memref<80x128xi32, #tpu.memory_space<hbm>>) target(%arg7 : memref<80x128xi32, #tpu.memory_space<vmem>>) target_semaphore(%run_scoped3A : memref<!tpu.dma_semaphore, #tpu.memory_space<semaphore_mem>>)
      %dma_wait3A_89 = arith.constant 0 : i32
      %dma_wait3A_90 = arith.constant 0 : i32
      %dma_wait3A_91 = tpu.memref_slice %arg3[%add3A, %dma_wait3A_89, %dma_wait3A_90] : memref<32x80x128xi32, #tpu.memory_space<hbm>> -> memref<1x80x128xi32, #tpu.memory_space<hbm>>
      %dma_wait3A_92 = tpu.memref_squeeze %dma_wait3A_91 : memref<1x80x128xi32, #tpu.memory_space<hbm>> -> memref<80x128xi32, #tpu.memory_space<hbm>>
      %dma_wait3A_93 = arith.constant 0 : i32
      %dma_wait3A_94 = arith.constant 0 : i32
      %dma_wait3A_95 = tpu.memref_slice %arg3[%add3A, %dma_wait3A_93, %dma_wait3A_94] : memref<32x80x128xi32, #tpu.memory_space<hbm>> -> memref<1x80x128xi32, #tpu.memory_space<hbm>>
      %dma_wait3A_96 = tpu.memref_squeeze %dma_wait3A_95 : memref<1x80x128xi32, #tpu.memory_space<hbm>> -> memref<80x128xi32, #tpu.memory_space<hbm>>
      tpu.wait_dma2 semaphore(%run_scoped3A : memref<!tpu.dma_semaphore, #tpu.memory_space<semaphore_mem>>) src(%dma_wait3A_96 : memref<80x128xi32, #tpu.memory_space<hbm>>) dst(%arg7 : memref<80x128xi32, #tpu.memory_space<vmem>>)
      tpu.yield
    }) : () -> ()
    "tpu.region"() ({
      %run_scoped3A = tpu.sem_alloc : memref<!tpu.dma_semaphore, #tpu.memory_space<semaphore_mem>>
      %dma_start3A_81 = arith.constant 0 : i32
      %dma_start3A_82 = arith.constant 0 : i32
      %dma_start3A_83 = tpu.memref_slice %arg4[%add3A, %dma_start3A_81, %dma_start3A_82] : memref<32x80x128xi32, #tpu.memory_space<hbm>> -> memref<1x80x128xi32, #tpu.memory_space<hbm>>
      %dma_start3A_84 = tpu.memref_squeeze %dma_start3A_83 : memref<1x80x128xi32, #tpu.memory_space<hbm>> -> memref<80x128xi32, #tpu.memory_space<hbm>>
      %dma_start3A_85 = arith.constant 0 : i32
      %dma_start3A_86 = arith.constant 0 : i32
      %dma_start3A_87 = tpu.memref_slice %arg4[%add3A, %dma_start3A_85, %dma_start3A_86] : memref<32x80x128xi32, #tpu.memory_space<hbm>> -> memref<1x80x128xi32, #tpu.memory_space<hbm>>
      %dma_start3A_88 = tpu.memref_squeeze %dma_start3A_87 : memref<1x80x128xi32, #tpu.memory_space<hbm>> -> memref<80x128xi32, #tpu.memory_space<hbm>>
      tpu.enqueue_dma source(%dma_start3A_88 : memref<80x128xi32, #tpu.memory_space<hbm>>) target(%arg8 : memref<80x128xi32, #tpu.memory_space<vmem>>) target_semaphore(%run_scoped3A : memref<!tpu.dma_semaphore, #tpu.memory_space<semaphore_mem>>)
      %dma_wait3A_89 = arith.constant 0 : i32
      %dma_wait3A_90 = arith.constant 0 : i32
      %dma_wait3A_91 = tpu.memref_slice %arg4[%add3A, %dma_wait3A_89, %dma_wait3A_90] : memref<32x80x128xi32, #tpu.memory_space<hbm>> -> memref<1x80x128xi32, #tpu.memory_space<hbm>>
      %dma_wait3A_92 = tpu.memref_squeeze %dma_wait3A_91 : memref<1x80x128xi32, #tpu.memory_space<hbm>> -> memref<80x128xi32, #tpu.memory_space<hbm>>
      %dma_wait3A_93 = arith.constant 0 : i32
      %dma_wait3A_94 = arith.constant 0 : i32
      %dma_wait3A_95 = tpu.memref_slice %arg4[%add3A, %dma_wait3A_93, %dma_wait3A_94] : memref<32x80x128xi32, #tpu.memory_space<hbm>> -> memref<1x80x128xi32, #tpu.memory_space<hbm>>
      %dma_wait3A_96 = tpu.memref_squeeze %dma_wait3A_95 : memref<1x80x128xi32, #tpu.memory_space<hbm>> -> memref<80x128xi32, #tpu.memory_space<hbm>>
      tpu.wait_dma2 semaphore(%run_scoped3A : memref<!tpu.dma_semaphore, #tpu.memory_space<semaphore_mem>>) src(%dma_wait3A_96 : memref<80x128xi32, #tpu.memory_space<hbm>>) dst(%arg8 : memref<80x128xi32, #tpu.memory_space<vmem>>)
      tpu.yield
    }) : () -> ()
    %barrier3A = arith.constant 0 : index
    tpu.barrier barrier_id(%barrier3A)
    %dma_start3A = arith.constant 0 : i32
    %dma_start3A_5 = arith.constant 0 : i32
    %dma_start3A_6 = tpu.memref_slice %arg7[%dma_start3A, %dma_start3A_5] : memref<80x128xi32, #tpu.memory_space<vmem>> -> memref<1x128xi32, #tpu.memory_space<vmem>>
    %dma_start3A_7 = tpu.memref_squeeze %dma_start3A_6 : memref<1x128xi32, #tpu.memory_space<vmem>> -> memref<128xi32, #tpu.memory_space<vmem>>
    %dma_start3A_8 = arith.constant 0 : i32
    %dma_start3A_9 = arith.constant 0 : i32
    %dma_start3A_10 = tpu.memref_slice %arg2[%arg0, %dma_start3A_8, %dma_start3A_9] : memref<2x10000x64xf32, #tpu.memory_space<hbm>> -> memref<1x10000x64xf32, #tpu.memory_space<hbm>>
    %dma_start3A_11 = tpu.memref_squeeze %dma_start3A_10 : memref<1x10000x64xf32, #tpu.memory_space<hbm>> -> memref<10000x64xf32, #tpu.memory_space<hbm>>
    %dma_start3A_12 = arith.constant 0 : i32
    %dma_start3A_13 = arith.constant 0 : i32
    %dma_start3A_14 = tpu.memref_slice %dma_start3A_11[%dma_start3A_12, %dma_start3A_13] : memref<10000x64xf32, #tpu.memory_space<hbm>> -> memref<10000x64xf32, #tpu.memory_space<hbm>>
    tpu.enqueue_indirect_dma source(%dma_start3A_14 : memref<10000x64xf32, #tpu.memory_space<hbm>>) target(%arg9 : memref<128x64xf32, #tpu.memory_space<vmem>>) offsets(%dma_start3A_7 : memref<128xi32, #tpu.memory_space<vmem>>) semaphore(%arg18 : memref<!tpu.dma_semaphore, #tpu.memory_space<semaphore_mem>>)
    %dma_start3A_15 = arith.constant 1 : i32
    %dma_start3A_16 = arith.constant 0 : i32
    %dma_start3A_17 = tpu.memref_slice %arg7[%dma_start3A_15, %dma_start3A_16] : memref<80x128xi32, #tpu.memory_space<vmem>> -> memref<1x128xi32, #tpu.memory_space<vmem>>
    %dma_start3A_18 = tpu.memref_squeeze %dma_start3A_17 : memref<1x128xi32, #tpu.memory_space<vmem>> -> memref<128xi32, #tpu.memory_space<vmem>>
    %dma_start3A_19 = arith.constant 0 : i32
    %dma_start3A_20 = arith.constant 0 : i32
    %dma_start3A_21 = tpu.memref_slice %arg2[%arg0, %dma_start3A_19, %dma_start3A_20] : memref<2x10000x64xf32, #tpu.memory_space<hbm>> -> memref<1x10000x64xf32, #tpu.memory_space<hbm>>
    %dma_start3A_22 = tpu.memref_squeeze %dma_start3A_21 : memref<1x10000x64xf32, #tpu.memory_space<hbm>> -> memref<10000x64xf32, #tpu.memory_space<hbm>>
    %dma_start3A_23 = arith.constant 0 : i32
    %dma_start3A_24 = arith.constant 0 : i32
    %dma_start3A_25 = tpu.memref_slice %dma_start3A_22[%dma_start3A_23, %dma_start3A_24] : memref<10000x64xf32, #tpu.memory_space<hbm>> -> memref<10000x64xf32, #tpu.memory_space<hbm>>
    tpu.enqueue_indirect_dma source(%dma_start3A_25 : memref<10000x64xf32, #tpu.memory_space<hbm>>) target(%arg10 : memref<128x64xf32, #tpu.memory_space<vmem>>) offsets(%dma_start3A_18 : memref<128xi32, #tpu.memory_space<vmem>>) semaphore(%arg19 : memref<!tpu.dma_semaphore, #tpu.memory_space<semaphore_mem>>)
    %dma_start3A_26 = arith.constant 2 : i32
    %dma_start3A_27 = arith.constant 0 : i32
    %dma_start3A_28 = tpu.memref_slice %arg7[%dma_start3A_26, %dma_start3A_27] : memref<80x128xi32, #tpu.memory_space<vmem>> -> memref<1x128xi32, #tpu.memory_space<vmem>>
    %dma_start3A_29 = tpu.memref_squeeze %dma_start3A_28 : memref<1x128xi32, #tpu.memory_space<vmem>> -> memref<128xi32, #tpu.memory_space<vmem>>
    %dma_start3A_30 = arith.constant 0 : i32
    %dma_start3A_31 = arith.constant 0 : i32
    %dma_start3A_32 = tpu.memref_slice %arg2[%arg0, %dma_start3A_30, %dma_start3A_31] : memref<2x10000x64xf32, #tpu.memory_space<hbm>> -> memref<1x10000x64xf32, #tpu.memory_space<hbm>>
    %dma_start3A_33 = tpu.memref_squeeze %dma_start3A_32 : memref<1x10000x64xf32, #tpu.memory_space<hbm>> -> memref<10000x64xf32, #tpu.memory_space<hbm>>
    %dma_start3A_34 = arith.constant 0 : i32
    %dma_start3A_35 = arith.constant 0 : i32
    %dma_start3A_36 = tpu.memref_slice %dma_start3A_33[%dma_start3A_34, %dma_start3A_35] : memref<10000x64xf32, #tpu.memory_space<hbm>> -> memref<10000x64xf32, #tpu.memory_space<hbm>>
    tpu.enqueue_indirect_dma source(%dma_start3A_36 : memref<10000x64xf32, #tpu.memory_space<hbm>>) target(%arg11 : memref<128x64xf32, #tpu.memory_space<vmem>>) offsets(%dma_start3A_29 : memref<128xi32, #tpu.memory_space<vmem>>) semaphore(%arg20 : memref<!tpu.dma_semaphore, #tpu.memory_space<semaphore_mem>>)
    %dma_start3A_37 = arith.constant 3 : i32
    %dma_start3A_38 = arith.constant 0 : i32
    %dma_start3A_39 = tpu.memref_slice %arg7[%dma_start3A_37, %dma_start3A_38] : memref<80x128xi32, #tpu.memory_space<vmem>> -> memref<1x128xi32, #tpu.memory_space<vmem>>
    %dma_start3A_40 = tpu.memref_squeeze %dma_start3A_39 : memref<1x128xi32, #tpu.memory_space<vmem>> -> memref<128xi32, #tpu.memory_space<vmem>>
    %dma_start3A_41 = arith.constant 0 : i32
    %dma_start3A_42 = arith.constant 0 : i32
    %dma_start3A_43 = tpu.memref_slice %arg2[%arg0, %dma_start3A_41, %dma_start3A_42] : memref<2x10000x64xf32, #tpu.memory_space<hbm>> -> memref<1x10000x64xf32, #tpu.memory_space<hbm>>
    %dma_start3A_44 = tpu.memref_squeeze %dma_start3A_43 : memref<1x10000x64xf32, #tpu.memory_space<hbm>> -> memref<10000x64xf32, #tpu.memory_space<hbm>>
    %dma_start3A_45 = arith.constant 0 : i32
    %dma_start3A_46 = arith.constant 0 : i32
    %dma_start3A_47 = tpu.memref_slice %dma_start3A_44[%dma_start3A_45, %dma_start3A_46] : memref<10000x64xf32, #tpu.memory_space<hbm>> -> memref<10000x64xf32, #tpu.memory_space<hbm>>
    tpu.enqueue_indirect_dma source(%dma_start3A_47 : memref<10000x64xf32, #tpu.memory_space<hbm>>) target(%arg12 : memref<128x64xf32, #tpu.memory_space<vmem>>) offsets(%dma_start3A_40 : memref<128xi32, #tpu.memory_space<vmem>>) semaphore(%arg21 : memref<!tpu.dma_semaphore, #tpu.memory_space<semaphore_mem>>)
    %scan3A = arith.constant 0 : i32
    %scan3A_48 = arith.constant 0 : i32
    %scan3A_49 = arith.constant 10 : i32
    %scan3A_50 = arith.addi %scan3A_48, %scan3A_49 : i32
    %scan3A_51 = arith.constant 1 : i32
    scf.for %scan3A_81 = %scan3A_48 to %scan3A_50 step %scan3A_51  : i32 {
      %mul3A_82 = arith.constant 8 : i32
      %mul3A_83 = arith.muli %scan3A_81, %mul3A_82 : i32
      %add3A_84 = arith.constant 0 : i32
      %add3A_85 = arith.addi %mul3A_83, %add3A_84 : i32
      %dma_wait3A_86 = arith.constant 0 : i32
      %dma_wait3A_87 = arith.constant 0 : i32
      %dma_wait3A_88 = tpu.memref_slice %arg2[%arg0, %dma_wait3A_86, %dma_wait3A_87] : memref<2x10000x64xf32, #tpu.memory_space<hbm>> -> memref<1x10000x64xf32, #tpu.memory_space<hbm>>
      %dma_wait3A_89 = tpu.memref_squeeze %dma_wait3A_88 : memref<1x10000x64xf32, #tpu.memory_space<hbm>> -> memref<10000x64xf32, #tpu.memory_space<hbm>>
      %dma_wait3A_90 = arith.constant 0 : i32
      %dma_wait3A_91 = arith.constant 0 : i32
      %dma_wait3A_92 = tpu.memref_slice %arg2[%arg0, %dma_wait3A_90, %dma_wait3A_91] : memref<2x10000x64xf32, #tpu.memory_space<hbm>> -> memref<1x10000x64xf32, #tpu.memory_space<hbm>>
      %dma_wait3A_93 = tpu.memref_squeeze %dma_wait3A_92 : memref<1x10000x64xf32, #tpu.memory_space<hbm>> -> memref<10000x64xf32, #tpu.memory_space<hbm>>
      tpu.wait_dma2 semaphore(%arg18 : memref<!tpu.dma_semaphore, #tpu.memory_space<semaphore_mem>>) src(%dma_wait3A_93 : memref<10000x64xf32, #tpu.memory_space<hbm>>) dst(%arg9 : memref<128x64xf32, #tpu.memory_space<vmem>>)
      %dma_start3A_94 = arith.constant 0 : i32
      %dma_start3A_95 = tpu.memref_slice %arg8[%add3A_85, %dma_start3A_94] : memref<80x128xi32, #tpu.memory_space<vmem>> -> memref<1x128xi32, #tpu.memory_space<vmem>>
      %dma_start3A_96 = tpu.memref_squeeze %dma_start3A_95 : memref<1x128xi32, #tpu.memory_space<vmem>> -> memref<128xi32, #tpu.memory_space<vmem>>
      %dma_start3A_97 = arith.constant 0 : i32
      %dma_start3A_98 = arith.constant 0 : i32
      %dma_start3A_99 = tpu.memref_slice %arg17[%dma_start3A_97, %dma_start3A_98] : memref<10240x64xf32, #tpu.memory_space<vmem_shared>> -> memref<10240x64xf32, #tpu.memory_space<vmem_shared>>
      tpu.enqueue_indirect_dma source(%arg9 : memref<128x64xf32, #tpu.memory_space<vmem>>) target(%dma_start3A_99 : memref<10240x64xf32, #tpu.memory_space<vmem_shared>>) offsets(%dma_start3A_96 : memref<128xi32, #tpu.memory_space<vmem>>) semaphore(%arg26 : memref<!tpu.dma_semaphore, #tpu.memory_space<semaphore_mem>>) {add = true}
      %ge3A = arith.constant 4 : i32
      %ge3A_100 = arith.cmpi sge, %add3A_85, %ge3A : i32
      %convert_element_type3A = arith.extui %ge3A_100 : i1 to i32
      %cond3A = arith.constant 0 : i32
      %cond3A_101 = arith.cmpi ne, %convert_element_type3A, %cond3A : i32
      scf.if %cond3A_101 {
        %dma_wait3A_318 = arith.constant 0 : i32
        %dma_wait3A_319 = arith.constant 0 : i32
        %dma_wait3A_320 = tpu.memref_slice %arg8[%dma_wait3A_318, %dma_wait3A_319] : memref<80x128xi32, #tpu.memory_space<vmem>> -> memref<1x128xi32, #tpu.memory_space<vmem>>
        %dma_wait3A_321 = tpu.memref_squeeze %dma_wait3A_320 : memref<1x128xi32, #tpu.memory_space<vmem>> -> memref<128xi32, #tpu.memory_space<vmem>>
        %dma_wait3A_322 = arith.constant 0 : i32
        %dma_wait3A_323 = arith.constant 0 : i32
        %dma_wait3A_324 = tpu.memref_slice %arg17[%dma_wait3A_322, %dma_wait3A_323] : memref<10240x64xf32, #tpu.memory_space<vmem_shared>> -> memref<10240x64xf32, #tpu.memory_space<vmem_shared>>
        tpu.wait_indirect_dma semaphore(%arg30 : memref<!tpu.dma_semaphore, #tpu.memory_space<semaphore_mem>>) src(%arg13 : memref<128x64xf32, #tpu.memory_space<vmem>>) dst(%dma_wait3A_324 : memref<10240x64xf32, #tpu.memory_space<vmem_shared>>)
      } else {
      }
      %add3A_102 = arith.constant 4 : i32
      %add3A_103 = arith.addi %add3A_85, %add3A_102 : i32
      %lt3A = arith.constant 80 : i32
      %lt3A_104 = arith.cmpi slt, %add3A_103, %lt3A : i32
      %convert_element_type3A_105 = arith.extui %lt3A_104 : i1 to i32
      %cond3A_106 = arith.constant 0 : i32
      %cond3A_107 = arith.cmpi ne, %convert_element_type3A_105, %cond3A_106 : i32
      scf.if %cond3A_107 {
        %add3A_318 = arith.constant 4 : i32
        %add3A_319 = arith.addi %add3A_85, %add3A_318 : i32
        %dma_start3A_320 = arith.constant 0 : i32
        %dma_start3A_321 = tpu.memref_slice %arg7[%add3A_319, %dma_start3A_320] : memref<80x128xi32, #tpu.memory_space<vmem>> -> memref<1x128xi32, #tpu.memory_space<vmem>>
        %dma_start3A_322 = tpu.memref_squeeze %dma_start3A_321 : memref<1x128xi32, #tpu.memory_space<vmem>> -> memref<128xi32, #tpu.memory_space<vmem>>
        %dma_start3A_323 = arith.constant 0 : i32
        %dma_start3A_324 = arith.constant 0 : i32
        %dma_start3A_325 = tpu.memref_slice %arg2[%arg0, %dma_start3A_323, %dma_start3A_324] : memref<2x10000x64xf32, #tpu.memory_space<hbm>> -> memref<1x10000x64xf32, #tpu.memory_space<hbm>>
        %dma_start3A_326 = tpu.memref_squeeze %dma_start3A_325 : memref<1x10000x64xf32, #tpu.memory_space<hbm>> -> memref<10000x64xf32, #tpu.memory_space<hbm>>
        %dma_start3A_327 = arith.constant 0 : i32
        %dma_start3A_328 = arith.constant 0 : i32
        %dma_start3A_329 = tpu.memref_slice %dma_start3A_326[%dma_start3A_327, %dma_start3A_328] : memref<10000x64xf32, #tpu.memory_space<hbm>> -> memref<10000x64xf32, #tpu.memory_space<hbm>>
        tpu.enqueue_indirect_dma source(%dma_start3A_329 : memref<10000x64xf32, #tpu.memory_space<hbm>>) target(%arg13 : memref<128x64xf32, #tpu.memory_space<vmem>>) offsets(%dma_start3A_322 : memref<128xi32, #tpu.memory_space<vmem>>) semaphore(%arg22 : memref<!tpu.dma_semaphore, #tpu.memory_space<semaphore_mem>>)
      } else {
      }
      %mul3A_108 = arith.constant 8 : i32
      %mul3A_109 = arith.muli %scan3A_81, %mul3A_108 : i32
      %add3A_110 = arith.constant 1 : i32
      %add3A_111 = arith.addi %mul3A_109, %add3A_110 : i32
      %dma_wait3A_112 = arith.constant 0 : i32
      %dma_wait3A_113 = arith.constant 0 : i32
      %dma_wait3A_114 = tpu.memref_slice %arg2[%arg0, %dma_wait3A_112, %dma_wait3A_113] : memref<2x10000x64xf32, #tpu.memory_space<hbm>> -> memref<1x10000x64xf32, #tpu.memory_space<hbm>>
      %dma_wait3A_115 = tpu.memref_squeeze %dma_wait3A_114 : memref<1x10000x64xf32, #tpu.memory_space<hbm>> -> memref<10000x64xf32, #tpu.memory_space<hbm>>
      %dma_wait3A_116 = arith.constant 0 : i32
      %dma_wait3A_117 = arith.constant 0 : i32
      %dma_wait3A_118 = tpu.memref_slice %arg2[%arg0, %dma_wait3A_116, %dma_wait3A_117] : memref<2x10000x64xf32, #tpu.memory_space<hbm>> -> memref<1x10000x64xf32, #tpu.memory_space<hbm>>
      %dma_wait3A_119 = tpu.memref_squeeze %dma_wait3A_118 : memref<1x10000x64xf32, #tpu.memory_space<hbm>> -> memref<10000x64xf32, #tpu.memory_space<hbm>>
      tpu.wait_dma2 semaphore(%arg19 : memref<!tpu.dma_semaphore, #tpu.memory_space<semaphore_mem>>) src(%dma_wait3A_119 : memref<10000x64xf32, #tpu.memory_space<hbm>>) dst(%arg10 : memref<128x64xf32, #tpu.memory_space<vmem>>)
      %dma_start3A_120 = arith.constant 0 : i32
      %dma_start3A_121 = tpu.memref_slice %arg8[%add3A_111, %dma_start3A_120] : memref<80x128xi32, #tpu.memory_space<vmem>> -> memref<1x128xi32, #tpu.memory_space<vmem>>
      %dma_start3A_122 = tpu.memref_squeeze %dma_start3A_121 : memref<1x128xi32, #tpu.memory_space<vmem>> -> memref<128xi32, #tpu.memory_space<vmem>>
      %dma_start3A_123 = arith.constant 0 : i32
      %dma_start3A_124 = arith.constant 0 : i32
      %dma_start3A_125 = tpu.memref_slice %arg17[%dma_start3A_123, %dma_start3A_124] : memref<10240x64xf32, #tpu.memory_space<vmem_shared>> -> memref<10240x64xf32, #tpu.memory_space<vmem_shared>>
      tpu.enqueue_indirect_dma source(%arg10 : memref<128x64xf32, #tpu.memory_space<vmem>>) target(%dma_start3A_125 : memref<10240x64xf32, #tpu.memory_space<vmem_shared>>) offsets(%dma_start3A_122 : memref<128xi32, #tpu.memory_space<vmem>>) semaphore(%arg27 : memref<!tpu.dma_semaphore, #tpu.memory_space<semaphore_mem>>) {add = true}
      %ge3A_126 = arith.constant 4 : i32
      %ge3A_127 = arith.cmpi sge, %add3A_111, %ge3A_126 : i32
      %convert_element_type3A_128 = arith.extui %ge3A_127 : i1 to i32
      %cond3A_129 = arith.constant 0 : i32
      %cond3A_130 = arith.cmpi ne, %convert_element_type3A_128, %cond3A_129 : i32
      scf.if %cond3A_130 {
        %dma_wait3A_318 = arith.constant 0 : i32
        %dma_wait3A_319 = arith.constant 0 : i32
        %dma_wait3A_320 = tpu.memref_slice %arg8[%dma_wait3A_318, %dma_wait3A_319] : memref<80x128xi32, #tpu.memory_space<vmem>> -> memref<1x128xi32, #tpu.memory_space<vmem>>
        %dma_wait3A_321 = tpu.memref_squeeze %dma_wait3A_320 : memref<1x128xi32, #tpu.memory_space<vmem>> -> memref<128xi32, #tpu.memory_space<vmem>>
        %dma_wait3A_322 = arith.constant 0 : i32
        %dma_wait3A_323 = arith.constant 0 : i32
        %dma_wait3A_324 = tpu.memref_slice %arg17[%dma_wait3A_322, %dma_wait3A_323] : memref<10240x64xf32, #tpu.memory_space<vmem_shared>> -> memref<10240x64xf32, #tpu.memory_space<vmem_shared>>
        tpu.wait_indirect_dma semaphore(%arg31 : memref<!tpu.dma_semaphore, #tpu.memory_space<semaphore_mem>>) src(%arg14 : memref<128x64xf32, #tpu.memory_space<vmem>>) dst(%dma_wait3A_324 : memref<10240x64xf32, #tpu.memory_space<vmem_shared>>)
      } else {
      }
      %add3A_131 = arith.constant 4 : i32
      %add3A_132 = arith.addi %add3A_111, %add3A_131 : i32
      %lt3A_133 = arith.constant 80 : i32
      %lt3A_134 = arith.cmpi slt, %add3A_132, %lt3A_133 : i32
      %convert_element_type3A_135 = arith.extui %lt3A_134 : i1 to i32
      %cond3A_136 = arith.constant 0 : i32
      %cond3A_137 = arith.cmpi ne, %convert_element_type3A_135, %cond3A_136 : i32
      scf.if %cond3A_137 {
        %add3A_318 = arith.constant 4 : i32
        %add3A_319 = arith.addi %add3A_111, %add3A_318 : i32
        %dma_start3A_320 = arith.constant 0 : i32
        %dma_start3A_321 = tpu.memref_slice %arg7[%add3A_319, %dma_start3A_320] : memref<80x128xi32, #tpu.memory_space<vmem>> -> memref<1x128xi32, #tpu.memory_space<vmem>>
        %dma_start3A_322 = tpu.memref_squeeze %dma_start3A_321 : memref<1x128xi32, #tpu.memory_space<vmem>> -> memref<128xi32, #tpu.memory_space<vmem>>
        %dma_start3A_323 = arith.constant 0 : i32
        %dma_start3A_324 = arith.constant 0 : i32
        %dma_start3A_325 = tpu.memref_slice %arg2[%arg0, %dma_start3A_323, %dma_start3A_324] : memref<2x10000x64xf32, #tpu.memory_space<hbm>> -> memref<1x10000x64xf32, #tpu.memory_space<hbm>>
        %dma_start3A_326 = tpu.memref_squeeze %dma_start3A_325 : memref<1x10000x64xf32, #tpu.memory_space<hbm>> -> memref<10000x64xf32, #tpu.memory_space<hbm>>
        %dma_start3A_327 = arith.constant 0 : i32
        %dma_start3A_328 = arith.constant 0 : i32
        %dma_start3A_329 = tpu.memref_slice %dma_start3A_326[%dma_start3A_327, %dma_start3A_328] : memref<10000x64xf32, #tpu.memory_space<hbm>> -> memref<10000x64xf32, #tpu.memory_space<hbm>>
        tpu.enqueue_indirect_dma source(%dma_start3A_329 : memref<10000x64xf32, #tpu.memory_space<hbm>>) target(%arg14 : memref<128x64xf32, #tpu.memory_space<vmem>>) offsets(%dma_start3A_322 : memref<128xi32, #tpu.memory_space<vmem>>) semaphore(%arg23 : memref<!tpu.dma_semaphore, #tpu.memory_space<semaphore_mem>>)
      } else {
      }
      %mul3A_138 = arith.constant 8 : i32
      %mul3A_139 = arith.muli %scan3A_81, %mul3A_138 : i32
      %add3A_140 = arith.constant 2 : i32
      %add3A_141 = arith.addi %mul3A_139, %add3A_140 : i32
      %dma_wait3A_142 = arith.constant 0 : i32
      %dma_wait3A_143 = arith.constant 0 : i32
      %dma_wait3A_144 = tpu.memref_slice %arg2[%arg0, %dma_wait3A_142, %dma_wait3A_143] : memref<2x10000x64xf32, #tpu.memory_space<hbm>> -> memref<1x10000x64xf32, #tpu.memory_space<hbm>>
      %dma_wait3A_145 = tpu.memref_squeeze %dma_wait3A_144 : memref<1x10000x64xf32, #tpu.memory_space<hbm>> -> memref<10000x64xf32, #tpu.memory_space<hbm>>
      %dma_wait3A_146 = arith.constant 0 : i32
      %dma_wait3A_147 = arith.constant 0 : i32
      %dma_wait3A_148 = tpu.memref_slice %arg2[%arg0, %dma_wait3A_146, %dma_wait3A_147] : memref<2x10000x64xf32, #tpu.memory_space<hbm>> -> memref<1x10000x64xf32, #tpu.memory_space<hbm>>
      %dma_wait3A_149 = tpu.memref_squeeze %dma_wait3A_148 : memref<1x10000x64xf32, #tpu.memory_space<hbm>> -> memref<10000x64xf32, #tpu.memory_space<hbm>>
      tpu.wait_dma2 semaphore(%arg20 : memref<!tpu.dma_semaphore, #tpu.memory_space<semaphore_mem>>) src(%dma_wait3A_149 : memref<10000x64xf32, #tpu.memory_space<hbm>>) dst(%arg11 : memref<128x64xf32, #tpu.memory_space<vmem>>)
      %dma_start3A_150 = arith.constant 0 : i32
      %dma_start3A_151 = tpu.memref_slice %arg8[%add3A_141, %dma_start3A_150] : memref<80x128xi32, #tpu.memory_space<vmem>> -> memref<1x128xi32, #tpu.memory_space<vmem>>
      %dma_start3A_152 = tpu.memref_squeeze %dma_start3A_151 : memref<1x128xi32, #tpu.memory_space<vmem>> -> memref<128xi32, #tpu.memory_space<vmem>>
      %dma_start3A_153 = arith.constant 0 : i32
      %dma_start3A_154 = arith.constant 0 : i32
      %dma_start3A_155 = tpu.memref_slice %arg17[%dma_start3A_153, %dma_start3A_154] : memref<10240x64xf32, #tpu.memory_space<vmem_shared>> -> memref<10240x64xf32, #tpu.memory_space<vmem_shared>>
      tpu.enqueue_indirect_dma source(%arg11 : memref<128x64xf32, #tpu.memory_space<vmem>>) target(%dma_start3A_155 : memref<10240x64xf32, #tpu.memory_space<vmem_shared>>) offsets(%dma_start3A_152 : memref<128xi32, #tpu.memory_space<vmem>>) semaphore(%arg28 : memref<!tpu.dma_semaphore, #tpu.memory_space<semaphore_mem>>) {add = true}
      %ge3A_156 = arith.constant 4 : i32
      %ge3A_157 = arith.cmpi sge, %add3A_141, %ge3A_156 : i32
      %convert_element_type3A_158 = arith.extui %ge3A_157 : i1 to i32
      %cond3A_159 = arith.constant 0 : i32
      %cond3A_160 = arith.cmpi ne, %convert_element_type3A_158, %cond3A_159 : i32
      scf.if %cond3A_160 {
        %dma_wait3A_318 = arith.constant 0 : i32
        %dma_wait3A_319 = arith.constant 0 : i32
        %dma_wait3A_320 = tpu.memref_slice %arg8[%dma_wait3A_318, %dma_wait3A_319] : memref<80x128xi32, #tpu.memory_space<vmem>> -> memref<1x128xi32, #tpu.memory_space<vmem>>
        %dma_wait3A_321 = tpu.memref_squeeze %dma_wait3A_320 : memref<1x128xi32, #tpu.memory_space<vmem>> -> memref<128xi32, #tpu.memory_space<vmem>>
        %dma_wait3A_322 = arith.constant 0 : i32
        %dma_wait3A_323 = arith.constant 0 : i32
        %dma_wait3A_324 = tpu.memref_slice %arg17[%dma_wait3A_322, %dma_wait3A_323] : memref<10240x64xf32, #tpu.memory_space<vmem_shared>> -> memref<10240x64xf32, #tpu.memory_space<vmem_shared>>
        tpu.wait_indirect_dma semaphore(%arg32 : memref<!tpu.dma_semaphore, #tpu.memory_space<semaphore_mem>>) src(%arg15 : memref<128x64xf32, #tpu.memory_space<vmem>>) dst(%dma_wait3A_324 : memref<10240x64xf32, #tpu.memory_space<vmem_shared>>)
      } else {
      }
      %add3A_161 = arith.constant 4 : i32
      %add3A_162 = arith.addi %add3A_141, %add3A_161 : i32
      %lt3A_163 = arith.constant 80 : i32
      %lt3A_164 = arith.cmpi slt, %add3A_162, %lt3A_163 : i32
      %convert_element_type3A_165 = arith.extui %lt3A_164 : i1 to i32
      %cond3A_166 = arith.constant 0 : i32
      %cond3A_167 = arith.cmpi ne, %convert_element_type3A_165, %cond3A_166 : i32
      scf.if %cond3A_167 {
        %add3A_318 = arith.constant 4 : i32
        %add3A_319 = arith.addi %add3A_141, %add3A_318 : i32
        %dma_start3A_320 = arith.constant 0 : i32
        %dma_start3A_321 = tpu.memref_slice %arg7[%add3A_319, %dma_start3A_320] : memref<80x128xi32, #tpu.memory_space<vmem>> -> memref<1x128xi32, #tpu.memory_space<vmem>>
        %dma_start3A_322 = tpu.memref_squeeze %dma_start3A_321 : memref<1x128xi32, #tpu.memory_space<vmem>> -> memref<128xi32, #tpu.memory_space<vmem>>
        %dma_start3A_323 = arith.constant 0 : i32
        %dma_start3A_324 = arith.constant 0 : i32
        %dma_start3A_325 = tpu.memref_slice %arg2[%arg0, %dma_start3A_323, %dma_start3A_324] : memref<2x10000x64xf32, #tpu.memory_space<hbm>> -> memref<1x10000x64xf32, #tpu.memory_space<hbm>>
        %dma_start3A_326 = tpu.memref_squeeze %dma_start3A_325 : memref<1x10000x64xf32, #tpu.memory_space<hbm>> -> memref<10000x64xf32, #tpu.memory_space<hbm>>
        %dma_start3A_327 = arith.constant 0 : i32
        %dma_start3A_328 = arith.constant 0 : i32
        %dma_start3A_329 = tpu.memref_slice %dma_start3A_326[%dma_start3A_327, %dma_start3A_328] : memref<10000x64xf32, #tpu.memory_space<hbm>> -> memref<10000x64xf32, #tpu.memory_space<hbm>>
        tpu.enqueue_indirect_dma source(%dma_start3A_329 : memref<10000x64xf32, #tpu.memory_space<hbm>>) target(%arg15 : memref<128x64xf32, #tpu.memory_space<vmem>>) offsets(%dma_start3A_322 : memref<128xi32, #tpu.memory_space<vmem>>) semaphore(%arg24 : memref<!tpu.dma_semaphore, #tpu.memory_space<semaphore_mem>>)
      } else {
      }
      %mul3A_168 = arith.constant 8 : i32
      %mul3A_169 = arith.muli %scan3A_81, %mul3A_168 : i32
      %add3A_170 = arith.constant 3 : i32
      %add3A_171 = arith.addi %mul3A_169, %add3A_170 : i32
      %dma_wait3A_172 = arith.constant 0 : i32
      %dma_wait3A_173 = arith.constant 0 : i32
      %dma_wait3A_174 = tpu.memref_slice %arg2[%arg0, %dma_wait3A_172, %dma_wait3A_173] : memref<2x10000x64xf32, #tpu.memory_space<hbm>> -> memref<1x10000x64xf32, #tpu.memory_space<hbm>>
      %dma_wait3A_175 = tpu.memref_squeeze %dma_wait3A_174 : memref<1x10000x64xf32, #tpu.memory_space<hbm>> -> memref<10000x64xf32, #tpu.memory_space<hbm>>
      %dma_wait3A_176 = arith.constant 0 : i32
      %dma_wait3A_177 = arith.constant 0 : i32
      %dma_wait3A_178 = tpu.memref_slice %arg2[%arg0, %dma_wait3A_176, %dma_wait3A_177] : memref<2x10000x64xf32, #tpu.memory_space<hbm>> -> memref<1x10000x64xf32, #tpu.memory_space<hbm>>
      %dma_wait3A_179 = tpu.memref_squeeze %dma_wait3A_178 : memref<1x10000x64xf32, #tpu.memory_space<hbm>> -> memref<10000x64xf32, #tpu.memory_space<hbm>>
      tpu.wait_dma2 semaphore(%arg21 : memref<!tpu.dma_semaphore, #tpu.memory_space<semaphore_mem>>) src(%dma_wait3A_179 : memref<10000x64xf32, #tpu.memory_space<hbm>>) dst(%arg12 : memref<128x64xf32, #tpu.memory_space<vmem>>)
      %dma_start3A_180 = arith.constant 0 : i32
      %dma_start3A_181 = tpu.memref_slice %arg8[%add3A_171, %dma_start3A_180] : memref<80x128xi32, #tpu.memory_space<vmem>> -> memref<1x128xi32, #tpu.memory_space<vmem>>
      %dma_start3A_182 = tpu.memref_squeeze %dma_start3A_181 : memref<1x128xi32, #tpu.memory_space<vmem>> -> memref<128xi32, #tpu.memory_space<vmem>>
      %dma_start3A_183 = arith.constant 0 : i32
      %dma_start3A_184 = arith.constant 0 : i32
      %dma_start3A_185 = tpu.memref_slice %arg17[%dma_start3A_183, %dma_start3A_184] : memref<10240x64xf32, #tpu.memory_space<vmem_shared>> -> memref<10240x64xf32, #tpu.memory_space<vmem_shared>>
      tpu.enqueue_indirect_dma source(%arg12 : memref<128x64xf32, #tpu.memory_space<vmem>>) target(%dma_start3A_185 : memref<10240x64xf32, #tpu.memory_space<vmem_shared>>) offsets(%dma_start3A_182 : memref<128xi32, #tpu.memory_space<vmem>>) semaphore(%arg29 : memref<!tpu.dma_semaphore, #tpu.memory_space<semaphore_mem>>) {add = true}
      %ge3A_186 = arith.constant 4 : i32
      %ge3A_187 = arith.cmpi sge, %add3A_171, %ge3A_186 : i32
      %convert_element_type3A_188 = arith.extui %ge3A_187 : i1 to i32
      %cond3A_189 = arith.constant 0 : i32
      %cond3A_190 = arith.cmpi ne, %convert_element_type3A_188, %cond3A_189 : i32
      scf.if %cond3A_190 {
        %dma_wait3A_318 = arith.constant 0 : i32
        %dma_wait3A_319 = arith.constant 0 : i32
        %dma_wait3A_320 = tpu.memref_slice %arg8[%dma_wait3A_318, %dma_wait3A_319] : memref<80x128xi32, #tpu.memory_space<vmem>> -> memref<1x128xi32, #tpu.memory_space<vmem>>
        %dma_wait3A_321 = tpu.memref_squeeze %dma_wait3A_320 : memref<1x128xi32, #tpu.memory_space<vmem>> -> memref<128xi32, #tpu.memory_space<vmem>>
        %dma_wait3A_322 = arith.constant 0 : i32
        %dma_wait3A_323 = arith.constant 0 : i32
        %dma_wait3A_324 = tpu.memref_slice %arg17[%dma_wait3A_322, %dma_wait3A_323] : memref<10240x64xf32, #tpu.memory_space<vmem_shared>> -> memref<10240x64xf32, #tpu.memory_space<vmem_shared>>
        tpu.wait_indirect_dma semaphore(%arg33 : memref<!tpu.dma_semaphore, #tpu.memory_space<semaphore_mem>>) src(%arg16 : memref<128x64xf32, #tpu.memory_space<vmem>>) dst(%dma_wait3A_324 : memref<10240x64xf32, #tpu.memory_space<vmem_shared>>)
      } else {
      }
      %add3A_191 = arith.constant 4 : i32
      %add3A_192 = arith.addi %add3A_171, %add3A_191 : i32
      %lt3A_193 = arith.constant 80 : i32
      %lt3A_194 = arith.cmpi slt, %add3A_192, %lt3A_193 : i32
      %convert_element_type3A_195 = arith.extui %lt3A_194 : i1 to i32
      %cond3A_196 = arith.constant 0 : i32
      %cond3A_197 = arith.cmpi ne, %convert_element_type3A_195, %cond3A_196 : i32
      scf.if %cond3A_197 {
        %add3A_318 = arith.constant 4 : i32
        %add3A_319 = arith.addi %add3A_171, %add3A_318 : i32
        %dma_start3A_320 = arith.constant 0 : i32
        %dma_start3A_321 = tpu.memref_slice %arg7[%add3A_319, %dma_start3A_320] : memref<80x128xi32, #tpu.memory_space<vmem>> -> memref<1x128xi32, #tpu.memory_space<vmem>>
        %dma_start3A_322 = tpu.memref_squeeze %dma_start3A_321 : memref<1x128xi32, #tpu.memory_space<vmem>> -> memref<128xi32, #tpu.memory_space<vmem>>
        %dma_start3A_323 = arith.constant 0 : i32
        %dma_start3A_324 = arith.constant 0 : i32
        %dma_start3A_325 = tpu.memref_slice %arg2[%arg0, %dma_start3A_323, %dma_start3A_324] : memref<2x10000x64xf32, #tpu.memory_space<hbm>> -> memref<1x10000x64xf32, #tpu.memory_space<hbm>>
        %dma_start3A_326 = tpu.memref_squeeze %dma_start3A_325 : memref<1x10000x64xf32, #tpu.memory_space<hbm>> -> memref<10000x64xf32, #tpu.memory_space<hbm>>
        %dma_start3A_327 = arith.constant 0 : i32
        %dma_start3A_328 = arith.constant 0 : i32
        %dma_start3A_329 = tpu.memref_slice %dma_start3A_326[%dma_start3A_327, %dma_start3A_328] : memref<10000x64xf32, #tpu.memory_space<hbm>> -> memref<10000x64xf32, #tpu.memory_space<hbm>>
        tpu.enqueue_indirect_dma source(%dma_start3A_329 : memref<10000x64xf32, #tpu.memory_space<hbm>>) target(%arg16 : memref<128x64xf32, #tpu.memory_space<vmem>>) offsets(%dma_start3A_322 : memref<128xi32, #tpu.memory_space<vmem>>) semaphore(%arg25 : memref<!tpu.dma_semaphore, #tpu.memory_space<semaphore_mem>>)
      } else {
      }
      %mul3A_198 = arith.constant 8 : i32
      %mul3A_199 = arith.muli %scan3A_81, %mul3A_198 : i32
      %add3A_200 = arith.constant 4 : i32
      %add3A_201 = arith.addi %mul3A_199, %add3A_200 : i32
      %dma_wait3A_202 = arith.constant 0 : i32
      %dma_wait3A_203 = arith.constant 0 : i32
      %dma_wait3A_204 = tpu.memref_slice %arg2[%arg0, %dma_wait3A_202, %dma_wait3A_203] : memref<2x10000x64xf32, #tpu.memory_space<hbm>> -> memref<1x10000x64xf32, #tpu.memory_space<hbm>>
      %dma_wait3A_205 = tpu.memref_squeeze %dma_wait3A_204 : memref<1x10000x64xf32, #tpu.memory_space<hbm>> -> memref<10000x64xf32, #tpu.memory_space<hbm>>
      %dma_wait3A_206 = arith.constant 0 : i32
      %dma_wait3A_207 = arith.constant 0 : i32
      %dma_wait3A_208 = tpu.memref_slice %arg2[%arg0, %dma_wait3A_206, %dma_wait3A_207] : memref<2x10000x64xf32, #tpu.memory_space<hbm>> -> memref<1x10000x64xf32, #tpu.memory_space<hbm>>
      %dma_wait3A_209 = tpu.memref_squeeze %dma_wait3A_208 : memref<1x10000x64xf32, #tpu.memory_space<hbm>> -> memref<10000x64xf32, #tpu.memory_space<hbm>>
      tpu.wait_dma2 semaphore(%arg22 : memref<!tpu.dma_semaphore, #tpu.memory_space<semaphore_mem>>) src(%dma_wait3A_209 : memref<10000x64xf32, #tpu.memory_space<hbm>>) dst(%arg13 : memref<128x64xf32, #tpu.memory_space<vmem>>)
      %dma_start3A_210 = arith.constant 0 : i32
      %dma_start3A_211 = tpu.memref_slice %arg8[%add3A_201, %dma_start3A_210] : memref<80x128xi32, #tpu.memory_space<vmem>> -> memref<1x128xi32, #tpu.memory_space<vmem>>
      %dma_start3A_212 = tpu.memref_squeeze %dma_start3A_211 : memref<1x128xi32, #tpu.memory_space<vmem>> -> memref<128xi32, #tpu.memory_space<vmem>>
      %dma_start3A_213 = arith.constant 0 : i32
      %dma_start3A_214 = arith.constant 0 : i32
      %dma_start3A_215 = tpu.memref_slice %arg17[%dma_start3A_213, %dma_start3A_214] : memref<10240x64xf32, #tpu.memory_space<vmem_shared>> -> memref<10240x64xf32, #tpu.memory_space<vmem_shared>>
      tpu.enqueue_indirect_dma source(%arg13 : memref<128x64xf32, #tpu.memory_space<vmem>>) target(%dma_start3A_215 : memref<10240x64xf32, #tpu.memory_space<vmem_shared>>) offsets(%dma_start3A_212 : memref<128xi32, #tpu.memory_space<vmem>>) semaphore(%arg30 : memref<!tpu.dma_semaphore, #tpu.memory_space<semaphore_mem>>) {add = true}
      %ge3A_216 = arith.constant 4 : i32
      %ge3A_217 = arith.cmpi sge, %add3A_201, %ge3A_216 : i32
      %convert_element_type3A_218 = arith.extui %ge3A_217 : i1 to i32
      %cond3A_219 = arith.constant 0 : i32
      %cond3A_220 = arith.cmpi ne, %convert_element_type3A_218, %cond3A_219 : i32
      scf.if %cond3A_220 {
        %dma_wait3A_318 = arith.constant 0 : i32
        %dma_wait3A_319 = arith.constant 0 : i32
        %dma_wait3A_320 = tpu.memref_slice %arg8[%dma_wait3A_318, %dma_wait3A_319] : memref<80x128xi32, #tpu.memory_space<vmem>> -> memref<1x128xi32, #tpu.memory_space<vmem>>
        %dma_wait3A_321 = tpu.memref_squeeze %dma_wait3A_320 : memref<1x128xi32, #tpu.memory_space<vmem>> -> memref<128xi32, #tpu.memory_space<vmem>>
        %dma_wait3A_322 = arith.constant 0 : i32
        %dma_wait3A_323 = arith.constant 0 : i32
        %dma_wait3A_324 = tpu.memref_slice %arg17[%dma_wait3A_322, %dma_wait3A_323] : memref<10240x64xf32, #tpu.memory_space<vmem_shared>> -> memref<10240x64xf32, #tpu.memory_space<vmem_shared>>
        tpu.wait_indirect_dma semaphore(%arg26 : memref<!tpu.dma_semaphore, #tpu.memory_space<semaphore_mem>>) src(%arg9 : memref<128x64xf32, #tpu.memory_space<vmem>>) dst(%dma_wait3A_324 : memref<10240x64xf32, #tpu.memory_space<vmem_shared>>)
      } else {
      }
      %add3A_221 = arith.constant 4 : i32
      %add3A_222 = arith.addi %add3A_201, %add3A_221 : i32
      %lt3A_223 = arith.constant 80 : i32
      %lt3A_224 = arith.cmpi slt, %add3A_222, %lt3A_223 : i32
      %convert_element_type3A_225 = arith.extui %lt3A_224 : i1 to i32
      %cond3A_226 = arith.constant 0 : i32
      %cond3A_227 = arith.cmpi ne, %convert_element_type3A_225, %cond3A_226 : i32
      scf.if %cond3A_227 {
        %add3A_318 = arith.constant 4 : i32
        %add3A_319 = arith.addi %add3A_201, %add3A_318 : i32
        %dma_start3A_320 = arith.constant 0 : i32
        %dma_start3A_321 = tpu.memref_slice %arg7[%add3A_319, %dma_start3A_320] : memref<80x128xi32, #tpu.memory_space<vmem>> -> memref<1x128xi32, #tpu.memory_space<vmem>>
        %dma_start3A_322 = tpu.memref_squeeze %dma_start3A_321 : memref<1x128xi32, #tpu.memory_space<vmem>> -> memref<128xi32, #tpu.memory_space<vmem>>
        %dma_start3A_323 = arith.constant 0 : i32
        %dma_start3A_324 = arith.constant 0 : i32
        %dma_start3A_325 = tpu.memref_slice %arg2[%arg0, %dma_start3A_323, %dma_start3A_324] : memref<2x10000x64xf32, #tpu.memory_space<hbm>> -> memref<1x10000x64xf32, #tpu.memory_space<hbm>>
        %dma_start3A_326 = tpu.memref_squeeze %dma_start3A_325 : memref<1x10000x64xf32, #tpu.memory_space<hbm>> -> memref<10000x64xf32, #tpu.memory_space<hbm>>
        %dma_start3A_327 = arith.constant 0 : i32
        %dma_start3A_328 = arith.constant 0 : i32
        %dma_start3A_329 = tpu.memref_slice %dma_start3A_326[%dma_start3A_327, %dma_start3A_328] : memref<10000x64xf32, #tpu.memory_space<hbm>> -> memref<10000x64xf32, #tpu.memory_space<hbm>>
        tpu.enqueue_indirect_dma source(%dma_start3A_329 : memref<10000x64xf32, #tpu.memory_space<hbm>>) target(%arg9 : memref<128x64xf32, #tpu.memory_space<vmem>>) offsets(%dma_start3A_322 : memref<128xi32, #tpu.memory_space<vmem>>) semaphore(%arg18 : memref<!tpu.dma_semaphore, #tpu.memory_space<semaphore_mem>>)
      } else {
      }
      %mul3A_228 = arith.constant 8 : i32
      %mul3A_229 = arith.muli %scan3A_81, %mul3A_228 : i32
      %add3A_230 = arith.constant 5 : i32
      %add3A_231 = arith.addi %mul3A_229, %add3A_230 : i32
      %dma_wait3A_232 = arith.constant 0 : i32
      %dma_wait3A_233 = arith.constant 0 : i32
      %dma_wait3A_234 = tpu.memref_slice %arg2[%arg0, %dma_wait3A_232, %dma_wait3A_233] : memref<2x10000x64xf32, #tpu.memory_space<hbm>> -> memref<1x10000x64xf32, #tpu.memory_space<hbm>>
      %dma_wait3A_235 = tpu.memref_squeeze %dma_wait3A_234 : memref<1x10000x64xf32, #tpu.memory_space<hbm>> -> memref<10000x64xf32, #tpu.memory_space<hbm>>
      %dma_wait3A_236 = arith.constant 0 : i32
      %dma_wait3A_237 = arith.constant 0 : i32
      %dma_wait3A_238 = tpu.memref_slice %arg2[%arg0, %dma_wait3A_236, %dma_wait3A_237] : memref<2x10000x64xf32, #tpu.memory_space<hbm>> -> memref<1x10000x64xf32, #tpu.memory_space<hbm>>
      %dma_wait3A_239 = tpu.memref_squeeze %dma_wait3A_238 : memref<1x10000x64xf32, #tpu.memory_space<hbm>> -> memref<10000x64xf32, #tpu.memory_space<hbm>>
      tpu.wait_dma2 semaphore(%arg23 : memref<!tpu.dma_semaphore, #tpu.memory_space<semaphore_mem>>) src(%dma_wait3A_239 : memref<10000x64xf32, #tpu.memory_space<hbm>>) dst(%arg14 : memref<128x64xf32, #tpu.memory_space<vmem>>)
      %dma_start3A_240 = arith.constant 0 : i32
      %dma_start3A_241 = tpu.memref_slice %arg8[%add3A_231, %dma_start3A_240] : memref<80x128xi32, #tpu.memory_space<vmem>> -> memref<1x128xi32, #tpu.memory_space<vmem>>
      %dma_start3A_242 = tpu.memref_squeeze %dma_start3A_241 : memref<1x128xi32, #tpu.memory_space<vmem>> -> memref<128xi32, #tpu.memory_space<vmem>>
      %dma_start3A_243 = arith.constant 0 : i32
      %dma_start3A_244 = arith.constant 0 : i32
      %dma_start3A_245 = tpu.memref_slice %arg17[%dma_start3A_243, %dma_start3A_244] : memref<10240x64xf32, #tpu.memory_space<vmem_shared>> -> memref<10240x64xf32, #tpu.memory_space<vmem_shared>>
      tpu.enqueue_indirect_dma source(%arg14 : memref<128x64xf32, #tpu.memory_space<vmem>>) target(%dma_start3A_245 : memref<10240x64xf32, #tpu.memory_space<vmem_shared>>) offsets(%dma_start3A_242 : memref<128xi32, #tpu.memory_space<vmem>>) semaphore(%arg31 : memref<!tpu.dma_semaphore, #tpu.memory_space<semaphore_mem>>) {add = true}
      %ge3A_246 = arith.constant 4 : i32
      %ge3A_247 = arith.cmpi sge, %add3A_231, %ge3A_246 : i32
      %convert_element_type3A_248 = arith.extui %ge3A_247 : i1 to i32
      %cond3A_249 = arith.constant 0 : i32
      %cond3A_250 = arith.cmpi ne, %convert_element_type3A_248, %cond3A_249 : i32
      scf.if %cond3A_250 {
        %dma_wait3A_318 = arith.constant 0 : i32
        %dma_wait3A_319 = arith.constant 0 : i32
        %dma_wait3A_320 = tpu.memref_slice %arg8[%dma_wait3A_318, %dma_wait3A_319] : memref<80x128xi32, #tpu.memory_space<vmem>> -> memref<1x128xi32, #tpu.memory_space<vmem>>
        %dma_wait3A_321 = tpu.memref_squeeze %dma_wait3A_320 : memref<1x128xi32, #tpu.memory_space<vmem>> -> memref<128xi32, #tpu.memory_space<vmem>>
        %dma_wait3A_322 = arith.constant 0 : i32
        %dma_wait3A_323 = arith.constant 0 : i32
        %dma_wait3A_324 = tpu.memref_slice %arg17[%dma_wait3A_322, %dma_wait3A_323] : memref<10240x64xf32, #tpu.memory_space<vmem_shared>> -> memref<10240x64xf32, #tpu.memory_space<vmem_shared>>
        tpu.wait_indirect_dma semaphore(%arg27 : memref<!tpu.dma_semaphore, #tpu.memory_space<semaphore_mem>>) src(%arg10 : memref<128x64xf32, #tpu.memory_space<vmem>>) dst(%dma_wait3A_324 : memref<10240x64xf32, #tpu.memory_space<vmem_shared>>)
      } else {
      }
      %add3A_251 = arith.constant 4 : i32
      %add3A_252 = arith.addi %add3A_231, %add3A_251 : i32
      %lt3A_253 = arith.constant 80 : i32
      %lt3A_254 = arith.cmpi slt, %add3A_252, %lt3A_253 : i32
      %convert_element_type3A_255 = arith.extui %lt3A_254 : i1 to i32
      %cond3A_256 = arith.constant 0 : i32
      %cond3A_257 = arith.cmpi ne, %convert_element_type3A_255, %cond3A_256 : i32
      scf.if %cond3A_257 {
        %add3A_318 = arith.constant 4 : i32
        %add3A_319 = arith.addi %add3A_231, %add3A_318 : i32
        %dma_start3A_320 = arith.constant 0 : i32
        %dma_start3A_321 = tpu.memref_slice %arg7[%add3A_319, %dma_start3A_320] : memref<80x128xi32, #tpu.memory_space<vmem>> -> memref<1x128xi32, #tpu.memory_space<vmem>>
        %dma_start3A_322 = tpu.memref_squeeze %dma_start3A_321 : memref<1x128xi32, #tpu.memory_space<vmem>> -> memref<128xi32, #tpu.memory_space<vmem>>
        %dma_start3A_323 = arith.constant 0 : i32
        %dma_start3A_324 = arith.constant 0 : i32
        %dma_start3A_325 = tpu.memref_slice %arg2[%arg0, %dma_start3A_323, %dma_start3A_324] : memref<2x10000x64xf32, #tpu.memory_space<hbm>> -> memref<1x10000x64xf32, #tpu.memory_space<hbm>>
        %dma_start3A_326 = tpu.memref_squeeze %dma_start3A_325 : memref<1x10000x64xf32, #tpu.memory_space<hbm>> -> memref<10000x64xf32, #tpu.memory_space<hbm>>
        %dma_start3A_327 = arith.constant 0 : i32
        %dma_start3A_328 = arith.constant 0 : i32
        %dma_start3A_329 = tpu.memref_slice %dma_start3A_326[%dma_start3A_327, %dma_start3A_328] : memref<10000x64xf32, #tpu.memory_space<hbm>> -> memref<10000x64xf32, #tpu.memory_space<hbm>>
        tpu.enqueue_indirect_dma source(%dma_start3A_329 : memref<10000x64xf32, #tpu.memory_space<hbm>>) target(%arg10 : memref<128x64xf32, #tpu.memory_space<vmem>>) offsets(%dma_start3A_322 : memref<128xi32, #tpu.memory_space<vmem>>) semaphore(%arg19 : memref<!tpu.dma_semaphore, #tpu.memory_space<semaphore_mem>>)
      } else {
      }
      %mul3A_258 = arith.constant 8 : i32
      %mul3A_259 = arith.muli %scan3A_81, %mul3A_258 : i32
      %add3A_260 = arith.constant 6 : i32
      %add3A_261 = arith.addi %mul3A_259, %add3A_260 : i32
      %dma_wait3A_262 = arith.constant 0 : i32
      %dma_wait3A_263 = arith.constant 0 : i32
      %dma_wait3A_264 = tpu.memref_slice %arg2[%arg0, %dma_wait3A_262, %dma_wait3A_263] : memref<2x10000x64xf32, #tpu.memory_space<hbm>> -> memref<1x10000x64xf32, #tpu.memory_space<hbm>>
      %dma_wait3A_265 = tpu.memref_squeeze %dma_wait3A_264 : memref<1x10000x64xf32, #tpu.memory_space<hbm>> -> memref<10000x64xf32, #tpu.memory_space<hbm>>
      %dma_wait3A_266 = arith.constant 0 : i32
      %dma_wait3A_267 = arith.constant 0 : i32
      %dma_wait3A_268 = tpu.memref_slice %arg2[%arg0, %dma_wait3A_266, %dma_wait3A_267] : memref<2x10000x64xf32, #tpu.memory_space<hbm>> -> memref<1x10000x64xf32, #tpu.memory_space<hbm>>
      %dma_wait3A_269 = tpu.memref_squeeze %dma_wait3A_268 : memref<1x10000x64xf32, #tpu.memory_space<hbm>> -> memref<10000x64xf32, #tpu.memory_space<hbm>>
      tpu.wait_dma2 semaphore(%arg24 : memref<!tpu.dma_semaphore, #tpu.memory_space<semaphore_mem>>) src(%dma_wait3A_269 : memref<10000x64xf32, #tpu.memory_space<hbm>>) dst(%arg15 : memref<128x64xf32, #tpu.memory_space<vmem>>)
      %dma_start3A_270 = arith.constant 0 : i32
      %dma_start3A_271 = tpu.memref_slice %arg8[%add3A_261, %dma_start3A_270] : memref<80x128xi32, #tpu.memory_space<vmem>> -> memref<1x128xi32, #tpu.memory_space<vmem>>
      %dma_start3A_272 = tpu.memref_squeeze %dma_start3A_271 : memref<1x128xi32, #tpu.memory_space<vmem>> -> memref<128xi32, #tpu.memory_space<vmem>>
      %dma_start3A_273 = arith.constant 0 : i32
      %dma_start3A_274 = arith.constant 0 : i32
      %dma_start3A_275 = tpu.memref_slice %arg17[%dma_start3A_273, %dma_start3A_274] : memref<10240x64xf32, #tpu.memory_space<vmem_shared>> -> memref<10240x64xf32, #tpu.memory_space<vmem_shared>>
      tpu.enqueue_indirect_dma source(%arg15 : memref<128x64xf32, #tpu.memory_space<vmem>>) target(%dma_start3A_275 : memref<10240x64xf32, #tpu.memory_space<vmem_shared>>) offsets(%dma_start3A_272 : memref<128xi32, #tpu.memory_space<vmem>>) semaphore(%arg32 : memref<!tpu.dma_semaphore, #tpu.memory_space<semaphore_mem>>) {add = true}
      %ge3A_276 = arith.constant 4 : i32
      %ge3A_277 = arith.cmpi sge, %add3A_261, %ge3A_276 : i32
      %convert_element_type3A_278 = arith.extui %ge3A_277 : i1 to i32
      %cond3A_279 = arith.constant 0 : i32
      %cond3A_280 = arith.cmpi ne, %convert_element_type3A_278, %cond3A_279 : i32
      scf.if %cond3A_280 {
        %dma_wait3A_318 = arith.constant 0 : i32
        %dma_wait3A_319 = arith.constant 0 : i32
        %dma_wait3A_320 = tpu.memref_slice %arg8[%dma_wait3A_318, %dma_wait3A_319] : memref<80x128xi32, #tpu.memory_space<vmem>> -> memref<1x128xi32, #tpu.memory_space<vmem>>
        %dma_wait3A_321 = tpu.memref_squeeze %dma_wait3A_320 : memref<1x128xi32, #tpu.memory_space<vmem>> -> memref<128xi32, #tpu.memory_space<vmem>>
        %dma_wait3A_322 = arith.constant 0 : i32
        %dma_wait3A_323 = arith.constant 0 : i32
        %dma_wait3A_324 = tpu.memref_slice %arg17[%dma_wait3A_322, %dma_wait3A_323] : memref<10240x64xf32, #tpu.memory_space<vmem_shared>> -> memref<10240x64xf32, #tpu.memory_space<vmem_shared>>
        tpu.wait_indirect_dma semaphore(%arg28 : memref<!tpu.dma_semaphore, #tpu.memory_space<semaphore_mem>>) src(%arg11 : memref<128x64xf32, #tpu.memory_space<vmem>>) dst(%dma_wait3A_324 : memref<10240x64xf32, #tpu.memory_space<vmem_shared>>)
      } else {
      }
      %add3A_281 = arith.constant 4 : i32
      %add3A_282 = arith.addi %add3A_261, %add3A_281 : i32
      %lt3A_283 = arith.constant 80 : i32
      %lt3A_284 = arith.cmpi slt, %add3A_282, %lt3A_283 : i32
      %convert_element_type3A_285 = arith.extui %lt3A_284 : i1 to i32
      %cond3A_286 = arith.constant 0 : i32
      %cond3A_287 = arith.cmpi ne, %convert_element_type3A_285, %cond3A_286 : i32
      scf.if %cond3A_287 {
        %add3A_318 = arith.constant 4 : i32
        %add3A_319 = arith.addi %add3A_261, %add3A_318 : i32
        %dma_start3A_320 = arith.constant 0 : i32
        %dma_start3A_321 = tpu.memref_slice %arg7[%add3A_319, %dma_start3A_320] : memref<80x128xi32, #tpu.memory_space<vmem>> -> memref<1x128xi32, #tpu.memory_space<vmem>>
        %dma_start3A_322 = tpu.memref_squeeze %dma_start3A_321 : memref<1x128xi32, #tpu.memory_space<vmem>> -> memref<128xi32, #tpu.memory_space<vmem>>
        %dma_start3A_323 = arith.constant 0 : i32
        %dma_start3A_324 = arith.constant 0 : i32
        %dma_start3A_325 = tpu.memref_slice %arg2[%arg0, %dma_start3A_323, %dma_start3A_324] : memref<2x10000x64xf32, #tpu.memory_space<hbm>> -> memref<1x10000x64xf32, #tpu.memory_space<hbm>>
        %dma_start3A_326 = tpu.memref_squeeze %dma_start3A_325 : memref<1x10000x64xf32, #tpu.memory_space<hbm>> -> memref<10000x64xf32, #tpu.memory_space<hbm>>
        %dma_start3A_327 = arith.constant 0 : i32
        %dma_start3A_328 = arith.constant 0 : i32
        %dma_start3A_329 = tpu.memref_slice %dma_start3A_326[%dma_start3A_327, %dma_start3A_328] : memref<10000x64xf32, #tpu.memory_space<hbm>> -> memref<10000x64xf32, #tpu.memory_space<hbm>>
        tpu.enqueue_indirect_dma source(%dma_start3A_329 : memref<10000x64xf32, #tpu.memory_space<hbm>>) target(%arg11 : memref<128x64xf32, #tpu.memory_space<vmem>>) offsets(%dma_start3A_322 : memref<128xi32, #tpu.memory_space<vmem>>) semaphore(%arg20 : memref<!tpu.dma_semaphore, #tpu.memory_space<semaphore_mem>>)
      } else {
      }
      %mul3A_288 = arith.constant 8 : i32
      %mul3A_289 = arith.muli %scan3A_81, %mul3A_288 : i32
      %add3A_290 = arith.constant 7 : i32
      %add3A_291 = arith.addi %mul3A_289, %add3A_290 : i32
      %dma_wait3A_292 = arith.constant 0 : i32
      %dma_wait3A_293 = arith.constant 0 : i32
      %dma_wait3A_294 = tpu.memref_slice %arg2[%arg0, %dma_wait3A_292, %dma_wait3A_293] : memref<2x10000x64xf32, #tpu.memory_space<hbm>> -> memref<1x10000x64xf32, #tpu.memory_space<hbm>>
      %dma_wait3A_295 = tpu.memref_squeeze %dma_wait3A_294 : memref<1x10000x64xf32, #tpu.memory_space<hbm>> -> memref<10000x64xf32, #tpu.memory_space<hbm>>
      %dma_wait3A_296 = arith.constant 0 : i32
      %dma_wait3A_297 = arith.constant 0 : i32
      %dma_wait3A_298 = tpu.memref_slice %arg2[%arg0, %dma_wait3A_296, %dma_wait3A_297] : memref<2x10000x64xf32, #tpu.memory_space<hbm>> -> memref<1x10000x64xf32, #tpu.memory_space<hbm>>
      %dma_wait3A_299 = tpu.memref_squeeze %dma_wait3A_298 : memref<1x10000x64xf32, #tpu.memory_space<hbm>> -> memref<10000x64xf32, #tpu.memory_space<hbm>>
      tpu.wait_dma2 semaphore(%arg25 : memref<!tpu.dma_semaphore, #tpu.memory_space<semaphore_mem>>) src(%dma_wait3A_299 : memref<10000x64xf32, #tpu.memory_space<hbm>>) dst(%arg16 : memref<128x64xf32, #tpu.memory_space<vmem>>)
      %dma_start3A_300 = arith.constant 0 : i32
      %dma_start3A_301 = tpu.memref_slice %arg8[%add3A_291, %dma_start3A_300] : memref<80x128xi32, #tpu.memory_space<vmem>> -> memref<1x128xi32, #tpu.memory_space<vmem>>
      %dma_start3A_302 = tpu.memref_squeeze %dma_start3A_301 : memref<1x128xi32, #tpu.memory_space<vmem>> -> memref<128xi32, #tpu.memory_space<vmem>>
      %dma_start3A_303 = arith.constant 0 : i32
      %dma_start3A_304 = arith.constant 0 : i32
      %dma_start3A_305 = tpu.memref_slice %arg17[%dma_start3A_303, %dma_start3A_304] : memref<10240x64xf32, #tpu.memory_space<vmem_shared>> -> memref<10240x64xf32, #tpu.memory_space<vmem_shared>>
      tpu.enqueue_indirect_dma source(%arg16 : memref<128x64xf32, #tpu.memory_space<vmem>>) target(%dma_start3A_305 : memref<10240x64xf32, #tpu.memory_space<vmem_shared>>) offsets(%dma_start3A_302 : memref<128xi32, #tpu.memory_space<vmem>>) semaphore(%arg33 : memref<!tpu.dma_semaphore, #tpu.memory_space<semaphore_mem>>) {add = true}
      %ge3A_306 = arith.constant 4 : i32
      %ge3A_307 = arith.cmpi sge, %add3A_291, %ge3A_306 : i32
      %convert_element_type3A_308 = arith.extui %ge3A_307 : i1 to i32
      %cond3A_309 = arith.constant 0 : i32
      %cond3A_310 = arith.cmpi ne, %convert_element_type3A_308, %cond3A_309 : i32
      scf.if %cond3A_310 {
        %dma_wait3A_318 = arith.constant 0 : i32
        %dma_wait3A_319 = arith.constant 0 : i32
        %dma_wait3A_320 = tpu.memref_slice %arg8[%dma_wait3A_318, %dma_wait3A_319] : memref<80x128xi32, #tpu.memory_space<vmem>> -> memref<1x128xi32, #tpu.memory_space<vmem>>
        %dma_wait3A_321 = tpu.memref_squeeze %dma_wait3A_320 : memref<1x128xi32, #tpu.memory_space<vmem>> -> memref<128xi32, #tpu.memory_space<vmem>>
        %dma_wait3A_322 = arith.constant 0 : i32
        %dma_wait3A_323 = arith.constant 0 : i32
        %dma_wait3A_324 = tpu.memref_slice %arg17[%dma_wait3A_322, %dma_wait3A_323] : memref<10240x64xf32, #tpu.memory_space<vmem_shared>> -> memref<10240x64xf32, #tpu.memory_space<vmem_shared>>
        tpu.wait_indirect_dma semaphore(%arg29 : memref<!tpu.dma_semaphore, #tpu.memory_space<semaphore_mem>>) src(%arg12 : memref<128x64xf32, #tpu.memory_space<vmem>>) dst(%dma_wait3A_324 : memref<10240x64xf32, #tpu.memory_space<vmem_shared>>)
      } else {
      }
      %add3A_311 = arith.constant 4 : i32
      %add3A_312 = arith.addi %add3A_291, %add3A_311 : i32
      %lt3A_313 = arith.constant 80 : i32
      %lt3A_314 = arith.cmpi slt, %add3A_312, %lt3A_313 : i32
      %convert_element_type3A_315 = arith.extui %lt3A_314 : i1 to i32
      %cond3A_316 = arith.constant 0 : i32
      %cond3A_317 = arith.cmpi ne, %convert_element_type3A_315, %cond3A_316 : i32
      scf.if %cond3A_317 {
        %add3A_318 = arith.constant 4 : i32
        %add3A_319 = arith.addi %add3A_291, %add3A_318 : i32
        %dma_start3A_320 = arith.constant 0 : i32
        %dma_start3A_321 = tpu.memref_slice %arg7[%add3A_319, %dma_start3A_320] : memref<80x128xi32, #tpu.memory_space<vmem>> -> memref<1x128xi32, #tpu.memory_space<vmem>>
        %dma_start3A_322 = tpu.memref_squeeze %dma_start3A_321 : memref<1x128xi32, #tpu.memory_space<vmem>> -> memref<128xi32, #tpu.memory_space<vmem>>
        %dma_start3A_323 = arith.constant 0 : i32
        %dma_start3A_324 = arith.constant 0 : i32
        %dma_start3A_325 = tpu.memref_slice %arg2[%arg0, %dma_start3A_323, %dma_start3A_324] : memref<2x10000x64xf32, #tpu.memory_space<hbm>> -> memref<1x10000x64xf32, #tpu.memory_space<hbm>>
        %dma_start3A_326 = tpu.memref_squeeze %dma_start3A_325 : memref<1x10000x64xf32, #tpu.memory_space<hbm>> -> memref<10000x64xf32, #tpu.memory_space<hbm>>
        %dma_start3A_327 = arith.constant 0 : i32
        %dma_start3A_328 = arith.constant 0 : i32
        %dma_start3A_329 = tpu.memref_slice %dma_start3A_326[%dma_start3A_327, %dma_start3A_328] : memref<10000x64xf32, #tpu.memory_space<hbm>> -> memref<10000x64xf32, #tpu.memory_space<hbm>>
        tpu.enqueue_indirect_dma source(%dma_start3A_329 : memref<10000x64xf32, #tpu.memory_space<hbm>>) target(%arg12 : memref<128x64xf32, #tpu.memory_space<vmem>>) offsets(%dma_start3A_322 : memref<128xi32, #tpu.memory_space<vmem>>) semaphore(%arg21 : memref<!tpu.dma_semaphore, #tpu.memory_space<semaphore_mem>>)
      } else {
      }
    }
    %scan3A_52 = arith.constant 10 : i32
    %dma_wait3A = arith.constant 0 : i32
    %dma_wait3A_53 = arith.constant 0 : i32
    %dma_wait3A_54 = tpu.memref_slice %arg8[%dma_wait3A, %dma_wait3A_53] : memref<80x128xi32, #tpu.memory_space<vmem>> -> memref<1x128xi32, #tpu.memory_space<vmem>>
    %dma_wait3A_55 = tpu.memref_squeeze %dma_wait3A_54 : memref<1x128xi32, #tpu.memory_space<vmem>> -> memref<128xi32, #tpu.memory_space<vmem>>
    %dma_wait3A_56 = arith.constant 0 : i32
    %dma_wait3A_57 = arith.constant 0 : i32
    %dma_wait3A_58 = tpu.memref_slice %arg17[%dma_wait3A_56, %dma_wait3A_57] : memref<10240x64xf32, #tpu.memory_space<vmem_shared>> -> memref<10240x64xf32, #tpu.memory_space<vmem_shared>>
    tpu.wait_indirect_dma semaphore(%arg30 : memref<!tpu.dma_semaphore, #tpu.memory_space<semaphore_mem>>) src(%arg13 : memref<128x64xf32, #tpu.memory_space<vmem>>) dst(%dma_wait3A_58 : memref<10240x64xf32, #tpu.memory_space<vmem_shared>>)
    %dma_wait3A_59 = arith.constant 0 : i32
    %dma_wait3A_60 = arith.constant 0 : i32
    %dma_wait3A_61 = tpu.memref_slice %arg8[%dma_wait3A_59, %dma_wait3A_60] : memref<80x128xi32, #tpu.memory_space<vmem>> -> memref<1x128xi32, #tpu.memory_space<vmem>>
    %dma_wait3A_62 = tpu.memref_squeeze %dma_wait3A_61 : memref<1x128xi32, #tpu.memory_space<vmem>> -> memref<128xi32, #tpu.memory_space<vmem>>
    %dma_wait3A_63 = arith.constant 0 : i32
    %dma_wait3A_64 = arith.constant 0 : i32
    %dma_wait3A_65 = tpu.memref_slice %arg17[%dma_wait3A_63, %dma_wait3A_64] : memref<10240x64xf32, #tpu.memory_space<vmem_shared>> -> memref<10240x64xf32, #tpu.memory_space<vmem_shared>>
    tpu.wait_indirect_dma semaphore(%arg31 : memref<!tpu.dma_semaphore, #tpu.memory_space<semaphore_mem>>) src(%arg14 : memref<128x64xf32, #tpu.memory_space<vmem>>) dst(%dma_wait3A_65 : memref<10240x64xf32, #tpu.memory_space<vmem_shared>>)
    %dma_wait3A_66 = arith.constant 0 : i32
    %dma_wait3A_67 = arith.constant 0 : i32
    %dma_wait3A_68 = tpu.memref_slice %arg8[%dma_wait3A_66, %dma_wait3A_67] : memref<80x128xi32, #tpu.memory_space<vmem>> -> memref<1x128xi32, #tpu.memory_space<vmem>>
    %dma_wait3A_69 = tpu.memref_squeeze %dma_wait3A_68 : memref<1x128xi32, #tpu.memory_space<vmem>> -> memref<128xi32, #tpu.memory_space<vmem>>
    %dma_wait3A_70 = arith.constant 0 : i32
    %dma_wait3A_71 = arith.constant 0 : i32
    %dma_wait3A_72 = tpu.memref_slice %arg17[%dma_wait3A_70, %dma_wait3A_71] : memref<10240x64xf32, #tpu.memory_space<vmem_shared>> -> memref<10240x64xf32, #tpu.memory_space<vmem_shared>>
    tpu.wait_indirect_dma semaphore(%arg32 : memref<!tpu.dma_semaphore, #tpu.memory_space<semaphore_mem>>) src(%arg15 : memref<128x64xf32, #tpu.memory_space<vmem>>) dst(%dma_wait3A_72 : memref<10240x64xf32, #tpu.memory_space<vmem_shared>>)
    %dma_wait3A_73 = arith.constant 0 : i32
    %dma_wait3A_74 = arith.constant 0 : i32
    %dma_wait3A_75 = tpu.memref_slice %arg8[%dma_wait3A_73, %dma_wait3A_74] : memref<80x128xi32, #tpu.memory_space<vmem>> -> memref<1x128xi32, #tpu.memory_space<vmem>>
    %dma_wait3A_76 = tpu.memref_squeeze %dma_wait3A_75 : memref<1x128xi32, #tpu.memory_space<vmem>> -> memref<128xi32, #tpu.memory_space<vmem>>
    %dma_wait3A_77 = arith.constant 0 : i32
    %dma_wait3A_78 = arith.constant 0 : i32
    %dma_wait3A_79 = tpu.memref_slice %arg17[%dma_wait3A_77, %dma_wait3A_78] : memref<10240x64xf32, #tpu.memory_space<vmem_shared>> -> memref<10240x64xf32, #tpu.memory_space<vmem_shared>>
    tpu.wait_indirect_dma semaphore(%arg33 : memref<!tpu.dma_semaphore, #tpu.memory_space<semaphore_mem>>) src(%arg16 : memref<128x64xf32, #tpu.memory_space<vmem>>) dst(%dma_wait3A_79 : memref<10240x64xf32, #tpu.memory_space<vmem_shared>>)
    %barrier3A_80 = arith.constant 0 : index
    tpu.barrier barrier_id(%barrier3A_80)
    "tpu.region"() ({
      %run_scoped3A = tpu.sem_alloc : memref<!tpu.dma_semaphore, #tpu.memory_space<semaphore_mem>>
      %dma_start3A_81 = arith.constant 0 : i32
      %dma_start3A_82 = tpu.memref_slice %arg6[%arg0, %mul3A_4, %dma_start3A_81] : memref<2x10000x64xf32, #tpu.memory_space<hbm>> -> memref<1x625x64xf32, #tpu.memory_space<hbm>>
      %dma_start3A_83 = tpu.memref_squeeze %dma_start3A_82 : memref<1x625x64xf32, #tpu.memory_space<hbm>> -> memref<625x64xf32, #tpu.memory_space<hbm>>
      %dma_start3A_84 = arith.constant 0 : i32
      %dma_start3A_85 = tpu.memref_slice %arg17[%mul3A_4, %dma_start3A_84] : memref<10240x64xf32, #tpu.memory_space<vmem_shared>> -> memref<625x64xf32, #tpu.memory_space<vmem_shared>>
      tpu.enqueue_dma source(%dma_start3A_85 : memref<625x64xf32, #tpu.memory_space<vmem_shared>>) target(%dma_start3A_83 : memref<625x64xf32, #tpu.memory_space<hbm>>) target_semaphore(%run_scoped3A : memref<!tpu.dma_semaphore, #tpu.memory_space<semaphore_mem>>)
      %dma_wait3A_86 = arith.constant 0 : i32
      %dma_wait3A_87 = tpu.memref_slice %arg6[%arg0, %mul3A_4, %dma_wait3A_86] : memref<2x10000x64xf32, #tpu.memory_space<hbm>> -> memref<1x625x64xf32, #tpu.memory_space<hbm>>
      %dma_wait3A_88 = tpu.memref_squeeze %dma_wait3A_87 : memref<1x625x64xf32, #tpu.memory_space<hbm>> -> memref<625x64xf32, #tpu.memory_space<hbm>>
      %dma_wait3A_89 = arith.constant 0 : i32
      %dma_wait3A_90 = tpu.memref_slice %arg17[%mul3A_4, %dma_wait3A_89] : memref<10240x64xf32, #tpu.memory_space<vmem_shared>> -> memref<625x64xf32, #tpu.memory_space<vmem_shared>>
      tpu.wait_dma2 semaphore(%run_scoped3A : memref<!tpu.dma_semaphore, #tpu.memory_space<semaphore_mem>>) src(%dma_wait3A_90 : memref<625x64xf32, #tpu.memory_space<vmem_shared>>) dst(%dma_wait3A_88 : memref<625x64xf32, #tpu.memory_space<hbm>>)
      tpu.yield
    }) : () -> ()
    return
  }
}

#map = affine_map<(d0, d1) -> (0, 0, 0)>
#map1 = affine_map<(d0, d1) -> (0, 0)>
module attributes {stable_mosaic.version = 14 : i64} {
  func.func @_sc_aggregate(%arg0: i32, %arg1: i32, %arg2: memref<2x10000x64xf32, #tpu.memory_space<hbm>>, %arg3: memref<32x80x128xi32, #tpu.memory_space<hbm>>, %arg4: memref<32x80x128xi32, #tpu.memory_space<hbm>>, %arg5: memref<10240x64xf32, #tpu.memory_space<hbm>>, %arg6: memref<2x10000x64xf32, #tpu.memory_space<hbm>>, %arg7: memref<80x128xi32, #tpu.memory_space<vmem>>, %arg8: memref<80x128xi32, #tpu.memory_space<vmem>>, %arg9: memref<128x64xf32, #tpu.memory_space<vmem>>, %arg10: memref<128x64xf32, #tpu.memory_space<vmem>>, %arg11: memref<128x64xf32, #tpu.memory_space<vmem>>, %arg12: memref<128x64xf32, #tpu.memory_space<vmem>>, %arg13: memref<128x64xf32, #tpu.memory_space<vmem>>, %arg14: memref<128x64xf32, #tpu.memory_space<vmem>>, %arg15: memref<128x64xf32, #tpu.memory_space<vmem>>, %arg16: memref<128x64xf32, #tpu.memory_space<vmem>>, %arg17: memref<10240x64xf32, #tpu.memory_space<vmem_shared>>, %arg18: memref<!tpu.dma_semaphore, #tpu.memory_space<semaphore_mem>>, %arg19: memref<!tpu.dma_semaphore, #tpu.memory_space<semaphore_mem>>, %arg20: memref<!tpu.dma_semaphore, #tpu.memory_space<semaphore_mem>>, %arg21: memref<!tpu.dma_semaphore, #tpu.memory_space<semaphore_mem>>, %arg22: memref<!tpu.dma_semaphore, #tpu.memory_space<semaphore_mem>>, %arg23: memref<!tpu.dma_semaphore, #tpu.memory_space<semaphore_mem>>, %arg24: memref<!tpu.dma_semaphore, #tpu.memory_space<semaphore_mem>>, %arg25: memref<!tpu.dma_semaphore, #tpu.memory_space<semaphore_mem>>, %arg26: memref<!tpu.dma_semaphore, #tpu.memory_space<semaphore_mem>>, %arg27: memref<!tpu.dma_semaphore, #tpu.memory_space<semaphore_mem>>, %arg28: memref<!tpu.dma_semaphore, #tpu.memory_space<semaphore_mem>>, %arg29: memref<!tpu.dma_semaphore, #tpu.memory_space<semaphore_mem>>, %arg30: memref<!tpu.dma_semaphore, #tpu.memory_space<semaphore_mem>>, %arg31: memref<!tpu.dma_semaphore, #tpu.memory_space<semaphore_mem>>, %arg32: memref<!tpu.dma_semaphore, #tpu.memory_space<semaphore_mem>>, %arg33: memref<!tpu.dma_semaphore, #tpu.memory_space<semaphore_mem>>) attributes {dimension_semantics = [#tpu.dimension_semantics<core_parallel>, #tpu.dimension_semantics<subcore_parallel>], iteration_bounds = array<i64: 2, 16>, scalar_prefetch = 0 : i64, scratch_operands = 27 : i64, tpu.core_type = #tpu.core_type<sc_vector_subcore>, window_params = [{transform_indices = #map}, {transform_indices = #map}, {transform_indices = #map}, {transform_indices = #map1}, {transform_indices = #map}]} {
    %mul3A = arith.constant 2 : i32
    %mul3A_0 = arith.muli %arg1, %mul3A : i32
    %add3A = arith.addi %mul3A_0, %arg0 : i32
    %mul3A_1 = arith.constant 640 : i32
    %mul3A_2 = arith.muli %arg1, %mul3A_1 : i32
    %mul3A_3 = arith.constant 625 : i32
    %mul3A_4 = arith.muli %arg1, %mul3A_3 : i32
    "tpu.region"() ({
      %run_scoped3A = tpu.sem_alloc : memref<!tpu.dma_semaphore, #tpu.memory_space<semaphore_mem>>
      %dma_start3A_81 = arith.constant 0 : i32
      %dma_start3A_82 = tpu.memref_slice %arg17[%mul3A_2, %dma_start3A_81] : memref<10240x64xf32, #tpu.memory_space<vmem_shared>> -> memref<640x64xf32, #tpu.memory_space<vmem_shared>>
      %dma_start3A_83 = arith.constant 0 : i32
      %dma_start3A_84 = tpu.memref_slice %arg5[%mul3A_2, %dma_start3A_83] : memref<10240x64xf32, #tpu.memory_space<hbm>> -> memref<640x64xf32, #tpu.memory_space<hbm>>
      tpu.enqueue_dma source(%dma_start3A_84 : memref<640x64xf32, #tpu.memory_space<hbm>>) target(%dma_start3A_82 : memref<640x64xf32, #tpu.memory_space<vmem_shared>>) target_semaphore(%run_scoped3A : memref<!tpu.dma_semaphore, #tpu.memory_space<semaphore_mem>>)
      %dma_wait3A_85 = arith.constant 0 : i32
      %dma_wait3A_86 = tpu.memref_slice %arg17[%mul3A_2, %dma_wait3A_85] : memref<10240x64xf32, #tpu.memory_space<vmem_shared>> -> memref<640x64xf32, #tpu.memory_space<vmem_shared>>
      %dma_wait3A_87 = arith.constant 0 : i32
      %dma_wait3A_88 = tpu.memref_slice %arg5[%mul3A_2, %dma_wait3A_87] : memref<10240x64xf32, #tpu.memory_space<hbm>> -> memref<640x64xf32, #tpu.memory_space<hbm>>
      tpu.wait_dma2 semaphore(%run_scoped3A : memref<!tpu.dma_semaphore, #tpu.memory_space<semaphore_mem>>) src(%dma_wait3A_88 : memref<640x64xf32, #tpu.memory_space<hbm>>) dst(%dma_wait3A_86 : memref<640x64xf32, #tpu.memory_space<vmem_shared>>)
      tpu.yield
    }) : () -> ()
    "tpu.region"() ({
      %run_scoped3A = tpu.sem_alloc : memref<!tpu.dma_semaphore, #tpu.memory_space<semaphore_mem>>
      %dma_start3A_81 = arith.constant 0 : i32
      %dma_start3A_82 = arith.constant 0 : i32
      %dma_start3A_83 = tpu.memref_slice %arg3[%add3A, %dma_start3A_81, %dma_start3A_82] : memref<32x80x128xi32, #tpu.memory_space<hbm>> -> memref<1x80x128xi32, #tpu.memory_space<hbm>>
      %dma_start3A_84 = tpu.memref_squeeze %dma_start3A_83 : memref<1x80x128xi32, #tpu.memory_space<hbm>> -> memref<80x128xi32, #tpu.memory_space<hbm>>
      %dma_start3A_85 = arith.constant 0 : i32
      %dma_start3A_86 = arith.constant 0 : i32
      %dma_start3A_87 = tpu.memref_slice %arg3[%add3A, %dma_start3A_85, %dma_start3A_86] : memref<32x80x128xi32, #tpu.memory_space<hbm>> -> memref<1x80x128xi32, #tpu.memory_space<hbm>>
      %dma_start3A_88 = tpu.memref_squeeze %dma_start3A_87 : memref<1x80x128xi32, #tpu.memory_space<hbm>> -> memref<80x128xi32, #tpu.memory_space<hbm>>
      tpu.enqueue_dma source(%dma_start3A_88 : memref<80x128xi32, #tpu.memory_space<hbm>>) target(%arg7 : memref<80x128xi32, #tpu.memory_space<vmem>>) target_semaphore(%run_scoped3A : memref<!tpu.dma_semaphore, #tpu.memory_space<semaphore_mem>>)
      %dma_wait3A_89 = arith.constant 0 : i32
      %dma_wait3A_90 = arith.constant 0 : i32
      %dma_wait3A_91 = tpu.memref_slice %arg3[%add3A, %dma_wait3A_89, %dma_wait3A_90] : memref<32x80x128xi32, #tpu.memory_space<hbm>> -> memref<1x80x128xi32, #tpu.memory_space<hbm>>
      %dma_wait3A_92 = tpu.memref_squeeze %dma_wait3A_91 : memref<1x80x128xi32, #tpu.memory_space<hbm>> -> memref<80x128xi32, #tpu.memory_space<hbm>>
      %dma_wait3A_93 = arith.constant 0 : i32
      %dma_wait3A_94 = arith.constant 0 : i32
      %dma_wait3A_95 = tpu.memref_slice %arg3[%add3A, %dma_wait3A_93, %dma_wait3A_94] : memref<32x80x128xi32, #tpu.memory_space<hbm>> -> memref<1x80x128xi32, #tpu.memory_space<hbm>>
      %dma_wait3A_96 = tpu.memref_squeeze %dma_wait3A_95 : memref<1x80x128xi32, #tpu.memory_space<hbm>> -> memref<80x128xi32, #tpu.memory_space<hbm>>
      tpu.wait_dma2 semaphore(%run_scoped3A : memref<!tpu.dma_semaphore, #tpu.memory_space<semaphore_mem>>) src(%dma_wait3A_96 : memref<80x128xi32, #tpu.memory_space<hbm>>) dst(%arg7 : memref<80x128xi32, #tpu.memory_space<vmem>>)
      tpu.yield
    }) : () -> ()
    "tpu.region"() ({
      %run_scoped3A = tpu.sem_alloc : memref<!tpu.dma_semaphore, #tpu.memory_space<semaphore_mem>>
      %dma_start3A_81 = arith.constant 0 : i32
      %dma_start3A_82 = arith.constant 0 : i32
      %dma_start3A_83 = tpu.memref_slice %arg4[%add3A, %dma_start3A_81, %dma_start3A_82] : memref<32x80x128xi32, #tpu.memory_space<hbm>> -> memref<1x80x128xi32, #tpu.memory_space<hbm>>
      %dma_start3A_84 = tpu.memref_squeeze %dma_start3A_83 : memref<1x80x128xi32, #tpu.memory_space<hbm>> -> memref<80x128xi32, #tpu.memory_space<hbm>>
      %dma_start3A_85 = arith.constant 0 : i32
      %dma_start3A_86 = arith.constant 0 : i32
      %dma_start3A_87 = tpu.memref_slice %arg4[%add3A, %dma_start3A_85, %dma_start3A_86] : memref<32x80x128xi32, #tpu.memory_space<hbm>> -> memref<1x80x128xi32, #tpu.memory_space<hbm>>
      %dma_start3A_88 = tpu.memref_squeeze %dma_start3A_87 : memref<1x80x128xi32, #tpu.memory_space<hbm>> -> memref<80x128xi32, #tpu.memory_space<hbm>>
      tpu.enqueue_dma source(%dma_start3A_88 : memref<80x128xi32, #tpu.memory_space<hbm>>) target(%arg8 : memref<80x128xi32, #tpu.memory_space<vmem>>) target_semaphore(%run_scoped3A : memref<!tpu.dma_semaphore, #tpu.memory_space<semaphore_mem>>)
      %dma_wait3A_89 = arith.constant 0 : i32
      %dma_wait3A_90 = arith.constant 0 : i32
      %dma_wait3A_91 = tpu.memref_slice %arg4[%add3A, %dma_wait3A_89, %dma_wait3A_90] : memref<32x80x128xi32, #tpu.memory_space<hbm>> -> memref<1x80x128xi32, #tpu.memory_space<hbm>>
      %dma_wait3A_92 = tpu.memref_squeeze %dma_wait3A_91 : memref<1x80x128xi32, #tpu.memory_space<hbm>> -> memref<80x128xi32, #tpu.memory_space<hbm>>
      %dma_wait3A_93 = arith.constant 0 : i32
      %dma_wait3A_94 = arith.constant 0 : i32
      %dma_wait3A_95 = tpu.memref_slice %arg4[%add3A, %dma_wait3A_93, %dma_wait3A_94] : memref<32x80x128xi32, #tpu.memory_space<hbm>> -> memref<1x80x128xi32, #tpu.memory_space<hbm>>
      %dma_wait3A_96 = tpu.memref_squeeze %dma_wait3A_95 : memref<1x80x128xi32, #tpu.memory_space<hbm>> -> memref<80x128xi32, #tpu.memory_space<hbm>>
      tpu.wait_dma2 semaphore(%run_scoped3A : memref<!tpu.dma_semaphore, #tpu.memory_space<semaphore_mem>>) src(%dma_wait3A_96 : memref<80x128xi32, #tpu.memory_space<hbm>>) dst(%arg8 : memref<80x128xi32, #tpu.memory_space<vmem>>)
      tpu.yield
    }) : () -> ()
    %barrier3A = arith.constant 0 : index
    tpu.barrier barrier_id(%barrier3A)
    %dma_start3A = arith.constant 0 : i32
    %dma_start3A_5 = arith.constant 0 : i32
    %dma_start3A_6 = tpu.memref_slice %arg7[%dma_start3A, %dma_start3A_5] : memref<80x128xi32, #tpu.memory_space<vmem>> -> memref<1x128xi32, #tpu.memory_space<vmem>>
    %dma_start3A_7 = tpu.memref_squeeze %dma_start3A_6 : memref<1x128xi32, #tpu.memory_space<vmem>> -> memref<128xi32, #tpu.memory_space<vmem>>
    %dma_start3A_8 = arith.constant 0 : i32
    %dma_start3A_9 = arith.constant 0 : i32
    %dma_start3A_10 = tpu.memref_slice %arg2[%arg0, %dma_start3A_8, %dma_start3A_9] : memref<2x10000x64xf32, #tpu.memory_space<hbm>> -> memref<1x10000x64xf32, #tpu.memory_space<hbm>>
    %dma_start3A_11 = tpu.memref_squeeze %dma_start3A_10 : memref<1x10000x64xf32, #tpu.memory_space<hbm>> -> memref<10000x64xf32, #tpu.memory_space<hbm>>
    %dma_start3A_12 = arith.constant 0 : i32
    %dma_start3A_13 = arith.constant 0 : i32
    %dma_start3A_14 = tpu.memref_slice %dma_start3A_11[%dma_start3A_12, %dma_start3A_13] : memref<10000x64xf32, #tpu.memory_space<hbm>> -> memref<10000x64xf32, #tpu.memory_space<hbm>>
    tpu.enqueue_indirect_dma source(%dma_start3A_14 : memref<10000x64xf32, #tpu.memory_space<hbm>>) target(%arg9 : memref<128x64xf32, #tpu.memory_space<vmem>>) offsets(%dma_start3A_7 : memref<128xi32, #tpu.memory_space<vmem>>) semaphore(%arg18 : memref<!tpu.dma_semaphore, #tpu.memory_space<semaphore_mem>>)
    %dma_start3A_15 = arith.constant 1 : i32
    %dma_start3A_16 = arith.constant 0 : i32
    %dma_start3A_17 = tpu.memref_slice %arg7[%dma_start3A_15, %dma_start3A_16] : memref<80x128xi32, #tpu.memory_space<vmem>> -> memref<1x128xi32, #tpu.memory_space<vmem>>
    %dma_start3A_18 = tpu.memref_squeeze %dma_start3A_17 : memref<1x128xi32, #tpu.memory_space<vmem>> -> memref<128xi32, #tpu.memory_space<vmem>>
    %dma_start3A_19 = arith.constant 0 : i32
    %dma_start3A_20 = arith.constant 0 : i32
    %dma_start3A_21 = tpu.memref_slice %arg2[%arg0, %dma_start3A_19, %dma_start3A_20] : memref<2x10000x64xf32, #tpu.memory_space<hbm>> -> memref<1x10000x64xf32, #tpu.memory_space<hbm>>
    %dma_start3A_22 = tpu.memref_squeeze %dma_start3A_21 : memref<1x10000x64xf32, #tpu.memory_space<hbm>> -> memref<10000x64xf32, #tpu.memory_space<hbm>>
    %dma_start3A_23 = arith.constant 0 : i32
    %dma_start3A_24 = arith.constant 0 : i32
    %dma_start3A_25 = tpu.memref_slice %dma_start3A_22[%dma_start3A_23, %dma_start3A_24] : memref<10000x64xf32, #tpu.memory_space<hbm>> -> memref<10000x64xf32, #tpu.memory_space<hbm>>
    tpu.enqueue_indirect_dma source(%dma_start3A_25 : memref<10000x64xf32, #tpu.memory_space<hbm>>) target(%arg10 : memref<128x64xf32, #tpu.memory_space<vmem>>) offsets(%dma_start3A_18 : memref<128xi32, #tpu.memory_space<vmem>>) semaphore(%arg19 : memref<!tpu.dma_semaphore, #tpu.memory_space<semaphore_mem>>)
    %dma_start3A_26 = arith.constant 2 : i32
    %dma_start3A_27 = arith.constant 0 : i32
    %dma_start3A_28 = tpu.memref_slice %arg7[%dma_start3A_26, %dma_start3A_27] : memref<80x128xi32, #tpu.memory_space<vmem>> -> memref<1x128xi32, #tpu.memory_space<vmem>>
    %dma_start3A_29 = tpu.memref_squeeze %dma_start3A_28 : memref<1x128xi32, #tpu.memory_space<vmem>> -> memref<128xi32, #tpu.memory_space<vmem>>
    %dma_start3A_30 = arith.constant 0 : i32
    %dma_start3A_31 = arith.constant 0 : i32
    %dma_start3A_32 = tpu.memref_slice %arg2[%arg0, %dma_start3A_30, %dma_start3A_31] : memref<2x10000x64xf32, #tpu.memory_space<hbm>> -> memref<1x10000x64xf32, #tpu.memory_space<hbm>>
    %dma_start3A_33 = tpu.memref_squeeze %dma_start3A_32 : memref<1x10000x64xf32, #tpu.memory_space<hbm>> -> memref<10000x64xf32, #tpu.memory_space<hbm>>
    %dma_start3A_34 = arith.constant 0 : i32
    %dma_start3A_35 = arith.constant 0 : i32
    %dma_start3A_36 = tpu.memref_slice %dma_start3A_33[%dma_start3A_34, %dma_start3A_35] : memref<10000x64xf32, #tpu.memory_space<hbm>> -> memref<10000x64xf32, #tpu.memory_space<hbm>>
    tpu.enqueue_indirect_dma source(%dma_start3A_36 : memref<10000x64xf32, #tpu.memory_space<hbm>>) target(%arg11 : memref<128x64xf32, #tpu.memory_space<vmem>>) offsets(%dma_start3A_29 : memref<128xi32, #tpu.memory_space<vmem>>) semaphore(%arg20 : memref<!tpu.dma_semaphore, #tpu.memory_space<semaphore_mem>>)
    %dma_start3A_37 = arith.constant 3 : i32
    %dma_start3A_38 = arith.constant 0 : i32
    %dma_start3A_39 = tpu.memref_slice %arg7[%dma_start3A_37, %dma_start3A_38] : memref<80x128xi32, #tpu.memory_space<vmem>> -> memref<1x128xi32, #tpu.memory_space<vmem>>
    %dma_start3A_40 = tpu.memref_squeeze %dma_start3A_39 : memref<1x128xi32, #tpu.memory_space<vmem>> -> memref<128xi32, #tpu.memory_space<vmem>>
    %dma_start3A_41 = arith.constant 0 : i32
    %dma_start3A_42 = arith.constant 0 : i32
    %dma_start3A_43 = tpu.memref_slice %arg2[%arg0, %dma_start3A_41, %dma_start3A_42] : memref<2x10000x64xf32, #tpu.memory_space<hbm>> -> memref<1x10000x64xf32, #tpu.memory_space<hbm>>
    %dma_start3A_44 = tpu.memref_squeeze %dma_start3A_43 : memref<1x10000x64xf32, #tpu.memory_space<hbm>> -> memref<10000x64xf32, #tpu.memory_space<hbm>>
    %dma_start3A_45 = arith.constant 0 : i32
    %dma_start3A_46 = arith.constant 0 : i32
    %dma_start3A_47 = tpu.memref_slice %dma_start3A_44[%dma_start3A_45, %dma_start3A_46] : memref<10000x64xf32, #tpu.memory_space<hbm>> -> memref<10000x64xf32, #tpu.memory_space<hbm>>
    tpu.enqueue_indirect_dma source(%dma_start3A_47 : memref<10000x64xf32, #tpu.memory_space<hbm>>) target(%arg12 : memref<128x64xf32, #tpu.memory_space<vmem>>) offsets(%dma_start3A_40 : memref<128xi32, #tpu.memory_space<vmem>>) semaphore(%arg21 : memref<!tpu.dma_semaphore, #tpu.memory_space<semaphore_mem>>)
    %scan3A = arith.constant 0 : i32
    %scan3A_48 = arith.constant 0 : i32
    %scan3A_49 = arith.constant 10 : i32
    %scan3A_50 = arith.addi %scan3A_48, %scan3A_49 : i32
    %scan3A_51 = arith.constant 1 : i32
    scf.for %scan3A_81 = %scan3A_48 to %scan3A_50 step %scan3A_51  : i32 {
      %mul3A_82 = arith.constant 8 : i32
      %mul3A_83 = arith.muli %scan3A_81, %mul3A_82 : i32
      %add3A_84 = arith.constant 0 : i32
      %add3A_85 = arith.addi %mul3A_83, %add3A_84 : i32
      %dma_wait3A_86 = arith.constant 0 : i32
      %dma_wait3A_87 = arith.constant 0 : i32
      %dma_wait3A_88 = tpu.memref_slice %arg2[%arg0, %dma_wait3A_86, %dma_wait3A_87] : memref<2x10000x64xf32, #tpu.memory_space<hbm>> -> memref<1x10000x64xf32, #tpu.memory_space<hbm>>
      %dma_wait3A_89 = tpu.memref_squeeze %dma_wait3A_88 : memref<1x10000x64xf32, #tpu.memory_space<hbm>> -> memref<10000x64xf32, #tpu.memory_space<hbm>>
      %dma_wait3A_90 = arith.constant 0 : i32
      %dma_wait3A_91 = arith.constant 0 : i32
      %dma_wait3A_92 = tpu.memref_slice %arg2[%arg0, %dma_wait3A_90, %dma_wait3A_91] : memref<2x10000x64xf32, #tpu.memory_space<hbm>> -> memref<1x10000x64xf32, #tpu.memory_space<hbm>>
      %dma_wait3A_93 = tpu.memref_squeeze %dma_wait3A_92 : memref<1x10000x64xf32, #tpu.memory_space<hbm>> -> memref<10000x64xf32, #tpu.memory_space<hbm>>
      tpu.wait_dma2 semaphore(%arg18 : memref<!tpu.dma_semaphore, #tpu.memory_space<semaphore_mem>>) src(%dma_wait3A_93 : memref<10000x64xf32, #tpu.memory_space<hbm>>) dst(%arg9 : memref<128x64xf32, #tpu.memory_space<vmem>>)
      %dma_start3A_94 = arith.constant 0 : i32
      %dma_start3A_95 = tpu.memref_slice %arg8[%add3A_85, %dma_start3A_94] : memref<80x128xi32, #tpu.memory_space<vmem>> -> memref<1x128xi32, #tpu.memory_space<vmem>>
      %dma_start3A_96 = tpu.memref_squeeze %dma_start3A_95 : memref<1x128xi32, #tpu.memory_space<vmem>> -> memref<128xi32, #tpu.memory_space<vmem>>
      %dma_start3A_97 = arith.constant 0 : i32
      %dma_start3A_98 = arith.constant 0 : i32
      %dma_start3A_99 = tpu.memref_slice %arg17[%dma_start3A_97, %dma_start3A_98] : memref<10240x64xf32, #tpu.memory_space<vmem_shared>> -> memref<10240x64xf32, #tpu.memory_space<vmem_shared>>
      tpu.enqueue_indirect_dma source(%arg9 : memref<128x64xf32, #tpu.memory_space<vmem>>) target(%dma_start3A_99 : memref<10240x64xf32, #tpu.memory_space<vmem_shared>>) offsets(%dma_start3A_96 : memref<128xi32, #tpu.memory_space<vmem>>) semaphore(%arg26 : memref<!tpu.dma_semaphore, #tpu.memory_space<semaphore_mem>>) {add = true}
      %ge3A = arith.constant 4 : i32
      %ge3A_100 = arith.cmpi sge, %add3A_85, %ge3A : i32
      %convert_element_type3A = arith.extui %ge3A_100 : i1 to i32
      %cond3A = arith.constant 0 : i32
      %cond3A_101 = arith.cmpi ne, %convert_element_type3A, %cond3A : i32
      scf.if %cond3A_101 {
        %dma_wait3A_318 = arith.constant 0 : i32
        %dma_wait3A_319 = arith.constant 0 : i32
        %dma_wait3A_320 = tpu.memref_slice %arg8[%dma_wait3A_318, %dma_wait3A_319] : memref<80x128xi32, #tpu.memory_space<vmem>> -> memref<1x128xi32, #tpu.memory_space<vmem>>
        %dma_wait3A_321 = tpu.memref_squeeze %dma_wait3A_320 : memref<1x128xi32, #tpu.memory_space<vmem>> -> memref<128xi32, #tpu.memory_space<vmem>>
        %dma_wait3A_322 = arith.constant 0 : i32
        %dma_wait3A_323 = arith.constant 0 : i32
        %dma_wait3A_324 = tpu.memref_slice %arg17[%dma_wait3A_322, %dma_wait3A_323] : memref<10240x64xf32, #tpu.memory_space<vmem_shared>> -> memref<10240x64xf32, #tpu.memory_space<vmem_shared>>
        tpu.wait_indirect_dma semaphore(%arg30 : memref<!tpu.dma_semaphore, #tpu.memory_space<semaphore_mem>>) src(%arg13 : memref<128x64xf32, #tpu.memory_space<vmem>>) dst(%dma_wait3A_324 : memref<10240x64xf32, #tpu.memory_space<vmem_shared>>)
      } else {
      }
      %add3A_102 = arith.constant 4 : i32
      %add3A_103 = arith.addi %add3A_85, %add3A_102 : i32
      %lt3A = arith.constant 80 : i32
      %lt3A_104 = arith.cmpi slt, %add3A_103, %lt3A : i32
      %convert_element_type3A_105 = arith.extui %lt3A_104 : i1 to i32
      %cond3A_106 = arith.constant 0 : i32
      %cond3A_107 = arith.cmpi ne, %convert_element_type3A_105, %cond3A_106 : i32
      scf.if %cond3A_107 {
        %add3A_318 = arith.constant 4 : i32
        %add3A_319 = arith.addi %add3A_85, %add3A_318 : i32
        %dma_start3A_320 = arith.constant 0 : i32
        %dma_start3A_321 = tpu.memref_slice %arg7[%add3A_319, %dma_start3A_320] : memref<80x128xi32, #tpu.memory_space<vmem>> -> memref<1x128xi32, #tpu.memory_space<vmem>>
        %dma_start3A_322 = tpu.memref_squeeze %dma_start3A_321 : memref<1x128xi32, #tpu.memory_space<vmem>> -> memref<128xi32, #tpu.memory_space<vmem>>
        %dma_start3A_323 = arith.constant 0 : i32
        %dma_start3A_324 = arith.constant 0 : i32
        %dma_start3A_325 = tpu.memref_slice %arg2[%arg0, %dma_start3A_323, %dma_start3A_324] : memref<2x10000x64xf32, #tpu.memory_space<hbm>> -> memref<1x10000x64xf32, #tpu.memory_space<hbm>>
        %dma_start3A_326 = tpu.memref_squeeze %dma_start3A_325 : memref<1x10000x64xf32, #tpu.memory_space<hbm>> -> memref<10000x64xf32, #tpu.memory_space<hbm>>
        %dma_start3A_327 = arith.constant 0 : i32
        %dma_start3A_328 = arith.constant 0 : i32
        %dma_start3A_329 = tpu.memref_slice %dma_start3A_326[%dma_start3A_327, %dma_start3A_328] : memref<10000x64xf32, #tpu.memory_space<hbm>> -> memref<10000x64xf32, #tpu.memory_space<hbm>>
        tpu.enqueue_indirect_dma source(%dma_start3A_329 : memref<10000x64xf32, #tpu.memory_space<hbm>>) target(%arg13 : memref<128x64xf32, #tpu.memory_space<vmem>>) offsets(%dma_start3A_322 : memref<128xi32, #tpu.memory_space<vmem>>) semaphore(%arg22 : memref<!tpu.dma_semaphore, #tpu.memory_space<semaphore_mem>>)
      } else {
      }
      %mul3A_108 = arith.constant 8 : i32
      %mul3A_109 = arith.muli %scan3A_81, %mul3A_108 : i32
      %add3A_110 = arith.constant 1 : i32
      %add3A_111 = arith.addi %mul3A_109, %add3A_110 : i32
      %dma_wait3A_112 = arith.constant 0 : i32
      %dma_wait3A_113 = arith.constant 0 : i32
      %dma_wait3A_114 = tpu.memref_slice %arg2[%arg0, %dma_wait3A_112, %dma_wait3A_113] : memref<2x10000x64xf32, #tpu.memory_space<hbm>> -> memref<1x10000x64xf32, #tpu.memory_space<hbm>>
      %dma_wait3A_115 = tpu.memref_squeeze %dma_wait3A_114 : memref<1x10000x64xf32, #tpu.memory_space<hbm>> -> memref<10000x64xf32, #tpu.memory_space<hbm>>
      %dma_wait3A_116 = arith.constant 0 : i32
      %dma_wait3A_117 = arith.constant 0 : i32
      %dma_wait3A_118 = tpu.memref_slice %arg2[%arg0, %dma_wait3A_116, %dma_wait3A_117] : memref<2x10000x64xf32, #tpu.memory_space<hbm>> -> memref<1x10000x64xf32, #tpu.memory_space<hbm>>
      %dma_wait3A_119 = tpu.memref_squeeze %dma_wait3A_118 : memref<1x10000x64xf32, #tpu.memory_space<hbm>> -> memref<10000x64xf32, #tpu.memory_space<hbm>>
      tpu.wait_dma2 semaphore(%arg19 : memref<!tpu.dma_semaphore, #tpu.memory_space<semaphore_mem>>) src(%dma_wait3A_119 : memref<10000x64xf32, #tpu.memory_space<hbm>>) dst(%arg10 : memref<128x64xf32, #tpu.memory_space<vmem>>)
      %dma_start3A_120 = arith.constant 0 : i32
      %dma_start3A_121 = tpu.memref_slice %arg8[%add3A_111, %dma_start3A_120] : memref<80x128xi32, #tpu.memory_space<vmem>> -> memref<1x128xi32, #tpu.memory_space<vmem>>
      %dma_start3A_122 = tpu.memref_squeeze %dma_start3A_121 : memref<1x128xi32, #tpu.memory_space<vmem>> -> memref<128xi32, #tpu.memory_space<vmem>>
      %dma_start3A_123 = arith.constant 0 : i32
      %dma_start3A_124 = arith.constant 0 : i32
      %dma_start3A_125 = tpu.memref_slice %arg17[%dma_start3A_123, %dma_start3A_124] : memref<10240x64xf32, #tpu.memory_space<vmem_shared>> -> memref<10240x64xf32, #tpu.memory_space<vmem_shared>>
      tpu.enqueue_indirect_dma source(%arg10 : memref<128x64xf32, #tpu.memory_space<vmem>>) target(%dma_start3A_125 : memref<10240x64xf32, #tpu.memory_space<vmem_shared>>) offsets(%dma_start3A_122 : memref<128xi32, #tpu.memory_space<vmem>>) semaphore(%arg27 : memref<!tpu.dma_semaphore, #tpu.memory_space<semaphore_mem>>) {add = true}
      %ge3A_126 = arith.constant 4 : i32
      %ge3A_127 = arith.cmpi sge, %add3A_111, %ge3A_126 : i32
      %convert_element_type3A_128 = arith.extui %ge3A_127 : i1 to i32
      %cond3A_129 = arith.constant 0 : i32
      %cond3A_130 = arith.cmpi ne, %convert_element_type3A_128, %cond3A_129 : i32
      scf.if %cond3A_130 {
        %dma_wait3A_318 = arith.constant 0 : i32
        %dma_wait3A_319 = arith.constant 0 : i32
        %dma_wait3A_320 = tpu.memref_slice %arg8[%dma_wait3A_318, %dma_wait3A_319] : memref<80x128xi32, #tpu.memory_space<vmem>> -> memref<1x128xi32, #tpu.memory_space<vmem>>
        %dma_wait3A_321 = tpu.memref_squeeze %dma_wait3A_320 : memref<1x128xi32, #tpu.memory_space<vmem>> -> memref<128xi32, #tpu.memory_space<vmem>>
        %dma_wait3A_322 = arith.constant 0 : i32
        %dma_wait3A_323 = arith.constant 0 : i32
        %dma_wait3A_324 = tpu.memref_slice %arg17[%dma_wait3A_322, %dma_wait3A_323] : memref<10240x64xf32, #tpu.memory_space<vmem_shared>> -> memref<10240x64xf32, #tpu.memory_space<vmem_shared>>
        tpu.wait_indirect_dma semaphore(%arg31 : memref<!tpu.dma_semaphore, #tpu.memory_space<semaphore_mem>>) src(%arg14 : memref<128x64xf32, #tpu.memory_space<vmem>>) dst(%dma_wait3A_324 : memref<10240x64xf32, #tpu.memory_space<vmem_shared>>)
      } else {
      }
      %add3A_131 = arith.constant 4 : i32
      %add3A_132 = arith.addi %add3A_111, %add3A_131 : i32
      %lt3A_133 = arith.constant 80 : i32
      %lt3A_134 = arith.cmpi slt, %add3A_132, %lt3A_133 : i32
      %convert_element_type3A_135 = arith.extui %lt3A_134 : i1 to i32
      %cond3A_136 = arith.constant 0 : i32
      %cond3A_137 = arith.cmpi ne, %convert_element_type3A_135, %cond3A_136 : i32
      scf.if %cond3A_137 {
        %add3A_318 = arith.constant 4 : i32
        %add3A_319 = arith.addi %add3A_111, %add3A_318 : i32
        %dma_start3A_320 = arith.constant 0 : i32
        %dma_start3A_321 = tpu.memref_slice %arg7[%add3A_319, %dma_start3A_320] : memref<80x128xi32, #tpu.memory_space<vmem>> -> memref<1x128xi32, #tpu.memory_space<vmem>>
        %dma_start3A_322 = tpu.memref_squeeze %dma_start3A_321 : memref<1x128xi32, #tpu.memory_space<vmem>> -> memref<128xi32, #tpu.memory_space<vmem>>
        %dma_start3A_323 = arith.constant 0 : i32
        %dma_start3A_324 = arith.constant 0 : i32
        %dma_start3A_325 = tpu.memref_slice %arg2[%arg0, %dma_start3A_323, %dma_start3A_324] : memref<2x10000x64xf32, #tpu.memory_space<hbm>> -> memref<1x10000x64xf32, #tpu.memory_space<hbm>>
        %dma_start3A_326 = tpu.memref_squeeze %dma_start3A_325 : memref<1x10000x64xf32, #tpu.memory_space<hbm>> -> memref<10000x64xf32, #tpu.memory_space<hbm>>
        %dma_start3A_327 = arith.constant 0 : i32
        %dma_start3A_328 = arith.constant 0 : i32
        %dma_start3A_329 = tpu.memref_slice %dma_start3A_326[%dma_start3A_327, %dma_start3A_328] : memref<10000x64xf32, #tpu.memory_space<hbm>> -> memref<10000x64xf32, #tpu.memory_space<hbm>>
        tpu.enqueue_indirect_dma source(%dma_start3A_329 : memref<10000x64xf32, #tpu.memory_space<hbm>>) target(%arg14 : memref<128x64xf32, #tpu.memory_space<vmem>>) offsets(%dma_start3A_322 : memref<128xi32, #tpu.memory_space<vmem>>) semaphore(%arg23 : memref<!tpu.dma_semaphore, #tpu.memory_space<semaphore_mem>>)
      } else {
      }
      %mul3A_138 = arith.constant 8 : i32
      %mul3A_139 = arith.muli %scan3A_81, %mul3A_138 : i32
      %add3A_140 = arith.constant 2 : i32
      %add3A_141 = arith.addi %mul3A_139, %add3A_140 : i32
      %dma_wait3A_142 = arith.constant 0 : i32
      %dma_wait3A_143 = arith.constant 0 : i32
      %dma_wait3A_144 = tpu.memref_slice %arg2[%arg0, %dma_wait3A_142, %dma_wait3A_143] : memref<2x10000x64xf32, #tpu.memory_space<hbm>> -> memref<1x10000x64xf32, #tpu.memory_space<hbm>>
      %dma_wait3A_145 = tpu.memref_squeeze %dma_wait3A_144 : memref<1x10000x64xf32, #tpu.memory_space<hbm>> -> memref<10000x64xf32, #tpu.memory_space<hbm>>
      %dma_wait3A_146 = arith.constant 0 : i32
      %dma_wait3A_147 = arith.constant 0 : i32
      %dma_wait3A_148 = tpu.memref_slice %arg2[%arg0, %dma_wait3A_146, %dma_wait3A_147] : memref<2x10000x64xf32, #tpu.memory_space<hbm>> -> memref<1x10000x64xf32, #tpu.memory_space<hbm>>
      %dma_wait3A_149 = tpu.memref_squeeze %dma_wait3A_148 : memref<1x10000x64xf32, #tpu.memory_space<hbm>> -> memref<10000x64xf32, #tpu.memory_space<hbm>>
      tpu.wait_dma2 semaphore(%arg20 : memref<!tpu.dma_semaphore, #tpu.memory_space<semaphore_mem>>) src(%dma_wait3A_149 : memref<10000x64xf32, #tpu.memory_space<hbm>>) dst(%arg11 : memref<128x64xf32, #tpu.memory_space<vmem>>)
      %dma_start3A_150 = arith.constant 0 : i32
      %dma_start3A_151 = tpu.memref_slice %arg8[%add3A_141, %dma_start3A_150] : memref<80x128xi32, #tpu.memory_space<vmem>> -> memref<1x128xi32, #tpu.memory_space<vmem>>
      %dma_start3A_152 = tpu.memref_squeeze %dma_start3A_151 : memref<1x128xi32, #tpu.memory_space<vmem>> -> memref<128xi32, #tpu.memory_space<vmem>>
      %dma_start3A_153 = arith.constant 0 : i32
      %dma_start3A_154 = arith.constant 0 : i32
      %dma_start3A_155 = tpu.memref_slice %arg17[%dma_start3A_153, %dma_start3A_154] : memref<10240x64xf32, #tpu.memory_space<vmem_shared>> -> memref<10240x64xf32, #tpu.memory_space<vmem_shared>>
      tpu.enqueue_indirect_dma source(%arg11 : memref<128x64xf32, #tpu.memory_space<vmem>>) target(%dma_start3A_155 : memref<10240x64xf32, #tpu.memory_space<vmem_shared>>) offsets(%dma_start3A_152 : memref<128xi32, #tpu.memory_space<vmem>>) semaphore(%arg28 : memref<!tpu.dma_semaphore, #tpu.memory_space<semaphore_mem>>) {add = true}
      %ge3A_156 = arith.constant 4 : i32
      %ge3A_157 = arith.cmpi sge, %add3A_141, %ge3A_156 : i32
      %convert_element_type3A_158 = arith.extui %ge3A_157 : i1 to i32
      %cond3A_159 = arith.constant 0 : i32
      %cond3A_160 = arith.cmpi ne, %convert_element_type3A_158, %cond3A_159 : i32
      scf.if %cond3A_160 {
        %dma_wait3A_318 = arith.constant 0 : i32
        %dma_wait3A_319 = arith.constant 0 : i32
        %dma_wait3A_320 = tpu.memref_slice %arg8[%dma_wait3A_318, %dma_wait3A_319] : memref<80x128xi32, #tpu.memory_space<vmem>> -> memref<1x128xi32, #tpu.memory_space<vmem>>
        %dma_wait3A_321 = tpu.memref_squeeze %dma_wait3A_320 : memref<1x128xi32, #tpu.memory_space<vmem>> -> memref<128xi32, #tpu.memory_space<vmem>>
        %dma_wait3A_322 = arith.constant 0 : i32
        %dma_wait3A_323 = arith.constant 0 : i32
        %dma_wait3A_324 = tpu.memref_slice %arg17[%dma_wait3A_322, %dma_wait3A_323] : memref<10240x64xf32, #tpu.memory_space<vmem_shared>> -> memref<10240x64xf32, #tpu.memory_space<vmem_shared>>
        tpu.wait_indirect_dma semaphore(%arg32 : memref<!tpu.dma_semaphore, #tpu.memory_space<semaphore_mem>>) src(%arg15 : memref<128x64xf32, #tpu.memory_space<vmem>>) dst(%dma_wait3A_324 : memref<10240x64xf32, #tpu.memory_space<vmem_shared>>)
      } else {
      }
      %add3A_161 = arith.constant 4 : i32
      %add3A_162 = arith.addi %add3A_141, %add3A_161 : i32
      %lt3A_163 = arith.constant 80 : i32
      %lt3A_164 = arith.cmpi slt, %add3A_162, %lt3A_163 : i32
      %convert_element_type3A_165 = arith.extui %lt3A_164 : i1 to i32
      %cond3A_166 = arith.constant 0 : i32
      %cond3A_167 = arith.cmpi ne, %convert_element_type3A_165, %cond3A_166 : i32
      scf.if %cond3A_167 {
        %add3A_318 = arith.constant 4 : i32
        %add3A_319 = arith.addi %add3A_141, %add3A_318 : i32
        %dma_start3A_320 = arith.constant 0 : i32
        %dma_start3A_321 = tpu.memref_slice %arg7[%add3A_319, %dma_start3A_320] : memref<80x128xi32, #tpu.memory_space<vmem>> -> memref<1x128xi32, #tpu.memory_space<vmem>>
        %dma_start3A_322 = tpu.memref_squeeze %dma_start3A_321 : memref<1x128xi32, #tpu.memory_space<vmem>> -> memref<128xi32, #tpu.memory_space<vmem>>
        %dma_start3A_323 = arith.constant 0 : i32
        %dma_start3A_324 = arith.constant 0 : i32
        %dma_start3A_325 = tpu.memref_slice %arg2[%arg0, %dma_start3A_323, %dma_start3A_324] : memref<2x10000x64xf32, #tpu.memory_space<hbm>> -> memref<1x10000x64xf32, #tpu.memory_space<hbm>>
        %dma_start3A_326 = tpu.memref_squeeze %dma_start3A_325 : memref<1x10000x64xf32, #tpu.memory_space<hbm>> -> memref<10000x64xf32, #tpu.memory_space<hbm>>
        %dma_start3A_327 = arith.constant 0 : i32
        %dma_start3A_328 = arith.constant 0 : i32
        %dma_start3A_329 = tpu.memref_slice %dma_start3A_326[%dma_start3A_327, %dma_start3A_328] : memref<10000x64xf32, #tpu.memory_space<hbm>> -> memref<10000x64xf32, #tpu.memory_space<hbm>>
        tpu.enqueue_indirect_dma source(%dma_start3A_329 : memref<10000x64xf32, #tpu.memory_space<hbm>>) target(%arg15 : memref<128x64xf32, #tpu.memory_space<vmem>>) offsets(%dma_start3A_322 : memref<128xi32, #tpu.memory_space<vmem>>) semaphore(%arg24 : memref<!tpu.dma_semaphore, #tpu.memory_space<semaphore_mem>>)
      } else {
      }
      %mul3A_168 = arith.constant 8 : i32
      %mul3A_169 = arith.muli %scan3A_81, %mul3A_168 : i32
      %add3A_170 = arith.constant 3 : i32
      %add3A_171 = arith.addi %mul3A_169, %add3A_170 : i32
      %dma_wait3A_172 = arith.constant 0 : i32
      %dma_wait3A_173 = arith.constant 0 : i32
      %dma_wait3A_174 = tpu.memref_slice %arg2[%arg0, %dma_wait3A_172, %dma_wait3A_173] : memref<2x10000x64xf32, #tpu.memory_space<hbm>> -> memref<1x10000x64xf32, #tpu.memory_space<hbm>>
      %dma_wait3A_175 = tpu.memref_squeeze %dma_wait3A_174 : memref<1x10000x64xf32, #tpu.memory_space<hbm>> -> memref<10000x64xf32, #tpu.memory_space<hbm>>
      %dma_wait3A_176 = arith.constant 0 : i32
      %dma_wait3A_177 = arith.constant 0 : i32
      %dma_wait3A_178 = tpu.memref_slice %arg2[%arg0, %dma_wait3A_176, %dma_wait3A_177] : memref<2x10000x64xf32, #tpu.memory_space<hbm>> -> memref<1x10000x64xf32, #tpu.memory_space<hbm>>
      %dma_wait3A_179 = tpu.memref_squeeze %dma_wait3A_178 : memref<1x10000x64xf32, #tpu.memory_space<hbm>> -> memref<10000x64xf32, #tpu.memory_space<hbm>>
      tpu.wait_dma2 semaphore(%arg21 : memref<!tpu.dma_semaphore, #tpu.memory_space<semaphore_mem>>) src(%dma_wait3A_179 : memref<10000x64xf32, #tpu.memory_space<hbm>>) dst(%arg12 : memref<128x64xf32, #tpu.memory_space<vmem>>)
      %dma_start3A_180 = arith.constant 0 : i32
      %dma_start3A_181 = tpu.memref_slice %arg8[%add3A_171, %dma_start3A_180] : memref<80x128xi32, #tpu.memory_space<vmem>> -> memref<1x128xi32, #tpu.memory_space<vmem>>
      %dma_start3A_182 = tpu.memref_squeeze %dma_start3A_181 : memref<1x128xi32, #tpu.memory_space<vmem>> -> memref<128xi32, #tpu.memory_space<vmem>>
      %dma_start3A_183 = arith.constant 0 : i32
      %dma_start3A_184 = arith.constant 0 : i32
      %dma_start3A_185 = tpu.memref_slice %arg17[%dma_start3A_183, %dma_start3A_184] : memref<10240x64xf32, #tpu.memory_space<vmem_shared>> -> memref<10240x64xf32, #tpu.memory_space<vmem_shared>>
      tpu.enqueue_indirect_dma source(%arg12 : memref<128x64xf32, #tpu.memory_space<vmem>>) target(%dma_start3A_185 : memref<10240x64xf32, #tpu.memory_space<vmem_shared>>) offsets(%dma_start3A_182 : memref<128xi32, #tpu.memory_space<vmem>>) semaphore(%arg29 : memref<!tpu.dma_semaphore, #tpu.memory_space<semaphore_mem>>) {add = true}
      %ge3A_186 = arith.constant 4 : i32
      %ge3A_187 = arith.cmpi sge, %add3A_171, %ge3A_186 : i32
      %convert_element_type3A_188 = arith.extui %ge3A_187 : i1 to i32
      %cond3A_189 = arith.constant 0 : i32
      %cond3A_190 = arith.cmpi ne, %convert_element_type3A_188, %cond3A_189 : i32
      scf.if %cond3A_190 {
        %dma_wait3A_318 = arith.constant 0 : i32
        %dma_wait3A_319 = arith.constant 0 : i32
        %dma_wait3A_320 = tpu.memref_slice %arg8[%dma_wait3A_318, %dma_wait3A_319] : memref<80x128xi32, #tpu.memory_space<vmem>> -> memref<1x128xi32, #tpu.memory_space<vmem>>
        %dma_wait3A_321 = tpu.memref_squeeze %dma_wait3A_320 : memref<1x128xi32, #tpu.memory_space<vmem>> -> memref<128xi32, #tpu.memory_space<vmem>>
        %dma_wait3A_322 = arith.constant 0 : i32
        %dma_wait3A_323 = arith.constant 0 : i32
        %dma_wait3A_324 = tpu.memref_slice %arg17[%dma_wait3A_322, %dma_wait3A_323] : memref<10240x64xf32, #tpu.memory_space<vmem_shared>> -> memref<10240x64xf32, #tpu.memory_space<vmem_shared>>
        tpu.wait_indirect_dma semaphore(%arg33 : memref<!tpu.dma_semaphore, #tpu.memory_space<semaphore_mem>>) src(%arg16 : memref<128x64xf32, #tpu.memory_space<vmem>>) dst(%dma_wait3A_324 : memref<10240x64xf32, #tpu.memory_space<vmem_shared>>)
      } else {
      }
      %add3A_191 = arith.constant 4 : i32
      %add3A_192 = arith.addi %add3A_171, %add3A_191 : i32
      %lt3A_193 = arith.constant 80 : i32
      %lt3A_194 = arith.cmpi slt, %add3A_192, %lt3A_193 : i32
      %convert_element_type3A_195 = arith.extui %lt3A_194 : i1 to i32
      %cond3A_196 = arith.constant 0 : i32
      %cond3A_197 = arith.cmpi ne, %convert_element_type3A_195, %cond3A_196 : i32
      scf.if %cond3A_197 {
        %add3A_318 = arith.constant 4 : i32
        %add3A_319 = arith.addi %add3A_171, %add3A_318 : i32
        %dma_start3A_320 = arith.constant 0 : i32
        %dma_start3A_321 = tpu.memref_slice %arg7[%add3A_319, %dma_start3A_320] : memref<80x128xi32, #tpu.memory_space<vmem>> -> memref<1x128xi32, #tpu.memory_space<vmem>>
        %dma_start3A_322 = tpu.memref_squeeze %dma_start3A_321 : memref<1x128xi32, #tpu.memory_space<vmem>> -> memref<128xi32, #tpu.memory_space<vmem>>
        %dma_start3A_323 = arith.constant 0 : i32
        %dma_start3A_324 = arith.constant 0 : i32
        %dma_start3A_325 = tpu.memref_slice %arg2[%arg0, %dma_start3A_323, %dma_start3A_324] : memref<2x10000x64xf32, #tpu.memory_space<hbm>> -> memref<1x10000x64xf32, #tpu.memory_space<hbm>>
        %dma_start3A_326 = tpu.memref_squeeze %dma_start3A_325 : memref<1x10000x64xf32, #tpu.memory_space<hbm>> -> memref<10000x64xf32, #tpu.memory_space<hbm>>
        %dma_start3A_327 = arith.constant 0 : i32
        %dma_start3A_328 = arith.constant 0 : i32
        %dma_start3A_329 = tpu.memref_slice %dma_start3A_326[%dma_start3A_327, %dma_start3A_328] : memref<10000x64xf32, #tpu.memory_space<hbm>> -> memref<10000x64xf32, #tpu.memory_space<hbm>>
        tpu.enqueue_indirect_dma source(%dma_start3A_329 : memref<10000x64xf32, #tpu.memory_space<hbm>>) target(%arg16 : memref<128x64xf32, #tpu.memory_space<vmem>>) offsets(%dma_start3A_322 : memref<128xi32, #tpu.memory_space<vmem>>) semaphore(%arg25 : memref<!tpu.dma_semaphore, #tpu.memory_space<semaphore_mem>>)
      } else {
      }
      %mul3A_198 = arith.constant 8 : i32
      %mul3A_199 = arith.muli %scan3A_81, %mul3A_198 : i32
      %add3A_200 = arith.constant 4 : i32
      %add3A_201 = arith.addi %mul3A_199, %add3A_200 : i32
      %dma_wait3A_202 = arith.constant 0 : i32
      %dma_wait3A_203 = arith.constant 0 : i32
      %dma_wait3A_204 = tpu.memref_slice %arg2[%arg0, %dma_wait3A_202, %dma_wait3A_203] : memref<2x10000x64xf32, #tpu.memory_space<hbm>> -> memref<1x10000x64xf32, #tpu.memory_space<hbm>>
      %dma_wait3A_205 = tpu.memref_squeeze %dma_wait3A_204 : memref<1x10000x64xf32, #tpu.memory_space<hbm>> -> memref<10000x64xf32, #tpu.memory_space<hbm>>
      %dma_wait3A_206 = arith.constant 0 : i32
      %dma_wait3A_207 = arith.constant 0 : i32
      %dma_wait3A_208 = tpu.memref_slice %arg2[%arg0, %dma_wait3A_206, %dma_wait3A_207] : memref<2x10000x64xf32, #tpu.memory_space<hbm>> -> memref<1x10000x64xf32, #tpu.memory_space<hbm>>
      %dma_wait3A_209 = tpu.memref_squeeze %dma_wait3A_208 : memref<1x10000x64xf32, #tpu.memory_space<hbm>> -> memref<10000x64xf32, #tpu.memory_space<hbm>>
      tpu.wait_dma2 semaphore(%arg22 : memref<!tpu.dma_semaphore, #tpu.memory_space<semaphore_mem>>) src(%dma_wait3A_209 : memref<10000x64xf32, #tpu.memory_space<hbm>>) dst(%arg13 : memref<128x64xf32, #tpu.memory_space<vmem>>)
      %dma_start3A_210 = arith.constant 0 : i32
      %dma_start3A_211 = tpu.memref_slice %arg8[%add3A_201, %dma_start3A_210] : memref<80x128xi32, #tpu.memory_space<vmem>> -> memref<1x128xi32, #tpu.memory_space<vmem>>
      %dma_start3A_212 = tpu.memref_squeeze %dma_start3A_211 : memref<1x128xi32, #tpu.memory_space<vmem>> -> memref<128xi32, #tpu.memory_space<vmem>>
      %dma_start3A_213 = arith.constant 0 : i32
      %dma_start3A_214 = arith.constant 0 : i32
      %dma_start3A_215 = tpu.memref_slice %arg17[%dma_start3A_213, %dma_start3A_214] : memref<10240x64xf32, #tpu.memory_space<vmem_shared>> -> memref<10240x64xf32, #tpu.memory_space<vmem_shared>>
      tpu.enqueue_indirect_dma source(%arg13 : memref<128x64xf32, #tpu.memory_space<vmem>>) target(%dma_start3A_215 : memref<10240x64xf32, #tpu.memory_space<vmem_shared>>) offsets(%dma_start3A_212 : memref<128xi32, #tpu.memory_space<vmem>>) semaphore(%arg30 : memref<!tpu.dma_semaphore, #tpu.memory_space<semaphore_mem>>) {add = true}
      %ge3A_216 = arith.constant 4 : i32
      %ge3A_217 = arith.cmpi sge, %add3A_201, %ge3A_216 : i32
      %convert_element_type3A_218 = arith.extui %ge3A_217 : i1 to i32
      %cond3A_219 = arith.constant 0 : i32
      %cond3A_220 = arith.cmpi ne, %convert_element_type3A_218, %cond3A_219 : i32
      scf.if %cond3A_220 {
        %dma_wait3A_318 = arith.constant 0 : i32
        %dma_wait3A_319 = arith.constant 0 : i32
        %dma_wait3A_320 = tpu.memref_slice %arg8[%dma_wait3A_318, %dma_wait3A_319] : memref<80x128xi32, #tpu.memory_space<vmem>> -> memref<1x128xi32, #tpu.memory_space<vmem>>
        %dma_wait3A_321 = tpu.memref_squeeze %dma_wait3A_320 : memref<1x128xi32, #tpu.memory_space<vmem>> -> memref<128xi32, #tpu.memory_space<vmem>>
        %dma_wait3A_322 = arith.constant 0 : i32
        %dma_wait3A_323 = arith.constant 0 : i32
        %dma_wait3A_324 = tpu.memref_slice %arg17[%dma_wait3A_322, %dma_wait3A_323] : memref<10240x64xf32, #tpu.memory_space<vmem_shared>> -> memref<10240x64xf32, #tpu.memory_space<vmem_shared>>
        tpu.wait_indirect_dma semaphore(%arg26 : memref<!tpu.dma_semaphore, #tpu.memory_space<semaphore_mem>>) src(%arg9 : memref<128x64xf32, #tpu.memory_space<vmem>>) dst(%dma_wait3A_324 : memref<10240x64xf32, #tpu.memory_space<vmem_shared>>)
      } else {
      }
      %add3A_221 = arith.constant 4 : i32
      %add3A_222 = arith.addi %add3A_201, %add3A_221 : i32
      %lt3A_223 = arith.constant 80 : i32
      %lt3A_224 = arith.cmpi slt, %add3A_222, %lt3A_223 : i32
      %convert_element_type3A_225 = arith.extui %lt3A_224 : i1 to i32
      %cond3A_226 = arith.constant 0 : i32
      %cond3A_227 = arith.cmpi ne, %convert_element_type3A_225, %cond3A_226 : i32
      scf.if %cond3A_227 {
        %add3A_318 = arith.constant 4 : i32
        %add3A_319 = arith.addi %add3A_201, %add3A_318 : i32
        %dma_start3A_320 = arith.constant 0 : i32
        %dma_start3A_321 = tpu.memref_slice %arg7[%add3A_319, %dma_start3A_320] : memref<80x128xi32, #tpu.memory_space<vmem>> -> memref<1x128xi32, #tpu.memory_space<vmem>>
        %dma_start3A_322 = tpu.memref_squeeze %dma_start3A_321 : memref<1x128xi32, #tpu.memory_space<vmem>> -> memref<128xi32, #tpu.memory_space<vmem>>
        %dma_start3A_323 = arith.constant 0 : i32
        %dma_start3A_324 = arith.constant 0 : i32
        %dma_start3A_325 = tpu.memref_slice %arg2[%arg0, %dma_start3A_323, %dma_start3A_324] : memref<2x10000x64xf32, #tpu.memory_space<hbm>> -> memref<1x10000x64xf32, #tpu.memory_space<hbm>>
        %dma_start3A_326 = tpu.memref_squeeze %dma_start3A_325 : memref<1x10000x64xf32, #tpu.memory_space<hbm>> -> memref<10000x64xf32, #tpu.memory_space<hbm>>
        %dma_start3A_327 = arith.constant 0 : i32
        %dma_start3A_328 = arith.constant 0 : i32
        %dma_start3A_329 = tpu.memref_slice %dma_start3A_326[%dma_start3A_327, %dma_start3A_328] : memref<10000x64xf32, #tpu.memory_space<hbm>> -> memref<10000x64xf32, #tpu.memory_space<hbm>>
        tpu.enqueue_indirect_dma source(%dma_start3A_329 : memref<10000x64xf32, #tpu.memory_space<hbm>>) target(%arg9 : memref<128x64xf32, #tpu.memory_space<vmem>>) offsets(%dma_start3A_322 : memref<128xi32, #tpu.memory_space<vmem>>) semaphore(%arg18 : memref<!tpu.dma_semaphore, #tpu.memory_space<semaphore_mem>>)
      } else {
      }
      %mul3A_228 = arith.constant 8 : i32
      %mul3A_229 = arith.muli %scan3A_81, %mul3A_228 : i32
      %add3A_230 = arith.constant 5 : i32
      %add3A_231 = arith.addi %mul3A_229, %add3A_230 : i32
      %dma_wait3A_232 = arith.constant 0 : i32
      %dma_wait3A_233 = arith.constant 0 : i32
      %dma_wait3A_234 = tpu.memref_slice %arg2[%arg0, %dma_wait3A_232, %dma_wait3A_233] : memref<2x10000x64xf32, #tpu.memory_space<hbm>> -> memref<1x10000x64xf32, #tpu.memory_space<hbm>>
      %dma_wait3A_235 = tpu.memref_squeeze %dma_wait3A_234 : memref<1x10000x64xf32, #tpu.memory_space<hbm>> -> memref<10000x64xf32, #tpu.memory_space<hbm>>
      %dma_wait3A_236 = arith.constant 0 : i32
      %dma_wait3A_237 = arith.constant 0 : i32
      %dma_wait3A_238 = tpu.memref_slice %arg2[%arg0, %dma_wait3A_236, %dma_wait3A_237] : memref<2x10000x64xf32, #tpu.memory_space<hbm>> -> memref<1x10000x64xf32, #tpu.memory_space<hbm>>
      %dma_wait3A_239 = tpu.memref_squeeze %dma_wait3A_238 : memref<1x10000x64xf32, #tpu.memory_space<hbm>> -> memref<10000x64xf32, #tpu.memory_space<hbm>>
      tpu.wait_dma2 semaphore(%arg23 : memref<!tpu.dma_semaphore, #tpu.memory_space<semaphore_mem>>) src(%dma_wait3A_239 : memref<10000x64xf32, #tpu.memory_space<hbm>>) dst(%arg14 : memref<128x64xf32, #tpu.memory_space<vmem>>)
      %dma_start3A_240 = arith.constant 0 : i32
      %dma_start3A_241 = tpu.memref_slice %arg8[%add3A_231, %dma_start3A_240] : memref<80x128xi32, #tpu.memory_space<vmem>> -> memref<1x128xi32, #tpu.memory_space<vmem>>
      %dma_start3A_242 = tpu.memref_squeeze %dma_start3A_241 : memref<1x128xi32, #tpu.memory_space<vmem>> -> memref<128xi32, #tpu.memory_space<vmem>>
      %dma_start3A_243 = arith.constant 0 : i32
      %dma_start3A_244 = arith.constant 0 : i32
      %dma_start3A_245 = tpu.memref_slice %arg17[%dma_start3A_243, %dma_start3A_244] : memref<10240x64xf32, #tpu.memory_space<vmem_shared>> -> memref<10240x64xf32, #tpu.memory_space<vmem_shared>>
      tpu.enqueue_indirect_dma source(%arg14 : memref<128x64xf32, #tpu.memory_space<vmem>>) target(%dma_start3A_245 : memref<10240x64xf32, #tpu.memory_space<vmem_shared>>) offsets(%dma_start3A_242 : memref<128xi32, #tpu.memory_space<vmem>>) semaphore(%arg31 : memref<!tpu.dma_semaphore, #tpu.memory_space<semaphore_mem>>) {add = true}
      %ge3A_246 = arith.constant 4 : i32
      %ge3A_247 = arith.cmpi sge, %add3A_231, %ge3A_246 : i32
      %convert_element_type3A_248 = arith.extui %ge3A_247 : i1 to i32
      %cond3A_249 = arith.constant 0 : i32
      %cond3A_250 = arith.cmpi ne, %convert_element_type3A_248, %cond3A_249 : i32
      scf.if %cond3A_250 {
        %dma_wait3A_318 = arith.constant 0 : i32
        %dma_wait3A_319 = arith.constant 0 : i32
        %dma_wait3A_320 = tpu.memref_slice %arg8[%dma_wait3A_318, %dma_wait3A_319] : memref<80x128xi32, #tpu.memory_space<vmem>> -> memref<1x128xi32, #tpu.memory_space<vmem>>
        %dma_wait3A_321 = tpu.memref_squeeze %dma_wait3A_320 : memref<1x128xi32, #tpu.memory_space<vmem>> -> memref<128xi32, #tpu.memory_space<vmem>>
        %dma_wait3A_322 = arith.constant 0 : i32
        %dma_wait3A_323 = arith.constant 0 : i32
        %dma_wait3A_324 = tpu.memref_slice %arg17[%dma_wait3A_322, %dma_wait3A_323] : memref<10240x64xf32, #tpu.memory_space<vmem_shared>> -> memref<10240x64xf32, #tpu.memory_space<vmem_shared>>
        tpu.wait_indirect_dma semaphore(%arg27 : memref<!tpu.dma_semaphore, #tpu.memory_space<semaphore_mem>>) src(%arg10 : memref<128x64xf32, #tpu.memory_space<vmem>>) dst(%dma_wait3A_324 : memref<10240x64xf32, #tpu.memory_space<vmem_shared>>)
      } else {
      }
      %add3A_251 = arith.constant 4 : i32
      %add3A_252 = arith.addi %add3A_231, %add3A_251 : i32
      %lt3A_253 = arith.constant 80 : i32
      %lt3A_254 = arith.cmpi slt, %add3A_252, %lt3A_253 : i32
      %convert_element_type3A_255 = arith.extui %lt3A_254 : i1 to i32
      %cond3A_256 = arith.constant 0 : i32
      %cond3A_257 = arith.cmpi ne, %convert_element_type3A_255, %cond3A_256 : i32
      scf.if %cond3A_257 {
        %add3A_318 = arith.constant 4 : i32
        %add3A_319 = arith.addi %add3A_231, %add3A_318 : i32
        %dma_start3A_320 = arith.constant 0 : i32
        %dma_start3A_321 = tpu.memref_slice %arg7[%add3A_319, %dma_start3A_320] : memref<80x128xi32, #tpu.memory_space<vmem>> -> memref<1x128xi32, #tpu.memory_space<vmem>>
        %dma_start3A_322 = tpu.memref_squeeze %dma_start3A_321 : memref<1x128xi32, #tpu.memory_space<vmem>> -> memref<128xi32, #tpu.memory_space<vmem>>
        %dma_start3A_323 = arith.constant 0 : i32
        %dma_start3A_324 = arith.constant 0 : i32
        %dma_start3A_325 = tpu.memref_slice %arg2[%arg0, %dma_start3A_323, %dma_start3A_324] : memref<2x10000x64xf32, #tpu.memory_space<hbm>> -> memref<1x10000x64xf32, #tpu.memory_space<hbm>>
        %dma_start3A_326 = tpu.memref_squeeze %dma_start3A_325 : memref<1x10000x64xf32, #tpu.memory_space<hbm>> -> memref<10000x64xf32, #tpu.memory_space<hbm>>
        %dma_start3A_327 = arith.constant 0 : i32
        %dma_start3A_328 = arith.constant 0 : i32
        %dma_start3A_329 = tpu.memref_slice %dma_start3A_326[%dma_start3A_327, %dma_start3A_328] : memref<10000x64xf32, #tpu.memory_space<hbm>> -> memref<10000x64xf32, #tpu.memory_space<hbm>>
        tpu.enqueue_indirect_dma source(%dma_start3A_329 : memref<10000x64xf32, #tpu.memory_space<hbm>>) target(%arg10 : memref<128x64xf32, #tpu.memory_space<vmem>>) offsets(%dma_start3A_322 : memref<128xi32, #tpu.memory_space<vmem>>) semaphore(%arg19 : memref<!tpu.dma_semaphore, #tpu.memory_space<semaphore_mem>>)
      } else {
      }
      %mul3A_258 = arith.constant 8 : i32
      %mul3A_259 = arith.muli %scan3A_81, %mul3A_258 : i32
      %add3A_260 = arith.constant 6 : i32
      %add3A_261 = arith.addi %mul3A_259, %add3A_260 : i32
      %dma_wait3A_262 = arith.constant 0 : i32
      %dma_wait3A_263 = arith.constant 0 : i32
      %dma_wait3A_264 = tpu.memref_slice %arg2[%arg0, %dma_wait3A_262, %dma_wait3A_263] : memref<2x10000x64xf32, #tpu.memory_space<hbm>> -> memref<1x10000x64xf32, #tpu.memory_space<hbm>>
      %dma_wait3A_265 = tpu.memref_squeeze %dma_wait3A_264 : memref<1x10000x64xf32, #tpu.memory_space<hbm>> -> memref<10000x64xf32, #tpu.memory_space<hbm>>
      %dma_wait3A_266 = arith.constant 0 : i32
      %dma_wait3A_267 = arith.constant 0 : i32
      %dma_wait3A_268 = tpu.memref_slice %arg2[%arg0, %dma_wait3A_266, %dma_wait3A_267] : memref<2x10000x64xf32, #tpu.memory_space<hbm>> -> memref<1x10000x64xf32, #tpu.memory_space<hbm>>
      %dma_wait3A_269 = tpu.memref_squeeze %dma_wait3A_268 : memref<1x10000x64xf32, #tpu.memory_space<hbm>> -> memref<10000x64xf32, #tpu.memory_space<hbm>>
      tpu.wait_dma2 semaphore(%arg24 : memref<!tpu.dma_semaphore, #tpu.memory_space<semaphore_mem>>) src(%dma_wait3A_269 : memref<10000x64xf32, #tpu.memory_space<hbm>>) dst(%arg15 : memref<128x64xf32, #tpu.memory_space<vmem>>)
      %dma_start3A_270 = arith.constant 0 : i32
      %dma_start3A_271 = tpu.memref_slice %arg8[%add3A_261, %dma_start3A_270] : memref<80x128xi32, #tpu.memory_space<vmem>> -> memref<1x128xi32, #tpu.memory_space<vmem>>
      %dma_start3A_272 = tpu.memref_squeeze %dma_start3A_271 : memref<1x128xi32, #tpu.memory_space<vmem>> -> memref<128xi32, #tpu.memory_space<vmem>>
      %dma_start3A_273 = arith.constant 0 : i32
      %dma_start3A_274 = arith.constant 0 : i32
      %dma_start3A_275 = tpu.memref_slice %arg17[%dma_start3A_273, %dma_start3A_274] : memref<10240x64xf32, #tpu.memory_space<vmem_shared>> -> memref<10240x64xf32, #tpu.memory_space<vmem_shared>>
      tpu.enqueue_indirect_dma source(%arg15 : memref<128x64xf32, #tpu.memory_space<vmem>>) target(%dma_start3A_275 : memref<10240x64xf32, #tpu.memory_space<vmem_shared>>) offsets(%dma_start3A_272 : memref<128xi32, #tpu.memory_space<vmem>>) semaphore(%arg32 : memref<!tpu.dma_semaphore, #tpu.memory_space<semaphore_mem>>) {add = true}
      %ge3A_276 = arith.constant 4 : i32
      %ge3A_277 = arith.cmpi sge, %add3A_261, %ge3A_276 : i32
      %convert_element_type3A_278 = arith.extui %ge3A_277 : i1 to i32
      %cond3A_279 = arith.constant 0 : i32
      %cond3A_280 = arith.cmpi ne, %convert_element_type3A_278, %cond3A_279 : i32
      scf.if %cond3A_280 {
        %dma_wait3A_318 = arith.constant 0 : i32
        %dma_wait3A_319 = arith.constant 0 : i32
        %dma_wait3A_320 = tpu.memref_slice %arg8[%dma_wait3A_318, %dma_wait3A_319] : memref<80x128xi32, #tpu.memory_space<vmem>> -> memref<1x128xi32, #tpu.memory_space<vmem>>
        %dma_wait3A_321 = tpu.memref_squeeze %dma_wait3A_320 : memref<1x128xi32, #tpu.memory_space<vmem>> -> memref<128xi32, #tpu.memory_space<vmem>>
        %dma_wait3A_322 = arith.constant 0 : i32
        %dma_wait3A_323 = arith.constant 0 : i32
        %dma_wait3A_324 = tpu.memref_slice %arg17[%dma_wait3A_322, %dma_wait3A_323] : memref<10240x64xf32, #tpu.memory_space<vmem_shared>> -> memref<10240x64xf32, #tpu.memory_space<vmem_shared>>
        tpu.wait_indirect_dma semaphore(%arg28 : memref<!tpu.dma_semaphore, #tpu.memory_space<semaphore_mem>>) src(%arg11 : memref<128x64xf32, #tpu.memory_space<vmem>>) dst(%dma_wait3A_324 : memref<10240x64xf32, #tpu.memory_space<vmem_shared>>)
      } else {
      }
      %add3A_281 = arith.constant 4 : i32
      %add3A_282 = arith.addi %add3A_261, %add3A_281 : i32
      %lt3A_283 = arith.constant 80 : i32
      %lt3A_284 = arith.cmpi slt, %add3A_282, %lt3A_283 : i32
      %convert_element_type3A_285 = arith.extui %lt3A_284 : i1 to i32
      %cond3A_286 = arith.constant 0 : i32
      %cond3A_287 = arith.cmpi ne, %convert_element_type3A_285, %cond3A_286 : i32
      scf.if %cond3A_287 {
        %add3A_318 = arith.constant 4 : i32
        %add3A_319 = arith.addi %add3A_261, %add3A_318 : i32
        %dma_start3A_320 = arith.constant 0 : i32
        %dma_start3A_321 = tpu.memref_slice %arg7[%add3A_319, %dma_start3A_320] : memref<80x128xi32, #tpu.memory_space<vmem>> -> memref<1x128xi32, #tpu.memory_space<vmem>>
        %dma_start3A_322 = tpu.memref_squeeze %dma_start3A_321 : memref<1x128xi32, #tpu.memory_space<vmem>> -> memref<128xi32, #tpu.memory_space<vmem>>
        %dma_start3A_323 = arith.constant 0 : i32
        %dma_start3A_324 = arith.constant 0 : i32
        %dma_start3A_325 = tpu.memref_slice %arg2[%arg0, %dma_start3A_323, %dma_start3A_324] : memref<2x10000x64xf32, #tpu.memory_space<hbm>> -> memref<1x10000x64xf32, #tpu.memory_space<hbm>>
        %dma_start3A_326 = tpu.memref_squeeze %dma_start3A_325 : memref<1x10000x64xf32, #tpu.memory_space<hbm>> -> memref<10000x64xf32, #tpu.memory_space<hbm>>
        %dma_start3A_327 = arith.constant 0 : i32
        %dma_start3A_328 = arith.constant 0 : i32
        %dma_start3A_329 = tpu.memref_slice %dma_start3A_326[%dma_start3A_327, %dma_start3A_328] : memref<10000x64xf32, #tpu.memory_space<hbm>> -> memref<10000x64xf32, #tpu.memory_space<hbm>>
        tpu.enqueue_indirect_dma source(%dma_start3A_329 : memref<10000x64xf32, #tpu.memory_space<hbm>>) target(%arg11 : memref<128x64xf32, #tpu.memory_space<vmem>>) offsets(%dma_start3A_322 : memref<128xi32, #tpu.memory_space<vmem>>) semaphore(%arg20 : memref<!tpu.dma_semaphore, #tpu.memory_space<semaphore_mem>>)
      } else {
      }
      %mul3A_288 = arith.constant 8 : i32
      %mul3A_289 = arith.muli %scan3A_81, %mul3A_288 : i32
      %add3A_290 = arith.constant 7 : i32
      %add3A_291 = arith.addi %mul3A_289, %add3A_290 : i32
      %dma_wait3A_292 = arith.constant 0 : i32
      %dma_wait3A_293 = arith.constant 0 : i32
      %dma_wait3A_294 = tpu.memref_slice %arg2[%arg0, %dma_wait3A_292, %dma_wait3A_293] : memref<2x10000x64xf32, #tpu.memory_space<hbm>> -> memref<1x10000x64xf32, #tpu.memory_space<hbm>>
      %dma_wait3A_295 = tpu.memref_squeeze %dma_wait3A_294 : memref<1x10000x64xf32, #tpu.memory_space<hbm>> -> memref<10000x64xf32, #tpu.memory_space<hbm>>
      %dma_wait3A_296 = arith.constant 0 : i32
      %dma_wait3A_297 = arith.constant 0 : i32
      %dma_wait3A_298 = tpu.memref_slice %arg2[%arg0, %dma_wait3A_296, %dma_wait3A_297] : memref<2x10000x64xf32, #tpu.memory_space<hbm>> -> memref<1x10000x64xf32, #tpu.memory_space<hbm>>
      %dma_wait3A_299 = tpu.memref_squeeze %dma_wait3A_298 : memref<1x10000x64xf32, #tpu.memory_space<hbm>> -> memref<10000x64xf32, #tpu.memory_space<hbm>>
      tpu.wait_dma2 semaphore(%arg25 : memref<!tpu.dma_semaphore, #tpu.memory_space<semaphore_mem>>) src(%dma_wait3A_299 : memref<10000x64xf32, #tpu.memory_space<hbm>>) dst(%arg16 : memref<128x64xf32, #tpu.memory_space<vmem>>)
      %dma_start3A_300 = arith.constant 0 : i32
      %dma_start3A_301 = tpu.memref_slice %arg8[%add3A_291, %dma_start3A_300] : memref<80x128xi32, #tpu.memory_space<vmem>> -> memref<1x128xi32, #tpu.memory_space<vmem>>
      %dma_start3A_302 = tpu.memref_squeeze %dma_start3A_301 : memref<1x128xi32, #tpu.memory_space<vmem>> -> memref<128xi32, #tpu.memory_space<vmem>>
      %dma_start3A_303 = arith.constant 0 : i32
      %dma_start3A_304 = arith.constant 0 : i32
      %dma_start3A_305 = tpu.memref_slice %arg17[%dma_start3A_303, %dma_start3A_304] : memref<10240x64xf32, #tpu.memory_space<vmem_shared>> -> memref<10240x64xf32, #tpu.memory_space<vmem_shared>>
      tpu.enqueue_indirect_dma source(%arg16 : memref<128x64xf32, #tpu.memory_space<vmem>>) target(%dma_start3A_305 : memref<10240x64xf32, #tpu.memory_space<vmem_shared>>) offsets(%dma_start3A_302 : memref<128xi32, #tpu.memory_space<vmem>>) semaphore(%arg33 : memref<!tpu.dma_semaphore, #tpu.memory_space<semaphore_mem>>) {add = true}
      %ge3A_306 = arith.constant 4 : i32
      %ge3A_307 = arith.cmpi sge, %add3A_291, %ge3A_306 : i32
      %convert_element_type3A_308 = arith.extui %ge3A_307 : i1 to i32
      %cond3A_309 = arith.constant 0 : i32
      %cond3A_310 = arith.cmpi ne, %convert_element_type3A_308, %cond3A_309 : i32
      scf.if %cond3A_310 {
        %dma_wait3A_318 = arith.constant 0 : i32
        %dma_wait3A_319 = arith.constant 0 : i32
        %dma_wait3A_320 = tpu.memref_slice %arg8[%dma_wait3A_318, %dma_wait3A_319] : memref<80x128xi32, #tpu.memory_space<vmem>> -> memref<1x128xi32, #tpu.memory_space<vmem>>
        %dma_wait3A_321 = tpu.memref_squeeze %dma_wait3A_320 : memref<1x128xi32, #tpu.memory_space<vmem>> -> memref<128xi32, #tpu.memory_space<vmem>>
        %dma_wait3A_322 = arith.constant 0 : i32
        %dma_wait3A_323 = arith.constant 0 : i32
        %dma_wait3A_324 = tpu.memref_slice %arg17[%dma_wait3A_322, %dma_wait3A_323] : memref<10240x64xf32, #tpu.memory_space<vmem_shared>> -> memref<10240x64xf32, #tpu.memory_space<vmem_shared>>
        tpu.wait_indirect_dma semaphore(%arg29 : memref<!tpu.dma_semaphore, #tpu.memory_space<semaphore_mem>>) src(%arg12 : memref<128x64xf32, #tpu.memory_space<vmem>>) dst(%dma_wait3A_324 : memref<10240x64xf32, #tpu.memory_space<vmem_shared>>)
      } else {
      }
      %add3A_311 = arith.constant 4 : i32
      %add3A_312 = arith.addi %add3A_291, %add3A_311 : i32
      %lt3A_313 = arith.constant 80 : i32
      %lt3A_314 = arith.cmpi slt, %add3A_312, %lt3A_313 : i32
      %convert_element_type3A_315 = arith.extui %lt3A_314 : i1 to i32
      %cond3A_316 = arith.constant 0 : i32
      %cond3A_317 = arith.cmpi ne, %convert_element_type3A_315, %cond3A_316 : i32
      scf.if %cond3A_317 {
        %add3A_318 = arith.constant 4 : i32
        %add3A_319 = arith.addi %add3A_291, %add3A_318 : i32
        %dma_start3A_320 = arith.constant 0 : i32
        %dma_start3A_321 = tpu.memref_slice %arg7[%add3A_319, %dma_start3A_320] : memref<80x128xi32, #tpu.memory_space<vmem>> -> memref<1x128xi32, #tpu.memory_space<vmem>>
        %dma_start3A_322 = tpu.memref_squeeze %dma_start3A_321 : memref<1x128xi32, #tpu.memory_space<vmem>> -> memref<128xi32, #tpu.memory_space<vmem>>
        %dma_start3A_323 = arith.constant 0 : i32
        %dma_start3A_324 = arith.constant 0 : i32
        %dma_start3A_325 = tpu.memref_slice %arg2[%arg0, %dma_start3A_323, %dma_start3A_324] : memref<2x10000x64xf32, #tpu.memory_space<hbm>> -> memref<1x10000x64xf32, #tpu.memory_space<hbm>>
        %dma_start3A_326 = tpu.memref_squeeze %dma_start3A_325 : memref<1x10000x64xf32, #tpu.memory_space<hbm>> -> memref<10000x64xf32, #tpu.memory_space<hbm>>
        %dma_start3A_327 = arith.constant 0 : i32
        %dma_start3A_328 = arith.constant 0 : i32
        %dma_start3A_329 = tpu.memref_slice %dma_start3A_326[%dma_start3A_327, %dma_start3A_328] : memref<10000x64xf32, #tpu.memory_space<hbm>> -> memref<10000x64xf32, #tpu.memory_space<hbm>>
        tpu.enqueue_indirect_dma source(%dma_start3A_329 : memref<10000x64xf32, #tpu.memory_space<hbm>>) target(%arg12 : memref<128x64xf32, #tpu.memory_space<vmem>>) offsets(%dma_start3A_322 : memref<128xi32, #tpu.memory_space<vmem>>) semaphore(%arg21 : memref<!tpu.dma_semaphore, #tpu.memory_space<semaphore_mem>>)
      } else {
      }
    }
    %scan3A_52 = arith.constant 10 : i32
    %dma_wait3A = arith.constant 0 : i32
    %dma_wait3A_53 = arith.constant 0 : i32
    %dma_wait3A_54 = tpu.memref_slice %arg8[%dma_wait3A, %dma_wait3A_53] : memref<80x128xi32, #tpu.memory_space<vmem>> -> memref<1x128xi32, #tpu.memory_space<vmem>>
    %dma_wait3A_55 = tpu.memref_squeeze %dma_wait3A_54 : memref<1x128xi32, #tpu.memory_space<vmem>> -> memref<128xi32, #tpu.memory_space<vmem>>
    %dma_wait3A_56 = arith.constant 0 : i32
    %dma_wait3A_57 = arith.constant 0 : i32
    %dma_wait3A_58 = tpu.memref_slice %arg17[%dma_wait3A_56, %dma_wait3A_57] : memref<10240x64xf32, #tpu.memory_space<vmem_shared>> -> memref<10240x64xf32, #tpu.memory_space<vmem_shared>>
    tpu.wait_indirect_dma semaphore(%arg30 : memref<!tpu.dma_semaphore, #tpu.memory_space<semaphore_mem>>) src(%arg13 : memref<128x64xf32, #tpu.memory_space<vmem>>) dst(%dma_wait3A_58 : memref<10240x64xf32, #tpu.memory_space<vmem_shared>>)
    %dma_wait3A_59 = arith.constant 0 : i32
    %dma_wait3A_60 = arith.constant 0 : i32
    %dma_wait3A_61 = tpu.memref_slice %arg8[%dma_wait3A_59, %dma_wait3A_60] : memref<80x128xi32, #tpu.memory_space<vmem>> -> memref<1x128xi32, #tpu.memory_space<vmem>>
    %dma_wait3A_62 = tpu.memref_squeeze %dma_wait3A_61 : memref<1x128xi32, #tpu.memory_space<vmem>> -> memref<128xi32, #tpu.memory_space<vmem>>
    %dma_wait3A_63 = arith.constant 0 : i32
    %dma_wait3A_64 = arith.constant 0 : i32
    %dma_wait3A_65 = tpu.memref_slice %arg17[%dma_wait3A_63, %dma_wait3A_64] : memref<10240x64xf32, #tpu.memory_space<vmem_shared>> -> memref<10240x64xf32, #tpu.memory_space<vmem_shared>>
    tpu.wait_indirect_dma semaphore(%arg31 : memref<!tpu.dma_semaphore, #tpu.memory_space<semaphore_mem>>) src(%arg14 : memref<128x64xf32, #tpu.memory_space<vmem>>) dst(%dma_wait3A_65 : memref<10240x64xf32, #tpu.memory_space<vmem_shared>>)
    %dma_wait3A_66 = arith.constant 0 : i32
    %dma_wait3A_67 = arith.constant 0 : i32
    %dma_wait3A_68 = tpu.memref_slice %arg8[%dma_wait3A_66, %dma_wait3A_67] : memref<80x128xi32, #tpu.memory_space<vmem>> -> memref<1x128xi32, #tpu.memory_space<vmem>>
    %dma_wait3A_69 = tpu.memref_squeeze %dma_wait3A_68 : memref<1x128xi32, #tpu.memory_space<vmem>> -> memref<128xi32, #tpu.memory_space<vmem>>
    %dma_wait3A_70 = arith.constant 0 : i32
    %dma_wait3A_71 = arith.constant 0 : i32
    %dma_wait3A_72 = tpu.memref_slice %arg17[%dma_wait3A_70, %dma_wait3A_71] : memref<10240x64xf32, #tpu.memory_space<vmem_shared>> -> memref<10240x64xf32, #tpu.memory_space<vmem_shared>>
    tpu.wait_indirect_dma semaphore(%arg32 : memref<!tpu.dma_semaphore, #tpu.memory_space<semaphore_mem>>) src(%arg15 : memref<128x64xf32, #tpu.memory_space<vmem>>) dst(%dma_wait3A_72 : memref<10240x64xf32, #tpu.memory_space<vmem_shared>>)
    %dma_wait3A_73 = arith.constant 0 : i32
    %dma_wait3A_74 = arith.constant 0 : i32
    %dma_wait3A_75 = tpu.memref_slice %arg8[%dma_wait3A_73, %dma_wait3A_74] : memref<80x128xi32, #tpu.memory_space<vmem>> -> memref<1x128xi32, #tpu.memory_space<vmem>>
    %dma_wait3A_76 = tpu.memref_squeeze %dma_wait3A_75 : memref<1x128xi32, #tpu.memory_space<vmem>> -> memref<128xi32, #tpu.memory_space<vmem>>
    %dma_wait3A_77 = arith.constant 0 : i32
    %dma_wait3A_78 = arith.constant 0 : i32
    %dma_wait3A_79 = tpu.memref_slice %arg17[%dma_wait3A_77, %dma_wait3A_78] : memref<10240x64xf32, #tpu.memory_space<vmem_shared>> -> memref<10240x64xf32, #tpu.memory_space<vmem_shared>>
    tpu.wait_indirect_dma semaphore(%arg33 : memref<!tpu.dma_semaphore, #tpu.memory_space<semaphore_mem>>) src(%arg16 : memref<128x64xf32, #tpu.memory_space<vmem>>) dst(%dma_wait3A_79 : memref<10240x64xf32, #tpu.memory_space<vmem_shared>>)
    %barrier3A_80 = arith.constant 0 : index
    tpu.barrier barrier_id(%barrier3A_80)
    "tpu.region"() ({
      %run_scoped3A = tpu.sem_alloc : memref<!tpu.dma_semaphore, #tpu.memory_space<semaphore_mem>>
      %dma_start3A_81 = arith.constant 0 : i32
      %dma_start3A_82 = tpu.memref_slice %arg6[%arg0, %mul3A_4, %dma_start3A_81] : memref<2x10000x64xf32, #tpu.memory_space<hbm>> -> memref<1x625x64xf32, #tpu.memory_space<hbm>>
      %dma_start3A_83 = tpu.memref_squeeze %dma_start3A_82 : memref<1x625x64xf32, #tpu.memory_space<hbm>> -> memref<625x64xf32, #tpu.memory_space<hbm>>
      %dma_start3A_84 = arith.constant 0 : i32
      %dma_start3A_85 = tpu.memref_slice %arg17[%mul3A_4, %dma_start3A_84] : memref<10240x64xf32, #tpu.memory_space<vmem_shared>> -> memref<625x64xf32, #tpu.memory_space<vmem_shared>>
      tpu.enqueue_dma source(%dma_start3A_85 : memref<625x64xf32, #tpu.memory_space<vmem_shared>>) target(%dma_start3A_83 : memref<625x64xf32, #tpu.memory_space<hbm>>) target_semaphore(%run_scoped3A : memref<!tpu.dma_semaphore, #tpu.memory_space<semaphore_mem>>)
      %dma_wait3A_86 = arith.constant 0 : i32
      %dma_wait3A_87 = tpu.memref_slice %arg6[%arg0, %mul3A_4, %dma_wait3A_86] : memref<2x10000x64xf32, #tpu.memory_space<hbm>> -> memref<1x625x64xf32, #tpu.memory_space<hbm>>
      %dma_wait3A_88 = tpu.memref_squeeze %dma_wait3A_87 : memref<1x625x64xf32, #tpu.memory_space<hbm>> -> memref<625x64xf32, #tpu.memory_space<hbm>>
      %dma_wait3A_89 = arith.constant 0 : i32
      %dma_wait3A_90 = tpu.memref_slice %arg17[%mul3A_4, %dma_wait3A_89] : memref<10240x64xf32, #tpu.memory_space<vmem_shared>> -> memref<625x64xf32, #tpu.memory_space<vmem_shared>>
      tpu.wait_dma2 semaphore(%run_scoped3A : memref<!tpu.dma_semaphore, #tpu.memory_space<semaphore_mem>>) src(%dma_wait3A_90 : memref<625x64xf32, #tpu.memory_space<vmem_shared>>) dst(%dma_wait3A_88 : memref<625x64xf32, #tpu.memory_space<hbm>>)
      tpu.yield
    }) : () -> ()
    return
  }
}

module attributes {stable_mosaic.version = 14 : i64} {
  func.func @_embed_body(%arg0: i32, %arg1: memref<1000x128xf32, #tpu.memory_space<vmem>>, %arg2: memref<1000x1xi32, #tpu.memory_space<vmem>>, %arg3: memref<2x1000x16xf32, #tpu.memory_space<vmem>>, %arg4: memref<128x64xf32, #tpu.memory_space<vmem>>, %arg5: memref<1x64xf32, #tpu.memory_space<vmem>>, %arg6: memref<64x256xf32, #tpu.memory_space<vmem>>, %arg7: memref<1x256xf32, #tpu.memory_space<vmem>>, %arg8: memref<256x64xf32, #tpu.memory_space<vmem>>, %arg9: memref<1x64xf32, #tpu.memory_space<vmem>>, %arg10: memref<64x64xf32, #tpu.memory_space<vmem>>, %arg11: memref<1000x64xf32, #tpu.memory_space<vmem>>, %arg12: memref<1000x64xf32, #tpu.memory_space<vmem>>, %arg13: memref<1000x1xf32, #tpu.memory_space<vmem>>) attributes {dimension_semantics = [#tpu.dimension_semantics<arbitrary>], iteration_bounds = array<i64: 10>, scalar_prefetch = 0 : i64, scratch_operands = 0 : i64, tpu.core_type = #tpu.core_type<tc>, window_params = [{transform_indices = @transform_0, window_bounds = array<i64: 1000, 128>}, {transform_indices = @transform_1, window_bounds = array<i64: 1000, 1>}, {transform_indices = @transform_2, window_bounds = array<i64: 2, 1000, 16>}, {pipeline_mode = #tpu.pipeline_mode<synchronous>, transform_indices = @transform_3, window_bounds = array<i64: 128, 64>}, {pipeline_mode = #tpu.pipeline_mode<synchronous>, transform_indices = @transform_4, window_bounds = array<i64: 1, 64>}, {pipeline_mode = #tpu.pipeline_mode<synchronous>, transform_indices = @transform_5, window_bounds = array<i64: 64, 256>}, {pipeline_mode = #tpu.pipeline_mode<synchronous>, transform_indices = @transform_6, window_bounds = array<i64: 1, 256>}, {pipeline_mode = #tpu.pipeline_mode<synchronous>, transform_indices = @transform_7, window_bounds = array<i64: 256, 64>}, {pipeline_mode = #tpu.pipeline_mode<synchronous>, transform_indices = @transform_8, window_bounds = array<i64: 1, 64>}, {pipeline_mode = #tpu.pipeline_mode<synchronous>, transform_indices = @transform_9, window_bounds = array<i64: 64, 64>}, {transform_indices = @transform_10, window_bounds = array<i64: 1000, 64>}, {transform_indices = @transform_11, window_bounds = array<i64: 1000, 64>}, {transform_indices = @transform_12, window_bounds = array<i64: 1000, 1>}]} {
    %get3A = arith.constant 0 : index
    %get3A_0 = arith.constant 0 : index
    %get3A_1 = vector.load %arg1[%get3A, %get3A_0] : memref<1000x128xf32, #tpu.memory_space<vmem>>, vector<1000x128xf32>
    %get3A_2 = arith.constant 0 : index
    %get3A_3 = arith.constant 0 : index
    %get3A_4 = vector.load %arg4[%get3A_2, %get3A_3] : memref<128x64xf32, #tpu.memory_space<vmem>>, vector<128x64xf32>
    %dot_general3A = arith.constant dense<0.000000e+00> : vector<1000x64xf32>
    %dot_general3A_5 = tpu.matmul %get3A_1, %get3A_4, %dot_general3A {dimension_numbers = #tpu.dot_dimension_numbers<[1], [0], [0], [1], [0, 0, 1, 1], [], []>, transpose_lhs_hint = false} : vector<1000x128xf32>, vector<128x64xf32>, vector<1000x64xf32> -> vector<1000x64xf32>
    %get3A_6 = arith.constant 0 : index
    %get3A_7 = arith.constant 0 : index
    %get3A_8 = vector.load %arg5[%get3A_6, %get3A_7] : memref<1x64xf32, #tpu.memory_space<vmem>>, vector<1x64xf32>
    %add3A = vector.broadcast %get3A_8 : vector<1x64xf32> to vector<1000x64xf32>
    %add3A_9 = arith.addf %dot_general3A_5, %add3A : vector<1000x64xf32>
    %get3A_10 = arith.constant 0 : index
    %get3A_11 = arith.constant 0 : index
    %get3A_12 = vector.load %arg2[%get3A_10, %get3A_11] : memref<1000x1xi32, #tpu.memory_space<vmem>>, vector<1000x1xi32>
    %convert_element_type3A = arith.sitofp %get3A_12 : vector<1000x1xi32> to vector<1000x1xf32>
    %iota3A = tpu.iota {dimensions = array<i32: 1>} : vector<1x32xi32>
    %convert_element_type3A_13 = arith.sitofp %iota3A : vector<1x32xi32> to vector<1x32xf32>
    %log3A = arith.constant 1.000000e+04 : f32
    %log3A_14 = math.log %log3A : f32
    %neg3A = arith.constant 0.000000e+00 : f32
    %neg3A_15 = arith.subf %neg3A, %log3A_14 : f32
    %mul3A = vector.broadcast %neg3A_15 : f32 to vector<1x32xf32>
    %mul3A_16 = arith.mulf %mul3A, %convert_element_type3A_13 : vector<1x32xf32>
    %div3A = arith.constant 3.100000e+01 : f32
    %div3A_17 = vector.broadcast %div3A : f32 to vector<1x32xf32>
    %div3A_18 = arith.divf %mul3A_16, %div3A_17 : vector<1x32xf32>
    %exp3A = math.exp %div3A_18 : vector<1x32xf32>
    %mul3A_19 = vector.broadcast %convert_element_type3A : vector<1000x1xf32> to vector<1000x32xf32>
    %mul3A_20 = vector.broadcast %exp3A : vector<1x32xf32> to vector<1000x32xf32>
    %mul3A_21 = arith.mulf %mul3A_19, %mul3A_20 : vector<1000x32xf32>
    %sin3A = math.sin %mul3A_21 : vector<1000x32xf32>
    %cos3A = math.cos %mul3A_21 : vector<1000x32xf32>
    %concatenate3A = tpu.concatenate %sin3A, %cos3A in 1 : vector<1000x32xf32>, vector<1000x32xf32> -> vector<1000x64xf32>
    %get3A_22 = arith.constant 0 : index
    %get3A_23 = arith.constant 0 : index
    %get3A_24 = vector.load %arg6[%get3A_22, %get3A_23] : memref<64x256xf32, #tpu.memory_space<vmem>>, vector<64x256xf32>
    %dot_general3A_25 = arith.constant dense<0.000000e+00> : vector<1000x256xf32>
    %dot_general3A_26 = tpu.matmul %concatenate3A, %get3A_24, %dot_general3A_25 {dimension_numbers = #tpu.dot_dimension_numbers<[1], [0], [0], [1], [0, 0, 1, 1], [], []>, transpose_lhs_hint = false} : vector<1000x64xf32>, vector<64x256xf32>, vector<1000x256xf32> -> vector<1000x256xf32>
    %get3A_27 = arith.constant 0 : index
    %get3A_28 = arith.constant 0 : index
    %get3A_29 = vector.load %arg7[%get3A_27, %get3A_28] : memref<1x256xf32, #tpu.memory_space<vmem>>, vector<1x256xf32>
    %add3A_30 = vector.broadcast %get3A_29 : vector<1x256xf32> to vector<1000x256xf32>
    %add3A_31 = arith.addf %dot_general3A_26, %add3A_30 : vector<1000x256xf32>
    %neg3A_32 = arith.constant 0.000000e+00 : f32
    %neg3A_33 = vector.broadcast %neg3A_32 : f32 to vector<1000x256xf32>
    %neg3A_34 = arith.subf %neg3A_33, %add3A_31 : vector<1000x256xf32>
    %exp3A_35 = math.exp %neg3A_34 : vector<1000x256xf32>
    %add3A_36 = arith.constant 1.000000e+00 : f32
    %add3A_37 = vector.broadcast %add3A_36 : f32 to vector<1000x256xf32>
    %add3A_38 = arith.addf %add3A_37, %exp3A_35 : vector<1000x256xf32>
    %div3A_39 = arith.divf %add3A_31, %add3A_38 : vector<1000x256xf32>
    %get3A_40 = arith.constant 0 : index
    %get3A_41 = arith.constant 0 : index
    %get3A_42 = vector.load %arg8[%get3A_40, %get3A_41] : memref<256x64xf32, #tpu.memory_space<vmem>>, vector<256x64xf32>
    %dot_general3A_43 = arith.constant dense<0.000000e+00> : vector<1000x64xf32>
    %dot_general3A_44 = tpu.matmul %div3A_39, %get3A_42, %dot_general3A_43 {dimension_numbers = #tpu.dot_dimension_numbers<[1], [0], [0], [1], [0, 0, 1, 1], [], []>, transpose_lhs_hint = false} : vector<1000x256xf32>, vector<256x64xf32>, vector<1000x64xf32> -> vector<1000x64xf32>
    %get3A_45 = arith.constant 0 : index
    %get3A_46 = arith.constant 0 : index
    %get3A_47 = vector.load %arg9[%get3A_45, %get3A_46] : memref<1x64xf32, #tpu.memory_space<vmem>>, vector<1x64xf32>
    %add3A_48 = vector.broadcast %get3A_47 : vector<1x64xf32> to vector<1000x64xf32>
    %add3A_49 = arith.addf %dot_general3A_44, %add3A_48 : vector<1000x64xf32>
    %add3A_50 = arith.addf %add3A_9, %add3A_49 : vector<1000x64xf32>
    %get3A_51 = arith.constant 0 : index
    %get3A_52 = arith.constant 0 : index
    %get3A_53 = arith.constant 0 : index
    %get3A_54 = vector.load %arg3[%get3A_51, %get3A_52, %get3A_53] : memref<2x1000x16xf32, #tpu.memory_space<vmem>>, vector<1x1000x1xf32>
    %get3A_55 = vector.shape_cast %get3A_54 : vector<1x1000x1xf32> to vector<1000x1xf32>
    %get3A_56 = arith.constant 1 : index
    %get3A_57 = arith.constant 0 : index
    %get3A_58 = arith.constant 0 : index
    %get3A_59 = vector.load %arg3[%get3A_56, %get3A_57, %get3A_58] : memref<2x1000x16xf32, #tpu.memory_space<vmem>>, vector<1x1000x1xf32>
    %get3A_60 = vector.shape_cast %get3A_59 : vector<1x1000x1xf32> to vector<1000x1xf32>
    %add3A_61 = arith.addf %get3A_55, %get3A_60 : vector<1000x1xf32>
    %add3A_62 = arith.constant 1.000000e+00 : f32
    %add3A_63 = vector.broadcast %add3A_62 : f32 to vector<1000x1xf32>
    %add3A_64 = arith.addf %add3A_61, %add3A_63 : vector<1000x1xf32>
    %rsqrt3A = math.rsqrt %add3A_64 : vector<1000x1xf32>
    %get3A_65 = arith.constant 0 : index
    %get3A_66 = arith.constant 0 : index
    %get3A_67 = vector.load %arg10[%get3A_65, %get3A_66] : memref<64x64xf32, #tpu.memory_space<vmem>>, vector<64x64xf32>
    %dot_general3A_68 = arith.constant dense<0.000000e+00> : vector<1000x64xf32>
    %dot_general3A_69 = tpu.matmul %add3A_50, %get3A_67, %dot_general3A_68 {dimension_numbers = #tpu.dot_dimension_numbers<[1], [0], [0], [1], [0, 0, 1, 1], [], []>, transpose_lhs_hint = false} : vector<1000x64xf32>, vector<64x64xf32>, vector<1000x64xf32> -> vector<1000x64xf32>
    %swap3A = arith.constant 0 : index
    %swap3A_70 = arith.constant 0 : index
    %swap3A_71 = vector.load %arg11[%swap3A, %swap3A_70] : memref<1000x64xf32, #tpu.memory_space<vmem>>, vector<1000x64xf32>
    tpu.vector_store %arg11[%swap3A, %swap3A_70], %add3A_50 {strides = array<i32>} : memref<1000x64xf32, #tpu.memory_space<vmem>>, vector<1000x64xf32>,
    %mul3A_72 = vector.broadcast %rsqrt3A : vector<1000x1xf32> to vector<1000x64xf32>
    %mul3A_73 = arith.mulf %dot_general3A_69, %mul3A_72 : vector<1000x64xf32>
    %swap3A_74 = arith.constant 0 : index
    %swap3A_75 = arith.constant 0 : index
    %swap3A_76 = vector.load %arg12[%swap3A_74, %swap3A_75] : memref<1000x64xf32, #tpu.memory_space<vmem>>, vector<1000x64xf32>
    tpu.vector_store %arg12[%swap3A_74, %swap3A_75], %mul3A_73 {strides = array<i32>} : memref<1000x64xf32, #tpu.memory_space<vmem>>, vector<1000x64xf32>,
    %swap3A_77 = arith.constant 0 : index
    %swap3A_78 = arith.constant 0 : index
    %swap3A_79 = vector.load %arg13[%swap3A_77, %swap3A_78] : memref<1000x1xf32, #tpu.memory_space<vmem>>, vector<1000x1xf32>
    tpu.vector_store %arg13[%swap3A_77, %swap3A_78], %rsqrt3A {strides = array<i32>} : memref<1000x1xf32, #tpu.memory_space<vmem>>, vector<1000x1xf32>,
    return
  }
  func.func @transform_0(%arg0: i32) -> (i32, i32) {
    %c0_i32 = arith.constant 0 : i32
    %c0_i32_0 = arith.constant 0 : i32
    return %arg0, %c0_i32 : i32, i32
  }
  func.func @transform_1(%arg0: i32) -> (i32, i32) {
    %c0_i32 = arith.constant 0 : i32
    %c0_i32_0 = arith.constant 0 : i32
    return %arg0, %c0_i32 : i32, i32
  }
  func.func @transform_2(%arg0: i32) -> (i32, i32, i32) {
    %c0_i32 = arith.constant 0 : i32
    %c0_i32_0 = arith.constant 0 : i32
    %c0_i32_1 = arith.constant 0 : i32
    return %c0_i32, %arg0, %c0_i32_0 : i32, i32, i32
  }
  func.func @transform_3(%arg0: i32) -> (i32, i32) {
    %c0_i32 = arith.constant 0 : i32
    %c0_i32_0 = arith.constant 0 : i32
    %c0_i32_1 = arith.constant 0 : i32
    return %c0_i32, %c0_i32_0 : i32, i32
  }
  func.func @transform_4(%arg0: i32) -> (i32, i32) {
    %c0_i32 = arith.constant 0 : i32
    %c0_i32_0 = arith.constant 0 : i32
    %c0_i32_1 = arith.constant 0 : i32
    return %c0_i32, %c0_i32_0 : i32, i32
  }
  func.func @transform_5(%arg0: i32) -> (i32, i32) {
    %c0_i32 = arith.constant 0 : i32
    %c0_i32_0 = arith.constant 0 : i32
    %c0_i32_1 = arith.constant 0 : i32
    return %c0_i32, %c0_i32_0 : i32, i32
  }
  func.func @transform_6(%arg0: i32) -> (i32, i32) {
    %c0_i32 = arith.constant 0 : i32
    %c0_i32_0 = arith.constant 0 : i32
    %c0_i32_1 = arith.constant 0 : i32
    return %c0_i32, %c0_i32_0 : i32, i32
  }
  func.func @transform_7(%arg0: i32) -> (i32, i32) {
    %c0_i32 = arith.constant 0 : i32
    %c0_i32_0 = arith.constant 0 : i32
    %c0_i32_1 = arith.constant 0 : i32
    return %c0_i32, %c0_i32_0 : i32, i32
  }
  func.func @transform_8(%arg0: i32) -> (i32, i32) {
    %c0_i32 = arith.constant 0 : i32
    %c0_i32_0 = arith.constant 0 : i32
    %c0_i32_1 = arith.constant 0 : i32
    return %c0_i32, %c0_i32_0 : i32, i32
  }
  func.func @transform_9(%arg0: i32) -> (i32, i32) {
    %c0_i32 = arith.constant 0 : i32
    %c0_i32_0 = arith.constant 0 : i32
    %c0_i32_1 = arith.constant 0 : i32
    return %c0_i32, %c0_i32_0 : i32, i32
  }
  func.func @transform_10(%arg0: i32) -> (i32, i32) {
    %c0_i32 = arith.constant 0 : i32
    %c0_i32_0 = arith.constant 0 : i32
    return %arg0, %c0_i32 : i32, i32
  }
  func.func @transform_11(%arg0: i32) -> (i32, i32) {
    %c0_i32 = arith.constant 0 : i32
    %c0_i32_0 = arith.constant 0 : i32
    return %arg0, %c0_i32 : i32, i32
  }
  func.func @transform_12(%arg0: i32) -> (i32, i32) {
    %c0_i32 = arith.constant 0 : i32
    %c0_i32_0 = arith.constant 0 : i32
    return %arg0, %c0_i32 : i32, i32
  }
}

module attributes {stable_mosaic.version = 14 : i64} {
  func.func @_layer_body(%arg0: i32, %arg1: memref<2x1000x64xf32, #tpu.memory_space<vmem>>, %arg2: memref<1000x64xf32, #tpu.memory_space<vmem>>, %arg3: memref<1000x1xf32, #tpu.memory_space<vmem>>, %arg4: memref<1x64xf32, #tpu.memory_space<vmem>>, %arg5: memref<64x64xf32, #tpu.memory_space<vmem>>, %arg6: memref<1000x64xf32, #tpu.memory_space<vmem>>) attributes {dimension_semantics = [#tpu.dimension_semantics<arbitrary>], iteration_bounds = array<i64: 10>, scalar_prefetch = 0 : i64, scratch_operands = 0 : i64, tpu.core_type = #tpu.core_type<tc>, window_params = [{transform_indices = @transform_0, window_bounds = array<i64: 2, 1000, 64>}, {transform_indices = @transform_1, window_bounds = array<i64: 1000, 64>}, {transform_indices = @transform_2, window_bounds = array<i64: 1000, 1>}, {pipeline_mode = #tpu.pipeline_mode<synchronous>, transform_indices = @transform_3, window_bounds = array<i64: 1, 64>}, {pipeline_mode = #tpu.pipeline_mode<synchronous>, transform_indices = @transform_4, window_bounds = array<i64: 64, 64>}, {transform_indices = @transform_5, window_bounds = array<i64: 1000, 64>}]} {
    %get3A = arith.constant 0 : index
    %get3A_0 = arith.constant 0 : index
    %get3A_1 = vector.load %arg3[%get3A, %get3A_0] : memref<1000x1xf32, #tpu.memory_space<vmem>>, vector<1000x1xf32>
    %get3A_2 = arith.constant 0 : index
    %get3A_3 = arith.constant 0 : index
    %get3A_4 = arith.constant 0 : index
    %get3A_5 = vector.load %arg1[%get3A_2, %get3A_3, %get3A_4] : memref<2x1000x64xf32, #tpu.memory_space<vmem>>, vector<1x1000x64xf32>
    %get3A_6 = vector.shape_cast %get3A_5 : vector<1x1000x64xf32> to vector<1000x64xf32>
    %get3A_7 = arith.constant 1 : index
    %get3A_8 = arith.constant 0 : index
    %get3A_9 = arith.constant 0 : index
    %get3A_10 = vector.load %arg1[%get3A_7, %get3A_8, %get3A_9] : memref<2x1000x64xf32, #tpu.memory_space<vmem>>, vector<1x1000x64xf32>
    %get3A_11 = vector.shape_cast %get3A_10 : vector<1x1000x64xf32> to vector<1000x64xf32>
    %add3A = arith.addf %get3A_6, %get3A_11 : vector<1000x64xf32>
    %get3A_12 = arith.constant 0 : index
    %get3A_13 = arith.constant 0 : index
    %get3A_14 = vector.load %arg2[%get3A_12, %get3A_13] : memref<1000x64xf32, #tpu.memory_space<vmem>>, vector<1000x64xf32>
    %add3A_15 = arith.addf %add3A, %get3A_14 : vector<1000x64xf32>
    %mul3A = vector.broadcast %get3A_1 : vector<1000x1xf32> to vector<1000x64xf32>
    %mul3A_16 = arith.mulf %add3A_15, %mul3A : vector<1000x64xf32>
    %get3A_17 = arith.constant 0 : index
    %get3A_18 = arith.constant 0 : index
    %get3A_19 = vector.load %arg4[%get3A_17, %get3A_18] : memref<1x64xf32, #tpu.memory_space<vmem>>, vector<1x64xf32>
    %add3A_20 = vector.broadcast %get3A_19 : vector<1x64xf32> to vector<1000x64xf32>
    %add3A_21 = arith.addf %mul3A_16, %add3A_20 : vector<1000x64xf32>
    %max3A = arith.constant 0.000000e+00 : f32
    %max3A_22 = vector.broadcast %max3A : f32 to vector<1000x64xf32>
    %max3A_23 = arith.maximumf %add3A_21, %max3A_22 : vector<1000x64xf32>
    %get3A_24 = arith.constant 0 : index
    %get3A_25 = arith.constant 0 : index
    %get3A_26 = vector.load %arg5[%get3A_24, %get3A_25] : memref<64x64xf32, #tpu.memory_space<vmem>>, vector<64x64xf32>
    %dot_general3A = arith.constant dense<0.000000e+00> : vector<1000x64xf32>
    %dot_general3A_27 = tpu.matmul %max3A_23, %get3A_26, %dot_general3A {dimension_numbers = #tpu.dot_dimension_numbers<[1], [0], [0], [1], [0, 0, 1, 1], [], []>, transpose_lhs_hint = false} : vector<1000x64xf32>, vector<64x64xf32>, vector<1000x64xf32> -> vector<1000x64xf32>
    %mul3A_28 = vector.broadcast %get3A_1 : vector<1000x1xf32> to vector<1000x64xf32>
    %mul3A_29 = arith.mulf %dot_general3A_27, %mul3A_28 : vector<1000x64xf32>
    %swap3A = arith.constant 0 : index
    %swap3A_30 = arith.constant 0 : index
    %swap3A_31 = vector.load %arg6[%swap3A, %swap3A_30] : memref<1000x64xf32, #tpu.memory_space<vmem>>, vector<1000x64xf32>
    tpu.vector_store %arg6[%swap3A, %swap3A_30], %mul3A_29 {strides = array<i32>} : memref<1000x64xf32, #tpu.memory_space<vmem>>, vector<1000x64xf32>,
    return
  }
  func.func @transform_0(%arg0: i32) -> (i32, i32, i32) {
    %c0_i32 = arith.constant 0 : i32
    %c0_i32_0 = arith.constant 0 : i32
    %c0_i32_1 = arith.constant 0 : i32
    return %c0_i32, %arg0, %c0_i32_0 : i32, i32, i32
  }
  func.func @transform_1(%arg0: i32) -> (i32, i32) {
    %c0_i32 = arith.constant 0 : i32
    %c0_i32_0 = arith.constant 0 : i32
    return %arg0, %c0_i32 : i32, i32
  }
  func.func @transform_2(%arg0: i32) -> (i32, i32) {
    %c0_i32 = arith.constant 0 : i32
    %c0_i32_0 = arith.constant 0 : i32
    return %arg0, %c0_i32 : i32, i32
  }
  func.func @transform_3(%arg0: i32) -> (i32, i32) {
    %c0_i32 = arith.constant 0 : i32
    %c0_i32_0 = arith.constant 0 : i32
    %c0_i32_1 = arith.constant 0 : i32
    return %c0_i32, %c0_i32_0 : i32, i32
  }
  func.func @transform_4(%arg0: i32) -> (i32, i32) {
    %c0_i32 = arith.constant 0 : i32
    %c0_i32_0 = arith.constant 0 : i32
    %c0_i32_1 = arith.constant 0 : i32
    return %c0_i32, %c0_i32_0 : i32, i32
  }
  func.func @transform_5(%arg0: i32) -> (i32, i32) {
    %c0_i32 = arith.constant 0 : i32
    %c0_i32_0 = arith.constant 0 : i32
    return %arg0, %c0_i32 : i32, i32
  }
}

module attributes {stable_mosaic.version = 14 : i64} {
  func.func @_final_body(%arg0: i32, %arg1: memref<2x1000x64xf32, #tpu.memory_space<vmem>>, %arg2: memref<1000x64xf32, #tpu.memory_space<vmem>>, %arg3: memref<1000x1xf32, #tpu.memory_space<vmem>>, %arg4: memref<1x64xf32, #tpu.memory_space<vmem>>, %arg5: memref<64x64xf32, #tpu.memory_space<vmem>>, %arg6: memref<1x64xf32, #tpu.memory_space<vmem>>, %arg7: memref<64x64xf32, #tpu.memory_space<vmem>>, %arg8: memref<1000x64xf32, #tpu.memory_space<vmem>>, %arg9: memref<1000x64xf32, #tpu.memory_space<vmem>>, %arg10: memref<1000x64xf32, #tpu.memory_space<vmem>>) attributes {dimension_semantics = [#tpu.dimension_semantics<arbitrary>], iteration_bounds = array<i64: 10>, scalar_prefetch = 0 : i64, scratch_operands = 0 : i64, tpu.core_type = #tpu.core_type<tc>, window_params = [{transform_indices = @transform_0, window_bounds = array<i64: 2, 1000, 64>}, {transform_indices = @transform_1, window_bounds = array<i64: 1000, 64>}, {transform_indices = @transform_2, window_bounds = array<i64: 1000, 1>}, {pipeline_mode = #tpu.pipeline_mode<synchronous>, transform_indices = @transform_3, window_bounds = array<i64: 1, 64>}, {pipeline_mode = #tpu.pipeline_mode<synchronous>, transform_indices = @transform_4, window_bounds = array<i64: 64, 64>}, {pipeline_mode = #tpu.pipeline_mode<synchronous>, transform_indices = @transform_5, window_bounds = array<i64: 1, 64>}, {pipeline_mode = #tpu.pipeline_mode<synchronous>, transform_indices = @transform_6, window_bounds = array<i64: 64, 64>}, {transform_indices = @transform_7, window_bounds = array<i64: 1000, 64>}, {transform_indices = @transform_8, window_bounds = array<i64: 1000, 64>}, {transform_indices = @transform_9, window_bounds = array<i64: 1000, 64>}]} {
    %get3A = arith.constant 0 : index
    %get3A_0 = arith.constant 0 : index
    %get3A_1 = vector.load %arg3[%get3A, %get3A_0] : memref<1000x1xf32, #tpu.memory_space<vmem>>, vector<1000x1xf32>
    %get3A_2 = arith.constant 0 : index
    %get3A_3 = arith.constant 0 : index
    %get3A_4 = arith.constant 0 : index
    %get3A_5 = vector.load %arg1[%get3A_2, %get3A_3, %get3A_4] : memref<2x1000x64xf32, #tpu.memory_space<vmem>>, vector<1x1000x64xf32>
    %get3A_6 = vector.shape_cast %get3A_5 : vector<1x1000x64xf32> to vector<1000x64xf32>
    %get3A_7 = arith.constant 1 : index
    %get3A_8 = arith.constant 0 : index
    %get3A_9 = arith.constant 0 : index
    %get3A_10 = vector.load %arg1[%get3A_7, %get3A_8, %get3A_9] : memref<2x1000x64xf32, #tpu.memory_space<vmem>>, vector<1x1000x64xf32>
    %get3A_11 = vector.shape_cast %get3A_10 : vector<1x1000x64xf32> to vector<1000x64xf32>
    %add3A = arith.addf %get3A_6, %get3A_11 : vector<1000x64xf32>
    %get3A_12 = arith.constant 0 : index
    %get3A_13 = arith.constant 0 : index
    %get3A_14 = vector.load %arg2[%get3A_12, %get3A_13] : memref<1000x64xf32, #tpu.memory_space<vmem>>, vector<1000x64xf32>
    %add3A_15 = arith.addf %add3A, %get3A_14 : vector<1000x64xf32>
    %mul3A = vector.broadcast %get3A_1 : vector<1000x1xf32> to vector<1000x64xf32>
    %mul3A_16 = arith.mulf %add3A_15, %mul3A : vector<1000x64xf32>
    %get3A_17 = arith.constant 0 : index
    %get3A_18 = arith.constant 0 : index
    %get3A_19 = vector.load %arg4[%get3A_17, %get3A_18] : memref<1x64xf32, #tpu.memory_space<vmem>>, vector<1x64xf32>
    %add3A_20 = vector.broadcast %get3A_19 : vector<1x64xf32> to vector<1000x64xf32>
    %add3A_21 = arith.addf %mul3A_16, %add3A_20 : vector<1000x64xf32>
    %swap3A = arith.constant 0 : index
    %swap3A_22 = arith.constant 0 : index
    %swap3A_23 = vector.load %arg8[%swap3A, %swap3A_22] : memref<1000x64xf32, #tpu.memory_space<vmem>>, vector<1000x64xf32>
    tpu.vector_store %arg8[%swap3A, %swap3A_22], %add3A_21 {strides = array<i32>} : memref<1000x64xf32, #tpu.memory_space<vmem>>, vector<1000x64xf32>,
    %get3A_24 = arith.constant 0 : index
    %get3A_25 = arith.constant 0 : index
    %get3A_26 = vector.load %arg5[%get3A_24, %get3A_25] : memref<64x64xf32, #tpu.memory_space<vmem>>, vector<64x64xf32>
    %dot_general3A = arith.constant dense<0.000000e+00> : vector<1000x64xf32>
    %dot_general3A_27 = tpu.matmul %add3A_21, %get3A_26, %dot_general3A {dimension_numbers = #tpu.dot_dimension_numbers<[1], [0], [0], [1], [0, 0, 1, 1], [], []>, transpose_lhs_hint = false} : vector<1000x64xf32>, vector<64x64xf32>, vector<1000x64xf32> -> vector<1000x64xf32>
    %get3A_28 = arith.constant 0 : index
    %get3A_29 = arith.constant 0 : index
    %get3A_30 = vector.load %arg6[%get3A_28, %get3A_29] : memref<1x64xf32, #tpu.memory_space<vmem>>, vector<1x64xf32>
    %add3A_31 = vector.broadcast %get3A_30 : vector<1x64xf32> to vector<1000x64xf32>
    %add3A_32 = arith.addf %dot_general3A_27, %add3A_31 : vector<1000x64xf32>
    %swap3A_33 = arith.constant 0 : index
    %swap3A_34 = arith.constant 0 : index
    %swap3A_35 = vector.load %arg9[%swap3A_33, %swap3A_34] : memref<1000x64xf32, #tpu.memory_space<vmem>>, vector<1000x64xf32>
    tpu.vector_store %arg9[%swap3A_33, %swap3A_34], %add3A_32 {strides = array<i32>} : memref<1000x64xf32, #tpu.memory_space<vmem>>, vector<1000x64xf32>,
    %get3A_36 = arith.constant 0 : index
    %get3A_37 = arith.constant 0 : index
    %get3A_38 = vector.load %arg7[%get3A_36, %get3A_37] : memref<64x64xf32, #tpu.memory_space<vmem>>, vector<64x64xf32>
    %dot_general3A_39 = arith.constant dense<0.000000e+00> : vector<1000x64xf32>
    %dot_general3A_40 = tpu.matmul %add3A_21, %get3A_38, %dot_general3A_39 {dimension_numbers = #tpu.dot_dimension_numbers<[1], [0], [0], [1], [0, 0, 1, 1], [], []>, transpose_lhs_hint = false} : vector<1000x64xf32>, vector<64x64xf32>, vector<1000x64xf32> -> vector<1000x64xf32>
    %swap3A_41 = arith.constant 0 : index
    %swap3A_42 = arith.constant 0 : index
    %swap3A_43 = vector.load %arg10[%swap3A_41, %swap3A_42] : memref<1000x64xf32, #tpu.memory_space<vmem>>, vector<1000x64xf32>
    tpu.vector_store %arg10[%swap3A_41, %swap3A_42], %dot_general3A_40 {strides = array<i32>} : memref<1000x64xf32, #tpu.memory_space<vmem>>, vector<1000x64xf32>,
    return
  }
  func.func @transform_0(%arg0: i32) -> (i32, i32, i32) {
    %c0_i32 = arith.constant 0 : i32
    %c0_i32_0 = arith.constant 0 : i32
    %c0_i32_1 = arith.constant 0 : i32
    return %c0_i32, %arg0, %c0_i32_0 : i32, i32, i32
  }
  func.func @transform_1(%arg0: i32) -> (i32, i32) {
    %c0_i32 = arith.constant 0 : i32
    %c0_i32_0 = arith.constant 0 : i32
    return %arg0, %c0_i32 : i32, i32
  }
  func.func @transform_2(%arg0: i32) -> (i32, i32) {
    %c0_i32 = arith.constant 0 : i32
    %c0_i32_0 = arith.constant 0 : i32
    return %arg0, %c0_i32 : i32, i32
  }
  func.func @transform_3(%arg0: i32) -> (i32, i32) {
    %c0_i32 = arith.constant 0 : i32
    %c0_i32_0 = arith.constant 0 : i32
    %c0_i32_1 = arith.constant 0 : i32
    return %c0_i32, %c0_i32_0 : i32, i32
  }
  func.func @transform_4(%arg0: i32) -> (i32, i32) {
    %c0_i32 = arith.constant 0 : i32
    %c0_i32_0 = arith.constant 0 : i32
    %c0_i32_1 = arith.constant 0 : i32
    return %c0_i32, %c0_i32_0 : i32, i32
  }
  func.func @transform_5(%arg0: i32) -> (i32, i32) {
    %c0_i32 = arith.constant 0 : i32
    %c0_i32_0 = arith.constant 0 : i32
    %c0_i32_1 = arith.constant 0 : i32
    return %c0_i32, %c0_i32_0 : i32, i32
  }
  func.func @transform_6(%arg0: i32) -> (i32, i32) {
    %c0_i32 = arith.constant 0 : i32
    %c0_i32_0 = arith.constant 0 : i32
    %c0_i32_1 = arith.constant 0 : i32
    return %c0_i32, %c0_i32_0 : i32, i32
  }
  func.func @transform_7(%arg0: i32) -> (i32, i32) {
    %c0_i32 = arith.constant 0 : i32
    %c0_i32_0 = arith.constant 0 : i32
    return %arg0, %c0_i32 : i32, i32
  }
  func.func @transform_8(%arg0: i32) -> (i32, i32) {
    %c0_i32 = arith.constant 0 : i32
    %c0_i32_0 = arith.constant 0 : i32
    return %arg0, %c0_i32 : i32, i32
  }
  func.func @transform_9(%arg0: i32) -> (i32, i32) {
    %c0_i32 = arith.constant 0 : i32
    %c0_i32_0 = arith.constant 0 : i32
    return %arg0, %c0_i32 : i32, i32
  }
}

module attributes {stable_mosaic.version = 14 : i64} {
  func.func @_decoder_body(%arg0: i32, %arg1: memref<2000x128xf32, #tpu.memory_space<vmem>>, %arg2: memref<128x2xf32, #tpu.memory_space<vmem>>, %arg3: memref<1x2xf32, #tpu.memory_space<vmem>>, %arg4: memref<2000x2xf32, #tpu.memory_space<vmem>>) attributes {dimension_semantics = [#tpu.dimension_semantics<arbitrary>], iteration_bounds = array<i64: 80>, scalar_prefetch = 0 : i64, scratch_operands = 0 : i64, tpu.core_type = #tpu.core_type<tc>, window_params = [{transform_indices = @transform_0, window_bounds = array<i64: 2000, 128>}, {pipeline_mode = #tpu.pipeline_mode<synchronous>, transform_indices = @transform_1, window_bounds = array<i64: 128, 2>}, {pipeline_mode = #tpu.pipeline_mode<synchronous>, transform_indices = @transform_2, window_bounds = array<i64: 1, 2>}, {transform_indices = @transform_3, window_bounds = array<i64: 2000, 2>}]} {
    %get3A = arith.constant 0 : index
    %get3A_0 = arith.constant 0 : index
    %get3A_1 = vector.load %arg1[%get3A, %get3A_0] : memref<2000x128xf32, #tpu.memory_space<vmem>>, vector<2000x128xf32>
    %neg3A = arith.constant 0.000000e+00 : f32
    %neg3A_2 = vector.broadcast %neg3A : f32 to vector<2000x128xf32>
    %neg3A_3 = arith.subf %neg3A_2, %get3A_1 : vector<2000x128xf32>
    %exp3A = math.exp %neg3A_3 : vector<2000x128xf32>
    %add3A = arith.constant 1.000000e+00 : f32
    %add3A_4 = vector.broadcast %add3A : f32 to vector<2000x128xf32>
    %add3A_5 = arith.addf %add3A_4, %exp3A : vector<2000x128xf32>
    %div3A = arith.divf %get3A_1, %add3A_5 : vector<2000x128xf32>
    %get3A_6 = arith.constant 0 : index
    %get3A_7 = arith.constant 0 : index
    %get3A_8 = vector.load %arg2[%get3A_6, %get3A_7] : memref<128x2xf32, #tpu.memory_space<vmem>>, vector<128x2xf32>
    %dot_general3A = arith.constant dense<0.000000e+00> : vector<2000x2xf32>
    %dot_general3A_9 = tpu.matmul %div3A, %get3A_8, %dot_general3A {dimension_numbers = #tpu.dot_dimension_numbers<[1], [0], [0], [1], [0, 0, 1, 1], [], []>, transpose_lhs_hint = false} : vector<2000x128xf32>, vector<128x2xf32>, vector<2000x2xf32> -> vector<2000x2xf32>
    %get3A_10 = arith.constant 0 : index
    %get3A_11 = arith.constant 0 : index
    %get3A_12 = vector.load %arg3[%get3A_10, %get3A_11] : memref<1x2xf32, #tpu.memory_space<vmem>>, vector<1x2xf32>
    %add3A_13 = vector.broadcast %get3A_12 : vector<1x2xf32> to vector<2000x2xf32>
    %add3A_14 = arith.addf %dot_general3A_9, %add3A_13 : vector<2000x2xf32>
    %swap3A = arith.constant 0 : index
    %swap3A_15 = arith.constant 0 : index
    %swap3A_16 = vector.load %arg4[%swap3A, %swap3A_15] : memref<2000x2xf32, #tpu.memory_space<vmem>>, vector<2000x2xf32>
    tpu.vector_store %arg4[%swap3A, %swap3A_15], %add3A_14 {strides = array<i32>} : memref<2000x2xf32, #tpu.memory_space<vmem>>, vector<2000x2xf32>,
    return
  }
  func.func @transform_0(%arg0: i32) -> (i32, i32) {
    %c0_i32 = arith.constant 0 : i32
    %c0_i32_0 = arith.constant 0 : i32
    return %arg0, %c0_i32 : i32, i32
  }
  func.func @transform_1(%arg0: i32) -> (i32, i32) {
    %c0_i32 = arith.constant 0 : i32
    %c0_i32_0 = arith.constant 0 : i32
    %c0_i32_1 = arith.constant 0 : i32
    return %c0_i32, %c0_i32_0 : i32, i32
  }
  func.func @transform_2(%arg0: i32) -> (i32, i32) {
    %c0_i32 = arith.constant 0 : i32
    %c0_i32_0 = arith.constant 0 : i32
    %c0_i32_1 = arith.constant 0 : i32
    return %c0_i32, %c0_i32_0 : i32, i32
  }
  func.func @transform_3(%arg0: i32) -> (i32, i32) {
    %c0_i32 = arith.constant 0 : i32
    %c0_i32_0 = arith.constant 0 : i32
    return %arg0, %c0_i32 : i32, i32
  }
}

</mosaic_0001>

<sc_bundles>
// kernel: kernel.10.cloned.1.call-start
scs
__scs_entry_jumppad:
0x0: {  	(pc) =	sbr.rel $0x88, $3  }
0x1: {  	(tag) =	ssettag $0x0;
	lr =	simm.s32 $0x1  }
0x2: {  	[smem:$0x3F8F] =	sst lr;
	_ =	strace $0xD0000000  }
0x3: {  	_ = 	snop  }
0x4: {  	_ = 	snop  }
0x5: {  	_ = 	snop  }
0x6: {  	_ = 	snop  }
0x7: {  	_ = 	snop  }
__scs_overlays_trampoline_lowered:
0x8: {  	[smem:$0x3F9E] =	sst s0  }
0x9: {  	[smem:$0x3F9F] =	sst s1  }
0xa: {  	[smem:$0x3FA0] =	sst s2  }
0xb: {  	[smem:$0x3FA1] =	sst s3  }
0xc: {  	[smem:$0x3FA2] =	sst s4  }
0xd: {  	[smem:$0x3FA3] =	sst s5  }
0xe: {  	[smem:$0x3FA4] =	sst s6  }
0xf: {  	[smem:$0x3FA5] =	sst s7  }
0x10: {  	[smem:$0x3FA6] =	sst s8  }
0x11: {  	[smem:$0x3FA7] =	sst s9;
	s0 =	simm.s32 @!p0 $0x0  }
0x12: {  	s1 =	sld [smem:$0x3F8D];
	s0 =	simm.s32 @p0 $0x1  }
0x13: {  	[smem:$0x3FA8] =	sst s0;
	s0 =	simm.s32 @!p1 $0x0  }
0x14: {  	s2 =	sld [smem:$0x3F8C];
	s0 =	simm.s32 @p1 $0x1  }
0x15: {  	[smem:$0x3FA9] =	sst s0;
	s0 =	simm.s32 @!p2 $0x0  }
0x16: {  	s3 =	sld [smem:$0x3FDB];
	s0 =	simm.s32 @p2 $0x1  }
0x17: {  	s4 =	simm.s32 $0x1BF5;
	[smem:$0x3FAB] =	sst s0  }
0x18: {  	s0 =	sld [smem:$0x3F8E];
	_ =	swait.ge [sflag:s4], $0x0  }
0x19: {  	s7 =	sld [smem:$0x3F8F]  }
0x1a: {  	s8 =	sadd.s32 $0xFFFFE003, lr  }
0x1b: {  	s9 =	sadd.s32 $0xFFFFFEF7, lr;
	s5 =	simm.s32 $0xFFFFFFFF;
	p2 =	slt.u32 s8, $0xFFFFF086  }
0x1c: {  	p1 =	slt.u32 s9, $0xF7A;
	s5 =	simm.s32 @!p2 $0x0  }
0x1d: {  	s5 =	simm.s32 @p1 $0x1;
	p0 =	seq.s32 s7, s2  }
0x1e: {  	s7 =	smul.u32 @!p0 $0xF7A, s2;
	p2 =	seq.s32 @!p0 s5, $0x0  }
0x1f: {  	s9 =	smul.u32 $0xF7A, s1;
	s8 =	simm.s32 @!p0 $0x1BF5;
	p2 =	por !p2, p0  }
0x20: {  	[sflag:s8] =	ssyncset.s32 @!p0 $0xFFFFF086;
	s6 =	sadd.s32 @!p0 s3, s7;
	s7 =	simm.s32 @!p0 $0x108  }
0x21: {  	s3 =	sadd.s32 s3, s9;
	s6 =	sadd.s32 @!p0 $0x88, s6;
	s7 =	simm.s32 @p2 $0x1082  }
0x22: {  	[simem:s7], [sflag:s8] =	dma.local @!p0 [hbm:s6], $0xF7A  }
0x23: {  	s9 =	sor.u32 $0xD0000000, s2;
	s6 =	simm.s32 $0x108;
	_ =	swait.ge @!p0 [sflag:s8], $0x0  }
0x24: {  	s3 =	sadd.s32 $0x88, s3;
	s6 =	simm.s32 @!p1 $0x1082;
	[sflag:s4] =	ssyncset.s32 $0xFFFFF086  }
0x25: {  	[simem:s6], [sflag:s4] =	dma.local [hbm:s3], $0xF7A  }
0x26: {  	[smem:$0x3F8F] =	sst s1;
	(tag) =	ssettag s2;
	_ =	strace s9  }
0x27: {  	s1 =	sld [smem:$0x3F9F]  }
0x28: {  	s2 =	sld [smem:$0x3FA0]  }
0x29: {  	s4 =	sld [smem:$0x3FA2]  }
0x2a: {  	p0 =	seq.s32 s5, $0x0;
	s5 =	sld [smem:$0x3FA3]  }
0x2b: {  	s6 =	sld [smem:$0x3FA4]  }
0x2c: {  	s7 =	sld [smem:$0x3FA5]  }
0x2d: {  	s3 =	simm.s32 $0x108;
	s8 =	sld [smem:$0x3FA6]  }
0x2e: {  	s3 =	simm.s32 @!p0 $0x1082;
	s9 =	sld [smem:$0x3FA7]  }
0x2f: {  	lr =	sadd.s32 s0, s3;
	s0 =	sld [smem:$0x3F9E]  }
0x30: {  	s3 =	sld [smem:$0x3FA1]  }
0x31: {  	[smem:$0x3FAA] =	sst s10  }
0x32: {  	s10 =	sld [smem:$0x3FA8];
	_ =	sdelay $0x3  }
0x33: {  	p0 =	seq.s32 s10, $0x1;
	s10 =	sld [smem:$0x3FAA];
	_ =	sdelay $0x3  }
0x34: {  	[smem:$0x3FAA] =	sst s10  }
0x35: {  	s10 =	sld [smem:$0x3FA9];
	_ =	sdelay $0x3  }
0x36: {  	p1 =	seq.s32 s10, $0x1;
	s10 =	sld [smem:$0x3FAA];
	_ =	sdelay $0x3  }
0x37: {  	[smem:$0x3FAA] =	sst s10  }
0x38: {  	s10 =	sld [smem:$0x3FAB]  }
0x39: {  	_ = 	snop;
	(pc) =	sbr.ind lr, $3  }
0x3a: {  	_ = 	snop  }
0x3b: {  	_ = 	snop  }
0x3c: {  	p2 =	seq.s32 s10, $0x1;
	s10 =	sld [smem:$0x3FAA]  }
0x3d: {  	_ =	shalt  }
0x3e: {  	_ =	shalt  }
0x3f: {  	_ =	shalt  }
0x40: {  	_ =	shalt  }
0x41: {  	_ =	shalt  }
0x42: {  	_ =	shalt  }
0x43: {  	_ =	shalt  }
0x44: {  	_ =	shalt  }
0x45: {  	_ =	shalt  }
0x46: {  	_ =	shalt  }
0x47: {  	_ =	shalt  }
0x48: {  	_ =	shalt  }
0x49: {  	_ =	shalt  }
0x4a: {  	_ =	shalt  }
0x4b: {  	_ =	shalt  }
0x4c: {  	_ =	shalt  }
0x4d: {  	_ =	shalt  }
0x4e: {  	_ =	shalt  }
0x4f: {  	_ =	shalt  }
0x50: {  	_ =	shalt  }
0x51: {  	_ =	shalt  }
0x52: {  	_ =	shalt  }
0x53: {  	_ =	shalt  }
0x54: {  	_ =	shalt  }
0x55: {  	_ =	shalt  }
0x56: {  	_ =	shalt  }
0x57: {  	_ =	shalt  }
0x58: {  	_ =	shalt  }
0x59: {  	_ =	shalt  }
0x5a: {  	_ =	shalt  }
0x5b: {  	_ =	shalt  }
0x5c: {  	_ =	shalt  }
0x5d: {  	_ =	shalt  }
0x5e: {  	_ =	shalt  }
0x5f: {  	_ =	shalt  }
0x60: {  	_ =	shalt  }
0x61: {  	_ =	shalt  }
0x62: {  	_ =	shalt  }
0x63: {  	_ =	shalt  }
0x64: {  	_ =	shalt  }
0x65: {  	_ =	shalt  }
0x66: {  	_ =	shalt  }
0x67: {  	_ =	shalt  }
0x68: {  	_ =	shalt  }
0x69: {  	_ =	shalt  }
0x6a: {  	_ =	shalt  }
0x6b: {  	_ =	shalt  }
0x6c: {  	_ =	shalt  }
0x6d: {  	_ =	shalt  }
0x6e: {  	_ =	shalt  }
0x6f: {  	_ =	shalt  }
0x70: {  	_ =	shalt  }
0x71: {  	_ =	shalt  }
0x72: {  	_ =	shalt  }
0x73: {  	_ =	shalt  }
0x74: {  	_ =	shalt  }
0x75: {  	_ =	shalt  }
0x76: {  	_ =	shalt  }
0x77: {  	_ =	shalt  }
0x78: {  	_ =	shalt  }
0x79: {  	_ =	shalt  }
0x7a: {  	_ =	shalt  }
0x7b: {  	_ =	shalt  }
0x7c: {  	_ =	shalt  }
0x7d: {  	_ =	shalt  }
0x7e: {  	_ =	shalt  }
0x7f: {  	_ =	shalt  }
0x80: {  	_ =	shalt  }
0x81: {  	_ =	shalt  }
0x82: {  	_ =	shalt  }
0x83: {  	_ =	shalt  }
0x84: {  	_ =	shalt  }
0x85: {  	_ =	shalt  }
0x86: {  	_ =	shalt  }
0x87: {  	_ =	shalt  }
.Lfunc_end0:
.L_simem_size_0:
called_computation_lowered:
.L_overlay_start_0:
0x88: {  	s2 =	sld [smem:$0x3FD9]  }
0x89: {  	s3 =	sld [smem:$0x3FFE];
	_ =	sdelay $0x1  }
0x8a: {  	s1 =	srdreg.scid  }
0x8b: {  	s0 =	sand.u32 $0x1, s1  }
0x8c: {  	s14 =	sshll.u32 s0, $0xA;
	s2 =	sadd.s32 s3, s2  }
0x8d: {  	s2 =	sadd.s32 s2, s14  }
0x8e: {  	[smem:$0x3FB6] =	sst s2  }
0x8f: {  	_ = 	snop  }
0x90: {  	s2 =	sld [smem:$0x3FD0];
	_ =	sdelay $0x2  }
0x91: {  	s15 =	simm.s32 $0xA;
	s4 =	simm.s32 $0x10  }
0x92: {  	[smem:s4], [sflag:s15] =	dma.local [hbm:s2], $0x1  }
0x93: {  	_ =	swait.eq [sflag:s15], $0x1  }
0x94: {  	[sflag:s15] =	ssyncset.done $0x0  }
0x95: {  	s16 =	sld [smem:$0x10];
	[sflag:s15] =	ssyncadd.s32 $0xFFFFFFFF  }
0x96: {  	s17 =	sld [smem:$0x12];
	(tm) =	ssettm $0x1  }
0x97: {  	s18 =	sld [smem:$0x3FFB];
	_ =	sdelay $0x3  }
0x98: {  	_ =	strace s18  }
0x99: {  	s4 =	sld [smem:$0x3FFC];
	_ =	sdelay $0x3  }
0x9a: {  	_ =	strace s4  }
0x9b: {  	s4 =	sld [smem:$0x3FFD];
	_ =	sdelay $0x3  }
0x9c: {  	_ =	strace s4  }
0x9d: {  	_ =	strace $0x8FFFFFFF  }
0x9e: {  	s19 =	sld [smem:$0x3FDB];
	_ =	sdelay $0x1  }
0x9f: {  	s5 =	simm.s32 $_scs_section_size  }
0xa0: {  	s6 =	simm.s32 $_size__tile_overlayer_lowered;
	s7 =	simm.s32 $_tile_overlayer_lowered  }
0xa1: {  	s22 =	simm.s32 $0x1BFF;
	s21 =	sshll.u32 s7, $0x1;
	s4 =	sadd.s32 s5, s19  }
0xa2: {  	s8 =	simm.s32 $0x0;
	s20 =	sshll.u32 s6, $0x1;
	s6 =	sadd.s32 s21, s4  }
0xa3: {  	[timem:s8], [sflag:s22] =	dma.local [hbm:s6], s20  }
0xa4: {  	_ =	swait.ge [sflag:s22], s20  }
0xa5: {  	s5 =	ssub.s32 $0x0, s20;
	[sflag:s22] =	ssyncset.done $0x0  }
0xa6: {  	[sflag:s22] =	ssyncadd.s32 s5;
	_ =	sdelay $0x1  }
0xa7: {  	s23 =	simm.s32 $0x1B8B  }
0xa8: {  	_ =	swait.ge [sflag:s23], $0x1  }
0xa9: {  	[sflag:s23] =	ssyncset.done $0x0  }
0xaa: {  	s25 =	simm.s32 $0x1B8E;
	s24 =	sld [smem:$0x3FFE];
	[sflag:s23] =	ssyncadd.s32 $0xFFFFFFFF  }
0xab: {  	s26 =	simm.s32 $execute0_lowered;
	[smem:$0x3FD2] =	sst s25  }
0xac: {  	s6 =	sshll.u32 s26, $0x1;
	_ =	strace $0x80000046;
	[dreg:$0x1] =	wrdreg $0xFFFFFFFF  }
0xad: {  	s28 =	simm.s32 $_size_execute0_lowered;
	s4 =	sadd.s32 s4, s6;
	[dreg:$0x0] =	wrdreg $0x0  }
0xae: {  	s6 =	sshll.u32 s28, $0x1;
	[dreg:$0x2] =	wrdreg s4  }
0xaf: {  	[dreg:$0x3] =	wrdreg s6  }
0xb0: {  	[dreg:$0x4] =	wrdreg $0xC0  }
0xb1: {  	_ =	task [dreg:s8], $0x5FFFF  }
0xb2: {  	[dreg:$0x1] =	wrdreg $0xFFFFFFFF  }
0xb3: {  	[dreg:$0x0] =	wrdreg $0x60  }
0xb4: {  	[dreg:$0x2] =	wrdreg s17  }
0xb5: {  	[dreg:$0x3] =	wrdreg s16  }
0xb6: {  	[dreg:$0x4] =	wrdreg s24  }
0xb7: {  	[dreg:$0x5] =	wrdreg $0x30000  }
0xb8: {  	[dreg:$0x6] =	wrdreg $0x9  }
0xb9: {  	_ =	task.clear_ibuf [dreg:s8], $0x7FFFF;
	_ =	strace $0x90000046  }
0xba: {  	s29 =	simm.s32 $0x9;
	_ =	strace $0x80000048  }
0xbb: {  	_ =	swait.ge [sflag:s29], $0x1  }
0xbc: {  	[sflag:s29] =	ssyncadd.s32 $0xFFFFFFFF  }
0xbd: {  	_ =	strace $0x90000048  }
0xbe: {  	_ =	sfence  }
0xbf: {  	s30 =	sld [smem:$0x0];
	_ =	sdelay $0x2  }
0xc0: {  	s31 =	sshll.u32 s1, $0xD;
	s1 =	sshrl.u32 s1, $0x2  }
0xc1: {  	s3 =	sand.u32 $0x4000, s31;
	s1 =	sadd.s32 s1, s30  }
0xc2: {  	s0 =	sor.u32 s3, s0;
	s1 =	sshll.u32 s1, $0x11  }
0xc3: {  	s0 =	sor.u32 s1, s0  }
0xc4: {  	s0 =	sadd.s32 $0x8F2B, s0  }
0xc5: {  	[sflag:s0] =	ssyncadd.remote.s32 $0x1  }
0xc6: {  	_ =	sfence.sel $0xFFFF  }
0xc7: {  	[dreg:$0x0] =	wrdreg $0xFFFFFFFF;
	(pc) =	sbr.abs _section_cstart, $3  }
0xc8: {  	[dreg:$0x1] =	wrdreg $0xFFFFFFFF  }
0xc9: {  	_ =	task.clear_ibuf [dreg:s8], $0x2FFFF;
	_ =	strace $0x9FFFFFFF  }
0xca: {  	(tm) =	ssettm $0x7FFFFFFF  }
0xcb: {  	_ =	shalt  }
tec
execute0_lowered:
.L_overlay_start_1:
0x0: {  	(tag) =	ssettag $0x1  }
0x1: {  	s7 =	rddreg [dreg:$0x0]  }
0x2: {  	s5 =	rddreg [dreg:$0x1]  }
0x3: {  	s6 =	rddreg [dreg:$0x2];
	s0 =	srdreg.scid  }
0x4: {  	s2 =	rddreg [dreg:$0x3];
	s1 =	stileid.u32  }
0x5: {  	s3 =	simm.s32 $0x0;
	s8 =	sand.u32 $0x1, s0;
	s0 =	rddreg [dreg:$0x4]  }
0x6: {  	s15 =	simm.s32 $0x0;
	s10 =	smul.u32 $0x2710, s1;
	[smem:$0x7FF] =	sst s3  }
0x7: {  	s4 =	sadd.s32 $0x3600, s6;
	s12 =	sshll.u32 s1, $0x1;
	s14 =	smul.u32 $0x2800, s1  }
0x8: {  	s30 =	sshll.u32 s1, $0x6;
	s9 =	smul.u32 $0x27100, s8;
	_ =	strace $0x80000047  }
0x9: {  	s11 =	ssub.s32 $0x2, s8;
	s8 =	sor.u32 s8, s12;
	s12 =	simm.s32 $0x2800  }
0xa: {  	s13 =	sshrl.u32 s11, $0x1;
	s8 =	smul.u32 $0x500, s8;
	s28 =	sadd.s32 s14, s2  }
0xb: {  	s29 =	sshrl.u32 s14, $0x3;
	s31 =	sadd.s32 s10, s2;
	s9 =	sadd.s32 s10, s9  }
0xc: {  	s11 =	ssub.s32 s11, s13;
	s5 =	sadd.s32 s5, s29;
	s10 =	sshrl.u32 s28, $0x3  }
0xd: {  	s13 =	simm.s32 $0x80;
	s14 =	sshrl.u32 s31, $0x3;
	s9 =	sshrl.u32 s9, $0x3  }
0xe: {  	s7 =	sadd.s32 s7, s8;
	s9 =	sadd.s32 s9, s6;
	s6 =	sor.u32 $0x1C01, s30  }
0xf: {  	s8 =	sadd.s32 $0x3800, s9;
	s9 =	smax.u32 s11, $0x1;
	s11 =	simm.s32 $0x1  }
.LBB2_1:
0x10: {  	[spmem:s10], [sflag:s6] =	dma.local [hbm:s5], $0x500  }
0x11: {  	_ =	swait.ge [sflag:s11], $0x500  }
0x12: {  	[sflag:s11] =	ssyncset.done $0x0  }
0x13: {  	[sflag:s11] =	ssyncadd.s32 $0xFFFFFB00  }
0x14: {  	[tilespmem:s12], [sflag:$0x1] =	stream.linear.gather [hbm4b:s4+s3], $0x800, $0x38;
	[tilespmem:$0x5800] =	vst v63  }
0x15: {  	_ =	swait.ge [sflag:s11], $0x800  }
0x16: {  	[sflag:s11] =	ssyncset.done $0x0  }
0x17: {  	[sflag:s11] =	ssyncadd.s32 $0xFFFFF800  }
0x18: {  	[tilespmem:s3], [sflag:$0x1] =	stream.linear.gather [hbm4b:s7+s3], $0x2800, $0x38;
	[tilespmem:$0x5800] =	vst v63  }
0x19: {  	_ =	swait.ge [sflag:s11], $0x2800  }
0x1a: {  	[sflag:s11] =	ssyncset.done $0x0  }
0x1b: {  	[sflag:s11] =	ssyncadd.s32 $0xFFFFD800  }
0x1c: {  	s16 =	simm.s32 $0x0;
	[bflag:$0x0] =	sbarrier.arrive $0xFFFF  }
0x1d: {  	[spmem:s2] =	stream.indirect.scatter.add.f32 [tilespmem:s12], [sflag:$0x1], $0x10, s16, s13, $0xb8;
	[tilespmem:$0x5800] =	vst v63  }
0x1e: {  	_ =	swait.ge [sflag:s11], $0x800  }
0x1f: {  	s16 =	simm.s32 $0x200;
	[sflag:s11] =	ssyncset.done $0x0  }
.LBB2_2:
0x20: {  	s17 =	sshra.s32 s16, $0x2;
	[sflag:s11] =	ssyncadd.s32 $0xFFFFF800;
	p0 =	sne.s32 s16, $0x9E00  }
0x21: {  	[spmem:s2] =	stream.indirect.scatter.add.f32 [tilespmem:s12], [sflag:$0x1], $0x10, s17, s13, $0xb8;
	[tilespmem:$0x5800] =	vst v63  }
.Ltmp0:
0x22: {  	_ = 	snop;
	(pc) =	sbr.rel @p0 .LBB2_2-.Ltmp0, $4  }
0x23: {  	_ = 	snop  }
0x24: {  	s16 =	sadd.s32 $0x200, s16  }
0x25: {  	_ =	swait.ge [sflag:s11], $0x800  }
0x26: {  	[sflag:s11] =	ssyncset.done $0x0  }
0x27: {  	s15 =	sadd.s32 $0x1, s15  }
0x28: {  	[sflag:s11] =	ssyncadd.s32 $0xFFFFF800;
	p0 =	sne.s32 s15, s9  }
.Ltmp1:
0x29: {  	[bflag:$0x0] =	sbarrier.arrive $0xFFFF;
	(pc) =	sbr.rel @p0 .LBB2_1-.Ltmp1, $4  }
0x2a: {  	[hbm:s8], [sflag:s6] =	dma.local [spmem:s14], $0x4E2  }
0x2b: {  	_ =	swait.ge [sflag:s11], $0x4E2  }
0x2c: {  	[sflag:s11] =	ssyncset.done $0x0  }
0x2d: {  	[sflag:s11] =	ssyncadd.s32 $0xFFFFFB1E  }
0x2e: {  	_ =	sfence.sel $0x180000  }
0x2f: {  	[bflag:$0x0] =	sbarrier.arrive $0xFFFF  }
0x30: {  	p0 =	sne.s32 s1, $0x0;
	_ =	strace $0x90000047  }
0x31: {  	s0 =	sadd.s32 @!p0 $0x100000, s0;
	[bflag:$0x2] =	sbarrier.arrive $0xFFFF  }
0x32: {  	[sflag:s0] =	ssyncadd.tile.s32 @!p0 $0x1;
	_ =	shalt  }
.Lfunc_end2:
_tile_overlayer_lowered:
.L_overlay_start_2:
0x33: {  	(tag) =	ssettag $0x2  }
0x34: {  	s0 =	rddreg [dreg:$0x0];
	s2 =	stileid.u32  }
0x35: {  	s1 =	rddreg [dreg:$0x1];
	p0 =	sne.s32 s2, $0x0  }
0x36: {  	s3 =	rddreg [dreg:$0x2];
	[bflag:$0x3] =	sbarrier.arrive $0xFFFF;
	s2 =	simm.s32 @!p0 $0x1C01  }
0x37: {  	[timem:s3], [sflag:s2] =	dma.local @!p0 [hbm:s0], s1  }
0x38: {  	s0 =	simm.s32 @!p0 $0x1  }
0x39: {  	_ =	swait.ge @!p0 [sflag:s0], s1  }
0x3a: {  	s1 =	ssub.s32 @!p0 $0x0, s1;
	[sflag:s0] =	ssyncset.done @!p0 $0x0  }
0x3b: {  	[sflag:s0] =	ssyncadd.s32 @!p0 s1  }
0x3c: {  	[bflag:$0x3] =	sbarrier.arrive $0xFFFF  }
0x3d: {  	_ =	shalt  }

// kernel: kernel.13.cloned.1.call-start
scs
__scs_entry_jumppad:
0x0: {  	(pc) =	sbr.rel $0x88, $3  }
0x1: {  	(tag) =	ssettag $0x0;
	lr =	simm.s32 $0x1  }
0x2: {  	[smem:$0x3F8F] =	sst lr;
	_ =	strace $0xD0000000  }
0x3: {  	_ = 	snop  }
0x4: {  	_ = 	snop  }
0x5: {  	_ = 	snop  }
0x6: {  	_ = 	snop  }
0x7: {  	_ = 	snop  }
__scs_overlays_trampoline_lowered:
0x8: {  	[smem:$0x3F9E] =	sst s0  }
0x9: {  	[smem:$0x3F9F] =	sst s1  }
0xa: {  	[smem:$0x3FA0] =	sst s2  }
0xb: {  	[smem:$0x3FA1] =	sst s3  }
0xc: {  	[smem:$0x3FA2] =	sst s4  }
0xd: {  	[smem:$0x3FA3] =	sst s5  }
0xe: {  	[smem:$0x3FA4] =	sst s6  }
0xf: {  	[smem:$0x3FA5] =	sst s7  }
0x10: {  	[smem:$0x3FA6] =	sst s8  }
0x11: {  	[smem:$0x3FA7] =	sst s9;
	s0 =	simm.s32 @!p0 $0x0  }
0x12: {  	s1 =	sld [smem:$0x3F8D];
	s0 =	simm.s32 @p0 $0x1  }
0x13: {  	[smem:$0x3FA8] =	sst s0;
	s0 =	simm.s32 @!p1 $0x0  }
0x14: {  	s2 =	sld [smem:$0x3F8C];
	s0 =	simm.s32 @p1 $0x1  }
0x15: {  	[smem:$0x3FA9] =	sst s0;
	s0 =	simm.s32 @!p2 $0x0  }
0x16: {  	s3 =	sld [smem:$0x3FDB];
	s0 =	simm.s32 @p2 $0x1  }
0x17: {  	s4 =	simm.s32 $0x1BF5;
	[smem:$0x3FAB] =	sst s0  }
0x18: {  	s0 =	sld [smem:$0x3F8E];
	_ =	swait.ge [sflag:s4], $0x0  }
0x19: {  	s7 =	sld [smem:$0x3F8F]  }
0x1a: {  	s8 =	sadd.s32 $0xFFFFE003, lr  }
0x1b: {  	s9 =	sadd.s32 $0xFFFFFEF7, lr;
	s5 =	simm.s32 $0xFFFFFFFF;
	p2 =	slt.u32 s8, $0xFFFFF086  }
0x1c: {  	p1 =	slt.u32 s9, $0xF7A;
	s5 =	simm.s32 @!p2 $0x0  }
0x1d: {  	s5 =	simm.s32 @p1 $0x1;
	p0 =	seq.s32 s7, s2  }
0x1e: {  	s7 =	smul.u32 @!p0 $0xF7A, s2;
	p2 =	seq.s32 @!p0 s5, $0x0  }
0x1f: {  	s9 =	smul.u32 $0xF7A, s1;
	s8 =	simm.s32 @!p0 $0x1BF5;
	p2 =	por !p2, p0  }
0x20: {  	[sflag:s8] =	ssyncset.s32 @!p0 $0xFFFFF086;
	s6 =	sadd.s32 @!p0 s3, s7;
	s7 =	simm.s32 @!p0 $0x108  }
0x21: {  	s3 =	sadd.s32 s3, s9;
	s6 =	sadd.s32 @!p0 $0x88, s6;
	s7 =	simm.s32 @p2 $0x1082  }
0x22: {  	[simem:s7], [sflag:s8] =	dma.local @!p0 [hbm:s6], $0xF7A  }
0x23: {  	s9 =	sor.u32 $0xD0000000, s2;
	s6 =	simm.s32 $0x108;
	_ =	swait.ge @!p0 [sflag:s8], $0x0  }
0x24: {  	s3 =	sadd.s32 $0x88, s3;
	s6 =	simm.s32 @!p1 $0x1082;
	[sflag:s4] =	ssyncset.s32 $0xFFFFF086  }
0x25: {  	[simem:s6], [sflag:s4] =	dma.local [hbm:s3], $0xF7A  }
0x26: {  	[smem:$0x3F8F] =	sst s1;
	(tag) =	ssettag s2;
	_ =	strace s9  }
0x27: {  	s1 =	sld [smem:$0x3F9F]  }
0x28: {  	s2 =	sld [smem:$0x3FA0]  }
0x29: {  	s4 =	sld [smem:$0x3FA2]  }
0x2a: {  	p0 =	seq.s32 s5, $0x0;
	s5 =	sld [smem:$0x3FA3]  }
0x2b: {  	s6 =	sld [smem:$0x3FA4]  }
0x2c: {  	s7 =	sld [smem:$0x3FA5]  }
0x2d: {  	s3 =	simm.s32 $0x108;
	s8 =	sld [smem:$0x3FA6]  }
0x2e: {  	s3 =	simm.s32 @!p0 $0x1082;
	s9 =	sld [smem:$0x3FA7]  }
0x2f: {  	lr =	sadd.s32 s0, s3;
	s0 =	sld [smem:$0x3F9E]  }
0x30: {  	s3 =	sld [smem:$0x3FA1]  }
0x31: {  	[smem:$0x3FAA] =	sst s10  }
0x32: {  	s10 =	sld [smem:$0x3FA8];
	_ =	sdelay $0x3  }
0x33: {  	p0 =	seq.s32 s10, $0x1;
	s10 =	sld [smem:$0x3FAA];
	_ =	sdelay $0x3  }
0x34: {  	[smem:$0x3FAA] =	sst s10  }
0x35: {  	s10 =	sld [smem:$0x3FA9];
	_ =	sdelay $0x3  }
0x36: {  	p1 =	seq.s32 s10, $0x1;
	s10 =	sld [smem:$0x3FAA];
	_ =	sdelay $0x3  }
0x37: {  	[smem:$0x3FAA] =	sst s10  }
0x38: {  	s10 =	sld [smem:$0x3FAB]  }
0x39: {  	_ = 	snop;
	(pc) =	sbr.ind lr, $3  }
0x3a: {  	_ = 	snop  }
0x3b: {  	_ = 	snop  }
0x3c: {  	p2 =	seq.s32 s10, $0x1;
	s10 =	sld [smem:$0x3FAA]  }
0x3d: {  	_ =	shalt  }
0x3e: {  	_ =	shalt  }
0x3f: {  	_ =	shalt  }
0x40: {  	_ =	shalt  }
0x41: {  	_ =	shalt  }
0x42: {  	_ =	shalt  }
0x43: {  	_ =	shalt  }
0x44: {  	_ =	shalt  }
0x45: {  	_ =	shalt  }
0x46: {  	_ =	shalt  }
0x47: {  	_ =	shalt  }
0x48: {  	_ =	shalt  }
0x49: {  	_ =	shalt  }
0x4a: {  	_ =	shalt  }
0x4b: {  	_ =	shalt  }
0x4c: {  	_ =	shalt  }
0x4d: {  	_ =	shalt  }
0x4e: {  	_ =	shalt  }
0x4f: {  	_ =	shalt  }
0x50: {  	_ =	shalt  }
0x51: {  	_ =	shalt  }
0x52: {  	_ =	shalt  }
0x53: {  	_ =	shalt  }
0x54: {  	_ =	shalt  }
0x55: {  	_ =	shalt  }
0x56: {  	_ =	shalt  }
0x57: {  	_ =	shalt  }
0x58: {  	_ =	shalt  }
0x59: {  	_ =	shalt  }
0x5a: {  	_ =	shalt  }
0x5b: {  	_ =	shalt  }
0x5c: {  	_ =	shalt  }
0x5d: {  	_ =	shalt  }
0x5e: {  	_ =	shalt  }
0x5f: {  	_ =	shalt  }
0x60: {  	_ =	shalt  }
0x61: {  	_ =	shalt  }
0x62: {  	_ =	shalt  }
0x63: {  	_ =	shalt  }
0x64: {  	_ =	shalt  }
0x65: {  	_ =	shalt  }
0x66: {  	_ =	shalt  }
0x67: {  	_ =	shalt  }
0x68: {  	_ =	shalt  }
0x69: {  	_ =	shalt  }
0x6a: {  	_ =	shalt  }
0x6b: {  	_ =	shalt  }
0x6c: {  	_ =	shalt  }
0x6d: {  	_ =	shalt  }
0x6e: {  	_ =	shalt  }
0x6f: {  	_ =	shalt  }
0x70: {  	_ =	shalt  }
0x71: {  	_ =	shalt  }
0x72: {  	_ =	shalt  }
0x73: {  	_ =	shalt  }
0x74: {  	_ =	shalt  }
0x75: {  	_ =	shalt  }
0x76: {  	_ =	shalt  }
0x77: {  	_ =	shalt  }
0x78: {  	_ =	shalt  }
0x79: {  	_ =	shalt  }
0x7a: {  	_ =	shalt  }
0x7b: {  	_ =	shalt  }
0x7c: {  	_ =	shalt  }
0x7d: {  	_ =	shalt  }
0x7e: {  	_ =	shalt  }
0x7f: {  	_ =	shalt  }
0x80: {  	_ =	shalt  }
0x81: {  	_ =	shalt  }
0x82: {  	_ =	shalt  }
0x83: {  	_ =	shalt  }
0x84: {  	_ =	shalt  }
0x85: {  	_ =	shalt  }
0x86: {  	_ =	shalt  }
0x87: {  	_ =	shalt  }
.Lfunc_end0:
.L_simem_size_0:
called_computation.1_lowered:
.L_overlay_start_0:
0x88: {  	s2 =	sld [smem:$0x3FD9]  }
0x89: {  	s3 =	sld [smem:$0x3FFE];
	_ =	sdelay $0x1  }
0x8a: {  	s1 =	srdreg.scid  }
0x8b: {  	s0 =	sand.u32 $0x1, s1  }
0x8c: {  	s14 =	sshll.u32 s0, $0xA;
	s2 =	sadd.s32 s3, s2  }
0x8d: {  	s2 =	sadd.s32 s2, s14  }
0x8e: {  	[smem:$0x3FB6] =	sst s2  }
0x8f: {  	_ = 	snop  }
0x90: {  	s2 =	sld [smem:$0x3FD0];
	_ =	sdelay $0x2  }
0x91: {  	s15 =	simm.s32 $0xA;
	s4 =	simm.s32 $0x10  }
0x92: {  	[smem:s4], [sflag:s15] =	dma.local [hbm:s2], $0x1  }
0x93: {  	_ =	swait.eq [sflag:s15], $0x1  }
0x94: {  	[sflag:s15] =	ssyncset.done $0x0  }
0x95: {  	s16 =	sld [smem:$0x11];
	[sflag:s15] =	ssyncadd.s32 $0xFFFFFFFF  }
0x96: {  	s17 =	sld [smem:$0x12];
	(tm) =	ssettm $0x1  }
0x97: {  	s18 =	sld [smem:$0x3FFB];
	_ =	sdelay $0x3  }
0x98: {  	_ =	strace s18  }
0x99: {  	s4 =	sld [smem:$0x3FFC];
	_ =	sdelay $0x3  }
0x9a: {  	_ =	strace s4  }
0x9b: {  	s4 =	sld [smem:$0x3FFD];
	_ =	sdelay $0x3  }
0x9c: {  	_ =	strace s4  }
0x9d: {  	_ =	strace $0x8FFFFFFF  }
0x9e: {  	s19 =	sld [smem:$0x3FDB];
	_ =	sdelay $0x1  }
0x9f: {  	s5 =	simm.s32 $_scs_section_size  }
0xa0: {  	s6 =	simm.s32 $_size__tile_overlayer_lowered;
	s7 =	simm.s32 $_tile_overlayer_lowered  }
0xa1: {  	s22 =	simm.s32 $0x1BFF;
	s21 =	sshll.u32 s7, $0x1;
	s4 =	sadd.s32 s5, s19  }
0xa2: {  	s8 =	simm.s32 $0x0;
	s20 =	sshll.u32 s6, $0x1;
	s6 =	sadd.s32 s21, s4  }
0xa3: {  	[timem:s8], [sflag:s22] =	dma.local [hbm:s6], s20  }
0xa4: {  	_ =	swait.ge [sflag:s22], s20  }
0xa5: {  	s5 =	ssub.s32 $0x0, s20;
	[sflag:s22] =	ssyncset.done $0x0  }
0xa6: {  	[sflag:s22] =	ssyncadd.s32 s5;
	_ =	sdelay $0x1  }
0xa7: {  	s23 =	simm.s32 $0x1B8B  }
0xa8: {  	_ =	swait.ge [sflag:s23], $0x1  }
0xa9: {  	[sflag:s23] =	ssyncset.done $0x0  }
0xaa: {  	s25 =	simm.s32 $0x1B8E;
	s24 =	sld [smem:$0x3FFE];
	[sflag:s23] =	ssyncadd.s32 $0xFFFFFFFF  }
0xab: {  	s26 =	simm.s32 $execute0_lowered;
	[smem:$0x3FD2] =	sst s25  }
0xac: {  	s6 =	sshll.u32 s26, $0x1;
	_ =	strace $0x80000049;
	[dreg:$0x1] =	wrdreg $0xFFFFFFFF  }
0xad: {  	s28 =	simm.s32 $_size_execute0_lowered;
	s4 =	sadd.s32 s4, s6;
	[dreg:$0x0] =	wrdreg $0x0  }
0xae: {  	s6 =	sshll.u32 s28, $0x1;
	[dreg:$0x2] =	wrdreg s4  }
0xaf: {  	[dreg:$0x3] =	wrdreg s6  }
0xb0: {  	[dreg:$0x4] =	wrdreg $0xC0  }
0xb1: {  	_ =	task [dreg:s8], $0x5FFFF  }
0xb2: {  	[dreg:$0x1] =	wrdreg $0xFFFFFFFF  }
0xb3: {  	[dreg:$0x0] =	wrdreg $0x60  }
0xb4: {  	[dreg:$0x2] =	wrdreg s24  }
0xb5: {  	[dreg:$0x3] =	wrdreg s16  }
0xb6: {  	[dreg:$0x4] =	wrdreg s17  }
0xb7: {  	[dreg:$0x5] =	wrdreg $0x150000  }
0xb8: {  	[dreg:$0x6] =	wrdreg $0x9  }
0xb9: {  	_ =	task.clear_ibuf [dreg:s8], $0x7FFFF;
	_ =	strace $0x90000049  }
0xba: {  	s29 =	simm.s32 $0x9;
	_ =	strace $0x8000004B  }
0xbb: {  	_ =	swait.ge [sflag:s29], $0x1  }
0xbc: {  	[sflag:s29] =	ssyncadd.s32 $0xFFFFFFFF  }
0xbd: {  	_ =	strace $0x9000004B  }
0xbe: {  	_ =	sfence  }
0xbf: {  	s30 =	sld [smem:$0x0];
	_ =	sdelay $0x2  }
0xc0: {  	s31 =	sshll.u32 s1, $0xD;
	s1 =	sshrl.u32 s1, $0x2  }
0xc1: {  	s3 =	sand.u32 $0x4000, s31;
	s1 =	sadd.s32 s1, s30  }
0xc2: {  	s0 =	sor.u32 s3, s0;
	s1 =	sshll.u32 s1, $0x11  }
0xc3: {  	s0 =	sor.u32 s1, s0  }
0xc4: {  	s0 =	sadd.s32 $0x8F2B, s0  }
0xc5: {  	[sflag:s0] =	ssyncadd.remote.s32 $0x1  }
0xc6: {  	_ =	sfence.sel $0xFFFF  }
0xc7: {  	[dreg:$0x0] =	wrdreg $0xFFFFFFFF;
	(pc) =	sbr.abs _section_cstart, $3  }
0xc8: {  	[dreg:$0x1] =	wrdreg $0xFFFFFFFF  }
0xc9: {  	_ =	task.clear_ibuf [dreg:s8], $0x2FFFF;
	_ =	strace $0x9FFFFFFF  }
0xca: {  	(tm) =	ssettm $0x7FFFFFFF  }
0xcb: {  	_ =	shalt  }
tec
execute0_lowered:
.L_overlay_start_1:
0x0: {  	(tag) =	ssettag $0x1  }
0x1: {  	s0 =	rddreg [dreg:$0x0]  }
0x2: {  	s1 =	rddreg [dreg:$0x1]  }
0x3: {  	s3 =	rddreg [dreg:$0x2]  }
0x4: {  	s4 =	srdreg.scid;
	s2 =	rddreg [dreg:$0x3]  }
0x5: {  	s12 =	stileid.u32;
	s7 =	simm.s32 $0x0;
	s14 =	simm.s32 $0x80  }
0x6: {  	s20 =	simm.s32 $0xB000;
	s21 =	simm.s32 $0x1;
	s22 =	simm.s32 $0xD000  }
0x7: {  	s23 =	simm.s32 $0x2;
	s24 =	simm.s32 $0xF000;
	s28 =	simm.s32 $0x11000  }
0x8: {  	s29 =	simm.s32 $0x4;
	s30 =	simm.s32 $0x13000;
	s31 =	simm.s32 $0x5  }
0x9: {  	s13 =	simm.s32 $0xB;
	s4 =	sand.u32 $0x1, s4;
	s6 =	smul.u32 $0xA000, s12  }
0xa: {  	[smem:$0x7FF] =	sst s7;
	s15 =	smul.u32 $0x9C40, s12;
	s11 =	sshll.u32 s12, $0x1  }
0xb: {  	s17 =	sshll.u32 s12, $0x6;
	s12 =	simm.s32 $0x11;
	s5 =	smul.u32 $0x9C400, s4  }
0xc: {  	_ =	strace $0x8000004A;
	s10 =	ssub.s32 $0x2, s4;
	s4 =	sor.u32 s4, s11  }
0xd: {  	s9 =	sshrl.u32 s6, $0x3;
	s16 =	sshrl.u32 s10, $0x1;
	s4 =	smul.u32 $0x500, s4  }
0xe: {  	s6 =	sadd.s32 s6, s2;
	s19 =	sadd.s32 s15, s2;
	s8 =	sshrl.u32 s5, $0x3  }
0xf: {  	s9 =	sadd.s32 s9, s0;
	s5 =	sadd.s32 s15, s5;
	s10 =	ssub.s32 s10, s16  }
0x10: {  	s26 =	sshrl.u32 s6, $0x3;
	s15 =	simm.s32 $0x5000;
	s16 =	simm.s32 $0x7000  }
0x11: {  	s8 =	sadd.s32 s8, s0;
	s5 =	sshrl.u32 s5, $0x3;
	s9 =	sadd.s32 $0x51A00, s9  }
0x12: {  	s1 =	sadd.s32 s1, s4;
	s18 =	sadd.s32 s3, s4;
	[dreg:$0xa] =	wrdreg s26  }
0x13: {  	s25 =	smax.u32 s10, $0x1;
	s26 =	simm.s32 $0x3;
	[dreg:$0x5] =	wrdreg s9  }
0x14: {  	s10 =	simm.s32 $0x0;
	s0 =	sadd.s32 s5, s0;
	[dreg:$0x6] =	wrdreg s1  }
.Ltmp0:
0x15: {  	s5 =	sor.u32 $0x1C11, s17;
	[dreg:$0x7] =	wrdreg s18;
	(pc) =	sbr.rel .LBB2_1-.Ltmp0, $4  }
0x16: {  	s8 =	sadd.s32 $0x9FC00, s8;
	[dreg:$0x9] =	wrdreg s25;
	s18 =	simm.s32 $0x9000  }
0x17: {  	s1 =	simm.s32 $0x7;
	s17 =	simm.s32 $0x8;
	s0 =	sadd.s32 $0x65A00, s0  }
0x18: {  	s9 =	simm.s32 $0x10;
	[dreg:$0x8] =	wrdreg s0;
	s0 =	sshrl.u32 s19, $0x3  }
0x19: {  	s19 =	simm.s32 $0xC;
	[dreg:$0xb] =	wrdreg s0;
	s0 =	simm.s32 $0x9  }
.LBB2_4:
0x1a: {  	_ =	swait.ge [sflag:s17], $0x2000  }
0x1b: {  	[sflag:s17] =	ssyncset.done $0x0  }
0x1c: {  	[sflag:s17] =	ssyncadd.s32 $0xFFFFE000  }
0x1d: {  	[spmem:s2] =	stream.indirect.scatter.add.f32 [tilespmem:s30], [sflag:$0x10], $0x40, s3, s14, $0xb8;
	[tilespmem:$0x1F000] =	vst v63  }
0x1e: {  	_ =	swait.ge [sflag:s19], $0x2000  }
0x1f: {  	[sflag:s19] =	ssyncset.done $0x0  }
0x20: {  	s4 =	simm.s32 $0xD;
	[sflag:s19] =	ssyncadd.s32 $0xFFFFE000  }
0x21: {  	_ =	swait.ge [sflag:s4], $0x2000  }
0x22: {  	[sflag:s4] =	ssyncset.done $0x0  }
0x23: {  	s6 =	simm.s32 $0xE;
	[sflag:s4] =	ssyncadd.s32 $0xFFFFE000  }
0x24: {  	_ =	swait.ge [sflag:s6], $0x2000  }
0x25: {  	[sflag:s6] =	ssyncset.done $0x0  }
0x26: {  	s7 =	simm.s32 $0xF;
	[sflag:s6] =	ssyncadd.s32 $0xFFFFE000  }
0x27: {  	_ =	swait.ge [sflag:s7], $0x2000  }
0x28: {  	[sflag:s7] =	ssyncset.done $0x0  }
0x29: {  	[sflag:s7] =	ssyncadd.s32 $0xFFFFE000  }
0x2a: {  	_ =	swait.ge [sflag:s9], $0x2000  }
0x2b: {  	[sflag:s9] =	ssyncset.done $0x0  }
0x2c: {  	[sflag:s9] =	ssyncadd.s32 $0xFFFFE000  }
0x2d: {  	[bflag:$0x0] =	sbarrier.arrive $0xFFFF  }
0x2e: {  	s11 =	rddreg [dreg:$0x8]  }
0x2f: {  	s4 =	rddreg [dreg:$0xb]  }
0x30: {  	[hbm:s11], [sflag:s5] =	dma.local [spmem:s4], $0x1388  }
0x31: {  	_ =	swait.ge [sflag:s12], $0x1388  }
0x32: {  	s10 =	sadd.s32 $0x1, s10;
	s25 =	rddreg [dreg:$0x9]  }
0x33: {  	p0 =	sne.s32 s10, s25  }
.Ltmp1:
0x34: {  	_ = 	snop;
	(pc) =	sbr.rel @!p0 .LBB2_5-.Ltmp1, $3  }
0x35: {  	_ =	sdelay $0x1  }
0x36: {  	[sflag:s12] =	ssyncset.done $0x0  }
0x37: {  	[sflag:s12] =	ssyncadd.s32 $0xFFFFEC78  }
.LBB2_1:
0x38: {  	s3 =	rddreg [dreg:$0x5]  }
0x39: {  	s4 =	rddreg [dreg:$0xa]  }
0x3a: {  	[spmem:s4], [sflag:s5] =	dma.local [hbm:s3], $0x1400  }
0x3b: {  	_ =	swait.ge [sflag:s12], $0x1400  }
0x3c: {  	[sflag:s12] =	ssyncset.done $0x0  }
0x3d: {  	s25 =	simm.s32 $0x0;
	s6 =	rddreg [dreg:$0x6];
	[sflag:s12] =	ssyncadd.s32 $0xFFFFEC00  }
0x3e: {  	[tilespmem:s25], [sflag:$0x11] =	stream.linear.gather [hbm4b:s6+s25], $0x2800, $0x38;
	[tilespmem:$0x1F000] =	vst v63  }
0x3f: {  	_ =	swait.ge [sflag:s12], $0x2800  }
0x40: {  	[sflag:s12] =	ssyncset.done $0x0  }
0x41: {  	s6 =	simm.s32 $0x2800;
	s7 =	rddreg [dreg:$0x7];
	[sflag:s12] =	ssyncadd.s32 $0xFFFFD800  }
0x42: {  	[tilespmem:s6], [sflag:$0x11] =	stream.linear.gather [hbm4b:s7+s25], $0x2800, $0x38;
	[tilespmem:$0x1F000] =	vst v63  }
0x43: {  	_ =	swait.ge [sflag:s12], $0x2800  }
0x44: {  	[sflag:s12] =	ssyncset.done $0x0  }
0x45: {  	[sflag:s12] =	ssyncadd.s32 $0xFFFFD800  }
0x46: {  	[bflag:$0x0] =	sbarrier.arrive $0xFFFF  }
0x47: {  	[tilespmem:s15], [sflag:$0x1] =	stream.indirect.gather [hbm4b:s8+s14], $0x40, s25, s14, $0xb8;
	[tilespmem:$0x1F000] =	vst v63  }
0x48: {  	_ = 	snop  }
0x49: {  	[tilespmem:s16], [sflag:$0x2] =	stream.indirect.gather [hbm4b:s8+s14], $0x40, s14, s14, $0xb8;
	[tilespmem:$0x1F000] =	vst v63  }
0x4a: {  	s11 =	simm.s32 $0x100  }
0x4b: {  	[tilespmem:s18], [sflag:$0x3] =	stream.indirect.gather [hbm4b:s8+s14], $0x40, s11, s14, $0xb8;
	[tilespmem:$0x1F000] =	vst v63  }
0x4c: {  	s25 =	simm.s32 $0x180;
	s11 =	simm.s32 $0x0  }
0x4d: {  	[tilespmem:s20], [sflag:$0x4] =	stream.indirect.gather [hbm4b:s8+s14], $0x40, s25, s14, $0xb8;
	[tilespmem:$0x1F000] =	vst v63  }
.LBB2_2:
0x4e: {  	_ =	swait.ge [sflag:s21], $0x2000  }
0x4f: {  	s25 =	sshra.s32 s11, $0x2;
	[sflag:s21] =	ssyncset.done $0x0  }
0x50: {  	p0 =	seq.s32 s11, $0x0;
	s3 =	sadd.s32 $0x2800, s25;
	[sflag:s21] =	ssyncadd.s32 $0xFFFFE000  }
0x51: {  	[spmem:s2] =	stream.indirect.scatter.add.f32 [tilespmem:s15], [sflag:$0x9], $0x40, s3, s14, $0xb8;
	[tilespmem:$0x1F000] =	vst v63  }
0x52: {  	s3 =	simm.s32 @!p0 $0xD  }
0x53: {  	_ =	swait.ge @!p0 [sflag:s3], $0x2000  }
0x54: {  	[sflag:s3] =	ssyncset.done @!p0 $0x0  }
0x55: {  	s4 =	sadd.s32 $0x200, s25;
	[sflag:s3] =	ssyncadd.s32 @!p0 $0xFFFFE000  }
0x56: {  	[tilespmem:s22], [sflag:$0x5] =	stream.indirect.gather [hbm4b:s8+s14], $0x40, s4, s14, $0xb8;
	[tilespmem:$0x1F000] =	vst v63  }
0x57: {  	_ =	swait.ge [sflag:s23], $0x2000  }
0x58: {  	[sflag:s23] =	ssyncset.done $0x0  }
0x59: {  	s6 =	sadd.s32 $0x2880, s25;
	s3 =	simm.s32 @!p0 $0xE;
	[sflag:s23] =	ssyncadd.s32 $0xFFFFE000  }
0x5a: {  	[spmem:s2] =	stream.indirect.scatter.add.f32 [tilespmem:s16], [sflag:$0xA], $0x40, s6, s14, $0xb8;
	[tilespmem:$0x1F000] =	vst v63  }
0x5b: {  	_ =	swait.ge @!p0 [sflag:s3], $0x2000  }
0x5c: {  	[sflag:s3] =	ssyncset.done @!p0 $0x0  }
0x5d: {  	s7 =	sadd.s32 $0x280, s25;
	[sflag:s3] =	ssyncadd.s32 @!p0 $0xFFFFE000  }
0x5e: {  	[tilespmem:s24], [sflag:$0x6] =	stream.indirect.gather [hbm4b:s8+s14], $0x40, s7, s14, $0xb8;
	[tilespmem:$0x1F000] =	vst v63  }
0x5f: {  	_ =	swait.ge [sflag:s26], $0x2000  }
0x60: {  	[sflag:s26] =	ssyncset.done $0x0  }
0x61: {  	s4 =	sadd.s32 $0x2900, s25;
	s3 =	simm.s32 @!p0 $0xF;
	[sflag:s26] =	ssyncadd.s32 $0xFFFFE000  }
0x62: {  	[spmem:s2] =	stream.indirect.scatter.add.f32 [tilespmem:s18], [sflag:$0xB], $0x40, s4, s14, $0xb8;
	[tilespmem:$0x1F000] =	vst v63  }
0x63: {  	_ =	swait.ge @!p0 [sflag:s3], $0x2000  }
0x64: {  	[sflag:s3] =	ssyncset.done @!p0 $0x0  }
0x65: {  	s6 =	sadd.s32 $0x300, s25;
	[sflag:s3] =	ssyncadd.s32 @!p0 $0xFFFFE000  }
0x66: {  	[tilespmem:s28], [sflag:$0x7] =	stream.indirect.gather [hbm4b:s8+s14], $0x40, s6, s14, $0xb8;
	[tilespmem:$0x1F000] =	vst v63  }
0x67: {  	_ =	swait.ge [sflag:s29], $0x2000  }
0x68: {  	[sflag:s29] =	ssyncset.done $0x0  }
0x69: {  	s7 =	sadd.s32 $0x2980, s25;
	s3 =	simm.s32 @!p0 $0x10;
	[sflag:s29] =	ssyncadd.s32 $0xFFFFE000  }
0x6a: {  	[spmem:s2] =	stream.indirect.scatter.add.f32 [tilespmem:s20], [sflag:$0xC], $0x40, s7, s14, $0xb8;
	[tilespmem:$0x1F000] =	vst v63  }
0x6b: {  	_ =	swait.ge @!p0 [sflag:s3], $0x2000  }
0x6c: {  	[sflag:s3] =	ssyncset.done @!p0 $0x0  }
0x6d: {  	s4 =	sadd.s32 $0x380, s25;
	[sflag:s3] =	ssyncadd.s32 @!p0 $0xFFFFE000  }
0x6e: {  	[tilespmem:s30], [sflag:$0x8] =	stream.indirect.gather [hbm4b:s8+s14], $0x40, s4, s14, $0xb8;
	[tilespmem:$0x1F000] =	vst v63  }
0x6f: {  	_ =	swait.ge [sflag:s31], $0x2000  }
0x70: {  	[sflag:s31] =	ssyncset.done $0x0  }
0x71: {  	s6 =	sadd.s32 $0x2A00, s25;
	[sflag:s31] =	ssyncadd.s32 $0xFFFFE000  }
0x72: {  	[spmem:s2] =	stream.indirect.scatter.add.f32 [tilespmem:s22], [sflag:$0xD], $0x40, s6, s14, $0xb8;
	[tilespmem:$0x1F000] =	vst v63  }
0x73: {  	_ =	swait.ge [sflag:s0], $0x2000  }
0x74: {  	p0 =	seq.s32 s11, $0x9000;
	[sflag:s0] =	ssyncset.done $0x0  }
0x75: {  	s3 =	simm.s32 @p0 $0x6;
	[sflag:s0] =	ssyncadd.s32 $0xFFFFE000  }
0x76: {  	_ =	swait.ge @p0 [sflag:s3], $0x2000  }
0x77: {  	[sflag:s3] =	ssyncset.done @p0 $0x0  }
0x78: {  	[sflag:s3] =	ssyncadd.s32 @p0 $0xFFFFE000;
	s3 =	sshra.s32 @p0 s11, $0x2  }
0x79: {  	s4 =	simm.s32 @p0 $0x80;
	s6 =	simm.s32 @p0 $0xF000;
	s3 =	sadd.s32 @p0 $0x2A80, s3  }
0x7a: {  	[spmem:s2] =	stream.indirect.scatter.add.f32 @p0 [tilespmem:s6], [sflag:$0xE], $0x40, s3, s4, $0xb8;
	[tilespmem:$0x1F000] =	vst v63  }
0x7b: {  	s3 =	simm.s32 @p0 $0xA  }
0x7c: {  	_ =	swait.ge @p0 [sflag:s3], $0x2000  }
0x7d: {  	[sflag:s3] =	ssyncset.done @p0 $0x0  }
0x7e: {  	[sflag:s3] =	ssyncadd.s32 @p0 $0xFFFFE000;
	s3 =	sshra.s32 @!p0 s11, $0x2  }
0x7f: {  	s7 =	simm.s32 @!p0 $0x5000;
	s6 =	simm.s32 @!p0 $0x80;
	s4 =	sadd.s32 @!p0 $0x400, s3  }
0x80: {  	[tilespmem:s7], [sflag:$0x1] =	stream.indirect.gather @!p0 [hbm4b:s8+s6], $0x40, s4, s6, $0xb8;
	[tilespmem:$0x1F000] =	vst v63  }
0x81: {  	s4 =	simm.s32 @!p0 $0x6  }
0x82: {  	_ =	swait.ge @!p0 [sflag:s4], $0x2000  }
0x83: {  	[sflag:s4] =	ssyncset.done @!p0 $0x0  }
0x84: {  	s7 =	simm.s32 @!p0 $0xF000;
	[sflag:s4] =	ssyncadd.s32 @!p0 $0xFFFFE000;
	s4 =	sadd.s32 @!p0 $0x2A80, s3  }
0x85: {  	[spmem:s2] =	stream.indirect.scatter.add.f32 @!p0 [tilespmem:s7], [sflag:$0xE], $0x40, s4, s6, $0xb8;
	[tilespmem:$0x1F000] =	vst v63  }
0x86: {  	s4 =	simm.s32 @!p0 $0xA  }
0x87: {  	_ =	swait.ge @!p0 [sflag:s4], $0x2000  }
0x88: {  	[sflag:s4] =	ssyncset.done @!p0 $0x0  }
0x89: {  	s3 =	sadd.s32 @!p0 $0x480, s3;
	[sflag:s4] =	ssyncadd.s32 @!p0 $0xFFFFE000;
	s4 =	simm.s32 @!p0 $0x7000  }
0x8a: {  	[tilespmem:s4], [sflag:$0x2] =	stream.indirect.gather @!p0 [hbm4b:s8+s6], $0x40, s3, s6, $0xb8;
	[tilespmem:$0x1F000] =	vst v63  }
0x8b: {  	_ =	swait.ge [sflag:s1], $0x2000  }
0x8c: {  	[sflag:s1] =	ssyncset.done $0x0  }
.Ltmp2:
0x8d: {  	s7 =	sadd.s32 $0x2B00, s25;
	[sflag:s1] =	ssyncadd.s32 $0xFFFFE000;
	(pc) =	sbr.rel @p0 .LBB2_4-.Ltmp2, $4  }
0x8e: {  	[spmem:s2] =	stream.indirect.scatter.add.f32 [tilespmem:s28], [sflag:$0xF], $0x40, s7, s14, $0xb8;
	[tilespmem:$0x1F000] =	vst v63  }
0x8f: {  	_ =	swait.ge [sflag:s13], $0x2000  }
0x90: {  	[sflag:s13] =	ssyncset.done $0x0  }
0x91: {  	s3 =	sadd.s32 $0x2B80, s25;
	[sflag:s13] =	ssyncadd.s32 $0xFFFFE000  }
0x92: {  	s4 =	sadd.s32 $0x500, s25  }
0x93: {  	[tilespmem:s18], [sflag:$0x3] =	stream.indirect.gather [hbm4b:s8+s14], $0x40, s4, s14, $0xb8;
	[tilespmem:$0x1F000] =	vst v63  }
0x94: {  	_ =	swait.ge [sflag:s17], $0x2000  }
0x95: {  	[sflag:s17] =	ssyncset.done $0x0  }
0x96: {  	[sflag:s17] =	ssyncadd.s32 $0xFFFFE000  }
0x97: {  	[spmem:s2] =	stream.indirect.scatter.add.f32 [tilespmem:s30], [sflag:$0x10], $0x40, s3, s14, $0xb8;
	[tilespmem:$0x1F000] =	vst v63  }
.Ltmp3:
0x98: {  	_ = 	snop;
	(pc) =	sbr.rel .LBB2_2-.Ltmp3, $4  }
0x99: {  	_ =	swait.ge [sflag:s19], $0x2000  }
0x9a: {  	[sflag:s19] =	ssyncset.done $0x0  }
0x9b: {  	s25 =	sadd.s32 $0x580, s25;
	s11 =	sadd.s32 $0x1000, s11;
	[sflag:s19] =	ssyncadd.s32 $0xFFFFE000  }
0x9c: {  	[tilespmem:s20], [sflag:$0x4] =	stream.indirect.gather [hbm4b:s8+s14], $0x40, s25, s14, $0xb8;
	[tilespmem:$0x1F000] =	vst v63  }
.LBB2_5:
0x9d: {  	_ =	sfence.sel $0x180000  }
0x9e: {  	[bflag:$0x0] =	sbarrier.arrive $0xFFFF  }
0x9f: {  	_ =	strace $0x9000004A  }
0xa0: {  	s0 =	stileid.u32;
	[bflag:$0x2] =	sbarrier.arrive $0xFFFF  }
0xa1: {  	p0 =	sne.s32 s0, $0x0;
	s0 =	rddreg [dreg:$0x4]  }
0xa2: {  	s0 =	sadd.s32 @!p0 $0x100000, s0  }
0xa3: {  	[sflag:s0] =	ssyncadd.tile.s32 @!p0 $0x1;
	_ =	shalt  }
.Lfunc_end2:
_tile_overlayer_lowered:
.L_overlay_start_2:
0xa4: {  	(tag) =	ssettag $0x2  }
0xa5: {  	s0 =	rddreg [dreg:$0x0];
	s2 =	stileid.u32  }
0xa6: {  	s1 =	rddreg [dreg:$0x1];
	p0 =	sne.s32 s2, $0x0  }
0xa7: {  	s3 =	rddreg [dreg:$0x2];
	[bflag:$0x3] =	sbarrier.arrive $0xFFFF;
	s2 =	simm.s32 @!p0 $0x1C11  }
0xa8: {  	[timem:s3], [sflag:s2] =	dma.local @!p0 [hbm:s0], s1  }
0xa9: {  	s0 =	simm.s32 @!p0 $0x11  }
0xaa: {  	_ =	swait.ge @!p0 [sflag:s0], s1  }
0xab: {  	s1 =	ssub.s32 @!p0 $0x0, s1;
	[sflag:s0] =	ssyncset.done @!p0 $0x0  }
0xac: {  	[sflag:s0] =	ssyncadd.s32 @!p0 s1  }
0xad: {  	[bflag:$0x3] =	sbarrier.arrive $0xFFFF  }
0xae: {  	_ =	shalt  }

// kernel: kernel.16.cloned.1.call-start
scs
__scs_entry_jumppad:
0x0: {  	(pc) =	sbr.rel $0x88, $3  }
0x1: {  	(tag) =	ssettag $0x0;
	lr =	simm.s32 $0x1  }
0x2: {  	[smem:$0x3F8F] =	sst lr;
	_ =	strace $0xD0000000  }
0x3: {  	_ = 	snop  }
0x4: {  	_ = 	snop  }
0x5: {  	_ = 	snop  }
0x6: {  	_ = 	snop  }
0x7: {  	_ = 	snop  }
__scs_overlays_trampoline_lowered:
0x8: {  	[smem:$0x3F9E] =	sst s0  }
0x9: {  	[smem:$0x3F9F] =	sst s1  }
0xa: {  	[smem:$0x3FA0] =	sst s2  }
0xb: {  	[smem:$0x3FA1] =	sst s3  }
0xc: {  	[smem:$0x3FA2] =	sst s4  }
0xd: {  	[smem:$0x3FA3] =	sst s5  }
0xe: {  	[smem:$0x3FA4] =	sst s6  }
0xf: {  	[smem:$0x3FA5] =	sst s7  }
0x10: {  	[smem:$0x3FA6] =	sst s8  }
0x11: {  	[smem:$0x3FA7] =	sst s9;
	s0 =	simm.s32 @!p0 $0x0  }
0x12: {  	s1 =	sld [smem:$0x3F8D];
	s0 =	simm.s32 @p0 $0x1  }
0x13: {  	[smem:$0x3FA8] =	sst s0;
	s0 =	simm.s32 @!p1 $0x0  }
0x14: {  	s2 =	sld [smem:$0x3F8C];
	s0 =	simm.s32 @p1 $0x1  }
0x15: {  	[smem:$0x3FA9] =	sst s0;
	s0 =	simm.s32 @!p2 $0x0  }
0x16: {  	s3 =	sld [smem:$0x3FDB];
	s0 =	simm.s32 @p2 $0x1  }
0x17: {  	s4 =	simm.s32 $0x1BF5;
	[smem:$0x3FAB] =	sst s0  }
0x18: {  	s0 =	sld [smem:$0x3F8E];
	_ =	swait.ge [sflag:s4], $0x0  }
0x19: {  	s7 =	sld [smem:$0x3F8F]  }
0x1a: {  	s8 =	sadd.s32 $0xFFFFE003, lr  }
0x1b: {  	s9 =	sadd.s32 $0xFFFFFEF7, lr;
	s5 =	simm.s32 $0xFFFFFFFF;
	p2 =	slt.u32 s8, $0xFFFFF086  }
0x1c: {  	p1 =	slt.u32 s9, $0xF7A;
	s5 =	simm.s32 @!p2 $0x0  }
0x1d: {  	s5 =	simm.s32 @p1 $0x1;
	p0 =	seq.s32 s7, s2  }
0x1e: {  	s7 =	smul.u32 @!p0 $0xF7A, s2;
	p2 =	seq.s32 @!p0 s5, $0x0  }
0x1f: {  	s9 =	smul.u32 $0xF7A, s1;
	s8 =	simm.s32 @!p0 $0x1BF5;
	p2 =	por !p2, p0  }
0x20: {  	[sflag:s8] =	ssyncset.s32 @!p0 $0xFFFFF086;
	s6 =	sadd.s32 @!p0 s3, s7;
	s7 =	simm.s32 @!p0 $0x108  }
0x21: {  	s3 =	sadd.s32 s3, s9;
	s6 =	sadd.s32 @!p0 $0x88, s6;
	s7 =	simm.s32 @p2 $0x1082  }
0x22: {  	[simem:s7], [sflag:s8] =	dma.local @!p0 [hbm:s6], $0xF7A  }
0x23: {  	s9 =	sor.u32 $0xD0000000, s2;
	s6 =	simm.s32 $0x108;
	_ =	swait.ge @!p0 [sflag:s8], $0x0  }
0x24: {  	s3 =	sadd.s32 $0x88, s3;
	s6 =	simm.s32 @!p1 $0x1082;
	[sflag:s4] =	ssyncset.s32 $0xFFFFF086  }
0x25: {  	[simem:s6], [sflag:s4] =	dma.local [hbm:s3], $0xF7A  }
0x26: {  	[smem:$0x3F8F] =	sst s1;
	(tag) =	ssettag s2;
	_ =	strace s9  }
0x27: {  	s1 =	sld [smem:$0x3F9F]  }
0x28: {  	s2 =	sld [smem:$0x3FA0]  }
0x29: {  	s4 =	sld [smem:$0x3FA2]  }
0x2a: {  	p0 =	seq.s32 s5, $0x0;
	s5 =	sld [smem:$0x3FA3]  }
0x2b: {  	s6 =	sld [smem:$0x3FA4]  }
0x2c: {  	s7 =	sld [smem:$0x3FA5]  }
0x2d: {  	s3 =	simm.s32 $0x108;
	s8 =	sld [smem:$0x3FA6]  }
0x2e: {  	s3 =	simm.s32 @!p0 $0x1082;
	s9 =	sld [smem:$0x3FA7]  }
0x2f: {  	lr =	sadd.s32 s0, s3;
	s0 =	sld [smem:$0x3F9E]  }
0x30: {  	s3 =	sld [smem:$0x3FA1]  }
0x31: {  	[smem:$0x3FAA] =	sst s10  }
0x32: {  	s10 =	sld [smem:$0x3FA8];
	_ =	sdelay $0x3  }
0x33: {  	p0 =	seq.s32 s10, $0x1;
	s10 =	sld [smem:$0x3FAA];
	_ =	sdelay $0x3  }
0x34: {  	[smem:$0x3FAA] =	sst s10  }
0x35: {  	s10 =	sld [smem:$0x3FA9];
	_ =	sdelay $0x3  }
0x36: {  	p1 =	seq.s32 s10, $0x1;
	s10 =	sld [smem:$0x3FAA];
	_ =	sdelay $0x3  }
0x37: {  	[smem:$0x3FAA] =	sst s10  }
0x38: {  	s10 =	sld [smem:$0x3FAB]  }
0x39: {  	_ = 	snop;
	(pc) =	sbr.ind lr, $3  }
0x3a: {  	_ = 	snop  }
0x3b: {  	_ = 	snop  }
0x3c: {  	p2 =	seq.s32 s10, $0x1;
	s10 =	sld [smem:$0x3FAA]  }
0x3d: {  	_ =	shalt  }
0x3e: {  	_ =	shalt  }
0x3f: {  	_ =	shalt  }
0x40: {  	_ =	shalt  }
0x41: {  	_ =	shalt  }
0x42: {  	_ =	shalt  }
0x43: {  	_ =	shalt  }
0x44: {  	_ =	shalt  }
0x45: {  	_ =	shalt  }
0x46: {  	_ =	shalt  }
0x47: {  	_ =	shalt  }
0x48: {  	_ =	shalt  }
0x49: {  	_ =	shalt  }
0x4a: {  	_ =	shalt  }
0x4b: {  	_ =	shalt  }
0x4c: {  	_ =	shalt  }
0x4d: {  	_ =	shalt  }
0x4e: {  	_ =	shalt  }
0x4f: {  	_ =	shalt  }
0x50: {  	_ =	shalt  }
0x51: {  	_ =	shalt  }
0x52: {  	_ =	shalt  }
0x53: {  	_ =	shalt  }
0x54: {  	_ =	shalt  }
0x55: {  	_ =	shalt  }
0x56: {  	_ =	shalt  }
0x57: {  	_ =	shalt  }
0x58: {  	_ =	shalt  }
0x59: {  	_ =	shalt  }
0x5a: {  	_ =	shalt  }
0x5b: {  	_ =	shalt  }
0x5c: {  	_ =	shalt  }
0x5d: {  	_ =	shalt  }
0x5e: {  	_ =	shalt  }
0x5f: {  	_ =	shalt  }
0x60: {  	_ =	shalt  }
0x61: {  	_ =	shalt  }
0x62: {  	_ =	shalt  }
0x63: {  	_ =	shalt  }
0x64: {  	_ =	shalt  }
0x65: {  	_ =	shalt  }
0x66: {  	_ =	shalt  }
0x67: {  	_ =	shalt  }
0x68: {  	_ =	shalt  }
0x69: {  	_ =	shalt  }
0x6a: {  	_ =	shalt  }
0x6b: {  	_ =	shalt  }
0x6c: {  	_ =	shalt  }
0x6d: {  	_ =	shalt  }
0x6e: {  	_ =	shalt  }
0x6f: {  	_ =	shalt  }
0x70: {  	_ =	shalt  }
0x71: {  	_ =	shalt  }
0x72: {  	_ =	shalt  }
0x73: {  	_ =	shalt  }
0x74: {  	_ =	shalt  }
0x75: {  	_ =	shalt  }
0x76: {  	_ =	shalt  }
0x77: {  	_ =	shalt  }
0x78: {  	_ =	shalt  }
0x79: {  	_ =	shalt  }
0x7a: {  	_ =	shalt  }
0x7b: {  	_ =	shalt  }
0x7c: {  	_ =	shalt  }
0x7d: {  	_ =	shalt  }
0x7e: {  	_ =	shalt  }
0x7f: {  	_ =	shalt  }
0x80: {  	_ =	shalt  }
0x81: {  	_ =	shalt  }
0x82: {  	_ =	shalt  }
0x83: {  	_ =	shalt  }
0x84: {  	_ =	shalt  }
0x85: {  	_ =	shalt  }
0x86: {  	_ =	shalt  }
0x87: {  	_ =	shalt  }
.Lfunc_end0:
.L_simem_size_0:
called_computation.2_lowered:
.L_overlay_start_0:
0x88: {  	s2 =	sld [smem:$0x3FD9]  }
0x89: {  	s3 =	sld [smem:$0x3FFE];
	_ =	sdelay $0x1  }
0x8a: {  	s1 =	srdreg.scid  }
0x8b: {  	s0 =	sand.u32 $0x1, s1  }
0x8c: {  	s14 =	sshll.u32 s0, $0xA;
	s2 =	sadd.s32 s3, s2  }
0x8d: {  	s2 =	sadd.s32 s2, s14  }
0x8e: {  	[smem:$0x3FB6] =	sst s2  }
0x8f: {  	_ = 	snop  }
0x90: {  	s2 =	sld [smem:$0x3FD0];
	_ =	sdelay $0x2  }
0x91: {  	s15 =	simm.s32 $0xA;
	s4 =	simm.s32 $0x10  }
0x92: {  	[smem:s4], [sflag:s15] =	dma.local [hbm:s2], $0x1  }
0x93: {  	_ =	swait.eq [sflag:s15], $0x1  }
0x94: {  	[sflag:s15] =	ssyncset.done $0x0  }
0x95: {  	s16 =	sld [smem:$0x11];
	[sflag:s15] =	ssyncadd.s32 $0xFFFFFFFF  }
0x96: {  	s17 =	sld [smem:$0x12];
	(tm) =	ssettm $0x1  }
0x97: {  	s18 =	sld [smem:$0x3FFB];
	_ =	sdelay $0x3  }
0x98: {  	_ =	strace s18  }
0x99: {  	s4 =	sld [smem:$0x3FFC];
	_ =	sdelay $0x3  }
0x9a: {  	_ =	strace s4  }
0x9b: {  	s4 =	sld [smem:$0x3FFD];
	_ =	sdelay $0x3  }
0x9c: {  	_ =	strace s4  }
0x9d: {  	_ =	strace $0x8FFFFFFF  }
0x9e: {  	s19 =	sld [smem:$0x3FDB];
	_ =	sdelay $0x1  }
0x9f: {  	s5 =	simm.s32 $_scs_section_size  }
0xa0: {  	s6 =	simm.s32 $_size__tile_overlayer_lowered;
	s7 =	simm.s32 $_tile_overlayer_lowered  }
0xa1: {  	s22 =	simm.s32 $0x1BFF;
	s21 =	sshll.u32 s7, $0x1;
	s4 =	sadd.s32 s5, s19  }
0xa2: {  	s8 =	simm.s32 $0x0;
	s20 =	sshll.u32 s6, $0x1;
	s6 =	sadd.s32 s21, s4  }
0xa3: {  	[timem:s8], [sflag:s22] =	dma.local [hbm:s6], s20  }
0xa4: {  	_ =	swait.ge [sflag:s22], s20  }
0xa5: {  	s5 =	ssub.s32 $0x0, s20;
	[sflag:s22] =	ssyncset.done $0x0  }
0xa6: {  	[sflag:s22] =	ssyncadd.s32 s5;
	_ =	sdelay $0x1  }
0xa7: {  	s23 =	simm.s32 $0x1B8B  }
0xa8: {  	_ =	swait.ge [sflag:s23], $0x1  }
0xa9: {  	[sflag:s23] =	ssyncset.done $0x0  }
0xaa: {  	s25 =	simm.s32 $0x1B8E;
	s24 =	sld [smem:$0x3FFE];
	[sflag:s23] =	ssyncadd.s32 $0xFFFFFFFF  }
0xab: {  	s26 =	simm.s32 $execute0_lowered;
	[smem:$0x3FD2] =	sst s25  }
0xac: {  	s6 =	sshll.u32 s26, $0x1;
	_ =	strace $0x8000004C;
	[dreg:$0x1] =	wrdreg $0xFFFFFFFF  }
0xad: {  	s28 =	simm.s32 $_size_execute0_lowered;
	s4 =	sadd.s32 s4, s6;
	[dreg:$0x0] =	wrdreg $0x0  }
0xae: {  	s6 =	sshll.u32 s28, $0x1;
	[dreg:$0x2] =	wrdreg s4  }
0xaf: {  	[dreg:$0x3] =	wrdreg s6  }
0xb0: {  	[dreg:$0x4] =	wrdreg $0xC0  }
0xb1: {  	_ =	task [dreg:s8], $0x5FFFF  }
0xb2: {  	[dreg:$0x1] =	wrdreg $0xFFFFFFFF  }
0xb3: {  	[dreg:$0x0] =	wrdreg $0x60  }
0xb4: {  	[dreg:$0x2] =	wrdreg s24  }
0xb5: {  	[dreg:$0x3] =	wrdreg s16  }
0xb6: {  	[dreg:$0x4] =	wrdreg s17  }
0xb7: {  	[dreg:$0x5] =	wrdreg $0x150000  }
0xb8: {  	[dreg:$0x6] =	wrdreg $0x9  }
0xb9: {  	_ =	task.clear_ibuf [dreg:s8], $0x7FFFF;
	_ =	strace $0x9000004C  }
0xba: {  	s29 =	simm.s32 $0x9;
	_ =	strace $0x8000004E  }
0xbb: {  	_ =	swait.ge [sflag:s29], $0x1  }
0xbc: {  	[sflag:s29] =	ssyncadd.s32 $0xFFFFFFFF  }
0xbd: {  	_ =	strace $0x9000004E  }
0xbe: {  	_ =	sfence  }
0xbf: {  	s30 =	sld [smem:$0x0];
	_ =	sdelay $0x2  }
0xc0: {  	s31 =	sshll.u32 s1, $0xD;
	s1 =	sshrl.u32 s1, $0x2  }
0xc1: {  	s3 =	sand.u32 $0x4000, s31;
	s1 =	sadd.s32 s1, s30  }
0xc2: {  	s0 =	sor.u32 s3, s0;
	s1 =	sshll.u32 s1, $0x11  }
0xc3: {  	s0 =	sor.u32 s1, s0  }
0xc4: {  	s0 =	sadd.s32 $0x8F2B, s0  }
0xc5: {  	[sflag:s0] =	ssyncadd.remote.s32 $0x1  }
0xc6: {  	_ =	sfence.sel $0xFFFF  }
0xc7: {  	[dreg:$0x0] =	wrdreg $0xFFFFFFFF;
	(pc) =	sbr.abs _section_cstart, $3  }
0xc8: {  	[dreg:$0x1] =	wrdreg $0xFFFFFFFF  }
0xc9: {  	_ =	task.clear_ibuf [dreg:s8], $0x2FFFF;
	_ =	strace $0x9FFFFFFF  }
0xca: {  	(tm) =	ssettm $0x7FFFFFFF  }
0xcb: {  	_ =	shalt  }
tec
execute0_lowered:
.L_overlay_start_1:
0x0: {  	(tag) =	ssettag $0x1  }
0x1: {  	s0 =	rddreg [dreg:$0x0]  }
0x2: {  	s1 =	rddreg [dreg:$0x1]  }
0x3: {  	s3 =	rddreg [dreg:$0x2]  }
0x4: {  	s4 =	srdreg.scid;
	s2 =	rddreg [dreg:$0x3]  }
0x5: {  	s12 =	stileid.u32;
	s7 =	simm.s32 $0x0;
	s14 =	simm.s32 $0x80  }
0x6: {  	s20 =	simm.s32 $0xB000;
	s21 =	simm.s32 $0x1;
	s22 =	simm.s32 $0xD000  }
0x7: {  	s23 =	simm.s32 $0x2;
	s24 =	simm.s32 $0xF000;
	s28 =	simm.s32 $0x11000  }
0x8: {  	s29 =	simm.s32 $0x4;
	s30 =	simm.s32 $0x13000;
	s31 =	simm.s32 $0x5  }
0x9: {  	s13 =	simm.s32 $0xB;
	s4 =	sand.u32 $0x1, s4;
	s6 =	smul.u32 $0xA000, s12  }
0xa: {  	[smem:$0x7FF] =	sst s7;
	s15 =	smul.u32 $0x9C40, s12;
	s11 =	sshll.u32 s12, $0x1  }
0xb: {  	s17 =	sshll.u32 s12, $0x6;
	s12 =	simm.s32 $0x11;
	s5 =	smul.u32 $0x9C400, s4  }
0xc: {  	_ =	strace $0x8000004D;
	s10 =	ssub.s32 $0x2, s4;
	s4 =	sor.u32 s4, s11  }
0xd: {  	s9 =	sshrl.u32 s6, $0x3;
	s16 =	sshrl.u32 s10, $0x1;
	s4 =	smul.u32 $0x500, s4  }
0xe: {  	s6 =	sadd.s32 s6, s2;
	s19 =	sadd.s32 s15, s2;
	s8 =	sshrl.u32 s5, $0x3  }
0xf: {  	s9 =	sadd.s32 s9, s0;
	s5 =	sadd.s32 s15, s5;
	s10 =	ssub.s32 s10, s16  }
0x10: {  	s26 =	sshrl.u32 s6, $0x3;
	s15 =	simm.s32 $0x5000;
	s16 =	simm.s32 $0x7000  }
0x11: {  	s8 =	sadd.s32 s8, s0;
	s5 =	sshrl.u32 s5, $0x3;
	s9 =	sadd.s32 $0x51A00, s9  }
0x12: {  	s1 =	sadd.s32 s1, s4;
	s18 =	sadd.s32 s3, s4;
	[dreg:$0xa] =	wrdreg s26  }
0x13: {  	s25 =	smax.u32 s10, $0x1;
	s26 =	simm.s32 $0x3;
	[dreg:$0x5] =	wrdreg s9  }
0x14: {  	s10 =	simm.s32 $0x0;
	s0 =	sadd.s32 s5, s0;
	[dreg:$0x6] =	wrdreg s1  }
.Ltmp0:
0x15: {  	s5 =	sor.u32 $0x1C11, s17;
	[dreg:$0x7] =	wrdreg s18;
	(pc) =	sbr.rel .LBB2_1-.Ltmp0, $4  }
0x16: {  	s8 =	sadd.s32 $0x65A00, s8;
	[dreg:$0x9] =	wrdreg s25;
	s18 =	simm.s32 $0x9000  }
0x17: {  	s1 =	simm.s32 $0x7;
	s17 =	simm.s32 $0x8;
	s0 =	sadd.s32 $0x8CC00, s0  }
0x18: {  	s9 =	simm.s32 $0x10;
	[dreg:$0x8] =	wrdreg s0;
	s0 =	sshrl.u32 s19, $0x3  }
0x19: {  	s19 =	simm.s32 $0xC;
	[dreg:$0xb] =	wrdreg s0;
	s0 =	simm.s32 $0x9  }
.LBB2_4:
0x1a: {  	_ =	swait.ge [sflag:s17], $0x2000  }
0x1b: {  	[sflag:s17] =	ssyncset.done $0x0  }
0x1c: {  	[sflag:s17] =	ssyncadd.s32 $0xFFFFE000  }
0x1d: {  	[spmem:s2] =	stream.indirect.scatter.add.f32 [tilespmem:s30], [sflag:$0x10], $0x40, s3, s14, $0xb8;
	[tilespmem:$0x1F000] =	vst v63  }
0x1e: {  	_ =	swait.ge [sflag:s19], $0x2000  }
0x1f: {  	[sflag:s19] =	ssyncset.done $0x0  }
0x20: {  	s4 =	simm.s32 $0xD;
	[sflag:s19] =	ssyncadd.s32 $0xFFFFE000  }
0x21: {  	_ =	swait.ge [sflag:s4], $0x2000  }
0x22: {  	[sflag:s4] =	ssyncset.done $0x0  }
0x23: {  	s6 =	simm.s32 $0xE;
	[sflag:s4] =	ssyncadd.s32 $0xFFFFE000  }
0x24: {  	_ =	swait.ge [sflag:s6], $0x2000  }
0x25: {  	[sflag:s6] =	ssyncset.done $0x0  }
0x26: {  	s7 =	simm.s32 $0xF;
	[sflag:s6] =	ssyncadd.s32 $0xFFFFE000  }
0x27: {  	_ =	swait.ge [sflag:s7], $0x2000  }
0x28: {  	[sflag:s7] =	ssyncset.done $0x0  }
0x29: {  	[sflag:s7] =	ssyncadd.s32 $0xFFFFE000  }
0x2a: {  	_ =	swait.ge [sflag:s9], $0x2000  }
0x2b: {  	[sflag:s9] =	ssyncset.done $0x0  }
0x2c: {  	[sflag:s9] =	ssyncadd.s32 $0xFFFFE000  }
0x2d: {  	[bflag:$0x0] =	sbarrier.arrive $0xFFFF  }
0x2e: {  	s11 =	rddreg [dreg:$0x8]  }
0x2f: {  	s4 =	rddreg [dreg:$0xb]  }
0x30: {  	[hbm:s11], [sflag:s5] =	dma.local [spmem:s4], $0x1388  }
0x31: {  	_ =	swait.ge [sflag:s12], $0x1388  }
0x32: {  	s10 =	sadd.s32 $0x1, s10;
	s25 =	rddreg [dreg:$0x9]  }
0x33: {  	p0 =	sne.s32 s10, s25  }
.Ltmp1:
0x34: {  	_ = 	snop;
	(pc) =	sbr.rel @!p0 .LBB2_5-.Ltmp1, $3  }
0x35: {  	_ =	sdelay $0x1  }
0x36: {  	[sflag:s12] =	ssyncset.done $0x0  }
0x37: {  	[sflag:s12] =	ssyncadd.s32 $0xFFFFEC78  }
.LBB2_1:
0x38: {  	s3 =	rddreg [dreg:$0x5]  }
0x39: {  	s4 =	rddreg [dreg:$0xa]  }
0x3a: {  	[spmem:s4], [sflag:s5] =	dma.local [hbm:s3], $0x1400  }
0x3b: {  	_ =	swait.ge [sflag:s12], $0x1400  }
0x3c: {  	[sflag:s12] =	ssyncset.done $0x0  }
0x3d: {  	s25 =	simm.s32 $0x0;
	s6 =	rddreg [dreg:$0x6];
	[sflag:s12] =	ssyncadd.s32 $0xFFFFEC00  }
0x3e: {  	[tilespmem:s25], [sflag:$0x11] =	stream.linear.gather [hbm4b:s6+s25], $0x2800, $0x38;
	[tilespmem:$0x1F000] =	vst v63  }
0x3f: {  	_ =	swait.ge [sflag:s12], $0x2800  }
0x40: {  	[sflag:s12] =	ssyncset.done $0x0  }
0x41: {  	s6 =	simm.s32 $0x2800;
	s7 =	rddreg [dreg:$0x7];
	[sflag:s12] =	ssyncadd.s32 $0xFFFFD800  }
0x42: {  	[tilespmem:s6], [sflag:$0x11] =	stream.linear.gather [hbm4b:s7+s25], $0x2800, $0x38;
	[tilespmem:$0x1F000] =	vst v63  }
0x43: {  	_ =	swait.ge [sflag:s12], $0x2800  }
0x44: {  	[sflag:s12] =	ssyncset.done $0x0  }
0x45: {  	[sflag:s12] =	ssyncadd.s32 $0xFFFFD800  }
0x46: {  	[bflag:$0x0] =	sbarrier.arrive $0xFFFF  }
0x47: {  	[tilespmem:s15], [sflag:$0x1] =	stream.indirect.gather [hbm4b:s8+s14], $0x40, s25, s14, $0xb8;
	[tilespmem:$0x1F000] =	vst v63  }
0x48: {  	_ = 	snop  }
0x49: {  	[tilespmem:s16], [sflag:$0x2] =	stream.indirect.gather [hbm4b:s8+s14], $0x40, s14, s14, $0xb8;
	[tilespmem:$0x1F000] =	vst v63  }
0x4a: {  	s11 =	simm.s32 $0x100  }
0x4b: {  	[tilespmem:s18], [sflag:$0x3] =	stream.indirect.gather [hbm4b:s8+s14], $0x40, s11, s14, $0xb8;
	[tilespmem:$0x1F000] =	vst v63  }
0x4c: {  	s25 =	simm.s32 $0x180;
	s11 =	simm.s32 $0x0  }
0x4d: {  	[tilespmem:s20], [sflag:$0x4] =	stream.indirect.gather [hbm4b:s8+s14], $0x40, s25, s14, $0xb8;
	[tilespmem:$0x1F000] =	vst v63  }
.LBB2_2:
0x4e: {  	_ =	swait.ge [sflag:s21], $0x2000  }
0x4f: {  	s25 =	sshra.s32 s11, $0x2;
	[sflag:s21] =	ssyncset.done $0x0  }
0x50: {  	p0 =	seq.s32 s11, $0x0;
	s3 =	sadd.s32 $0x2800, s25;
	[sflag:s21] =	ssyncadd.s32 $0xFFFFE000  }
0x51: {  	[spmem:s2] =	stream.indirect.scatter.add.f32 [tilespmem:s15], [sflag:$0x9], $0x40, s3, s14, $0xb8;
	[tilespmem:$0x1F000] =	vst v63  }
0x52: {  	s3 =	simm.s32 @!p0 $0xD  }
0x53: {  	_ =	swait.ge @!p0 [sflag:s3], $0x2000  }
0x54: {  	[sflag:s3] =	ssyncset.done @!p0 $0x0  }
0x55: {  	s4 =	sadd.s32 $0x200, s25;
	[sflag:s3] =	ssyncadd.s32 @!p0 $0xFFFFE000  }
0x56: {  	[tilespmem:s22], [sflag:$0x5] =	stream.indirect.gather [hbm4b:s8+s14], $0x40, s4, s14, $0xb8;
	[tilespmem:$0x1F000] =	vst v63  }
0x57: {  	_ =	swait.ge [sflag:s23], $0x2000  }
0x58: {  	[sflag:s23] =	ssyncset.done $0x0  }
0x59: {  	s6 =	sadd.s32 $0x2880, s25;
	s3 =	simm.s32 @!p0 $0xE;
	[sflag:s23] =	ssyncadd.s32 $0xFFFFE000  }
0x5a: {  	[spmem:s2] =	stream.indirect.scatter.add.f32 [tilespmem:s16], [sflag:$0xA], $0x40, s6, s14, $0xb8;
	[tilespmem:$0x1F000] =	vst v63  }
0x5b: {  	_ =	swait.ge @!p0 [sflag:s3], $0x2000  }
0x5c: {  	[sflag:s3] =	ssyncset.done @!p0 $0x0  }
0x5d: {  	s7 =	sadd.s32 $0x280, s25;
	[sflag:s3] =	ssyncadd.s32 @!p0 $0xFFFFE000  }
0x5e: {  	[tilespmem:s24], [sflag:$0x6] =	stream.indirect.gather [hbm4b:s8+s14], $0x40, s7, s14, $0xb8;
	[tilespmem:$0x1F000] =	vst v63  }
0x5f: {  	_ =	swait.ge [sflag:s26], $0x2000  }
0x60: {  	[sflag:s26] =	ssyncset.done $0x0  }
0x61: {  	s4 =	sadd.s32 $0x2900, s25;
	s3 =	simm.s32 @!p0 $0xF;
	[sflag:s26] =	ssyncadd.s32 $0xFFFFE000  }
0x62: {  	[spmem:s2] =	stream.indirect.scatter.add.f32 [tilespmem:s18], [sflag:$0xB], $0x40, s4, s14, $0xb8;
	[tilespmem:$0x1F000] =	vst v63  }
0x63: {  	_ =	swait.ge @!p0 [sflag:s3], $0x2000  }
0x64: {  	[sflag:s3] =	ssyncset.done @!p0 $0x0  }
0x65: {  	s6 =	sadd.s32 $0x300, s25;
	[sflag:s3] =	ssyncadd.s32 @!p0 $0xFFFFE000  }
0x66: {  	[tilespmem:s28], [sflag:$0x7] =	stream.indirect.gather [hbm4b:s8+s14], $0x40, s6, s14, $0xb8;
	[tilespmem:$0x1F000] =	vst v63  }
0x67: {  	_ =	swait.ge [sflag:s29], $0x2000  }
0x68: {  	[sflag:s29] =	ssyncset.done $0x0  }
0x69: {  	s7 =	sadd.s32 $0x2980, s25;
	s3 =	simm.s32 @!p0 $0x10;
	[sflag:s29] =	ssyncadd.s32 $0xFFFFE000  }
0x6a: {  	[spmem:s2] =	stream.indirect.scatter.add.f32 [tilespmem:s20], [sflag:$0xC], $0x40, s7, s14, $0xb8;
	[tilespmem:$0x1F000] =	vst v63  }
0x6b: {  	_ =	swait.ge @!p0 [sflag:s3], $0x2000  }
0x6c: {  	[sflag:s3] =	ssyncset.done @!p0 $0x0  }
0x6d: {  	s4 =	sadd.s32 $0x380, s25;
	[sflag:s3] =	ssyncadd.s32 @!p0 $0xFFFFE000  }
0x6e: {  	[tilespmem:s30], [sflag:$0x8] =	stream.indirect.gather [hbm4b:s8+s14], $0x40, s4, s14, $0xb8;
	[tilespmem:$0x1F000] =	vst v63  }
0x6f: {  	_ =	swait.ge [sflag:s31], $0x2000  }
0x70: {  	[sflag:s31] =	ssyncset.done $0x0  }
0x71: {  	s6 =	sadd.s32 $0x2A00, s25;
	[sflag:s31] =	ssyncadd.s32 $0xFFFFE000  }
0x72: {  	[spmem:s2] =	stream.indirect.scatter.add.f32 [tilespmem:s22], [sflag:$0xD], $0x40, s6, s14, $0xb8;
	[tilespmem:$0x1F000] =	vst v63  }
0x73: {  	_ =	swait.ge [sflag:s0], $0x2000  }
0x74: {  	p0 =	seq.s32 s11, $0x9000;
	[sflag:s0] =	ssyncset.done $0x0  }
0x75: {  	s3 =	simm.s32 @p0 $0x6;
	[sflag:s0] =	ssyncadd.s32 $0xFFFFE000  }
0x76: {  	_ =	swait.ge @p0 [sflag:s3], $0x2000  }
0x77: {  	[sflag:s3] =	ssyncset.done @p0 $0x0  }
0x78: {  	[sflag:s3] =	ssyncadd.s32 @p0 $0xFFFFE000;
	s3 =	sshra.s32 @p0 s11, $0x2  }
0x79: {  	s4 =	simm.s32 @p0 $0x80;
	s6 =	simm.s32 @p0 $0xF000;
	s3 =	sadd.s32 @p0 $0x2A80, s3  }
0x7a: {  	[spmem:s2] =	stream.indirect.scatter.add.f32 @p0 [tilespmem:s6], [sflag:$0xE], $0x40, s3, s4, $0xb8;
	[tilespmem:$0x1F000] =	vst v63  }
0x7b: {  	s3 =	simm.s32 @p0 $0xA  }
0x7c: {  	_ =	swait.ge @p0 [sflag:s3], $0x2000  }
0x7d: {  	[sflag:s3] =	ssyncset.done @p0 $0x0  }
0x7e: {  	[sflag:s3] =	ssyncadd.s32 @p0 $0xFFFFE000;
	s3 =	sshra.s32 @!p0 s11, $0x2  }
0x7f: {  	s7 =	simm.s32 @!p0 $0x5000;
	s6 =	simm.s32 @!p0 $0x80;
	s4 =	sadd.s32 @!p0 $0x400, s3  }
0x80: {  	[tilespmem:s7], [sflag:$0x1] =	stream.indirect.gather @!p0 [hbm4b:s8+s6], $0x40, s4, s6, $0xb8;
	[tilespmem:$0x1F000] =	vst v63  }
0x81: {  	s4 =	simm.s32 @!p0 $0x6  }
0x82: {  	_ =	swait.ge @!p0 [sflag:s4], $0x2000  }
0x83: {  	[sflag:s4] =	ssyncset.done @!p0 $0x0  }
0x84: {  	s7 =	simm.s32 @!p0 $0xF000;
	[sflag:s4] =	ssyncadd.s32 @!p0 $0xFFFFE000;
	s4 =	sadd.s32 @!p0 $0x2A80, s3  }
0x85: {  	[spmem:s2] =	stream.indirect.scatter.add.f32 @!p0 [tilespmem:s7], [sflag:$0xE], $0x40, s4, s6, $0xb8;
	[tilespmem:$0x1F000] =	vst v63  }
0x86: {  	s4 =	simm.s32 @!p0 $0xA  }
0x87: {  	_ =	swait.ge @!p0 [sflag:s4], $0x2000  }
0x88: {  	[sflag:s4] =	ssyncset.done @!p0 $0x0  }
0x89: {  	s3 =	sadd.s32 @!p0 $0x480, s3;
	[sflag:s4] =	ssyncadd.s32 @!p0 $0xFFFFE000;
	s4 =	simm.s32 @!p0 $0x7000  }
0x8a: {  	[tilespmem:s4], [sflag:$0x2] =	stream.indirect.gather @!p0 [hbm4b:s8+s6], $0x40, s3, s6, $0xb8;
	[tilespmem:$0x1F000] =	vst v63  }
0x8b: {  	_ =	swait.ge [sflag:s1], $0x2000  }
0x8c: {  	[sflag:s1] =	ssyncset.done $0x0  }
.Ltmp2:
0x8d: {  	s7 =	sadd.s32 $0x2B00, s25;
	[sflag:s1] =	ssyncadd.s32 $0xFFFFE000;
	(pc) =	sbr.rel @p0 .LBB2_4-.Ltmp2, $4  }
0x8e: {  	[spmem:s2] =	stream.indirect.scatter.add.f32 [tilespmem:s28], [sflag:$0xF], $0x40, s7, s14, $0xb8;
	[tilespmem:$0x1F000] =	vst v63  }
0x8f: {  	_ =	swait.ge [sflag:s13], $0x2000  }
0x90: {  	[sflag:s13] =	ssyncset.done $0x0  }
0x91: {  	s3 =	sadd.s32 $0x2B80, s25;
	[sflag:s13] =	ssyncadd.s32 $0xFFFFE000  }
0x92: {  	s4 =	sadd.s32 $0x500, s25  }
0x93: {  	[tilespmem:s18], [sflag:$0x3] =	stream.indirect.gather [hbm4b:s8+s14], $0x40, s4, s14, $0xb8;
	[tilespmem:$0x1F000] =	vst v63  }
0x94: {  	_ =	swait.ge [sflag:s17], $0x2000  }
0x95: {  	[sflag:s17] =	ssyncset.done $0x0  }
0x96: {  	[sflag:s17] =	ssyncadd.s32 $0xFFFFE000  }
0x97: {  	[spmem:s2] =	stream.indirect.scatter.add.f32 [tilespmem:s30], [sflag:$0x10], $0x40, s3, s14, $0xb8;
	[tilespmem:$0x1F000] =	vst v63  }
.Ltmp3:
0x98: {  	_ = 	snop;
	(pc) =	sbr.rel .LBB2_2-.Ltmp3, $4  }
0x99: {  	_ =	swait.ge [sflag:s19], $0x2000  }
0x9a: {  	[sflag:s19] =	ssyncset.done $0x0  }
0x9b: {  	s25 =	sadd.s32 $0x580, s25;
	s11 =	sadd.s32 $0x1000, s11;
	[sflag:s19] =	ssyncadd.s32 $0xFFFFE000  }
0x9c: {  	[tilespmem:s20], [sflag:$0x4] =	stream.indirect.gather [hbm4b:s8+s14], $0x40, s25, s14, $0xb8;
	[tilespmem:$0x1F000] =	vst v63  }
.LBB2_5:
0x9d: {  	_ =	sfence.sel $0x180000  }
0x9e: {  	[bflag:$0x0] =	sbarrier.arrive $0xFFFF  }
0x9f: {  	_ =	strace $0x9000004D  }
0xa0: {  	s0 =	stileid.u32;
	[bflag:$0x2] =	sbarrier.arrive $0xFFFF  }
0xa1: {  	p0 =	sne.s32 s0, $0x0;
	s0 =	rddreg [dreg:$0x4]  }
0xa2: {  	s0 =	sadd.s32 @!p0 $0x100000, s0  }
0xa3: {  	[sflag:s0] =	ssyncadd.tile.s32 @!p0 $0x1;
	_ =	shalt  }
.Lfunc_end2:
_tile_overlayer_lowered:
.L_overlay_start_2:
0xa4: {  	(tag) =	ssettag $0x2  }
0xa5: {  	s0 =	rddreg [dreg:$0x0];
	s2 =	stileid.u32  }
0xa6: {  	s1 =	rddreg [dreg:$0x1];
	p0 =	sne.s32 s2, $0x0  }
0xa7: {  	s3 =	rddreg [dreg:$0x2];
	[bflag:$0x3] =	sbarrier.arrive $0xFFFF;
	s2 =	simm.s32 @!p0 $0x1C11  }
0xa8: {  	[timem:s3], [sflag:s2] =	dma.local @!p0 [hbm:s0], s1  }
0xa9: {  	s0 =	simm.s32 @!p0 $0x11  }
0xaa: {  	_ =	swait.ge @!p0 [sflag:s0], s1  }
0xab: {  	s1 =	ssub.s32 @!p0 $0x0, s1;
	[sflag:s0] =	ssyncset.done @!p0 $0x0  }
0xac: {  	[sflag:s0] =	ssyncadd.s32 @!p0 s1  }
0xad: {  	[bflag:$0x3] =	sbarrier.arrive $0xFFFF  }
0xae: {  	_ =	shalt  }

// kernel: kernel.19.cloned.1.call-start
scs
__scs_entry_jumppad:
0x0: {  	(pc) =	sbr.rel $0x88, $3  }
0x1: {  	(tag) =	ssettag $0x0;
	lr =	simm.s32 $0x1  }
0x2: {  	[smem:$0x3F8F] =	sst lr;
	_ =	strace $0xD0000000  }
0x3: {  	_ = 	snop  }
0x4: {  	_ = 	snop  }
0x5: {  	_ = 	snop  }
0x6: {  	_ = 	snop  }
0x7: {  	_ = 	snop  }
__scs_overlays_trampoline_lowered:
0x8: {  	[smem:$0x3F9E] =	sst s0  }
0x9: {  	[smem:$0x3F9F] =	sst s1  }
0xa: {  	[smem:$0x3FA0] =	sst s2  }
0xb: {  	[smem:$0x3FA1] =	sst s3  }
0xc: {  	[smem:$0x3FA2] =	sst s4  }
0xd: {  	[smem:$0x3FA3] =	sst s5  }
0xe: {  	[smem:$0x3FA4] =	sst s6  }
0xf: {  	[smem:$0x3FA5] =	sst s7  }
0x10: {  	[smem:$0x3FA6] =	sst s8  }
0x11: {  	[smem:$0x3FA7] =	sst s9;
	s0 =	simm.s32 @!p0 $0x0  }
0x12: {  	s1 =	sld [smem:$0x3F8D];
	s0 =	simm.s32 @p0 $0x1  }
0x13: {  	[smem:$0x3FA8] =	sst s0;
	s0 =	simm.s32 @!p1 $0x0  }
0x14: {  	s2 =	sld [smem:$0x3F8C];
	s0 =	simm.s32 @p1 $0x1  }
0x15: {  	[smem:$0x3FA9] =	sst s0;
	s0 =	simm.s32 @!p2 $0x0  }
0x16: {  	s3 =	sld [smem:$0x3FDB];
	s0 =	simm.s32 @p2 $0x1  }
0x17: {  	s4 =	simm.s32 $0x1BF5;
	[smem:$0x3FAB] =	sst s0  }
0x18: {  	s0 =	sld [smem:$0x3F8E];
	_ =	swait.ge [sflag:s4], $0x0  }
0x19: {  	s7 =	sld [smem:$0x3F8F]  }
0x1a: {  	s8 =	sadd.s32 $0xFFFFE003, lr  }
0x1b: {  	s9 =	sadd.s32 $0xFFFFFEF7, lr;
	s5 =	simm.s32 $0xFFFFFFFF;
	p2 =	slt.u32 s8, $0xFFFFF086  }
0x1c: {  	p1 =	slt.u32 s9, $0xF7A;
	s5 =	simm.s32 @!p2 $0x0  }
0x1d: {  	s5 =	simm.s32 @p1 $0x1;
	p0 =	seq.s32 s7, s2  }
0x1e: {  	s7 =	smul.u32 @!p0 $0xF7A, s2;
	p2 =	seq.s32 @!p0 s5, $0x0  }
0x1f: {  	s9 =	smul.u32 $0xF7A, s1;
	s8 =	simm.s32 @!p0 $0x1BF5;
	p2 =	por !p2, p0  }
0x20: {  	[sflag:s8] =	ssyncset.s32 @!p0 $0xFFFFF086;
	s6 =	sadd.s32 @!p0 s3, s7;
	s7 =	simm.s32 @!p0 $0x108  }
0x21: {  	s3 =	sadd.s32 s3, s9;
	s6 =	sadd.s32 @!p0 $0x88, s6;
	s7 =	simm.s32 @p2 $0x1082  }
0x22: {  	[simem:s7], [sflag:s8] =	dma.local @!p0 [hbm:s6], $0xF7A  }
0x23: {  	s9 =	sor.u32 $0xD0000000, s2;
	s6 =	simm.s32 $0x108;
	_ =	swait.ge @!p0 [sflag:s8], $0x0  }
0x24: {  	s3 =	sadd.s32 $0x88, s3;
	s6 =	simm.s32 @!p1 $0x1082;
	[sflag:s4] =	ssyncset.s32 $0xFFFFF086  }
0x25: {  	[simem:s6], [sflag:s4] =	dma.local [hbm:s3], $0xF7A  }
0x26: {  	[smem:$0x3F8F] =	sst s1;
	(tag) =	ssettag s2;
	_ =	strace s9  }
0x27: {  	s1 =	sld [smem:$0x3F9F]  }
0x28: {  	s2 =	sld [smem:$0x3FA0]  }
0x29: {  	s4 =	sld [smem:$0x3FA2]  }
0x2a: {  	p0 =	seq.s32 s5, $0x0;
	s5 =	sld [smem:$0x3FA3]  }
0x2b: {  	s6 =	sld [smem:$0x3FA4]  }
0x2c: {  	s7 =	sld [smem:$0x3FA5]  }
0x2d: {  	s3 =	simm.s32 $0x108;
	s8 =	sld [smem:$0x3FA6]  }
0x2e: {  	s3 =	simm.s32 @!p0 $0x1082;
	s9 =	sld [smem:$0x3FA7]  }
0x2f: {  	lr =	sadd.s32 s0, s3;
	s0 =	sld [smem:$0x3F9E]  }
0x30: {  	s3 =	sld [smem:$0x3FA1]  }
0x31: {  	[smem:$0x3FAA] =	sst s10  }
0x32: {  	s10 =	sld [smem:$0x3FA8];
	_ =	sdelay $0x3  }
0x33: {  	p0 =	seq.s32 s10, $0x1;
	s10 =	sld [smem:$0x3FAA];
	_ =	sdelay $0x3  }
0x34: {  	[smem:$0x3FAA] =	sst s10  }
0x35: {  	s10 =	sld [smem:$0x3FA9];
	_ =	sdelay $0x3  }
0x36: {  	p1 =	seq.s32 s10, $0x1;
	s10 =	sld [smem:$0x3FAA];
	_ =	sdelay $0x3  }
0x37: {  	[smem:$0x3FAA] =	sst s10  }
0x38: {  	s10 =	sld [smem:$0x3FAB]  }
0x39: {  	_ = 	snop;
	(pc) =	sbr.ind lr, $3  }
0x3a: {  	_ = 	snop  }
0x3b: {  	_ = 	snop  }
0x3c: {  	p2 =	seq.s32 s10, $0x1;
	s10 =	sld [smem:$0x3FAA]  }
0x3d: {  	_ =	shalt  }
0x3e: {  	_ =	shalt  }
0x3f: {  	_ =	shalt  }
0x40: {  	_ =	shalt  }
0x41: {  	_ =	shalt  }
0x42: {  	_ =	shalt  }
0x43: {  	_ =	shalt  }
0x44: {  	_ =	shalt  }
0x45: {  	_ =	shalt  }
0x46: {  	_ =	shalt  }
0x47: {  	_ =	shalt  }
0x48: {  	_ =	shalt  }
0x49: {  	_ =	shalt  }
0x4a: {  	_ =	shalt  }
0x4b: {  	_ =	shalt  }
0x4c: {  	_ =	shalt  }
0x4d: {  	_ =	shalt  }
0x4e: {  	_ =	shalt  }
0x4f: {  	_ =	shalt  }
0x50: {  	_ =	shalt  }
0x51: {  	_ =	shalt  }
0x52: {  	_ =	shalt  }
0x53: {  	_ =	shalt  }
0x54: {  	_ =	shalt  }
0x55: {  	_ =	shalt  }
0x56: {  	_ =	shalt  }
0x57: {  	_ =	shalt  }
0x58: {  	_ =	shalt  }
0x59: {  	_ =	shalt  }
0x5a: {  	_ =	shalt  }
0x5b: {  	_ =	shalt  }
0x5c: {  	_ =	shalt  }
0x5d: {  	_ =	shalt  }
0x5e: {  	_ =	shalt  }
0x5f: {  	_ =	shalt  }
0x60: {  	_ =	shalt  }
0x61: {  	_ =	shalt  }
0x62: {  	_ =	shalt  }
0x63: {  	_ =	shalt  }
0x64: {  	_ =	shalt  }
0x65: {  	_ =	shalt  }
0x66: {  	_ =	shalt  }
0x67: {  	_ =	shalt  }
0x68: {  	_ =	shalt  }
0x69: {  	_ =	shalt  }
0x6a: {  	_ =	shalt  }
0x6b: {  	_ =	shalt  }
0x6c: {  	_ =	shalt  }
0x6d: {  	_ =	shalt  }
0x6e: {  	_ =	shalt  }
0x6f: {  	_ =	shalt  }
0x70: {  	_ =	shalt  }
0x71: {  	_ =	shalt  }
0x72: {  	_ =	shalt  }
0x73: {  	_ =	shalt  }
0x74: {  	_ =	shalt  }
0x75: {  	_ =	shalt  }
0x76: {  	_ =	shalt  }
0x77: {  	_ =	shalt  }
0x78: {  	_ =	shalt  }
0x79: {  	_ =	shalt  }
0x7a: {  	_ =	shalt  }
0x7b: {  	_ =	shalt  }
0x7c: {  	_ =	shalt  }
0x7d: {  	_ =	shalt  }
0x7e: {  	_ =	shalt  }
0x7f: {  	_ =	shalt  }
0x80: {  	_ =	shalt  }
0x81: {  	_ =	shalt  }
0x82: {  	_ =	shalt  }
0x83: {  	_ =	shalt  }
0x84: {  	_ =	shalt  }
0x85: {  	_ =	shalt  }
0x86: {  	_ =	shalt  }
0x87: {  	_ =	shalt  }
.Lfunc_end0:
.L_simem_size_0:
called_computation.3_lowered:
.L_overlay_start_0:
0x88: {  	s2 =	sld [smem:$0x3FD9]  }
0x89: {  	s3 =	sld [smem:$0x3FFE];
	_ =	sdelay $0x1  }
0x8a: {  	s1 =	srdreg.scid  }
0x8b: {  	s0 =	sand.u32 $0x1, s1  }
0x8c: {  	s17 =	sshll.u32 s0, $0xA;
	s2 =	sadd.s32 s3, s2  }
0x8d: {  	s2 =	sadd.s32 s2, s17  }
0x8e: {  	[smem:$0x3FB6] =	sst s2  }
0x8f: {  	_ = 	snop  }
0x90: {  	s2 =	sld [smem:$0x3FB9];
	(tm) =	ssettm $0x1  }
0x91: {  	s18 =	sld [smem:$0x3FFB];
	_ =	sdelay $0x3  }
0x92: {  	_ =	strace s18  }
0x93: {  	s3 =	sld [smem:$0x3FFC];
	_ =	sdelay $0x3  }
0x94: {  	_ =	strace s3  }
0x95: {  	s3 =	sld [smem:$0x3FFD];
	_ =	sdelay $0x3  }
0x96: {  	_ =	strace s3  }
0x97: {  	_ =	strace $0x8FFFFFFF  }
0x98: {  	s19 =	sld [smem:$0x3FDB];
	_ =	sdelay $0x1  }
0x99: {  	s4 =	simm.s32 $_scs_section_size  }
0x9a: {  	s5 =	simm.s32 $_size__tile_overlayer_lowered;
	s6 =	simm.s32 $_tile_overlayer_lowered  }
0x9b: {  	s22 =	simm.s32 $0x1BFF;
	s21 =	sshll.u32 s6, $0x1;
	s3 =	sadd.s32 s4, s19  }
0x9c: {  	s7 =	simm.s32 $0x0;
	s20 =	sshll.u32 s5, $0x1;
	s5 =	sadd.s32 s21, s3  }
0x9d: {  	[timem:s7], [sflag:s22] =	dma.local [hbm:s5], s20  }
0x9e: {  	_ =	swait.ge [sflag:s22], s20  }
0x9f: {  	s4 =	ssub.s32 $0x0, s20;
	[sflag:s22] =	ssyncset.done $0x0  }
0xa0: {  	[sflag:s22] =	ssyncadd.s32 s4;
	_ =	sdelay $0x1  }
0xa1: {  	s23 =	simm.s32 $0x1B8B  }
0xa2: {  	_ =	swait.ge [sflag:s23], $0x1  }
0xa3: {  	[sflag:s23] =	ssyncset.done $0x0  }
0xa4: {  	s25 =	simm.s32 $0x1B8E;
	s24 =	sld [smem:$0x3FFE];
	[sflag:s23] =	ssyncadd.s32 $0xFFFFFFFF  }
0xa5: {  	s26 =	simm.s32 $execute0_lowered;
	[smem:$0x3FD2] =	sst s25  }
0xa6: {  	s5 =	sshll.u32 s26, $0x1;
	_ =	strace $0x8000004F;
	[dreg:$0x1] =	wrdreg $0xFFFFFFFF  }
0xa7: {  	s28 =	simm.s32 $_size_execute0_lowered;
	s3 =	sadd.s32 s3, s5;
	[dreg:$0x0] =	wrdreg $0x0  }
0xa8: {  	s5 =	sshll.u32 s28, $0x1;
	[dreg:$0x2] =	wrdreg s3  }
0xa9: {  	[dreg:$0x3] =	wrdreg s5  }
0xaa: {  	[dreg:$0x4] =	wrdreg $0xC0  }
0xab: {  	_ =	task [dreg:s7], $0x5FFFF  }
0xac: {  	[dreg:$0x1] =	wrdreg $0xFFFFFFFF  }
0xad: {  	[dreg:$0x0] =	wrdreg $0x60  }
0xae: {  	[dreg:$0x2] =	wrdreg s24  }
0xaf: {  	[dreg:$0x3] =	wrdreg s2  }
0xb0: {  	[dreg:$0x4] =	wrdreg $0x9  }
0xb1: {  	_ =	task.clear_ibuf [dreg:s7], $0x5FFFF;
	_ =	strace $0x9000004F  }
0xb2: {  	s29 =	simm.s32 $0x9;
	_ =	strace $0x80000051  }
0xb3: {  	_ =	swait.ge [sflag:s29], $0x1  }
0xb4: {  	[sflag:s29] =	ssyncadd.s32 $0xFFFFFFFF  }
0xb5: {  	_ =	strace $0x90000051  }
0xb6: {  	_ =	sfence  }
0xb7: {  	s30 =	sld [smem:$0x0];
	_ =	sdelay $0x2  }
0xb8: {  	s31 =	sshll.u32 s1, $0xD;
	s1 =	sshrl.u32 s1, $0x2  }
0xb9: {  	s3 =	sand.u32 $0x4000, s31;
	s1 =	sadd.s32 s1, s30  }
0xba: {  	s0 =	sor.u32 s3, s0;
	s1 =	sshll.u32 s1, $0x11  }
0xbb: {  	s0 =	sor.u32 s1, s0  }
0xbc: {  	s0 =	sadd.s32 $0x8F2B, s0  }
0xbd: {  	[sflag:s0] =	ssyncadd.remote.s32 $0x1  }
0xbe: {  	_ =	sfence.sel $0xFFFF  }
0xbf: {  	[dreg:$0x0] =	wrdreg $0xFFFFFFFF;
	(pc) =	sbr.abs _section_cstart, $3  }
0xc0: {  	[dreg:$0x1] =	wrdreg $0xFFFFFFFF  }
0xc1: {  	_ =	task.clear_ibuf [dreg:s7], $0x2FFFF;
	_ =	strace $0x9FFFFFFF  }
0xc2: {  	(tm) =	ssettm $0x7FFFFFFF  }
0xc3: {  	_ =	shalt  }
tec
execute0_lowered:
.L_overlay_start_1:
0x0: {  	(tag) =	ssettag $0x1  }
0x1: {  	s0 =	srdreg.scid;
	s2 =	stileid.u32  }
0x2: {  	s1 =	rddreg [dreg:$0x0];
	s3 =	simm.s32 $0x0;
	s15 =	simm.s32 $0x80  }
0x3: {  	s21 =	simm.s32 $0x1;
	s22 =	simm.s32 $0x5;
	s24 =	simm.s32 $0x11040  }
0x4: {  	s28 =	simm.s32 $0x6;
	s29 =	simm.s32 $0xB040;
	s30 =	simm.s32 $0x13040  }
0x5: {  	s31 =	simm.s32 $0x17040;
	s14 =	simm.s32 $0x4;
	s16 =	simm.s32 $0x8  }
0x6: {  	s17 =	simm.s32 $0x1B040;
	s20 =	simm.s32 $0xB;
	s13 =	simm.s32 $0xC  }
0x7: {  	s0 =	sand.u32 $0x1, s0;
	s2 =	sshll.u32 s2, $0x1;
	[smem:$0x7FF] =	sst s3  }
0x8: {  	s2 =	sor.u32 s0, s2;
	s4 =	smul.u32 $0x13880, s0;
	s0 =	ssub.s32 $0x2, s0  }
0x9: {  	_ =	strace $0x80000050;
	s5 =	smul.u32 $0x2800, s2;
	s7 =	sshrl.u32 s0, $0x1  }
0xa: {  	s9 =	smul.u32 $0xA0000, s2;
	s2 =	simm.s32 $0x19040;
	s8 =	sadd.s32 s4, s1  }
0xb: {  	s4 =	sadd.s32 $0xC7E00, s1;
	s0 =	ssub.s32 s0, s7;
	s6 =	sshrl.u32 s5, $0x3  }
0xc: {  	s7 =	sadd.s32 $0x2A800, s8;
	s8 =	sadd.s32 $0x51A00, s8;
	s0 =	smax.u32 s0, $0x1  }
0xd: {  	s10 =	sor.u32 $0x80, s5;
	s6 =	sadd.s32 s6, s1;
	[dreg:$0x5] =	wrdreg s0  }
0xe: {  	s1 =	simm.s32 $0x3;
	s0 =	simm.s32 $0x7;
	s25 =	sadd.s32 $0xBDE00, s6  }
0xf: {  	s26 =	sadd.s32 $0xB3E00, s6;
	s6 =	simm.s32 $0x0;
	[dreg:$0x3] =	wrdreg s25  }
0x10: {  	[dreg:$0x4] =	wrdreg s26;
	s25 =	simm.s32 $0x15040;
	s26 =	simm.s32 $0x2  }
.LBB2_1:
0x11: {  	[dreg:$0x6] =	wrdreg s6  }
0x12: {  	s5 =	rddreg [dreg:$0x3];
	s18 =	simm.s32 $0xD  }
0x13: {  	[tilespmem:s3], [sflag:$0xD] =	stream.linear.gather [hbm4b:s5+s3], $0x2800, $0x38;
	[tilespmem:$0x1D040] =	vst v63  }
0x14: {  	_ =	swait.ge [sflag:s18], $0x2800  }
0x15: {  	[sflag:s18] =	ssyncset.done $0x0  }
0x16: {  	s11 =	simm.s32 $0x2800;
	s19 =	rddreg [dreg:$0x4];
	[sflag:s18] =	ssyncadd.s32 $0xFFFFD800  }
0x17: {  	[tilespmem:s11], [sflag:$0xD] =	stream.linear.gather [hbm4b:s19+s3], $0x2800, $0x38;
	[tilespmem:$0x1D040] =	vst v63  }
0x18: {  	_ =	swait.ge [sflag:s18], $0x2800  }
0x19: {  	[sflag:s18] =	ssyncset.done $0x0  }
0x1a: {  	[sflag:s18] =	ssyncadd.s32 $0xFFFFD800  }
0x1b: {  	s12 =	simm.s32 $0x5000;
	s23 =	rddreg [dreg:$0x1]  }
0x1c: {  	[tilespmem:s12], [sflag:$0xD] =	stream.linear.gather [hbm4b:s23+s3], $0x40, $0x38;
	[tilespmem:$0x1D040] =	vst v63  }
0x1d: {  	_ =	swait.ge [sflag:s18], $0x40  }
0x1e: {  	[sflag:s18] =	ssyncset.done $0x0  }
0x1f: {  	s6 =	simm.s32 $0x5040;
	[sflag:s18] =	ssyncadd.s32 $0xFFFFFFC0  }
0x20: {  	[tilespmem:s6], [sflag:$0x1] =	stream.indirect.gather [hbm4b:s7+s15], $0x40, s3, s15, $0xb8;
	[tilespmem:$0x1D040] =	vst v63  }
0x21: {  	s12 =	simm.s32 $0xD040  }
0x22: {  	[tilespmem:s12], [sflag:$0x5] =	stream.indirect.gather [hbm4b:s8+s15], $0x40, s11, s15, $0xb8;
	[tilespmem:$0x1D040] =	vst v63  }
0x23: {  	s18 =	simm.s32 $0x7040  }
0x24: {  	[tilespmem:s18], [sflag:$0x2] =	stream.indirect.gather [hbm4b:s7+s15], $0x40, s15, s15, $0xb8;
	[tilespmem:$0x1D040] =	vst v63  }
0x25: {  	s19 =	simm.s32 $0x2880;
	s23 =	simm.s32 $0xF040;
	s6 =	simm.s32 $0x0  }
0x26: {  	[tilespmem:s23], [sflag:$0x6] =	stream.indirect.gather [hbm4b:s8+s15], $0x40, s19, s15, $0xb8;
	[tilespmem:$0x1D040] =	vst v63  }
.LBB2_2:
0x27: {  	_ =	swait.ge [sflag:s21], $0x2000  }
0x28: {  	[sflag:s21] =	ssyncset.done $0x0  }
0x29: {  	[sflag:s21] =	ssyncadd.s32 $0xFFFFE000  }
0x2a: {  	s11 =	sshll.u32 s6, $0x2;
	_ =	swait.ge [sflag:s22], $0x2000  }
0x2b: {  	s18 =	sor.u32 $0x2, s11;
	[sflag:s22] =	ssyncset.done $0x0  }
0x2c: {  	s12 =	simm.s32 $0x9040;
	s5 =	sshll.u32 s18, $0x7;
	[sflag:s22] =	ssyncadd.s32 $0xFFFFE000  }
0x2d: {  	[tilespmem:s12], [sflag:$0x3] =	stream.indirect.gather [hbm4b:s7+s15], $0x40, s5, s15, $0xb8;
	[tilespmem:$0x1D040] =	vst v63  }
0x2e: {  	p0 =	seq.s32 s6, $0x0;
	s5 =	sadd.s32 $0x2800, s5  }
0x2f: {  	[tilespmem:s24], [sflag:$0x7] =	stream.indirect.gather [hbm4b:s8+s15], $0x40, s5, s15, $0xb8;
	[tilespmem:$0x1D040] =	vst v63  }
0x30: {  	s5 =	simm.s32 @!p0 $0x9  }
0x31: {  	_ =	swait.ge @!p0 [sflag:s5], $0x2000  }
0x32: {  	[sflag:s5] =	ssyncset.done @!p0 $0x0  }
0x33: {  	s19 =	simm.s32 $0x0;
	[sflag:s5] =	ssyncadd.s32 @!p0 $0xFFFFE000  }
0x34: {  	v0 =	vld [tilespmem:s19+$0x5130]  }
0x35: {  	v1 =	vld [tilespmem:s19+$0xD130]  }
0x36: {  	v2 =	vld [tilespmem:s19+$0x5040]  }
0x37: {  	v3 =	vld [tilespmem:s19+$0xD040]  }
0x38: {  	v4 =	vld [tilespmem:s19+$0x5050]  }
0x39: {  	v5 =	vld [tilespmem:s19+$0xD050]  }
0x3a: {  	v6 =	vld [tilespmem:s19+$0x5060]  }
0x3b: {  	v7 =	vld [tilespmem:s19+$0x5070]  }
0x3c: {  	v0 =	vadd.f32 v1, v0;
	v1 =	vld [tilespmem:s19+$0xD060]  }
0x3d: {  	v2 =	vadd.f32 v3, v2;
	v3 =	vld [tilespmem:s19+$0x5080]  }
0x3e: {  	[tilespmem:s19+$0x15130] =	vst v0;
	v0 =	vld [tilespmem:s19+$0xD070]  }
0x3f: {  	[tilespmem:s19+$0x15040] =	vst v2;
	v2 =	vadd.f32 v5, v4;
	v4 =	vld [tilespmem:s19+$0xD080]  }
0x40: {  	v5 =	vld [tilespmem:s19+$0xD090]  }
0x41: {  	[tilespmem:s19+$0x15050] =	vst v2;
	v2 =	vld [tilespmem:s19+$0x5090];
	v1 =	vadd.f32 v1, v6  }
0x42: {  	v6 =	vld [tilespmem:s19+$0xD0A0]  }
0x43: {  	[tilespmem:s19+$0x15060] =	vst v1;
	v0 =	vadd.f32 v0, v7;
	v1 =	vld [tilespmem:s19+$0x50A0]  }
0x44: {  	v7 =	vld [tilespmem:s19+$0xD0F0]  }
0x45: {  	[tilespmem:s19+$0x15070] =	vst v0;
	v0 =	vadd.f32 v4, v3;
	v3 =	vld [tilespmem:s19+$0x50B0]  }
0x46: {  	v4 =	vld [tilespmem:s19+$0xD0B0]  }
0x47: {  	[tilespmem:s19+$0x15080] =	vst v0;
	v0 =	vadd.f32 v5, v2;
	v2 =	vld [tilespmem:s19+$0x50C0]  }
0x48: {  	v5 =	vld [tilespmem:s19+$0xD0C0]  }
0x49: {  	[tilespmem:s19+$0x15090] =	vst v0;
	v0 =	vadd.f32 v6, v1;
	v1 =	vld [tilespmem:s19+$0x50D0]  }
0x4a: {  	v6 =	vld [tilespmem:s19+$0xD0D0]  }
0x4b: {  	[tilespmem:s19+$0x150A0] =	vst v0;
	v0 =	vadd.f32 v4, v3;
	v3 =	vld [tilespmem:s19+$0x50E0]  }
0x4c: {  	v4 =	vld [tilespmem:s19+$0xD0E0]  }
0x4d: {  	[tilespmem:s19+$0x150B0] =	vst v0;
	v0 =	vadd.f32 v5, v2;
	v5 =	vld [tilespmem:s19+$0x50F0]  }
0x4e: {  	v8 =	vld [tilespmem:s19+$0xD100]  }
0x4f: {  	[tilespmem:s19+$0x150C0] =	vst v0;
	v0 =	vadd.f32 v6, v1;
	v6 =	vld [tilespmem:s19+$0x5100]  }
0x50: {  	v2 =	vld [tilespmem:s19+$0x5110]  }
0x51: {  	[tilespmem:s19+$0x150D0] =	vst v0;
	v0 =	vadd.f32 v4, v3;
	v3 =	vld [tilespmem:s19+$0xD110]  }
0x52: {  	v4 =	vld [tilespmem:s19+$0xD120];
	v5 =	vadd.f32 v7, v5  }
0x53: {  	s12 =	simm.s32 $0x100;
	[tilespmem:s19+$0x150E0] =	vst v0;
	v0 =	vld [tilespmem:s19+$0x5120]  }
0x54: {  	s5 =	simm.s32 $0x800;
	v1 =	vld [tilespmem:s12+$0x5130];
	[tilespmem:s19+$0x150F0] =	vst v5;
	v5 =	vadd.f32 v8, v6  }
.LBB2_3:
0x55: {  	p1 =	sne.s32 s5, $0x7C00;
	v6 =	vld [tilespmem:s12+$0xD130]  }
0x56: {  	v7 =	vld [tilespmem:s12+$0x5040];
	[tilespmem:s19+$0x15100] =	vst v5;
	v2 =	vadd.f32 v3, v2  }
0x57: {  	v3 =	vld [tilespmem:s12+$0xD040]  }
0x58: {  	v5 =	vld [tilespmem:s12+$0x5050];
	[tilespmem:s19+$0x15110] =	vst v2;
	v0 =	vadd.f32 v4, v0  }
0x59: {  	v2 =	vld [tilespmem:s12+$0xD050]  }
0x5a: {  	v4 =	vld [tilespmem:s12+$0x5060];
	v1 =	vadd.f32 v6, v1;
	[tilespmem:s19+$0x15120] =	vst v0;
	s19 =	smov.u32 s12  }
0x5b: {  	v0 =	vld [tilespmem:s19+$0xD060]  }
0x5c: {  	v3 =	vadd.f32 v3, v7;
	v6 =	vld [tilespmem:s19+$0x5070];
	[tilespmem:s19+$0x15130] =	vst v1  }
0x5d: {  	v1 =	vld [tilespmem:s19+$0xD070]  }
0x5e: {  	[tilespmem:s19+$0x15040] =	vst v3;
	v2 =	vadd.f32 v2, v5;
	v3 =	vld [tilespmem:s19+$0x5080]  }
0x5f: {  	v5 =	vld [tilespmem:s19+$0xD080]  }
0x60: {  	[tilespmem:s19+$0x15050] =	vst v2;
	v0 =	vadd.f32 v0, v4;
	v2 =	vld [tilespmem:s19+$0x5090]  }
0x61: {  	v4 =	vld [tilespmem:s19+$0xD090]  }
0x62: {  	[tilespmem:s19+$0x15060] =	vst v0;
	v0 =	vadd.f32 v1, v6;
	v1 =	vld [tilespmem:s19+$0x50A0]  }
0x63: {  	v6 =	vld [tilespmem:s19+$0xD0A0]  }
0x64: {  	[tilespmem:s19+$0x15070] =	vst v0;
	v0 =	vadd.f32 v5, v3;
	v3 =	vld [tilespmem:s19+$0x50B0]  }
0x65: {  	v5 =	vld [tilespmem:s19+$0xD0B0]  }
0x66: {  	[tilespmem:s19+$0x15080] =	vst v0;
	v0 =	vadd.f32 v4, v2;
	v2 =	vld [tilespmem:s19+$0x50C0]  }
0x67: {  	v4 =	vld [tilespmem:s19+$0xD0C0]  }
0x68: {  	[tilespmem:s19+$0x15090] =	vst v0;
	v0 =	vadd.f32 v6, v1;
	v1 =	vld [tilespmem:s19+$0x50D0]  }
0x69: {  	v6 =	vld [tilespmem:s19+$0xD0D0]  }
0x6a: {  	[tilespmem:s19+$0x150A0] =	vst v0;
	v0 =	vadd.f32 v5, v3;
	v3 =	vld [tilespmem:s19+$0x50E0]  }
0x6b: {  	v5 =	vld [tilespmem:s19+$0xD0E0]  }
0x6c: {  	[tilespmem:s19+$0x150B0] =	vst v0;
	v0 =	vadd.f32 v4, v2;
	v4 =	vld [tilespmem:s19+$0x50F0]  }
0x6d: {  	v7 =	vld [tilespmem:s19+$0xD0F0]  }
0x6e: {  	[tilespmem:s19+$0x150C0] =	vst v0;
	v0 =	vadd.f32 v6, v1;
	v6 =	vld [tilespmem:s19+$0x5100]  }
0x6f: {  	v8 =	vld [tilespmem:s19+$0xD100]  }
.Ltmp0:
0x70: {  	[tilespmem:s19+$0x150D0] =	vst v0;
	v0 =	vadd.f32 v5, v3;
	v2 =	vld [tilespmem:s19+$0x5110];
	(pc) =	sbr.rel @p1 .LBB2_3-.Ltmp0, $4  }
0x71: {  	v3 =	vld [tilespmem:s19+$0xD110]  }
0x72: {  	[tilespmem:s19+$0x150E0] =	vst v0;
	v5 =	vadd.f32 v7, v4;
	v0 =	vld [tilespmem:s19+$0x5120]  }
0x73: {  	s12 =	sshra.s32 s5, $0x2;
	v4 =	vld [tilespmem:s19+$0xD120]  }
0x74: {  	s5 =	sadd.s32 $0x400, s5;
	v1 =	vld [tilespmem:s12+$0x5130];
	[tilespmem:s19+$0x150F0] =	vst v5;
	v5 =	vadd.f32 v8, v6  }
0x75: {  	v6 =	vld [tilespmem:s12+$0xD130]  }
0x76: {  	v7 =	vld [tilespmem:s12+$0x5040];
	[tilespmem:s19+$0x15100] =	vst v5;
	v2 =	vadd.f32 v3, v2  }
0x77: {  	v3 =	vld [tilespmem:s12+$0xD040]  }
0x78: {  	v5 =	vld [tilespmem:s12+$0x5050];
	[tilespmem:s19+$0x15110] =	vst v2;
	v0 =	vadd.f32 v4, v0  }
0x79: {  	v2 =	vld [tilespmem:s12+$0xD050]  }
0x7a: {  	v4 =	vld [tilespmem:s12+$0x5060];
	[tilespmem:s19+$0x15120] =	vst v0  }
0x7b: {  	v0 =	vadd.f32 v6, v1;
	v1 =	vld [tilespmem:s12+$0xD060]  }
0x7c: {  	v6 =	vld [tilespmem:s12+$0x5070]  }
0x7d: {  	v3 =	vadd.f32 v3, v7;
	[tilespmem:s12+$0x15130] =	vst v0;
	v0 =	vld [tilespmem:s12+$0xD070]  }
0x7e: {  	v7 =	vld [tilespmem:s12+$0xD120]  }
0x7f: {  	[tilespmem:s12+$0x15040] =	vst v3;
	v2 =	vadd.f32 v2, v5;
	v3 =	vld [tilespmem:s12+$0x5080]  }
0x80: {  	v5 =	vld [tilespmem:s12+$0xD080]  }
0x81: {  	[tilespmem:s12+$0x15050] =	vst v2;
	v2 =	vld [tilespmem:s12+$0x5090]  }
0x82: {  	v1 =	vadd.f32 v1, v4;
	v4 =	vld [tilespmem:s12+$0xD090]  }
0x83: {  	v0 =	vadd.f32 v0, v6;
	v6 =	vld [tilespmem:s12+$0xD0A0]  }
0x84: {  	[tilespmem:s12+$0x15060] =	vst v1;
	v1 =	vld [tilespmem:s12+$0x50A0]  }
0x85: {  	[tilespmem:s12+$0x15070] =	vst v0;
	v0 =	vadd.f32 v5, v3;
	v3 =	vld [tilespmem:s12+$0x50B0]  }
0x86: {  	v5 =	vld [tilespmem:s12+$0xD0B0]  }
0x87: {  	[tilespmem:s12+$0x15080] =	vst v0;
	v0 =	vadd.f32 v4, v2;
	v2 =	vld [tilespmem:s12+$0x50C0]  }
0x88: {  	v4 =	vld [tilespmem:s12+$0xD0C0]  }
0x89: {  	[tilespmem:s12+$0x15090] =	vst v0;
	v0 =	vadd.f32 v6, v1;
	v1 =	vld [tilespmem:s12+$0x50D0]  }
0x8a: {  	v6 =	vld [tilespmem:s12+$0xD0D0]  }
0x8b: {  	[tilespmem:s12+$0x150A0] =	vst v0;
	v0 =	vadd.f32 v5, v3;
	v3 =	vld [tilespmem:s12+$0x50E0]  }
0x8c: {  	v5 =	vld [tilespmem:s12+$0xD0E0]  }
0x8d: {  	[tilespmem:s12+$0x150B0] =	vst v0;
	v0 =	vadd.f32 v4, v2;
	v2 =	vld [tilespmem:s12+$0x50F0]  }
0x8e: {  	v4 =	vld [tilespmem:s12+$0xD0F0]  }
0x8f: {  	[tilespmem:s12+$0x150C0] =	vst v0;
	v0 =	vadd.f32 v6, v1;
	v1 =	vld [tilespmem:s12+$0x5100]  }
0x90: {  	v6 =	vld [tilespmem:s12+$0xD100]  }
0x91: {  	[tilespmem:s12+$0x150D0] =	vst v0;
	v0 =	vadd.f32 v5, v3;
	v3 =	vld [tilespmem:s12+$0x5110]  }
0x92: {  	v5 =	vld [tilespmem:s12+$0xD110]  }
0x93: {  	[tilespmem:s12+$0x150E0] =	vst v0;
	v0 =	vld [tilespmem:s12+$0x5120];
	_ =	sdelay $0x1  }
0x94: {  	v2 =	vadd.f32 v4, v2  }
0x95: {  	v1 =	vadd.f32 v6, v1  }
0x96: {  	s5 =	sshll.u32 s6, $0xF;
	[tilespmem:s12+$0x150F0] =	vst v2;
	v2 =	vadd.f32 v5, v3  }
0x97: {  	s5 =	sadd.s32 s9, s5;
	[tilespmem:s12+$0x15100] =	vst v1;
	v0 =	vadd.f32 v7, v0  }
0x98: {  	s5 =	sshrl.u32 s5, $0x3;
	[tilespmem:s12+$0x15110] =	vst v2  }
0x99: {  	s5 =	sadd.s32 s4, s5;
	[tilespmem:s12+$0x15120] =	vst v0  }
0x9a: {  	[hbm4b:s5+s3] =	stream.linear.scatter [tilespmem:s25], [sflag:$0x9], $0x2000, $0x38;
	[tilespmem:$0x1D040] =	vst v63  }
0x9b: {  	_ =	swait.ge [sflag:s26], $0x2000  }
0x9c: {  	[sflag:s26] =	ssyncset.done $0x0  }
0x9d: {  	[sflag:s26] =	ssyncadd.s32 $0xFFFFE000  }
0x9e: {  	_ =	swait.ge [sflag:s28], $0x2000  }
0x9f: {  	s11 =	sor.u32 $0x3, s11;
	[sflag:s28] =	ssyncset.done $0x0  }
0xa0: {  	s23 =	sshll.u32 s11, $0x7;
	[sflag:s28] =	ssyncadd.s32 $0xFFFFE000  }
0xa1: {  	[tilespmem:s29], [sflag:$0x4] =	stream.indirect.gather [hbm4b:s7+s15], $0x40, s23, s15, $0xb8;
	[tilespmem:$0x1D040] =	vst v63  }
0xa2: {  	s5 =	sadd.s32 $0x2800, s23  }
0xa3: {  	[tilespmem:s30], [sflag:$0x8] =	stream.indirect.gather [hbm4b:s8+s15], $0x40, s5, s15, $0xb8;
	[tilespmem:$0x1D040] =	vst v63  }
0xa4: {  	s5 =	simm.s32 @!p0 $0xA  }
0xa5: {  	_ =	swait.ge @!p0 [sflag:s5], $0x2000  }
0xa6: {  	[sflag:s5] =	ssyncset.done @!p0 $0x0  }
0xa7: {  	s19 =	simm.s32 $0x0;
	[sflag:s5] =	ssyncadd.s32 @!p0 $0xFFFFE000  }
0xa8: {  	v0 =	vld [tilespmem:s19+$0x7130]  }
0xa9: {  	v1 =	vld [tilespmem:s19+$0xF130]  }
0xaa: {  	v2 =	vld [tilespmem:s19+$0x7040]  }
0xab: {  	v3 =	vld [tilespmem:s19+$0xF040]  }
0xac: {  	v4 =	vld [tilespmem:s19+$0x7050]  }
0xad: {  	v5 =	vld [tilespmem:s19+$0xF050]  }
0xae: {  	v6 =	vld [tilespmem:s19+$0x7060]  }
0xaf: {  	v7 =	vld [tilespmem:s19+$0x7070]  }
0xb0: {  	v0 =	vadd.f32 v1, v0;
	v1 =	vld [tilespmem:s19+$0xF060]  }
0xb1: {  	v2 =	vadd.f32 v3, v2;
	v3 =	vld [tilespmem:s19+$0x7080]  }
0xb2: {  	[tilespmem:s19+$0x17130] =	vst v0;
	v0 =	vld [tilespmem:s19+$0xF070]  }
0xb3: {  	[tilespmem:s19+$0x17040] =	vst v2;
	v2 =	vadd.f32 v5, v4;
	v4 =	vld [tilespmem:s19+$0xF080]  }
0xb4: {  	v5 =	vld [tilespmem:s19+$0xF090]  }
0xb5: {  	[tilespmem:s19+$0x17050] =	vst v2;
	v2 =	vld [tilespmem:s19+$0x7090];
	v1 =	vadd.f32 v1, v6  }
0xb6: {  	v6 =	vld [tilespmem:s19+$0xF0A0]  }
0xb7: {  	[tilespmem:s19+$0x17060] =	vst v1;
	v0 =	vadd.f32 v0, v7;
	v1 =	vld [tilespmem:s19+$0x70A0]  }
0xb8: {  	v7 =	vld [tilespmem:s19+$0xF0F0]  }
0xb9: {  	[tilespmem:s19+$0x17070] =	vst v0;
	v0 =	vadd.f32 v4, v3;
	v3 =	vld [tilespmem:s19+$0x70B0]  }
0xba: {  	v4 =	vld [tilespmem:s19+$0xF0B0]  }
0xbb: {  	[tilespmem:s19+$0x17080] =	vst v0;
	v0 =	vadd.f32 v5, v2;
	v2 =	vld [tilespmem:s19+$0x70C0]  }
0xbc: {  	v5 =	vld [tilespmem:s19+$0xF0C0]  }
0xbd: {  	[tilespmem:s19+$0x17090] =	vst v0;
	v0 =	vadd.f32 v6, v1;
	v1 =	vld [tilespmem:s19+$0x70D0]  }
0xbe: {  	v6 =	vld [tilespmem:s19+$0xF0D0]  }
0xbf: {  	[tilespmem:s19+$0x170A0] =	vst v0;
	v0 =	vadd.f32 v4, v3;
	v3 =	vld [tilespmem:s19+$0x70E0]  }
0xc0: {  	v4 =	vld [tilespmem:s19+$0xF0E0]  }
0xc1: {  	[tilespmem:s19+$0x170B0] =	vst v0;
	v0 =	vadd.f32 v5, v2;
	v5 =	vld [tilespmem:s19+$0x70F0]  }
0xc2: {  	v8 =	vld [tilespmem:s19+$0xF100]  }
0xc3: {  	[tilespmem:s19+$0x170C0] =	vst v0;
	v0 =	vadd.f32 v6, v1;
	v6 =	vld [tilespmem:s19+$0x7100]  }
0xc4: {  	v2 =	vld [tilespmem:s19+$0x7110]  }
0xc5: {  	[tilespmem:s19+$0x170D0] =	vst v0;
	v0 =	vadd.f32 v4, v3;
	v3 =	vld [tilespmem:s19+$0xF110]  }
0xc6: {  	v4 =	vld [tilespmem:s19+$0xF120];
	v5 =	vadd.f32 v7, v5  }
0xc7: {  	s12 =	simm.s32 $0x100;
	[tilespmem:s19+$0x170E0] =	vst v0;
	v0 =	vld [tilespmem:s19+$0x7120]  }
0xc8: {  	s5 =	simm.s32 $0x800;
	v1 =	vld [tilespmem:s12+$0x7130];
	[tilespmem:s19+$0x170F0] =	vst v5;
	v5 =	vadd.f32 v8, v6  }
.LBB2_5:
0xc9: {  	p0 =	sne.s32 s5, $0x7C00;
	v6 =	vld [tilespmem:s12+$0xF130]  }
0xca: {  	v7 =	vld [tilespmem:s12+$0x7040];
	[tilespmem:s19+$0x17100] =	vst v5;
	v2 =	vadd.f32 v3, v2  }
0xcb: {  	v3 =	vld [tilespmem:s12+$0xF040]  }
0xcc: {  	v5 =	vld [tilespmem:s12+$0x7050];
	[tilespmem:s19+$0x17110] =	vst v2;
	v0 =	vadd.f32 v4, v0  }
0xcd: {  	v2 =	vld [tilespmem:s12+$0xF050]  }
0xce: {  	v4 =	vld [tilespmem:s12+$0x7060];
	v1 =	vadd.f32 v6, v1;
	[tilespmem:s19+$0x17120] =	vst v0;
	s19 =	smov.u32 s12  }
0xcf: {  	v0 =	vld [tilespmem:s19+$0xF060]  }
0xd0: {  	v3 =	vadd.f32 v3, v7;
	v6 =	vld [tilespmem:s19+$0x7070];
	[tilespmem:s19+$0x17130] =	vst v1  }
0xd1: {  	v1 =	vld [tilespmem:s19+$0xF070]  }
0xd2: {  	[tilespmem:s19+$0x17040] =	vst v3;
	v2 =	vadd.f32 v2, v5;
	v3 =	vld [tilespmem:s19+$0x7080]  }
0xd3: {  	v5 =	vld [tilespmem:s19+$0xF080]  }
0xd4: {  	[tilespmem:s19+$0x17050] =	vst v2;
	v0 =	vadd.f32 v0, v4;
	v2 =	vld [tilespmem:s19+$0x7090]  }
0xd5: {  	v4 =	vld [tilespmem:s19+$0xF090]  }
0xd6: {  	[tilespmem:s19+$0x17060] =	vst v0;
	v0 =	vadd.f32 v1, v6;
	v1 =	vld [tilespmem:s19+$0x70A0]  }
0xd7: {  	v6 =	vld [tilespmem:s19+$0xF0A0]  }
0xd8: {  	[tilespmem:s19+$0x17070] =	vst v0;
	v0 =	vadd.f32 v5, v3;
	v3 =	vld [tilespmem:s19+$0x70B0]  }
0xd9: {  	v5 =	vld [tilespmem:s19+$0xF0B0]  }
0xda: {  	[tilespmem:s19+$0x17080] =	vst v0;
	v0 =	vadd.f32 v4, v2;
	v2 =	vld [tilespmem:s19+$0x70C0]  }
0xdb: {  	v4 =	vld [tilespmem:s19+$0xF0C0]  }
0xdc: {  	[tilespmem:s19+$0x17090] =	vst v0;
	v0 =	vadd.f32 v6, v1;
	v1 =	vld [tilespmem:s19+$0x70D0]  }
0xdd: {  	v6 =	vld [tilespmem:s19+$0xF0D0]  }
0xde: {  	[tilespmem:s19+$0x170A0] =	vst v0;
	v0 =	vadd.f32 v5, v3;
	v3 =	vld [tilespmem:s19+$0x70E0]  }
0xdf: {  	v5 =	vld [tilespmem:s19+$0xF0E0]  }
0xe0: {  	[tilespmem:s19+$0x170B0] =	vst v0;
	v0 =	vadd.f32 v4, v2;
	v4 =	vld [tilespmem:s19+$0x70F0]  }
0xe1: {  	v7 =	vld [tilespmem:s19+$0xF0F0]  }
0xe2: {  	[tilespmem:s19+$0x170C0] =	vst v0;
	v0 =	vadd.f32 v6, v1;
	v6 =	vld [tilespmem:s19+$0x7100]  }
0xe3: {  	v8 =	vld [tilespmem:s19+$0xF100]  }
.Ltmp1:
0xe4: {  	[tilespmem:s19+$0x170D0] =	vst v0;
	v0 =	vadd.f32 v5, v3;
	v2 =	vld [tilespmem:s19+$0x7110];
	(pc) =	sbr.rel @p0 .LBB2_5-.Ltmp1, $4  }
0xe5: {  	v3 =	vld [tilespmem:s19+$0xF110]  }
0xe6: {  	[tilespmem:s19+$0x170E0] =	vst v0;
	v5 =	vadd.f32 v7, v4;
	v0 =	vld [tilespmem:s19+$0x7120]  }
0xe7: {  	s12 =	sshra.s32 s5, $0x2;
	v4 =	vld [tilespmem:s19+$0xF120]  }
0xe8: {  	s5 =	sadd.s32 $0x400, s5;
	v1 =	vld [tilespmem:s12+$0x7130];
	[tilespmem:s19+$0x170F0] =	vst v5;
	v5 =	vadd.f32 v8, v6  }
0xe9: {  	v6 =	vld [tilespmem:s12+$0xF130]  }
0xea: {  	v7 =	vld [tilespmem:s12+$0x7040];
	[tilespmem:s19+$0x17100] =	vst v5;
	v2 =	vadd.f32 v3, v2  }
0xeb: {  	v3 =	vld [tilespmem:s12+$0xF040]  }
0xec: {  	v5 =	vld [tilespmem:s12+$0x7050];
	[tilespmem:s19+$0x17110] =	vst v2;
	v0 =	vadd.f32 v4, v0  }
0xed: {  	v2 =	vld [tilespmem:s12+$0xF050]  }
0xee: {  	v4 =	vld [tilespmem:s12+$0x7060];
	[tilespmem:s19+$0x17120] =	vst v0  }
0xef: {  	v0 =	vadd.f32 v6, v1;
	v1 =	vld [tilespmem:s12+$0xF060]  }
0xf0: {  	v6 =	vld [tilespmem:s12+$0x7070]  }
0xf1: {  	v3 =	vadd.f32 v3, v7;
	[tilespmem:s12+$0x17130] =	vst v0;
	v0 =	vld [tilespmem:s12+$0xF070]  }
0xf2: {  	v7 =	vld [tilespmem:s12+$0xF120]  }
0xf3: {  	[tilespmem:s12+$0x17040] =	vst v3;
	v2 =	vadd.f32 v2, v5;
	v3 =	vld [tilespmem:s12+$0x7080]  }
0xf4: {  	v5 =	vld [tilespmem:s12+$0xF080]  }
0xf5: {  	[tilespmem:s12+$0x17050] =	vst v2;
	v2 =	vld [tilespmem:s12+$0x7090]  }
0xf6: {  	v1 =	vadd.f32 v1, v4;
	v4 =	vld [tilespmem:s12+$0xF090]  }
0xf7: {  	v0 =	vadd.f32 v0, v6;
	v6 =	vld [tilespmem:s12+$0xF0A0]  }
0xf8: {  	[tilespmem:s12+$0x17060] =	vst v1;
	v1 =	vld [tilespmem:s12+$0x70A0]  }
0xf9: {  	[tilespmem:s12+$0x17070] =	vst v0;
	v0 =	vadd.f32 v5, v3;
	v3 =	vld [tilespmem:s12+$0x70B0]  }
0xfa: {  	v5 =	vld [tilespmem:s12+$0xF0B0]  }
0xfb: {  	[tilespmem:s12+$0x17080] =	vst v0;
	v0 =	vadd.f32 v4, v2;
	v2 =	vld [tilespmem:s12+$0x70C0]  }
0xfc: {  	v4 =	vld [tilespmem:s12+$0xF0C0]  }
0xfd: {  	[tilespmem:s12+$0x17090] =	vst v0;
	v0 =	vadd.f32 v6, v1;
	v1 =	vld [tilespmem:s12+$0x70D0]  }
0xfe: {  	v6 =	vld [tilespmem:s12+$0xF0D0]  }
0xff: {  	[tilespmem:s12+$0x170A0] =	vst v0;
	v0 =	vadd.f32 v5, v3;
	v3 =	vld [tilespmem:s12+$0x70E0]  }
0x100: {  	v5 =	vld [tilespmem:s12+$0xF0E0]  }
0x101: {  	[tilespmem:s12+$0x170B0] =	vst v0;
	v0 =	vadd.f32 v4, v2;
	v2 =	vld [tilespmem:s12+$0x70F0]  }
0x102: {  	v4 =	vld [tilespmem:s12+$0xF0F0]  }
0x103: {  	[tilespmem:s12+$0x170C0] =	vst v0;
	v0 =	vadd.f32 v6, v1;
	v1 =	vld [tilespmem:s12+$0x7100]  }
0x104: {  	v6 =	vld [tilespmem:s12+$0xF100]  }
0x105: {  	[tilespmem:s12+$0x170D0] =	vst v0;
	v0 =	vadd.f32 v5, v3;
	v3 =	vld [tilespmem:s12+$0x7110]  }
0x106: {  	v5 =	vld [tilespmem:s12+$0xF110]  }
0x107: {  	[tilespmem:s12+$0x170E0] =	vst v0;
	v0 =	vld [tilespmem:s12+$0x7120];
	_ =	sdelay $0x1  }
0x108: {  	v2 =	vadd.f32 v4, v2  }
0x109: {  	s19 =	sshll.u32 s6, $0x9;
	v1 =	vadd.f32 v6, v1  }
0x10a: {  	s5 =	sadd.s32 s19, s10;
	[tilespmem:s12+$0x170F0] =	vst v2;
	v2 =	vadd.f32 v5, v3  }
0x10b: {  	s5 =	sshll.u32 s5, $0x3;
	[tilespmem:s12+$0x17100] =	vst v1;
	v0 =	vadd.f32 v7, v0  }
0x10c: {  	s5 =	sand.u32 $0x1FFFF400, s5;
	[tilespmem:s12+$0x17110] =	vst v2  }
0x10d: {  	s5 =	sadd.s32 s4, s5;
	[tilespmem:s12+$0x17120] =	vst v0  }
0x10e: {  	[hbm4b:s5+s3] =	stream.linear.scatter [tilespmem:s31], [sflag:$0xA], $0x2000, $0x38;
	[tilespmem:$0x1D040] =	vst v63  }
0x10f: {  	_ =	swait.ge [sflag:s1], $0x2000  }
0x110: {  	[sflag:s1] =	ssyncset.done $0x0  }
0x111: {  	[sflag:s1] =	ssyncadd.s32 $0xFFFFE000  }
0x112: {  	p0 =	seq.s32 s6, $0x13;
	_ =	swait.ge [sflag:s0], $0x2000  }
0x113: {  	s23 =	simm.s32 @!p0 $0x5040;
	p1 =	seq.s32 @!p0 s6, $0x0;
	[sflag:s0] =	ssyncset.done $0x0  }
0x114: {  	s12 =	simm.s32 @!p0 $0x80;
	s5 =	sadd.s32 @!p0 $0x200, s19;
	[sflag:s0] =	ssyncadd.s32 $0xFFFFE000  }
0x115: {  	[tilespmem:s23], [sflag:$0x1] =	stream.indirect.gather @!p0 [hbm4b:s7+s12], $0x40, s5, s12, $0xb8;
	[tilespmem:$0x1D040] =	vst v63  }
0x116: {  	p1 =	por p0, !p1;
	s5 =	sadd.s32 @!p0 $0x2A00, s19;
	s23 =	simm.s32 @!p0 $0xD040  }
0x117: {  	[tilespmem:s23], [sflag:$0x5] =	stream.indirect.gather @!p0 [hbm4b:s8+s12], $0x40, s5, s12, $0xb8;
	[tilespmem:$0x1D040] =	vst v63  }
0x118: {  	_ =	swait.ge @p1 [sflag:s20], $0x2000  }
0x119: {  	[sflag:s20] =	ssyncset.done @p1 $0x0  }
0x11a: {  	s12 =	simm.s32 $0x0;
	[sflag:s20] =	ssyncadd.s32 @p1 $0xFFFFE000  }
0x11b: {  	v0 =	vld [tilespmem:s12+$0x9130]  }
0x11c: {  	v1 =	vld [tilespmem:s12+$0x11130]  }
0x11d: {  	v2 =	vld [tilespmem:s12+$0x9040]  }
0x11e: {  	v3 =	vld [tilespmem:s12+$0x11040]  }
0x11f: {  	v4 =	vld [tilespmem:s12+$0x9050]  }
0x120: {  	v5 =	vld [tilespmem:s12+$0x11050]  }
0x121: {  	v6 =	vld [tilespmem:s12+$0x9060]  }
0x122: {  	v7 =	vld [tilespmem:s12+$0x9070]  }
0x123: {  	v0 =	vadd.f32 v1, v0;
	v1 =	vld [tilespmem:s12+$0x11060]  }
0x124: {  	v2 =	vadd.f32 v3, v2;
	v3 =	vld [tilespmem:s12+$0x9080]  }
0x125: {  	[tilespmem:s12+$0x19130] =	vst v0;
	v0 =	vld [tilespmem:s12+$0x11070]  }
0x126: {  	[tilespmem:s12+$0x19040] =	vst v2;
	v2 =	vadd.f32 v5, v4;
	v4 =	vld [tilespmem:s12+$0x11080]  }
0x127: {  	v5 =	vld [tilespmem:s12+$0x11090]  }
0x128: {  	[tilespmem:s12+$0x19050] =	vst v2;
	v2 =	vld [tilespmem:s12+$0x9090];
	v1 =	vadd.f32 v1, v6  }
0x129: {  	v6 =	vld [tilespmem:s12+$0x110A0]  }
0x12a: {  	[tilespmem:s12+$0x19060] =	vst v1;
	v0 =	vadd.f32 v0, v7;
	v1 =	vld [tilespmem:s12+$0x90A0]  }
0x12b: {  	v7 =	vld [tilespmem:s12+$0x110F0]  }
0x12c: {  	[tilespmem:s12+$0x19070] =	vst v0;
	v0 =	vadd.f32 v4, v3;
	v3 =	vld [tilespmem:s12+$0x90B0]  }
0x12d: {  	v4 =	vld [tilespmem:s12+$0x110B0]  }
0x12e: {  	[tilespmem:s12+$0x19080] =	vst v0;
	v0 =	vadd.f32 v5, v2;
	v2 =	vld [tilespmem:s12+$0x90C0]  }
0x12f: {  	v5 =	vld [tilespmem:s12+$0x110C0]  }
0x130: {  	[tilespmem:s12+$0x19090] =	vst v0;
	v0 =	vadd.f32 v6, v1;
	v1 =	vld [tilespmem:s12+$0x90D0]  }
0x131: {  	v6 =	vld [tilespmem:s12+$0x110D0]  }
0x132: {  	[tilespmem:s12+$0x190A0] =	vst v0;
	v0 =	vadd.f32 v4, v3;
	v3 =	vld [tilespmem:s12+$0x90E0]  }
0x133: {  	v4 =	vld [tilespmem:s12+$0x110E0]  }
0x134: {  	[tilespmem:s12+$0x190B0] =	vst v0;
	v0 =	vadd.f32 v5, v2;
	v5 =	vld [tilespmem:s12+$0x90F0]  }
0x135: {  	v8 =	vld [tilespmem:s12+$0x11100]  }
0x136: {  	[tilespmem:s12+$0x190C0] =	vst v0;
	v0 =	vadd.f32 v6, v1;
	v6 =	vld [tilespmem:s12+$0x9100]  }
0x137: {  	v2 =	vld [tilespmem:s12+$0x9110]  }
0x138: {  	[tilespmem:s12+$0x190D0] =	vst v0;
	v0 =	vadd.f32 v4, v3;
	v3 =	vld [tilespmem:s12+$0x11110]  }
0x139: {  	v4 =	vld [tilespmem:s12+$0x11120];
	v5 =	vadd.f32 v7, v5  }
0x13a: {  	s5 =	simm.s32 $0x100;
	[tilespmem:s12+$0x190E0] =	vst v0;
	v0 =	vld [tilespmem:s12+$0x9120]  }
0x13b: {  	s23 =	simm.s32 $0x800;
	v1 =	vld [tilespmem:s5+$0x9130];
	[tilespmem:s12+$0x190F0] =	vst v5;
	v5 =	vadd.f32 v8, v6  }
.LBB2_7:
0x13c: {  	p2 =	sne.s32 s23, $0x7C00;
	v6 =	vld [tilespmem:s5+$0x11130]  }
0x13d: {  	v7 =	vld [tilespmem:s5+$0x9040];
	[tilespmem:s12+$0x19100] =	vst v5;
	v2 =	vadd.f32 v3, v2  }
0x13e: {  	v3 =	vld [tilespmem:s5+$0x11040]  }
0x13f: {  	v5 =	vld [tilespmem:s5+$0x9050];
	[tilespmem:s12+$0x19110] =	vst v2;
	v0 =	vadd.f32 v4, v0  }
0x140: {  	v2 =	vld [tilespmem:s5+$0x11050]  }
0x141: {  	v4 =	vld [tilespmem:s5+$0x9060];
	v1 =	vadd.f32 v6, v1;
	[tilespmem:s12+$0x19120] =	vst v0;
	s12 =	smov.u32 s5  }
0x142: {  	v0 =	vld [tilespmem:s12+$0x11060]  }
0x143: {  	v3 =	vadd.f32 v3, v7;
	v6 =	vld [tilespmem:s12+$0x9070];
	[tilespmem:s12+$0x19130] =	vst v1  }
0x144: {  	v1 =	vld [tilespmem:s12+$0x11070]  }
0x145: {  	[tilespmem:s12+$0x19040] =	vst v3;
	v2 =	vadd.f32 v2, v5;
	v3 =	vld [tilespmem:s12+$0x9080]  }
0x146: {  	v5 =	vld [tilespmem:s12+$0x11080]  }
0x147: {  	[tilespmem:s12+$0x19050] =	vst v2;
	v0 =	vadd.f32 v0, v4;
	v2 =	vld [tilespmem:s12+$0x9090]  }
0x148: {  	v4 =	vld [tilespmem:s12+$0x11090]  }
0x149: {  	[tilespmem:s12+$0x19060] =	vst v0;
	v0 =	vadd.f32 v1, v6;
	v1 =	vld [tilespmem:s12+$0x90A0]  }
0x14a: {  	v6 =	vld [tilespmem:s12+$0x110A0]  }
0x14b: {  	[tilespmem:s12+$0x19070] =	vst v0;
	v0 =	vadd.f32 v5, v3;
	v3 =	vld [tilespmem:s12+$0x90B0]  }
0x14c: {  	v5 =	vld [tilespmem:s12+$0x110B0]  }
0x14d: {  	[tilespmem:s12+$0x19080] =	vst v0;
	v0 =	vadd.f32 v4, v2;
	v2 =	vld [tilespmem:s12+$0x90C0]  }
0x14e: {  	v4 =	vld [tilespmem:s12+$0x110C0]  }
0x14f: {  	[tilespmem:s12+$0x19090] =	vst v0;
	v0 =	vadd.f32 v6, v1;
	v1 =	vld [tilespmem:s12+$0x90D0]  }
0x150: {  	v6 =	vld [tilespmem:s12+$0x110D0]  }
0x151: {  	[tilespmem:s12+$0x190A0] =	vst v0;
	v0 =	vadd.f32 v5, v3;
	v3 =	vld [tilespmem:s12+$0x90E0]  }
0x152: {  	v5 =	vld [tilespmem:s12+$0x110E0]  }
0x153: {  	[tilespmem:s12+$0x190B0] =	vst v0;
	v0 =	vadd.f32 v4, v2;
	v4 =	vld [tilespmem:s12+$0x90F0]  }
0x154: {  	v7 =	vld [tilespmem:s12+$0x110F0]  }
0x155: {  	[tilespmem:s12+$0x190C0] =	vst v0;
	v0 =	vadd.f32 v6, v1;
	v6 =	vld [tilespmem:s12+$0x9100]  }
0x156: {  	v8 =	vld [tilespmem:s12+$0x11100]  }
.Ltmp2:
0x157: {  	[tilespmem:s12+$0x190D0] =	vst v0;
	v0 =	vadd.f32 v5, v3;
	v2 =	vld [tilespmem:s12+$0x9110];
	(pc) =	sbr.rel @p2 .LBB2_7-.Ltmp2, $4  }
0x158: {  	v3 =	vld [tilespmem:s12+$0x11110]  }
0x159: {  	[tilespmem:s12+$0x190E0] =	vst v0;
	v5 =	vadd.f32 v7, v4;
	v0 =	vld [tilespmem:s12+$0x9120]  }
0x15a: {  	s5 =	sshra.s32 s23, $0x2;
	v4 =	vld [tilespmem:s12+$0x11120]  }
0x15b: {  	s23 =	sadd.s32 $0x400, s23;
	v1 =	vld [tilespmem:s5+$0x9130];
	[tilespmem:s12+$0x190F0] =	vst v5;
	v5 =	vadd.f32 v8, v6  }
0x15c: {  	v6 =	vld [tilespmem:s5+$0x11130]  }
0x15d: {  	v7 =	vld [tilespmem:s5+$0x9040];
	[tilespmem:s12+$0x19100] =	vst v5;
	v2 =	vadd.f32 v3, v2  }
0x15e: {  	v3 =	vld [tilespmem:s5+$0x11040]  }
0x15f: {  	v5 =	vld [tilespmem:s5+$0x9050];
	[tilespmem:s12+$0x19110] =	vst v2;
	v0 =	vadd.f32 v4, v0  }
0x160: {  	v2 =	vld [tilespmem:s5+$0x11050]  }
0x161: {  	v4 =	vld [tilespmem:s5+$0x9060];
	[tilespmem:s12+$0x19120] =	vst v0  }
0x162: {  	v0 =	vadd.f32 v6, v1;
	v1 =	vld [tilespmem:s5+$0x11060]  }
0x163: {  	v6 =	vld [tilespmem:s5+$0x9070]  }
0x164: {  	v3 =	vadd.f32 v3, v7;
	[tilespmem:s5+$0x19130] =	vst v0;
	v0 =	vld [tilespmem:s5+$0x11070]  }
0x165: {  	v7 =	vld [tilespmem:s5+$0x11120]  }
0x166: {  	[tilespmem:s5+$0x19040] =	vst v3;
	v2 =	vadd.f32 v2, v5;
	v3 =	vld [tilespmem:s5+$0x9080]  }
0x167: {  	v5 =	vld [tilespmem:s5+$0x11080]  }
0x168: {  	[tilespmem:s5+$0x19050] =	vst v2;
	v2 =	vld [tilespmem:s5+$0x9090]  }
0x169: {  	v1 =	vadd.f32 v1, v4;
	v4 =	vld [tilespmem:s5+$0x11090]  }
0x16a: {  	v0 =	vadd.f32 v0, v6;
	v6 =	vld [tilespmem:s5+$0x110A0]  }
0x16b: {  	[tilespmem:s5+$0x19060] =	vst v1;
	v1 =	vld [tilespmem:s5+$0x90A0]  }
0x16c: {  	[tilespmem:s5+$0x19070] =	vst v0;
	v0 =	vadd.f32 v5, v3;
	v3 =	vld [tilespmem:s5+$0x90B0]  }
0x16d: {  	v5 =	vld [tilespmem:s5+$0x110B0]  }
0x16e: {  	[tilespmem:s5+$0x19080] =	vst v0;
	v0 =	vadd.f32 v4, v2;
	v2 =	vld [tilespmem:s5+$0x90C0]  }
0x16f: {  	v4 =	vld [tilespmem:s5+$0x110C0]  }
0x170: {  	[tilespmem:s5+$0x19090] =	vst v0;
	v0 =	vadd.f32 v6, v1;
	v1 =	vld [tilespmem:s5+$0x90D0]  }
0x171: {  	v6 =	vld [tilespmem:s5+$0x110D0]  }
0x172: {  	[tilespmem:s5+$0x190A0] =	vst v0;
	v0 =	vadd.f32 v5, v3;
	v3 =	vld [tilespmem:s5+$0x90E0]  }
0x173: {  	v5 =	vld [tilespmem:s5+$0x110E0]  }
0x174: {  	[tilespmem:s5+$0x190B0] =	vst v0;
	v0 =	vadd.f32 v4, v2;
	v2 =	vld [tilespmem:s5+$0x90F0]  }
0x175: {  	v4 =	vld [tilespmem:s5+$0x110F0]  }
0x176: {  	[tilespmem:s5+$0x190C0] =	vst v0;
	v0 =	vadd.f32 v6, v1;
	v1 =	vld [tilespmem:s5+$0x9100]  }
0x177: {  	v6 =	vld [tilespmem:s5+$0x11100]  }
0x178: {  	[tilespmem:s5+$0x190D0] =	vst v0;
	v0 =	vadd.f32 v5, v3;
	v3 =	vld [tilespmem:s5+$0x9110]  }
0x179: {  	v5 =	vld [tilespmem:s5+$0x11110]  }
0x17a: {  	[tilespmem:s5+$0x190E0] =	vst v0;
	v0 =	vld [tilespmem:s5+$0x9120];
	_ =	sdelay $0x1  }
0x17b: {  	v2 =	vadd.f32 v4, v2  }
0x17c: {  	v1 =	vadd.f32 v6, v1  }
0x17d: {  	s18 =	sshll.u32 s18, $0xD;
	[tilespmem:s5+$0x190F0] =	vst v2;
	v2 =	vadd.f32 v5, v3  }
0x17e: {  	s12 =	sadd.s32 s9, s18;
	[tilespmem:s5+$0x19100] =	vst v1;
	v0 =	vadd.f32 v7, v0  }
0x17f: {  	s12 =	sshrl.u32 s12, $0x3;
	[tilespmem:s5+$0x19110] =	vst v2  }
0x180: {  	s23 =	sadd.s32 s4, s12;
	[tilespmem:s5+$0x19120] =	vst v0  }
0x181: {  	[hbm4b:s23+s3] =	stream.linear.scatter [tilespmem:s2], [sflag:$0xB], $0x2000, $0x38;
	[tilespmem:$0x1D040] =	vst v63  }
0x182: {  	_ =	swait.ge [sflag:s14], $0x2000  }
0x183: {  	[sflag:s14] =	ssyncset.done $0x0  }
0x184: {  	[sflag:s14] =	ssyncadd.s32 $0xFFFFE000  }
0x185: {  	_ =	swait.ge [sflag:s16], $0x2000  }
0x186: {  	s18 =	simm.s32 @!p0 $0x7040;
	[sflag:s16] =	ssyncset.done $0x0  }
0x187: {  	s12 =	simm.s32 @!p0 $0x80;
	s5 =	sadd.s32 @!p0 $0x280, s19;
	[sflag:s16] =	ssyncadd.s32 $0xFFFFE000  }
0x188: {  	[tilespmem:s18], [sflag:$0x2] =	stream.indirect.gather @!p0 [hbm4b:s7+s12], $0x40, s5, s12, $0xb8;
	[tilespmem:$0x1D040] =	vst v63  }
0x189: {  	s5 =	sadd.s32 @!p0 $0x2A80, s19;
	s18 =	simm.s32 @!p0 $0xF040  }
0x18a: {  	[tilespmem:s18], [sflag:$0x6] =	stream.indirect.gather @!p0 [hbm4b:s8+s12], $0x40, s5, s12, $0xb8;
	[tilespmem:$0x1D040] =	vst v63  }
0x18b: {  	_ =	swait.ge @p1 [sflag:s13], $0x2000  }
0x18c: {  	[sflag:s13] =	ssyncset.done @p1 $0x0  }
0x18d: {  	s12 =	simm.s32 $0x0;
	[sflag:s13] =	ssyncadd.s32 @p1 $0xFFFFE000  }
0x18e: {  	v0 =	vld [tilespmem:s12+$0xB130]  }
0x18f: {  	v1 =	vld [tilespmem:s12+$0x13130]  }
0x190: {  	v2 =	vld [tilespmem:s12+$0xB040]  }
0x191: {  	v3 =	vld [tilespmem:s12+$0x13040]  }
0x192: {  	v4 =	vld [tilespmem:s12+$0xB050]  }
0x193: {  	v5 =	vld [tilespmem:s12+$0x13050]  }
0x194: {  	v6 =	vld [tilespmem:s12+$0xB060]  }
0x195: {  	v7 =	vld [tilespmem:s12+$0xB070]  }
0x196: {  	v0 =	vadd.f32 v1, v0;
	v1 =	vld [tilespmem:s12+$0x13060]  }
0x197: {  	v2 =	vadd.f32 v3, v2;
	v3 =	vld [tilespmem:s12+$0xB080]  }
0x198: {  	[tilespmem:s12+$0x1B130] =	vst v0;
	v0 =	vld [tilespmem:s12+$0x13070]  }
0x199: {  	[tilespmem:s12+$0x1B040] =	vst v2;
	v2 =	vadd.f32 v5, v4;
	v4 =	vld [tilespmem:s12+$0x13080]  }
0x19a: {  	v5 =	vld [tilespmem:s12+$0x13090]  }
0x19b: {  	[tilespmem:s12+$0x1B050] =	vst v2;
	v2 =	vld [tilespmem:s12+$0xB090];
	v1 =	vadd.f32 v1, v6  }
0x19c: {  	v6 =	vld [tilespmem:s12+$0x130A0]  }
0x19d: {  	[tilespmem:s12+$0x1B060] =	vst v1;
	v0 =	vadd.f32 v0, v7;
	v1 =	vld [tilespmem:s12+$0xB0A0]  }
0x19e: {  	v7 =	vld [tilespmem:s12+$0x130F0]  }
0x19f: {  	[tilespmem:s12+$0x1B070] =	vst v0;
	v0 =	vadd.f32 v4, v3;
	v3 =	vld [tilespmem:s12+$0xB0B0]  }
0x1a0: {  	v4 =	vld [tilespmem:s12+$0x130B0]  }
0x1a1: {  	[tilespmem:s12+$0x1B080] =	vst v0;
	v0 =	vadd.f32 v5, v2;
	v2 =	vld [tilespmem:s12+$0xB0C0]  }
0x1a2: {  	v5 =	vld [tilespmem:s12+$0x130C0]  }
0x1a3: {  	[tilespmem:s12+$0x1B090] =	vst v0;
	v0 =	vadd.f32 v6, v1;
	v1 =	vld [tilespmem:s12+$0xB0D0]  }
0x1a4: {  	v6 =	vld [tilespmem:s12+$0x130D0]  }
0x1a5: {  	[tilespmem:s12+$0x1B0A0] =	vst v0;
	v0 =	vadd.f32 v4, v3;
	v3 =	vld [tilespmem:s12+$0xB0E0]  }
0x1a6: {  	v4 =	vld [tilespmem:s12+$0x130E0]  }
0x1a7: {  	[tilespmem:s12+$0x1B0B0] =	vst v0;
	v0 =	vadd.f32 v5, v2;
	v5 =	vld [tilespmem:s12+$0xB0F0]  }
0x1a8: {  	v8 =	vld [tilespmem:s12+$0x13100]  }
0x1a9: {  	[tilespmem:s12+$0x1B0C0] =	vst v0;
	v0 =	vadd.f32 v6, v1;
	v6 =	vld [tilespmem:s12+$0xB100]  }
0x1aa: {  	v2 =	vld [tilespmem:s12+$0xB110]  }
0x1ab: {  	[tilespmem:s12+$0x1B0D0] =	vst v0;
	v0 =	vadd.f32 v4, v3;
	v3 =	vld [tilespmem:s12+$0x13110]  }
0x1ac: {  	v4 =	vld [tilespmem:s12+$0x13120];
	v5 =	vadd.f32 v7, v5  }
0x1ad: {  	s5 =	simm.s32 $0x100;
	[tilespmem:s12+$0x1B0E0] =	vst v0;
	v0 =	vld [tilespmem:s12+$0xB120]  }
0x1ae: {  	s18 =	simm.s32 $0x800;
	v1 =	vld [tilespmem:s5+$0xB130];
	[tilespmem:s12+$0x1B0F0] =	vst v5;
	v5 =	vadd.f32 v8, v6  }
.LBB2_9:
0x1af: {  	p0 =	sne.s32 s18, $0x7C00;
	v6 =	vld [tilespmem:s5+$0x13130]  }
0x1b0: {  	v7 =	vld [tilespmem:s5+$0xB040];
	[tilespmem:s12+$0x1B100] =	vst v5;
	v2 =	vadd.f32 v3, v2  }
0x1b1: {  	v3 =	vld [tilespmem:s5+$0x13040]  }
0x1b2: {  	v5 =	vld [tilespmem:s5+$0xB050];
	[tilespmem:s12+$0x1B110] =	vst v2;
	v0 =	vadd.f32 v4, v0  }
0x1b3: {  	v2 =	vld [tilespmem:s5+$0x13050]  }
0x1b4: {  	v4 =	vld [tilespmem:s5+$0xB060];
	v1 =	vadd.f32 v6, v1;
	[tilespmem:s12+$0x1B120] =	vst v0;
	s12 =	smov.u32 s5  }
0x1b5: {  	v0 =	vld [tilespmem:s12+$0x13060]  }
0x1b6: {  	v3 =	vadd.f32 v3, v7;
	v6 =	vld [tilespmem:s12+$0xB070];
	[tilespmem:s12+$0x1B130] =	vst v1  }
0x1b7: {  	v1 =	vld [tilespmem:s12+$0x13070]  }
0x1b8: {  	[tilespmem:s12+$0x1B040] =	vst v3;
	v2 =	vadd.f32 v2, v5;
	v3 =	vld [tilespmem:s12+$0xB080]  }
0x1b9: {  	v5 =	vld [tilespmem:s12+$0x13080]  }
0x1ba: {  	[tilespmem:s12+$0x1B050] =	vst v2;
	v0 =	vadd.f32 v0, v4;
	v2 =	vld [tilespmem:s12+$0xB090]  }
0x1bb: {  	v4 =	vld [tilespmem:s12+$0x13090]  }
0x1bc: {  	[tilespmem:s12+$0x1B060] =	vst v0;
	v0 =	vadd.f32 v1, v6;
	v1 =	vld [tilespmem:s12+$0xB0A0]  }
0x1bd: {  	v6 =	vld [tilespmem:s12+$0x130A0]  }
0x1be: {  	[tilespmem:s12+$0x1B070] =	vst v0;
	v0 =	vadd.f32 v5, v3;
	v3 =	vld [tilespmem:s12+$0xB0B0]  }
0x1bf: {  	v5 =	vld [tilespmem:s12+$0x130B0]  }
0x1c0: {  	[tilespmem:s12+$0x1B080] =	vst v0;
	v0 =	vadd.f32 v4, v2;
	v2 =	vld [tilespmem:s12+$0xB0C0]  }
0x1c1: {  	v4 =	vld [tilespmem:s12+$0x130C0]  }
0x1c2: {  	[tilespmem:s12+$0x1B090] =	vst v0;
	v0 =	vadd.f32 v6, v1;
	v1 =	vld [tilespmem:s12+$0xB0D0]  }
0x1c3: {  	v6 =	vld [tilespmem:s12+$0x130D0]  }
0x1c4: {  	[tilespmem:s12+$0x1B0A0] =	vst v0;
	v0 =	vadd.f32 v5, v3;
	v3 =	vld [tilespmem:s12+$0xB0E0]  }
0x1c5: {  	v5 =	vld [tilespmem:s12+$0x130E0]  }
0x1c6: {  	[tilespmem:s12+$0x1B0B0] =	vst v0;
	v0 =	vadd.f32 v4, v2;
	v4 =	vld [tilespmem:s12+$0xB0F0]  }
0x1c7: {  	v7 =	vld [tilespmem:s12+$0x130F0]  }
0x1c8: {  	[tilespmem:s12+$0x1B0C0] =	vst v0;
	v0 =	vadd.f32 v6, v1;
	v6 =	vld [tilespmem:s12+$0xB100]  }
0x1c9: {  	v8 =	vld [tilespmem:s12+$0x13100]  }
.Ltmp3:
0x1ca: {  	[tilespmem:s12+$0x1B0D0] =	vst v0;
	v0 =	vadd.f32 v5, v3;
	v2 =	vld [tilespmem:s12+$0xB110];
	(pc) =	sbr.rel @p0 .LBB2_9-.Ltmp3, $4  }
0x1cb: {  	v3 =	vld [tilespmem:s12+$0x13110]  }
0x1cc: {  	[tilespmem:s12+$0x1B0E0] =	vst v0;
	v5 =	vadd.f32 v7, v4;
	v0 =	vld [tilespmem:s12+$0xB120]  }
0x1cd: {  	s5 =	sshra.s32 s18, $0x2;
	v4 =	vld [tilespmem:s12+$0x13120]  }
0x1ce: {  	s18 =	sadd.s32 $0x400, s18;
	v1 =	vld [tilespmem:s5+$0xB130];
	[tilespmem:s12+$0x1B0F0] =	vst v5;
	v5 =	vadd.f32 v8, v6  }
0x1cf: {  	v6 =	vld [tilespmem:s5+$0x13130]  }
0x1d0: {  	v7 =	vld [tilespmem:s5+$0xB040];
	[tilespmem:s12+$0x1B100] =	vst v5;
	v2 =	vadd.f32 v3, v2  }
0x1d1: {  	v28 =	vld [tilespmem:s5+$0x13040]  }
0x1d2: {  	v5 =	vld [tilespmem:s5+$0xB050];
	[tilespmem:s12+$0x1B110] =	vst v2;
	v0 =	vadd.f32 v4, v0  }
0x1d3: {  	v2 =	vld [tilespmem:s5+$0x13050]  }
0x1d4: {  	v29 =	vld [tilespmem:s5+$0xB060];
	[tilespmem:s12+$0x1B120] =	vst v0  }
0x1d5: {  	v31 =	vld [tilespmem:s5+$0x13060]  }
0x1d6: {  	v32 =	vld [tilespmem:s5+$0xB070]  }
0x1d7: {  	v33 =	vld [tilespmem:s5+$0x13070]  }
0x1d8: {  	v34 =	vld [tilespmem:s5+$0xB080]  }
0x1d9: {  	v35 =	vld [tilespmem:s5+$0x13080]  }
0x1da: {  	v36 =	vld [tilespmem:s5+$0xB090]  }
0x1db: {  	v37 =	vld [tilespmem:s5+$0x13090]  }
0x1dc: {  	v38 =	vld [tilespmem:s5+$0xB0A0]  }
0x1dd: {  	v39 =	vld [tilespmem:s5+$0x130A0]  }
0x1de: {  	v41 =	vld [tilespmem:s5+$0xB0B0]  }
0x1df: {  	v42 =	vld [tilespmem:s5+$0x130B0]  }
0x1e0: {  	v44 =	vld [tilespmem:s5+$0xB0C0]  }
0x1e1: {  	v45 =	vld [tilespmem:s5+$0x130C0]  }
0x1e2: {  	v47 =	vld [tilespmem:s5+$0xB0D0]  }
0x1e3: {  	v30 =	vadd.f32 v6, v1;
	v48 =	vld [tilespmem:s5+$0x130D0]  }
0x1e4: {  	v50 =	vld [tilespmem:s5+$0xB0E0];
	v3 =	vadd.f32 v28, v7  }
0x1e5: {  	v51 =	vld [tilespmem:s5+$0x130E0];
	[tilespmem:s5+$0x1B130] =	vst v30;
	v2 =	vadd.f32 v2, v5  }
0x1e6: {  	v53 =	vld [tilespmem:s5+$0xB0F0];
	[tilespmem:s5+$0x1B040] =	vst v3;
	v1 =	vadd.f32 v31, v29  }
0x1e7: {  	v54 =	vld [tilespmem:s5+$0x130F0];
	[tilespmem:s5+$0x1B050] =	vst v2;
	v0 =	vadd.f32 v33, v32  }
0x1e8: {  	v56 =	vld [tilespmem:s5+$0xB100];
	v40 =	vadd.f32 v35, v34;
	[tilespmem:s5+$0x1B060] =	vst v1  }
0x1e9: {  	v57 =	vld [tilespmem:s5+$0x13100];
	v43 =	vadd.f32 v37, v36;
	[tilespmem:s5+$0x1B070] =	vst v0  }
0x1ea: {  	v59 =	vld [tilespmem:s5+$0xB110];
	v46 =	vadd.f32 v39, v38;
	[tilespmem:s5+$0x1B080] =	vst v40  }
0x1eb: {  	v60 =	vld [tilespmem:s5+$0x13110];
	v49 =	vadd.f32 v42, v41;
	[tilespmem:s5+$0x1B090] =	vst v43  }
0x1ec: {  	v61 =	vld [tilespmem:s5+$0xB120];
	v52 =	vadd.f32 v45, v44;
	[tilespmem:s5+$0x1B0A0] =	vst v46  }
0x1ed: {  	v62 =	vld [tilespmem:s5+$0x13120];
	v55 =	vadd.f32 v48, v47;
	[tilespmem:s5+$0x1B0B0] =	vst v49  }
0x1ee: {  	v58 =	vadd.f32 v51, v50;
	[tilespmem:s5+$0x1B0C0] =	vst v52  }
0x1ef: {  	s6 =	sadd.s32 $0x1, s6;
	v2 =	vadd.f32 v54, v53;
	[tilespmem:s5+$0x1B0D0] =	vst v55  }
0x1f0: {  	p0 =	sne.s32 s6, $0x14;
	v63 =	vadd.f32 v60, v59;
	[tilespmem:s5+$0x1B0E0] =	vst v58  }
.Ltmp4:
0x1f1: {  	s11 =	sshll.u32 s11, $0xD;
	v1 =	vadd.f32 v57, v56;
	[tilespmem:s5+$0x1B0F0] =	vst v2;
	(pc) =	sbr.rel @p0 .LBB2_2-.Ltmp4, $4  }
0x1f2: {  	s11 =	sadd.s32 s9, s11;
	v0 =	vadd.f32 v62, v61;
	[tilespmem:s5+$0x1B110] =	vst v63  }
0x1f3: {  	s11 =	sshrl.u32 s11, $0x3;
	[tilespmem:s5+$0x1B100] =	vst v1  }
0x1f4: {  	s23 =	sadd.s32 s4, s11;
	[tilespmem:s5+$0x1B120] =	vst v0  }
0x1f5: {  	[hbm4b:s23+s3] =	stream.linear.scatter [tilespmem:s17], [sflag:$0xC], $0x2000, $0x38;
	[tilespmem:$0x1D040] =	vst v63  }
0x1f6: {  	s5 =	simm.s32 $0x9  }
0x1f7: {  	_ =	swait.ge [sflag:s5], $0x2000  }
0x1f8: {  	[sflag:s5] =	ssyncset.done $0x0  }
0x1f9: {  	s19 =	simm.s32 $0xA;
	[sflag:s5] =	ssyncadd.s32 $0xFFFFE000  }
0x1fa: {  	_ =	swait.ge [sflag:s19], $0x2000  }
0x1fb: {  	[sflag:s19] =	ssyncset.done $0x0  }
0x1fc: {  	[sflag:s19] =	ssyncadd.s32 $0xFFFFE000  }
0x1fd: {  	_ =	swait.ge [sflag:s20], $0x2000  }
0x1fe: {  	[sflag:s20] =	ssyncset.done $0x0  }
0x1ff: {  	[sflag:s20] =	ssyncadd.s32 $0xFFFFE000  }
0x200: {  	_ =	swait.ge [sflag:s13], $0x2000  }
0x201: {  	s6 =	rddreg [dreg:$0x6]  }
0x202: {  	s23 =	rddreg [dreg:$0x5];
	s6 =	sadd.s32 $0x1, s6  }
0x203: {  	p0 =	sne.s32 s6, s23  }
.Ltmp5:
0x204: {  	_ = 	snop;
	(pc) =	sbr.rel @p0 .LBB2_1-.Ltmp5, $3  }
0x205: {  	_ =	sdelay $0x1  }
0x206: {  	[sflag:s13] =	ssyncset.done $0x0  }
0x207: {  	[sflag:s13] =	ssyncadd.s32 $0xFFFFE000  }
0x208: {  	_ =	sfence.sel $0x180000  }
0x209: {  	[bflag:$0x0] =	sbarrier.arrive $0xFFFF  }
0x20a: {  	_ =	strace $0x90000050  }
0x20b: {  	s0 =	stileid.u32;
	[bflag:$0x2] =	sbarrier.arrive $0xFFFF  }
0x20c: {  	p0 =	sne.s32 s0, $0x0;
	s0 =	rddreg [dreg:$0x2]  }
0x20d: {  	s0 =	sadd.s32 @!p0 $0x100000, s0  }
0x20e: {  	[sflag:s0] =	ssyncadd.tile.s32 @!p0 $0x1;
	_ =	shalt  }
.Lfunc_end2:
_tile_overlayer_lowered:
.L_overlay_start_2:
0x20f: {  	(tag) =	ssettag $0x2  }
0x210: {  	s0 =	rddreg [dreg:$0x0];
	s2 =	stileid.u32  }
0x211: {  	s1 =	rddreg [dreg:$0x1];
	p0 =	sne.s32 s2, $0x0  }
0x212: {  	s3 =	rddreg [dreg:$0x2];
	[bflag:$0x3] =	sbarrier.arrive $0xFFFF;
	s2 =	simm.s32 @!p0 $0x1C0D  }
0x213: {  	[timem:s3], [sflag:s2] =	dma.local @!p0 [hbm:s0], s1  }
0x214: {  	s0 =	simm.s32 @!p0 $0xD  }
0x215: {  	_ =	swait.ge @!p0 [sflag:s0], s1  }
0x216: {  	s1 =	ssub.s32 @!p0 $0x0, s1;
	[sflag:s0] =	ssyncset.done @!p0 $0x0  }
0x217: {  	[sflag:s0] =	ssyncadd.s32 @!p0 s1  }
0x218: {  	[bflag:$0x3] =	sbarrier.arrive $0xFFFF  }
0x219: {  	_ =	shalt  }

</sc_bundles>
